<compile_context>
chip_gen: v7x
topology: tpu7x:2x2x1
jax: 0.10.2.dev20260603
libtpu: 0.0.44.dev20260713+nightly
codegen_flags: <defaults>
</compile_context>

<pallas_src>
import functools

import jax
import jax.numpy as jnp
from jax import lax
from jax.experimental import pallas as pl
from jax.experimental.pallas import tpu as pltpu
from jax.experimental.pallas import tpu_sc as plsc

_B = 16384
_F = 26
_V = 100000
_D = 16
_NW = 32
_G = 8

_VCHUNK = 8192
_NC = (_V + _VCHUNK - 1) // _VCHUNK
_HROWS = 2 * _NC * _VCHUNK
_GSTRIDE = _NC * _VCHUNK * 8

_FMBLK = 2048
_FMG = (_F * _V + _FMBLK * 128 - 1) // (_FMBLK * 128)
_FMROWS = _FMG * _FMBLK


def _repack_body(t_ref, o_ref):
    o_ref[...] = t_ref[...].reshape(8 * _D, _VCHUNK).T


def _tc_repack(tT, gbase):
    return pl.pallas_call(
        _repack_body,
        grid=(2, _NC),
        in_specs=[pl.BlockSpec((8, _D, _VCHUNK),
                               lambda g, c: (g + gbase, 0, c))],
        out_specs=pl.BlockSpec((_VCHUNK, 128), lambda g, c: (g * _NC + c, 0)),
        out_shape=jax.ShapeDtypeStruct((_HROWS, 128), jnp.float32),
    )(tT)


def _fm_body(f_ref, o_ref):
    o_ref[...] = f_ref[...].reshape(_FMBLK, 128)


def _fm_repack(fm_row):
    return pl.pallas_call(
        _fm_body,
        grid=(_FMG,),
        in_specs=[pl.BlockSpec((1, _FMBLK * 128), lambda i: (0, i))],
        out_specs=pl.BlockSpec((_FMBLK, 128), lambda i: (i, 0)),
        out_shape=jax.ShapeDtypeStruct((_FMROWS, 128), jnp.float32),
    )(fm_row)


def _sc_gather(trow2d, glob2d, tables2d, fm2, nrows):
    rpw = nrows // _NW
    steps = rpw // _G
    mesh = plsc.VectorSubcoreMesh(core_axis_name="c", subcore_axis_name="s")

    @functools.partial(
        pl.kernel,
        mesh=mesh,
        compiler_params=pltpu.CompilerParams(
            use_tc_tiling_on_sc=False, needs_layout_passes=False),
        out_type=(
            jax.ShapeDtypeStruct((nrows, 128, _D), jnp.float32),
            jax.ShapeDtypeStruct((nrows, 128), jnp.float32),
        ),
        scratch_types=[
            pltpu.VMEM((_G, 128), jnp.int32),
            pltpu.VMEM((_G, 128), jnp.int32),
            pltpu.VMEM((_G, 128), jnp.int32),
            pltpu.VMEM((_G, 128, _D), jnp.float32),
            pltpu.VMEM((_G * 128, _D), jnp.float32),
            pltpu.VMEM((_G, 128), jnp.float32),
            pltpu.SemaphoreType.DMA,
            pltpu.SemaphoreType.DMA,
        ],
    )
    def k(trow_hbm, glob_hbm, tables_hbm, fm2_hbm, emb_out,
          fm_out, idx_v, glob_v, rid_v, rows_v, fmrows_v, fmval_v,
          sem_e, sem_f):
        wid = lax.axis_index("s") * 2 + lax.axis_index("c")
        row0 = wid * rpw

        def step(t, carry):
            r = row0 + t * _G
            pltpu.sync_copy(trow_hbm.at[pl.ds(r, _G)], idx_v)
            pltpu.sync_copy(glob_hbm.at[pl.ds(r, _G)], glob_v)
            for j in range(_G):
                for c in range(128 // 16):
                    base = c * 16
                    rid_v[j, pl.ds(base, 16)] = (
                        glob_v[j, pl.ds(base, 16)] >> 4)
            copies = []
            for j in range(_G):
                copies.append(pltpu.async_copy(
                    tables_hbm.at[idx_v.at[j]], rows_v.at[j], sem_e))
                copies.append(pltpu.async_copy(
                    fm2_hbm.at[rid_v.at[j]],
                    fmrows_v.at[pl.ds(j * 128, 128)], sem_f))
            for c in copies:
                c.wait()
            pltpu.sync_copy(rows_v, emb_out.at[pl.ds(r, _G)])
            lanes16 = lax.iota(jnp.int32, 16)
            for j in range(_G):
                for c in range(128 // 16):
                    base = c * 16
                    lanes = glob_v[j, pl.ds(base, 16)] & 15
                    rows = lanes16 + (j * 128 + base)
                    vals = plsc.load_gather(fmrows_v, [rows, lanes])
                    fmval_v[j, pl.ds(base, 16)] = vals
            pltpu.sync_copy(fmval_v, fm_out.at[pl.ds(r, _G)])
            return carry

        lax.fori_loop(0, steps, step, 0)

    return k(trow2d, glob2d, tables2d, fm2)


def _tc_body(xa_ref, xb_ref, fmv_ref, w1a, w1b, b1, w2, b2, w3, b3,
             w4, b4, aa_ref, ab_ref, o_ref):
    xa = xa_ref[...].reshape(xa_ref.shape[0] // 2, 2 * 128)
    xb = xb_ref[...]
    fmv = fmv_ref[...]
    first = jnp.sum(fmv, axis=1, keepdims=True)
    se = (jnp.dot(xa, aa_ref[...], preferred_element_type=jnp.float32)
          + jnp.dot(xb, ab_ref[...], preferred_element_type=jnp.float32))
    second = 0.5 * (jnp.sum(se * se, axis=1, keepdims=True)
                    - jnp.sum(xa * xa, axis=1, keepdims=True)
                    - jnp.sum(xb * xb, axis=1, keepdims=True))
    h = jnp.maximum(
        jnp.dot(xa, w1a[...], preferred_element_type=jnp.float32)
        + jnp.dot(xb, w1b[...], preferred_element_type=jnp.float32)
        + b1[...], 0.0)
    h = jnp.maximum(jnp.dot(h, w2[...], preferred_element_type=jnp.float32)
                    + b2[...], 0.0)
    h = jnp.maximum(jnp.dot(h, w3[...], preferred_element_type=jnp.float32)
                    + b3[...], 0.0)
    y2 = jnp.dot(h, w4[...], preferred_element_type=jnp.float32) + b4[...]
    o_ref[...] = jax.nn.sigmoid(first + second + y2)


def _tc_mlp(xa, xb, fmv, W1a, W1b, b1, W2, b2, W3, b3, W4, b4, Aa, Ab):
    BB = 2048
    full = lambda a: pl.BlockSpec(a.shape, lambda i: (0,) * a.ndim)
    return pl.pallas_call(
        _tc_body,
        grid=(_B // BB,),
        in_specs=[
            pl.BlockSpec((BB * 2, 128), lambda i: (i, 0)),
            pl.BlockSpec((BB, 10 * _D), lambda i: (i, 0)),
            pl.BlockSpec((BB, _F), lambda i: (i, 0)),
            full(W1a), full(W1b), full(b1),
            full(W2), full(b2), full(W3), full(b3),
            full(W4), full(b4), full(Aa), full(Ab),
        ],
        out_specs=pl.BlockSpec((BB, 1), lambda i: (i, 0)),
        out_shape=jax.ShapeDtypeStruct((_B, 1), jnp.float32),
    )(xa, xb, fmv, W1a, W1b, b1, W2, b2, W3, b3, W4, b4, Aa, Ab)


def kernel(inputs, tables, fm_w, W1, b1, W2, b2, W3, b3, W4, b4):
    ii = inputs.astype(jnp.int32)
    tT = jnp.transpose(tables, (0, 2, 1))
    fm2 = _fm_repack(fm_w.reshape(1, _F * _V)).reshape(_FMROWS * 8, _D)

    halves = []
    for base, nf in ((0, 16), (16, 10)):
        fl = jnp.arange(nf, dtype=jnp.int32)
        iih = ii[:, base:base + nf]
        nrows = _B * nf // 128
        tab_add = (fl >> 3) * _GSTRIDE + (fl & 7)
        trow = (iih * 8 + tab_add[None, :]).reshape(nrows, 128)
        glob = (iih + ((fl + base) * _V)[None, :]).reshape(nrows, 128)
        tab2 = _tc_repack(tT, base // 8).reshape(_HROWS * 8, _D)
        emb, fmv = _sc_gather(trow, glob, tab2, fm2, nrows)
        halves.append((emb, fmv.reshape(_B, nf)))

    xa = halves[0][0].reshape(_B * 16 * _D // 128, 128)
    fmva = halves[0][1]
    xb = halves[1][0].reshape(_B, 10 * _D)
    fmvb = halves[1][1]
    fmv = jnp.concatenate([fmva, fmvb], axis=1)
    eye = jnp.eye(_D, dtype=jnp.float32)
    return _tc_mlp(xa, xb, fmv,
                   W1[:16 * _D], W1[16 * _D:], b1.reshape(1, -1),
                   W2, b2.reshape(1, -1), W3, b3.reshape(1, -1),
                   W4, b4.reshape(1, -1),
                   jnp.tile(eye, (16, 1)), jnp.tile(eye, (10, 1)))

# --- scband reference (transcript-rebuilt; emitter-appended) ---
"""Pipeline reference for scband-deep-fm-88201448391478 (READ-ONLY COPY).

The authoritative reference and input builder live on the scoring server;
editing this copy changes nothing except your own understanding.
"""

import jax, jax.numpy as jnp
import numpy as np

NUM_FIELDS = 26
VOCAB = 100000
EMBED_DIM = 16
BATCH = 16384
HIDDEN = [256, 128, 64]
FEAT_LEN = NUM_FIELDS * VOCAB


def setup_inputs(seed: int = 0) -> dict:
    key = jax.random.key(seed)
    ks = jax.random.split(key, 12)
    inputs = jax.random.randint(ks[0], (BATCH, NUM_FIELDS), 0, VOCAB)
    tables = jax.random.uniform(ks[1], (NUM_FIELDS, VOCAB, EMBED_DIM), minval=-0.05, maxval=0.05, dtype=jnp.float32)
    fm_w = jax.random.normal(ks[2], (FEAT_LEN, 1), dtype=jnp.float32) * 0.01
    d_in = NUM_FIELDS * EMBED_DIM
    dims = [d_in] + HIDDEN + [1]
    params = {}
    for i in range(len(dims) - 1):
        fan_in, fan_out = dims[i], dims[i + 1]
        scale = np.sqrt(2.0 / (fan_in + fan_out))
        params['W%d' % (i + 1)] = jax.random.normal(ks[3 + i], (fan_in, fan_out), dtype=jnp.float32) * scale
        params['b%d' % (i + 1)] = jnp.zeros((fan_out,), dtype=jnp.float32)
    out = {'inputs': inputs, 'tables': tables, 'fm_w': fm_w}
    out.update(params)
    return out


def reference(inputs, tables, fm_w, W1, b1, W2, b2, W3, b3, W4, b4):
    F = NUM_FIELDS
    # per-field embedding lookups, then concat (DeepFM sparse_features_embed)
    embeds = [tables[i][inputs[:, i]] for i in range(F)]
    sparse_embed = jnp.concatenate(embeds, axis=-1)          # (B, F*D)
    embed_inputs = jnp.stack(embeds, axis=1)                 # (B, F, D)
    # index_mapping offsets to address the global first-order weight vector
    offsets = jnp.arange(F, dtype=inputs.dtype) * VOCAB
    shifted = inputs + offsets[None, :]                      # (B, F)
    # FM first-order: embedding_lookup into w (FEAT_LEN, 1), sum over fields
    first_order = jnp.sum(jnp.take(fm_w, shifted, axis=0), axis=1)   # (B, 1)
    # FM second-order: 0.5 * sum((sum e)^2 - sum e^2)
    square_sum = jnp.square(jnp.sum(embed_inputs, axis=1))   # (B, D)
    sum_square = jnp.sum(jnp.square(embed_inputs), axis=1)   # (B, D)
    second_order = 0.5 * jnp.sum(square_sum - sum_square, axis=1, keepdims=True)
    y1 = first_order + second_order                          # (B, 1)
    # Deep part: MLP with relu hidden layers + linear output to 1
    x = sparse_embed
    x = jax.nn.relu(x @ W1 + b1)
    x = jax.nn.relu(x @ W2 + b2)
    x = jax.nn.relu(x @ W3 + b3)
    y2 = x @ W4 + b4                                         # (B, 1)
    return jax.nn.sigmoid(y1 + y2)

if __name__ == "__main__":
    import jax
    _d = setup_inputs()
    print(jax.jit(kernel)(*tuple(_d.values())))

</pallas_src>

<mosaic_0001>
#map = affine_map<(d0, d1) -> (0, 0)>
#map1 = affine_map<(d0, d1) -> (0, 0, 0)>
module attributes {stable_mosaic.version = 14 : i64} {
  func.func @k(%arg0: i32, %arg1: i32, %arg2: memref<2048x128xi32, #tpu.memory_space<hbm>>, %arg3: memref<2048x128xi32, #tpu.memory_space<hbm>>, %arg4: memref<1703936x16xf32, #tpu.memory_space<hbm>>, %arg5: memref<163840x16xf32, #tpu.memory_space<hbm>>, %arg6: memref<2048x128x16xf32, #tpu.memory_space<hbm>>, %arg7: memref<2048x128xf32, #tpu.memory_space<hbm>>, %arg8: memref<8x128xi32, #tpu.memory_space<vmem>>, %arg9: memref<8x128xi32, #tpu.memory_space<vmem>>, %arg10: memref<8x128xi32, #tpu.memory_space<vmem>>, %arg11: memref<8x128x16xf32, #tpu.memory_space<vmem>>, %arg12: memref<1024x16xf32, #tpu.memory_space<vmem>>, %arg13: memref<8x128xf32, #tpu.memory_space<vmem>>, %arg14: memref<!tpu.dma_semaphore, #tpu.memory_space<semaphore_mem>>, %arg15: memref<!tpu.dma_semaphore, #tpu.memory_space<semaphore_mem>>) attributes {dimension_semantics = [#tpu.dimension_semantics<core_parallel>, #tpu.dimension_semantics<subcore_parallel>], iteration_bounds = array<i64: 2, 16>, scalar_prefetch = 0 : i64, scratch_operands = 8 : i64, tpu.core_type = #tpu.core_type<sc_vector_subcore>, window_params = [{transform_indices = #map}, {transform_indices = #map}, {transform_indices = #map}, {transform_indices = #map}, {transform_indices = #map1}, {transform_indices = #map}]} {
    %mul3A = arith.constant 2 : i32
    %mul3A_0 = arith.muli %arg1, %mul3A : i32
    %add3A = arith.addi %mul3A_0, %arg0 : i32
    %mul3A_1 = arith.constant 64 : i32
    %mul3A_2 = arith.muli %add3A, %mul3A_1 : i32
    %scan3A = arith.constant 0 : i32
    %scan3A_3 = arith.constant 0 : i32
    %scan3A_4 = arith.constant 8 : i32
    %scan3A_5 = arith.addi %scan3A_3, %scan3A_4 : i32
    %scan3A_6 = arith.constant 1 : i32
    scf.for %scan3A_8 = %scan3A_3 to %scan3A_5 step %scan3A_6  : i32 {
      %mul3A_9 = arith.constant 8 : i32
      %mul3A_10 = arith.muli %scan3A_8, %mul3A_9 : i32
      %add3A_11 = arith.addi %mul3A_2, %mul3A_10 : i32
      "tpu.region"() ({
        %run_scoped3A = tpu.sem_alloc : memref<!tpu.dma_semaphore, #tpu.memory_space<semaphore_mem>>
        %dma_start3A_2021 = arith.constant 0 : i32
        %dma_start3A_2022 = tpu.memref_slice %arg2[%add3A_11, %dma_start3A_2021] : memref<2048x128xi32, #tpu.memory_space<hbm>> -> memref<8x128xi32, #tpu.memory_space<hbm>>
        %dma_start3A_2023 = arith.constant 0 : i32
        %dma_start3A_2024 = tpu.memref_slice %arg2[%add3A_11, %dma_start3A_2023] : memref<2048x128xi32, #tpu.memory_space<hbm>> -> memref<8x128xi32, #tpu.memory_space<hbm>>
        tpu.enqueue_dma source(%dma_start3A_2024 : memref<8x128xi32, #tpu.memory_space<hbm>>) target(%arg8 : memref<8x128xi32, #tpu.memory_space<vmem>>) target_semaphore(%run_scoped3A : memref<!tpu.dma_semaphore, #tpu.memory_space<semaphore_mem>>)
        %dma_wait3A_2025 = arith.constant 0 : i32
        %dma_wait3A_2026 = tpu.memref_slice %arg2[%add3A_11, %dma_wait3A_2025] : memref<2048x128xi32, #tpu.memory_space<hbm>> -> memref<8x128xi32, #tpu.memory_space<hbm>>
        %dma_wait3A_2027 = arith.constant 0 : i32
        %dma_wait3A_2028 = tpu.memref_slice %arg2[%add3A_11, %dma_wait3A_2027] : memref<2048x128xi32, #tpu.memory_space<hbm>> -> memref<8x128xi32, #tpu.memory_space<hbm>>
        tpu.wait_dma2 semaphore(%run_scoped3A : memref<!tpu.dma_semaphore, #tpu.memory_space<semaphore_mem>>) src(%dma_wait3A_2028 : memref<8x128xi32, #tpu.memory_space<hbm>>) dst(%arg8 : memref<8x128xi32, #tpu.memory_space<vmem>>)
        tpu.yield
      }) : () -> ()
      "tpu.region"() ({
        %run_scoped3A = tpu.sem_alloc : memref<!tpu.dma_semaphore, #tpu.memory_space<semaphore_mem>>
        %dma_start3A_2021 = arith.constant 0 : i32
        %dma_start3A_2022 = tpu.memref_slice %arg3[%add3A_11, %dma_start3A_2021] : memref<2048x128xi32, #tpu.memory_space<hbm>> -> memref<8x128xi32, #tpu.memory_space<hbm>>
        %dma_start3A_2023 = arith.constant 0 : i32
        %dma_start3A_2024 = tpu.memref_slice %arg3[%add3A_11, %dma_start3A_2023] : memref<2048x128xi32, #tpu.memory_space<hbm>> -> memref<8x128xi32, #tpu.memory_space<hbm>>
        tpu.enqueue_dma source(%dma_start3A_2024 : memref<8x128xi32, #tpu.memory_space<hbm>>) target(%arg9 : memref<8x128xi32, #tpu.memory_space<vmem>>) target_semaphore(%run_scoped3A : memref<!tpu.dma_semaphore, #tpu.memory_space<semaphore_mem>>)
        %dma_wait3A_2025 = arith.constant 0 : i32
        %dma_wait3A_2026 = tpu.memref_slice %arg3[%add3A_11, %dma_wait3A_2025] : memref<2048x128xi32, #tpu.memory_space<hbm>> -> memref<8x128xi32, #tpu.memory_space<hbm>>
        %dma_wait3A_2027 = arith.constant 0 : i32
        %dma_wait3A_2028 = tpu.memref_slice %arg3[%add3A_11, %dma_wait3A_2027] : memref<2048x128xi32, #tpu.memory_space<hbm>> -> memref<8x128xi32, #tpu.memory_space<hbm>>
        tpu.wait_dma2 semaphore(%run_scoped3A : memref<!tpu.dma_semaphore, #tpu.memory_space<semaphore_mem>>) src(%dma_wait3A_2028 : memref<8x128xi32, #tpu.memory_space<hbm>>) dst(%arg9 : memref<8x128xi32, #tpu.memory_space<vmem>>)
        tpu.yield
      }) : () -> ()
      %get3A = arith.constant 0 : i32
      %get3A_12 = arith.index_cast %get3A : i32 to index
      %get3A_13 = arith.constant 0 : index
      %get3A_14 = tpu.vector_load %arg9[%get3A_12, %get3A_13] {strides = array<i32>} : memref<8x128xi32, #tpu.memory_space<vmem>>, vector<16xi32>,
      %shift_right_arithmetic3A = arith.constant 4 : i32
      %shift_right_arithmetic3A_15 = vector.broadcast %shift_right_arithmetic3A : i32 to vector<16xi32>
      %shift_right_arithmetic3A_16 = arith.shrsi %get3A_14, %shift_right_arithmetic3A_15 : vector<16xi32>
      %swap3A = arith.constant 0 : i32
      %swap3A_17 = arith.index_cast %swap3A : i32 to index
      %swap3A_18 = arith.constant 0 : index
      %swap3A_19 = tpu.vector_load %arg10[%swap3A_17, %swap3A_18] {strides = array<i32>} : memref<8x128xi32, #tpu.memory_space<vmem>>, vector<16xi32>,
      tpu.vector_store %arg10[%swap3A_17, %swap3A_18], %shift_right_arithmetic3A_16 {strides = array<i32>} : memref<8x128xi32, #tpu.memory_space<vmem>>, vector<16xi32>,
      %get3A_20 = arith.constant 0 : i32
      %get3A_21 = arith.index_cast %get3A_20 : i32 to index
      %get3A_22 = arith.constant 16 : index
      %get3A_23 = tpu.vector_load %arg9[%get3A_21, %get3A_22] {strides = array<i32>} : memref<8x128xi32, #tpu.memory_space<vmem>>, vector<16xi32>,
      %shift_right_arithmetic3A_24 = arith.constant 4 : i32
      %shift_right_arithmetic3A_25 = vector.broadcast %shift_right_arithmetic3A_24 : i32 to vector<16xi32>
      %shift_right_arithmetic3A_26 = arith.shrsi %get3A_23, %shift_right_arithmetic3A_25 : vector<16xi32>
      %swap3A_27 = arith.constant 0 : i32
      %swap3A_28 = arith.index_cast %swap3A_27 : i32 to index
      %swap3A_29 = arith.constant 16 : index
      %swap3A_30 = tpu.vector_load %arg10[%swap3A_28, %swap3A_29] {strides = array<i32>} : memref<8x128xi32, #tpu.memory_space<vmem>>, vector<16xi32>,
      tpu.vector_store %arg10[%swap3A_28, %swap3A_29], %shift_right_arithmetic3A_26 {strides = array<i32>} : memref<8x128xi32, #tpu.memory_space<vmem>>, vector<16xi32>,
      %get3A_31 = arith.constant 0 : i32
      %get3A_32 = arith.index_cast %get3A_31 : i32 to index
      %get3A_33 = arith.constant 32 : index
      %get3A_34 = tpu.vector_load %arg9[%get3A_32, %get3A_33] {strides = array<i32>} : memref<8x128xi32, #tpu.memory_space<vmem>>, vector<16xi32>,
      %shift_right_arithmetic3A_35 = arith.constant 4 : i32
      %shift_right_arithmetic3A_36 = vector.broadcast %shift_right_arithmetic3A_35 : i32 to vector<16xi32>
      %shift_right_arithmetic3A_37 = arith.shrsi %get3A_34, %shift_right_arithmetic3A_36 : vector<16xi32>
      %swap3A_38 = arith.constant 0 : i32
      %swap3A_39 = arith.index_cast %swap3A_38 : i32 to index
      %swap3A_40 = arith.constant 32 : index
      %swap3A_41 = tpu.vector_load %arg10[%swap3A_39, %swap3A_40] {strides = array<i32>} : memref<8x128xi32, #tpu.memory_space<vmem>>, vector<16xi32>,
      tpu.vector_store %arg10[%swap3A_39, %swap3A_40], %shift_right_arithmetic3A_37 {strides = array<i32>} : memref<8x128xi32, #tpu.memory_space<vmem>>, vector<16xi32>,
      %get3A_42 = arith.constant 0 : i32
      %get3A_43 = arith.index_cast %get3A_42 : i32 to index
      %get3A_44 = arith.constant 48 : index
      %get3A_45 = tpu.vector_load %arg9[%get3A_43, %get3A_44] {strides = array<i32>} : memref<8x128xi32, #tpu.memory_space<vmem>>, vector<16xi32>,
      %shift_right_arithmetic3A_46 = arith.constant 4 : i32
      %shift_right_arithmetic3A_47 = vector.broadcast %shift_right_arithmetic3A_46 : i32 to vector<16xi32>
      %shift_right_arithmetic3A_48 = arith.shrsi %get3A_45, %shift_right_arithmetic3A_47 : vector<16xi32>
      %swap3A_49 = arith.constant 0 : i32
      %swap3A_50 = arith.index_cast %swap3A_49 : i32 to index
      %swap3A_51 = arith.constant 48 : index
      %swap3A_52 = tpu.vector_load %arg10[%swap3A_50, %swap3A_51] {strides = array<i32>} : memref<8x128xi32, #tpu.memory_space<vmem>>, vector<16xi32>,
      tpu.vector_store %arg10[%swap3A_50, %swap3A_51], %shift_right_arithmetic3A_48 {strides = array<i32>} : memref<8x128xi32, #tpu.memory_space<vmem>>, vector<16xi32>,
      %get3A_53 = arith.constant 0 : i32
      %get3A_54 = arith.index_cast %get3A_53 : i32 to index
      %get3A_55 = arith.constant 64 : index
      %get3A_56 = tpu.vector_load %arg9[%get3A_54, %get3A_55] {strides = array<i32>} : memref<8x128xi32, #tpu.memory_space<vmem>>, vector<16xi32>,
      %shift_right_arithmetic3A_57 = arith.constant 4 : i32
      %shift_right_arithmetic3A_58 = vector.broadcast %shift_right_arithmetic3A_57 : i32 to vector<16xi32>
      %shift_right_arithmetic3A_59 = arith.shrsi %get3A_56, %shift_right_arithmetic3A_58 : vector<16xi32>
      %swap3A_60 = arith.constant 0 : i32
      %swap3A_61 = arith.index_cast %swap3A_60 : i32 to index
      %swap3A_62 = arith.constant 64 : index
      %swap3A_63 = tpu.vector_load %arg10[%swap3A_61, %swap3A_62] {strides = array<i32>} : memref<8x128xi32, #tpu.memory_space<vmem>>, vector<16xi32>,
      tpu.vector_store %arg10[%swap3A_61, %swap3A_62], %shift_right_arithmetic3A_59 {strides = array<i32>} : memref<8x128xi32, #tpu.memory_space<vmem>>, vector<16xi32>,
      %get3A_64 = arith.constant 0 : i32
      %get3A_65 = arith.index_cast %get3A_64 : i32 to index
      %get3A_66 = arith.constant 80 : index
      %get3A_67 = tpu.vector_load %arg9[%get3A_65, %get3A_66] {strides = array<i32>} : memref<8x128xi32, #tpu.memory_space<vmem>>, vector<16xi32>,
      %shift_right_arithmetic3A_68 = arith.constant 4 : i32
      %shift_right_arithmetic3A_69 = vector.broadcast %shift_right_arithmetic3A_68 : i32 to vector<16xi32>
      %shift_right_arithmetic3A_70 = arith.shrsi %get3A_67, %shift_right_arithmetic3A_69 : vector<16xi32>
      %swap3A_71 = arith.constant 0 : i32
      %swap3A_72 = arith.index_cast %swap3A_71 : i32 to index
      %swap3A_73 = arith.constant 80 : index
      %swap3A_74 = tpu.vector_load %arg10[%swap3A_72, %swap3A_73] {strides = array<i32>} : memref<8x128xi32, #tpu.memory_space<vmem>>, vector<16xi32>,
      tpu.vector_store %arg10[%swap3A_72, %swap3A_73], %shift_right_arithmetic3A_70 {strides = array<i32>} : memref<8x128xi32, #tpu.memory_space<vmem>>, vector<16xi32>,
      %get3A_75 = arith.constant 0 : i32
      %get3A_76 = arith.index_cast %get3A_75 : i32 to index
      %get3A_77 = arith.constant 96 : index
      %get3A_78 = tpu.vector_load %arg9[%get3A_76, %get3A_77] {strides = array<i32>} : memref<8x128xi32, #tpu.memory_space<vmem>>, vector<16xi32>,
      %shift_right_arithmetic3A_79 = arith.constant 4 : i32
      %shift_right_arithmetic3A_80 = vector.broadcast %shift_right_arithmetic3A_79 : i32 to vector<16xi32>
      %shift_right_arithmetic3A_81 = arith.shrsi %get3A_78, %shift_right_arithmetic3A_80 : vector<16xi32>
      %swap3A_82 = arith.constant 0 : i32
      %swap3A_83 = arith.index_cast %swap3A_82 : i32 to index
      %swap3A_84 = arith.constant 96 : index
      %swap3A_85 = tpu.vector_load %arg10[%swap3A_83, %swap3A_84] {strides = array<i32>} : memref<8x128xi32, #tpu.memory_space<vmem>>, vector<16xi32>,
      tpu.vector_store %arg10[%swap3A_83, %swap3A_84], %shift_right_arithmetic3A_81 {strides = array<i32>} : memref<8x128xi32, #tpu.memory_space<vmem>>, vector<16xi32>,
      %get3A_86 = arith.constant 0 : i32
      %get3A_87 = arith.index_cast %get3A_86 : i32 to index
      %get3A_88 = arith.constant 112 : index
      %get3A_89 = tpu.vector_load %arg9[%get3A_87, %get3A_88] {strides = array<i32>} : memref<8x128xi32, #tpu.memory_space<vmem>>, vector<16xi32>,
      %shift_right_arithmetic3A_90 = arith.constant 4 : i32
      %shift_right_arithmetic3A_91 = vector.broadcast %shift_right_arithmetic3A_90 : i32 to vector<16xi32>
      %shift_right_arithmetic3A_92 = arith.shrsi %get3A_89, %shift_right_arithmetic3A_91 : vector<16xi32>
      %swap3A_93 = arith.constant 0 : i32
      %swap3A_94 = arith.index_cast %swap3A_93 : i32 to index
      %swap3A_95 = arith.constant 112 : index
      %swap3A_96 = tpu.vector_load %arg10[%swap3A_94, %swap3A_95] {strides = array<i32>} : memref<8x128xi32, #tpu.memory_space<vmem>>, vector<16xi32>,
      tpu.vector_store %arg10[%swap3A_94, %swap3A_95], %shift_right_arithmetic3A_92 {strides = array<i32>} : memref<8x128xi32, #tpu.memory_space<vmem>>, vector<16xi32>,
      %get3A_97 = arith.constant 1 : i32
      %get3A_98 = arith.index_cast %get3A_97 : i32 to index
      %get3A_99 = arith.constant 0 : index
      %get3A_100 = tpu.vector_load %arg9[%get3A_98, %get3A_99] {strides = array<i32>} : memref<8x128xi32, #tpu.memory_space<vmem>>, vector<16xi32>,
      %shift_right_arithmetic3A_101 = arith.constant 4 : i32
      %shift_right_arithmetic3A_102 = vector.broadcast %shift_right_arithmetic3A_101 : i32 to vector<16xi32>
      %shift_right_arithmetic3A_103 = arith.shrsi %get3A_100, %shift_right_arithmetic3A_102 : vector<16xi32>
      %swap3A_104 = arith.constant 1 : i32
      %swap3A_105 = arith.index_cast %swap3A_104 : i32 to index
      %swap3A_106 = arith.constant 0 : index
      %swap3A_107 = tpu.vector_load %arg10[%swap3A_105, %swap3A_106] {strides = array<i32>} : memref<8x128xi32, #tpu.memory_space<vmem>>, vector<16xi32>,
      tpu.vector_store %arg10[%swap3A_105, %swap3A_106], %shift_right_arithmetic3A_103 {strides = array<i32>} : memref<8x128xi32, #tpu.memory_space<vmem>>, vector<16xi32>,
      %get3A_108 = arith.constant 1 : i32
      %get3A_109 = arith.index_cast %get3A_108 : i32 to index
      %get3A_110 = arith.constant 16 : index
      %get3A_111 = tpu.vector_load %arg9[%get3A_109, %get3A_110] {strides = array<i32>} : memref<8x128xi32, #tpu.memory_space<vmem>>, vector<16xi32>,
      %shift_right_arithmetic3A_112 = arith.constant 4 : i32
      %shift_right_arithmetic3A_113 = vector.broadcast %shift_right_arithmetic3A_112 : i32 to vector<16xi32>
      %shift_right_arithmetic3A_114 = arith.shrsi %get3A_111, %shift_right_arithmetic3A_113 : vector<16xi32>
      %swap3A_115 = arith.constant 1 : i32
      %swap3A_116 = arith.index_cast %swap3A_115 : i32 to index
      %swap3A_117 = arith.constant 16 : index
      %swap3A_118 = tpu.vector_load %arg10[%swap3A_116, %swap3A_117] {strides = array<i32>} : memref<8x128xi32, #tpu.memory_space<vmem>>, vector<16xi32>,
      tpu.vector_store %arg10[%swap3A_116, %swap3A_117], %shift_right_arithmetic3A_114 {strides = array<i32>} : memref<8x128xi32, #tpu.memory_space<vmem>>, vector<16xi32>,
      %get3A_119 = arith.constant 1 : i32
      %get3A_120 = arith.index_cast %get3A_119 : i32 to index
      %get3A_121 = arith.constant 32 : index
      %get3A_122 = tpu.vector_load %arg9[%get3A_120, %get3A_121] {strides = array<i32>} : memref<8x128xi32, #tpu.memory_space<vmem>>, vector<16xi32>,
      %shift_right_arithmetic3A_123 = arith.constant 4 : i32
      %shift_right_arithmetic3A_124 = vector.broadcast %shift_right_arithmetic3A_123 : i32 to vector<16xi32>
      %shift_right_arithmetic3A_125 = arith.shrsi %get3A_122, %shift_right_arithmetic3A_124 : vector<16xi32>
      %swap3A_126 = arith.constant 1 : i32
      %swap3A_127 = arith.index_cast %swap3A_126 : i32 to index
      %swap3A_128 = arith.constant 32 : index
      %swap3A_129 = tpu.vector_load %arg10[%swap3A_127, %swap3A_128] {strides = array<i32>} : memref<8x128xi32, #tpu.memory_space<vmem>>, vector<16xi32>,
      tpu.vector_store %arg10[%swap3A_127, %swap3A_128], %shift_right_arithmetic3A_125 {strides = array<i32>} : memref<8x128xi32, #tpu.memory_space<vmem>>, vector<16xi32>,
      %get3A_130 = arith.constant 1 : i32
      %get3A_131 = arith.index_cast %get3A_130 : i32 to index
      %get3A_132 = arith.constant 48 : index
      %get3A_133 = tpu.vector_load %arg9[%get3A_131, %get3A_132] {strides = array<i32>} : memref<8x128xi32, #tpu.memory_space<vmem>>, vector<16xi32>,
      %shift_right_arithmetic3A_134 = arith.constant 4 : i32
      %shift_right_arithmetic3A_135 = vector.broadcast %shift_right_arithmetic3A_134 : i32 to vector<16xi32>
      %shift_right_arithmetic3A_136 = arith.shrsi %get3A_133, %shift_right_arithmetic3A_135 : vector<16xi32>
      %swap3A_137 = arith.constant 1 : i32
      %swap3A_138 = arith.index_cast %swap3A_137 : i32 to index
      %swap3A_139 = arith.constant 48 : index
      %swap3A_140 = tpu.vector_load %arg10[%swap3A_138, %swap3A_139] {strides = array<i32>} : memref<8x128xi32, #tpu.memory_space<vmem>>, vector<16xi32>,
      tpu.vector_store %arg10[%swap3A_138, %swap3A_139], %shift_right_arithmetic3A_136 {strides = array<i32>} : memref<8x128xi32, #tpu.memory_space<vmem>>, vector<16xi32>,
      %get3A_141 = arith.constant 1 : i32
      %get3A_142 = arith.index_cast %get3A_141 : i32 to index
      %get3A_143 = arith.constant 64 : index
      %get3A_144 = tpu.vector_load %arg9[%get3A_142, %get3A_143] {strides = array<i32>} : memref<8x128xi32, #tpu.memory_space<vmem>>, vector<16xi32>,
      %shift_right_arithmetic3A_145 = arith.constant 4 : i32
      %shift_right_arithmetic3A_146 = vector.broadcast %shift_right_arithmetic3A_145 : i32 to vector<16xi32>
      %shift_right_arithmetic3A_147 = arith.shrsi %get3A_144, %shift_right_arithmetic3A_146 : vector<16xi32>
      %swap3A_148 = arith.constant 1 : i32
      %swap3A_149 = arith.index_cast %swap3A_148 : i32 to index
      %swap3A_150 = arith.constant 64 : index
      %swap3A_151 = tpu.vector_load %arg10[%swap3A_149, %swap3A_150] {strides = array<i32>} : memref<8x128xi32, #tpu.memory_space<vmem>>, vector<16xi32>,
      tpu.vector_store %arg10[%swap3A_149, %swap3A_150], %shift_right_arithmetic3A_147 {strides = array<i32>} : memref<8x128xi32, #tpu.memory_space<vmem>>, vector<16xi32>,
      %get3A_152 = arith.constant 1 : i32
      %get3A_153 = arith.index_cast %get3A_152 : i32 to index
      %get3A_154 = arith.constant 80 : index
      %get3A_155 = tpu.vector_load %arg9[%get3A_153, %get3A_154] {strides = array<i32>} : memref<8x128xi32, #tpu.memory_space<vmem>>, vector<16xi32>,
      %shift_right_arithmetic3A_156 = arith.constant 4 : i32
      %shift_right_arithmetic3A_157 = vector.broadcast %shift_right_arithmetic3A_156 : i32 to vector<16xi32>
      %shift_right_arithmetic3A_158 = arith.shrsi %get3A_155, %shift_right_arithmetic3A_157 : vector<16xi32>
      %swap3A_159 = arith.constant 1 : i32
      %swap3A_160 = arith.index_cast %swap3A_159 : i32 to index
      %swap3A_161 = arith.constant 80 : index
      %swap3A_162 = tpu.vector_load %arg10[%swap3A_160, %swap3A_161] {strides = array<i32>} : memref<8x128xi32, #tpu.memory_space<vmem>>, vector<16xi32>,
      tpu.vector_store %arg10[%swap3A_160, %swap3A_161], %shift_right_arithmetic3A_158 {strides = array<i32>} : memref<8x128xi32, #tpu.memory_space<vmem>>, vector<16xi32>,
      %get3A_163 = arith.constant 1 : i32
      %get3A_164 = arith.index_cast %get3A_163 : i32 to index
      %get3A_165 = arith.constant 96 : index
      %get3A_166 = tpu.vector_load %arg9[%get3A_164, %get3A_165] {strides = array<i32>} : memref<8x128xi32, #tpu.memory_space<vmem>>, vector<16xi32>,
      %shift_right_arithmetic3A_167 = arith.constant 4 : i32
      %shift_right_arithmetic3A_168 = vector.broadcast %shift_right_arithmetic3A_167 : i32 to vector<16xi32>
      %shift_right_arithmetic3A_169 = arith.shrsi %get3A_166, %shift_right_arithmetic3A_168 : vector<16xi32>
      %swap3A_170 = arith.constant 1 : i32
      %swap3A_171 = arith.index_cast %swap3A_170 : i32 to index
      %swap3A_172 = arith.constant 96 : index
      %swap3A_173 = tpu.vector_load %arg10[%swap3A_171, %swap3A_172] {strides = array<i32>} : memref<8x128xi32, #tpu.memory_space<vmem>>, vector<16xi32>,
      tpu.vector_store %arg10[%swap3A_171, %swap3A_172], %shift_right_arithmetic3A_169 {strides = array<i32>} : memref<8x128xi32, #tpu.memory_space<vmem>>, vector<16xi32>,
      %get3A_174 = arith.constant 1 : i32
      %get3A_175 = arith.index_cast %get3A_174 : i32 to index
      %get3A_176 = arith.constant 112 : index
      %get3A_177 = tpu.vector_load %arg9[%get3A_175, %get3A_176] {strides = array<i32>} : memref<8x128xi32, #tpu.memory_space<vmem>>, vector<16xi32>,
      %shift_right_arithmetic3A_178 = arith.constant 4 : i32
      %shift_right_arithmetic3A_179 = vector.broadcast %shift_right_arithmetic3A_178 : i32 to vector<16xi32>
      %shift_right_arithmetic3A_180 = arith.shrsi %get3A_177, %shift_right_arithmetic3A_179 : vector<16xi32>
      %swap3A_181 = arith.constant 1 : i32
      %swap3A_182 = arith.index_cast %swap3A_181 : i32 to index
      %swap3A_183 = arith.constant 112 : index
      %swap3A_184 = tpu.vector_load %arg10[%swap3A_182, %swap3A_183] {strides = array<i32>} : memref<8x128xi32, #tpu.memory_space<vmem>>, vector<16xi32>,
      tpu.vector_store %arg10[%swap3A_182, %swap3A_183], %shift_right_arithmetic3A_180 {strides = array<i32>} : memref<8x128xi32, #tpu.memory_space<vmem>>, vector<16xi32>,
      %get3A_185 = arith.constant 2 : i32
      %get3A_186 = arith.index_cast %get3A_185 : i32 to index
      %get3A_187 = arith.constant 0 : index
      %get3A_188 = tpu.vector_load %arg9[%get3A_186, %get3A_187] {strides = array<i32>} : memref<8x128xi32, #tpu.memory_space<vmem>>, vector<16xi32>,
      %shift_right_arithmetic3A_189 = arith.constant 4 : i32
      %shift_right_arithmetic3A_190 = vector.broadcast %shift_right_arithmetic3A_189 : i32 to vector<16xi32>
      %shift_right_arithmetic3A_191 = arith.shrsi %get3A_188, %shift_right_arithmetic3A_190 : vector<16xi32>
      %swap3A_192 = arith.constant 2 : i32
      %swap3A_193 = arith.index_cast %swap3A_192 : i32 to index
      %swap3A_194 = arith.constant 0 : index
      %swap3A_195 = tpu.vector_load %arg10[%swap3A_193, %swap3A_194] {strides = array<i32>} : memref<8x128xi32, #tpu.memory_space<vmem>>, vector<16xi32>,
      tpu.vector_store %arg10[%swap3A_193, %swap3A_194], %shift_right_arithmetic3A_191 {strides = array<i32>} : memref<8x128xi32, #tpu.memory_space<vmem>>, vector<16xi32>,
      %get3A_196 = arith.constant 2 : i32
      %get3A_197 = arith.index_cast %get3A_196 : i32 to index
      %get3A_198 = arith.constant 16 : index
      %get3A_199 = tpu.vector_load %arg9[%get3A_197, %get3A_198] {strides = array<i32>} : memref<8x128xi32, #tpu.memory_space<vmem>>, vector<16xi32>,
      %shift_right_arithmetic3A_200 = arith.constant 4 : i32
      %shift_right_arithmetic3A_201 = vector.broadcast %shift_right_arithmetic3A_200 : i32 to vector<16xi32>
      %shift_right_arithmetic3A_202 = arith.shrsi %get3A_199, %shift_right_arithmetic3A_201 : vector<16xi32>
      %swap3A_203 = arith.constant 2 : i32
      %swap3A_204 = arith.index_cast %swap3A_203 : i32 to index
      %swap3A_205 = arith.constant 16 : index
      %swap3A_206 = tpu.vector_load %arg10[%swap3A_204, %swap3A_205] {strides = array<i32>} : memref<8x128xi32, #tpu.memory_space<vmem>>, vector<16xi32>,
      tpu.vector_store %arg10[%swap3A_204, %swap3A_205], %shift_right_arithmetic3A_202 {strides = array<i32>} : memref<8x128xi32, #tpu.memory_space<vmem>>, vector<16xi32>,
      %get3A_207 = arith.constant 2 : i32
      %get3A_208 = arith.index_cast %get3A_207 : i32 to index
      %get3A_209 = arith.constant 32 : index
      %get3A_210 = tpu.vector_load %arg9[%get3A_208, %get3A_209] {strides = array<i32>} : memref<8x128xi32, #tpu.memory_space<vmem>>, vector<16xi32>,
      %shift_right_arithmetic3A_211 = arith.constant 4 : i32
      %shift_right_arithmetic3A_212 = vector.broadcast %shift_right_arithmetic3A_211 : i32 to vector<16xi32>
      %shift_right_arithmetic3A_213 = arith.shrsi %get3A_210, %shift_right_arithmetic3A_212 : vector<16xi32>
      %swap3A_214 = arith.constant 2 : i32
      %swap3A_215 = arith.index_cast %swap3A_214 : i32 to index
      %swap3A_216 = arith.constant 32 : index
      %swap3A_217 = tpu.vector_load %arg10[%swap3A_215, %swap3A_216] {strides = array<i32>} : memref<8x128xi32, #tpu.memory_space<vmem>>, vector<16xi32>,
      tpu.vector_store %arg10[%swap3A_215, %swap3A_216], %shift_right_arithmetic3A_213 {strides = array<i32>} : memref<8x128xi32, #tpu.memory_space<vmem>>, vector<16xi32>,
      %get3A_218 = arith.constant 2 : i32
      %get3A_219 = arith.index_cast %get3A_218 : i32 to index
      %get3A_220 = arith.constant 48 : index
      %get3A_221 = tpu.vector_load %arg9[%get3A_219, %get3A_220] {strides = array<i32>} : memref<8x128xi32, #tpu.memory_space<vmem>>, vector<16xi32>,
      %shift_right_arithmetic3A_222 = arith.constant 4 : i32
      %shift_right_arithmetic3A_223 = vector.broadcast %shift_right_arithmetic3A_222 : i32 to vector<16xi32>
      %shift_right_arithmetic3A_224 = arith.shrsi %get3A_221, %shift_right_arithmetic3A_223 : vector<16xi32>
      %swap3A_225 = arith.constant 2 : i32
      %swap3A_226 = arith.index_cast %swap3A_225 : i32 to index
      %swap3A_227 = arith.constant 48 : index
      %swap3A_228 = tpu.vector_load %arg10[%swap3A_226, %swap3A_227] {strides = array<i32>} : memref<8x128xi32, #tpu.memory_space<vmem>>, vector<16xi32>,
      tpu.vector_store %arg10[%swap3A_226, %swap3A_227], %shift_right_arithmetic3A_224 {strides = array<i32>} : memref<8x128xi32, #tpu.memory_space<vmem>>, vector<16xi32>,
      %get3A_229 = arith.constant 2 : i32
      %get3A_230 = arith.index_cast %get3A_229 : i32 to index
      %get3A_231 = arith.constant 64 : index
      %get3A_232 = tpu.vector_load %arg9[%get3A_230, %get3A_231] {strides = array<i32>} : memref<8x128xi32, #tpu.memory_space<vmem>>, vector<16xi32>,
      %shift_right_arithmetic3A_233 = arith.constant 4 : i32
      %shift_right_arithmetic3A_234 = vector.broadcast %shift_right_arithmetic3A_233 : i32 to vector<16xi32>
      %shift_right_arithmetic3A_235 = arith.shrsi %get3A_232, %shift_right_arithmetic3A_234 : vector<16xi32>
      %swap3A_236 = arith.constant 2 : i32
      %swap3A_237 = arith.index_cast %swap3A_236 : i32 to index
      %swap3A_238 = arith.constant 64 : index
      %swap3A_239 = tpu.vector_load %arg10[%swap3A_237, %swap3A_238] {strides = array<i32>} : memref<8x128xi32, #tpu.memory_space<vmem>>, vector<16xi32>,
      tpu.vector_store %arg10[%swap3A_237, %swap3A_238], %shift_right_arithmetic3A_235 {strides = array<i32>} : memref<8x128xi32, #tpu.memory_space<vmem>>, vector<16xi32>,
      %get3A_240 = arith.constant 2 : i32
      %get3A_241 = arith.index_cast %get3A_240 : i32 to index
      %get3A_242 = arith.constant 80 : index
      %get3A_243 = tpu.vector_load %arg9[%get3A_241, %get3A_242] {strides = array<i32>} : memref<8x128xi32, #tpu.memory_space<vmem>>, vector<16xi32>,
      %shift_right_arithmetic3A_244 = arith.constant 4 : i32
      %shift_right_arithmetic3A_245 = vector.broadcast %shift_right_arithmetic3A_244 : i32 to vector<16xi32>
      %shift_right_arithmetic3A_246 = arith.shrsi %get3A_243, %shift_right_arithmetic3A_245 : vector<16xi32>
      %swap3A_247 = arith.constant 2 : i32
      %swap3A_248 = arith.index_cast %swap3A_247 : i32 to index
      %swap3A_249 = arith.constant 80 : index
      %swap3A_250 = tpu.vector_load %arg10[%swap3A_248, %swap3A_249] {strides = array<i32>} : memref<8x128xi32, #tpu.memory_space<vmem>>, vector<16xi32>,
      tpu.vector_store %arg10[%swap3A_248, %swap3A_249], %shift_right_arithmetic3A_246 {strides = array<i32>} : memref<8x128xi32, #tpu.memory_space<vmem>>, vector<16xi32>,
      %get3A_251 = arith.constant 2 : i32
      %get3A_252 = arith.index_cast %get3A_251 : i32 to index
      %get3A_253 = arith.constant 96 : index
      %get3A_254 = tpu.vector_load %arg9[%get3A_252, %get3A_253] {strides = array<i32>} : memref<8x128xi32, #tpu.memory_space<vmem>>, vector<16xi32>,
      %shift_right_arithmetic3A_255 = arith.constant 4 : i32
      %shift_right_arithmetic3A_256 = vector.broadcast %shift_right_arithmetic3A_255 : i32 to vector<16xi32>
      %shift_right_arithmetic3A_257 = arith.shrsi %get3A_254, %shift_right_arithmetic3A_256 : vector<16xi32>
      %swap3A_258 = arith.constant 2 : i32
      %swap3A_259 = arith.index_cast %swap3A_258 : i32 to index
      %swap3A_260 = arith.constant 96 : index
      %swap3A_261 = tpu.vector_load %arg10[%swap3A_259, %swap3A_260] {strides = array<i32>} : memref<8x128xi32, #tpu.memory_space<vmem>>, vector<16xi32>,
      tpu.vector_store %arg10[%swap3A_259, %swap3A_260], %shift_right_arithmetic3A_257 {strides = array<i32>} : memref<8x128xi32, #tpu.memory_space<vmem>>, vector<16xi32>,
      %get3A_262 = arith.constant 2 : i32
      %get3A_263 = arith.index_cast %get3A_262 : i32 to index
      %get3A_264 = arith.constant 112 : index
      %get3A_265 = tpu.vector_load %arg9[%get3A_263, %get3A_264] {strides = array<i32>} : memref<8x128xi32, #tpu.memory_space<vmem>>, vector<16xi32>,
      %shift_right_arithmetic3A_266 = arith.constant 4 : i32
      %shift_right_arithmetic3A_267 = vector.broadcast %shift_right_arithmetic3A_266 : i32 to vector<16xi32>
      %shift_right_arithmetic3A_268 = arith.shrsi %get3A_265, %shift_right_arithmetic3A_267 : vector<16xi32>
      %swap3A_269 = arith.constant 2 : i32
      %swap3A_270 = arith.index_cast %swap3A_269 : i32 to index
      %swap3A_271 = arith.constant 112 : index
      %swap3A_272 = tpu.vector_load %arg10[%swap3A_270, %swap3A_271] {strides = array<i32>} : memref<8x128xi32, #tpu.memory_space<vmem>>, vector<16xi32>,
      tpu.vector_store %arg10[%swap3A_270, %swap3A_271], %shift_right_arithmetic3A_268 {strides = array<i32>} : memref<8x128xi32, #tpu.memory_space<vmem>>, vector<16xi32>,
      %get3A_273 = arith.constant 3 : i32
      %get3A_274 = arith.index_cast %get3A_273 : i32 to index
      %get3A_275 = arith.constant 0 : index
      %get3A_276 = tpu.vector_load %arg9[%get3A_274, %get3A_275] {strides = array<i32>} : memref<8x128xi32, #tpu.memory_space<vmem>>, vector<16xi32>,
      %shift_right_arithmetic3A_277 = arith.constant 4 : i32
      %shift_right_arithmetic3A_278 = vector.broadcast %shift_right_arithmetic3A_277 : i32 to vector<16xi32>
      %shift_right_arithmetic3A_279 = arith.shrsi %get3A_276, %shift_right_arithmetic3A_278 : vector<16xi32>
      %swap3A_280 = arith.constant 3 : i32
      %swap3A_281 = arith.index_cast %swap3A_280 : i32 to index
      %swap3A_282 = arith.constant 0 : index
      %swap3A_283 = tpu.vector_load %arg10[%swap3A_281, %swap3A_282] {strides = array<i32>} : memref<8x128xi32, #tpu.memory_space<vmem>>, vector<16xi32>,
      tpu.vector_store %arg10[%swap3A_281, %swap3A_282], %shift_right_arithmetic3A_279 {strides = array<i32>} : memref<8x128xi32, #tpu.memory_space<vmem>>, vector<16xi32>,
      %get3A_284 = arith.constant 3 : i32
      %get3A_285 = arith.index_cast %get3A_284 : i32 to index
      %get3A_286 = arith.constant 16 : index
      %get3A_287 = tpu.vector_load %arg9[%get3A_285, %get3A_286] {strides = array<i32>} : memref<8x128xi32, #tpu.memory_space<vmem>>, vector<16xi32>,
      %shift_right_arithmetic3A_288 = arith.constant 4 : i32
      %shift_right_arithmetic3A_289 = vector.broadcast %shift_right_arithmetic3A_288 : i32 to vector<16xi32>
      %shift_right_arithmetic3A_290 = arith.shrsi %get3A_287, %shift_right_arithmetic3A_289 : vector<16xi32>
      %swap3A_291 = arith.constant 3 : i32
      %swap3A_292 = arith.index_cast %swap3A_291 : i32 to index
      %swap3A_293 = arith.constant 16 : index
      %swap3A_294 = tpu.vector_load %arg10[%swap3A_292, %swap3A_293] {strides = array<i32>} : memref<8x128xi32, #tpu.memory_space<vmem>>, vector<16xi32>,
      tpu.vector_store %arg10[%swap3A_292, %swap3A_293], %shift_right_arithmetic3A_290 {strides = array<i32>} : memref<8x128xi32, #tpu.memory_space<vmem>>, vector<16xi32>,
      %get3A_295 = arith.constant 3 : i32
      %get3A_296 = arith.index_cast %get3A_295 : i32 to index
      %get3A_297 = arith.constant 32 : index
      %get3A_298 = tpu.vector_load %arg9[%get3A_296, %get3A_297] {strides = array<i32>} : memref<8x128xi32, #tpu.memory_space<vmem>>, vector<16xi32>,
      %shift_right_arithmetic3A_299 = arith.constant 4 : i32
      %shift_right_arithmetic3A_300 = vector.broadcast %shift_right_arithmetic3A_299 : i32 to vector<16xi32>
      %shift_right_arithmetic3A_301 = arith.shrsi %get3A_298, %shift_right_arithmetic3A_300 : vector<16xi32>
      %swap3A_302 = arith.constant 3 : i32
      %swap3A_303 = arith.index_cast %swap3A_302 : i32 to index
      %swap3A_304 = arith.constant 32 : index
      %swap3A_305 = tpu.vector_load %arg10[%swap3A_303, %swap3A_304] {strides = array<i32>} : memref<8x128xi32, #tpu.memory_space<vmem>>, vector<16xi32>,
      tpu.vector_store %arg10[%swap3A_303, %swap3A_304], %shift_right_arithmetic3A_301 {strides = array<i32>} : memref<8x128xi32, #tpu.memory_space<vmem>>, vector<16xi32>,
      %get3A_306 = arith.constant 3 : i32
      %get3A_307 = arith.index_cast %get3A_306 : i32 to index
      %get3A_308 = arith.constant 48 : index
      %get3A_309 = tpu.vector_load %arg9[%get3A_307, %get3A_308] {strides = array<i32>} : memref<8x128xi32, #tpu.memory_space<vmem>>, vector<16xi32>,
      %shift_right_arithmetic3A_310 = arith.constant 4 : i32
      %shift_right_arithmetic3A_311 = vector.broadcast %shift_right_arithmetic3A_310 : i32 to vector<16xi32>
      %shift_right_arithmetic3A_312 = arith.shrsi %get3A_309, %shift_right_arithmetic3A_311 : vector<16xi32>
      %swap3A_313 = arith.constant 3 : i32
      %swap3A_314 = arith.index_cast %swap3A_313 : i32 to index
      %swap3A_315 = arith.constant 48 : index
      %swap3A_316 = tpu.vector_load %arg10[%swap3A_314, %swap3A_315] {strides = array<i32>} : memref<8x128xi32, #tpu.memory_space<vmem>>, vector<16xi32>,
      tpu.vector_store %arg10[%swap3A_314, %swap3A_315], %shift_right_arithmetic3A_312 {strides = array<i32>} : memref<8x128xi32, #tpu.memory_space<vmem>>, vector<16xi32>,
      %get3A_317 = arith.constant 3 : i32
      %get3A_318 = arith.index_cast %get3A_317 : i32 to index
      %get3A_319 = arith.constant 64 : index
      %get3A_320 = tpu.vector_load %arg9[%get3A_318, %get3A_319] {strides = array<i32>} : memref<8x128xi32, #tpu.memory_space<vmem>>, vector<16xi32>,
      %shift_right_arithmetic3A_321 = arith.constant 4 : i32
      %shift_right_arithmetic3A_322 = vector.broadcast %shift_right_arithmetic3A_321 : i32 to vector<16xi32>
      %shift_right_arithmetic3A_323 = arith.shrsi %get3A_320, %shift_right_arithmetic3A_322 : vector<16xi32>
      %swap3A_324 = arith.constant 3 : i32
      %swap3A_325 = arith.index_cast %swap3A_324 : i32 to index
      %swap3A_326 = arith.constant 64 : index
      %swap3A_327 = tpu.vector_load %arg10[%swap3A_325, %swap3A_326] {strides = array<i32>} : memref<8x128xi32, #tpu.memory_space<vmem>>, vector<16xi32>,
      tpu.vector_store %arg10[%swap3A_325, %swap3A_326], %shift_right_arithmetic3A_323 {strides = array<i32>} : memref<8x128xi32, #tpu.memory_space<vmem>>, vector<16xi32>,
      %get3A_328 = arith.constant 3 : i32
      %get3A_329 = arith.index_cast %get3A_328 : i32 to index
      %get3A_330 = arith.constant 80 : index
      %get3A_331 = tpu.vector_load %arg9[%get3A_329, %get3A_330] {strides = array<i32>} : memref<8x128xi32, #tpu.memory_space<vmem>>, vector<16xi32>,
      %shift_right_arithmetic3A_332 = arith.constant 4 : i32
      %shift_right_arithmetic3A_333 = vector.broadcast %shift_right_arithmetic3A_332 : i32 to vector<16xi32>
      %shift_right_arithmetic3A_334 = arith.shrsi %get3A_331, %shift_right_arithmetic3A_333 : vector<16xi32>
      %swap3A_335 = arith.constant 3 : i32
      %swap3A_336 = arith.index_cast %swap3A_335 : i32 to index
      %swap3A_337 = arith.constant 80 : index
      %swap3A_338 = tpu.vector_load %arg10[%swap3A_336, %swap3A_337] {strides = array<i32>} : memref<8x128xi32, #tpu.memory_space<vmem>>, vector<16xi32>,
      tpu.vector_store %arg10[%swap3A_336, %swap3A_337], %shift_right_arithmetic3A_334 {strides = array<i32>} : memref<8x128xi32, #tpu.memory_space<vmem>>, vector<16xi32>,
      %get3A_339 = arith.constant 3 : i32
      %get3A_340 = arith.index_cast %get3A_339 : i32 to index
      %get3A_341 = arith.constant 96 : index
      %get3A_342 = tpu.vector_load %arg9[%get3A_340, %get3A_341] {strides = array<i32>} : memref<8x128xi32, #tpu.memory_space<vmem>>, vector<16xi32>,
      %shift_right_arithmetic3A_343 = arith.constant 4 : i32
      %shift_right_arithmetic3A_344 = vector.broadcast %shift_right_arithmetic3A_343 : i32 to vector<16xi32>
      %shift_right_arithmetic3A_345 = arith.shrsi %get3A_342, %shift_right_arithmetic3A_344 : vector<16xi32>
      %swap3A_346 = arith.constant 3 : i32
      %swap3A_347 = arith.index_cast %swap3A_346 : i32 to index
      %swap3A_348 = arith.constant 96 : index
      %swap3A_349 = tpu.vector_load %arg10[%swap3A_347, %swap3A_348] {strides = array<i32>} : memref<8x128xi32, #tpu.memory_space<vmem>>, vector<16xi32>,
      tpu.vector_store %arg10[%swap3A_347, %swap3A_348], %shift_right_arithmetic3A_345 {strides = array<i32>} : memref<8x128xi32, #tpu.memory_space<vmem>>, vector<16xi32>,
      %get3A_350 = arith.constant 3 : i32
      %get3A_351 = arith.index_cast %get3A_350 : i32 to index
      %get3A_352 = arith.constant 112 : index
      %get3A_353 = tpu.vector_load %arg9[%get3A_351, %get3A_352] {strides = array<i32>} : memref<8x128xi32, #tpu.memory_space<vmem>>, vector<16xi32>,
      %shift_right_arithmetic3A_354 = arith.constant 4 : i32
      %shift_right_arithmetic3A_355 = vector.broadcast %shift_right_arithmetic3A_354 : i32 to vector<16xi32>
      %shift_right_arithmetic3A_356 = arith.shrsi %get3A_353, %shift_right_arithmetic3A_355 : vector<16xi32>
      %swap3A_357 = arith.constant 3 : i32
      %swap3A_358 = arith.index_cast %swap3A_357 : i32 to index
      %swap3A_359 = arith.constant 112 : index
      %swap3A_360 = tpu.vector_load %arg10[%swap3A_358, %swap3A_359] {strides = array<i32>} : memref<8x128xi32, #tpu.memory_space<vmem>>, vector<16xi32>,
      tpu.vector_store %arg10[%swap3A_358, %swap3A_359], %shift_right_arithmetic3A_356 {strides = array<i32>} : memref<8x128xi32, #tpu.memory_space<vmem>>, vector<16xi32>,
      %get3A_361 = arith.constant 4 : i32
      %get3A_362 = arith.index_cast %get3A_361 : i32 to index
      %get3A_363 = arith.constant 0 : index
      %get3A_364 = tpu.vector_load %arg9[%get3A_362, %get3A_363] {strides = array<i32>} : memref<8x128xi32, #tpu.memory_space<vmem>>, vector<16xi32>,
      %shift_right_arithmetic3A_365 = arith.constant 4 : i32
      %shift_right_arithmetic3A_366 = vector.broadcast %shift_right_arithmetic3A_365 : i32 to vector<16xi32>
      %shift_right_arithmetic3A_367 = arith.shrsi %get3A_364, %shift_right_arithmetic3A_366 : vector<16xi32>
      %swap3A_368 = arith.constant 4 : i32
      %swap3A_369 = arith.index_cast %swap3A_368 : i32 to index
      %swap3A_370 = arith.constant 0 : index
      %swap3A_371 = tpu.vector_load %arg10[%swap3A_369, %swap3A_370] {strides = array<i32>} : memref<8x128xi32, #tpu.memory_space<vmem>>, vector<16xi32>,
      tpu.vector_store %arg10[%swap3A_369, %swap3A_370], %shift_right_arithmetic3A_367 {strides = array<i32>} : memref<8x128xi32, #tpu.memory_space<vmem>>, vector<16xi32>,
      %get3A_372 = arith.constant 4 : i32
      %get3A_373 = arith.index_cast %get3A_372 : i32 to index
      %get3A_374 = arith.constant 16 : index
      %get3A_375 = tpu.vector_load %arg9[%get3A_373, %get3A_374] {strides = array<i32>} : memref<8x128xi32, #tpu.memory_space<vmem>>, vector<16xi32>,
      %shift_right_arithmetic3A_376 = arith.constant 4 : i32
      %shift_right_arithmetic3A_377 = vector.broadcast %shift_right_arithmetic3A_376 : i32 to vector<16xi32>
      %shift_right_arithmetic3A_378 = arith.shrsi %get3A_375, %shift_right_arithmetic3A_377 : vector<16xi32>
      %swap3A_379 = arith.constant 4 : i32
      %swap3A_380 = arith.index_cast %swap3A_379 : i32 to index
      %swap3A_381 = arith.constant 16 : index
      %swap3A_382 = tpu.vector_load %arg10[%swap3A_380, %swap3A_381] {strides = array<i32>} : memref<8x128xi32, #tpu.memory_space<vmem>>, vector<16xi32>,
      tpu.vector_store %arg10[%swap3A_380, %swap3A_381], %shift_right_arithmetic3A_378 {strides = array<i32>} : memref<8x128xi32, #tpu.memory_space<vmem>>, vector<16xi32>,
      %get3A_383 = arith.constant 4 : i32
      %get3A_384 = arith.index_cast %get3A_383 : i32 to index
      %get3A_385 = arith.constant 32 : index
      %get3A_386 = tpu.vector_load %arg9[%get3A_384, %get3A_385] {strides = array<i32>} : memref<8x128xi32, #tpu.memory_space<vmem>>, vector<16xi32>,
      %shift_right_arithmetic3A_387 = arith.constant 4 : i32
      %shift_right_arithmetic3A_388 = vector.broadcast %shift_right_arithmetic3A_387 : i32 to vector<16xi32>
      %shift_right_arithmetic3A_389 = arith.shrsi %get3A_386, %shift_right_arithmetic3A_388 : vector<16xi32>
      %swap3A_390 = arith.constant 4 : i32
      %swap3A_391 = arith.index_cast %swap3A_390 : i32 to index
      %swap3A_392 = arith.constant 32 : index
      %swap3A_393 = tpu.vector_load %arg10[%swap3A_391, %swap3A_392] {strides = array<i32>} : memref<8x128xi32, #tpu.memory_space<vmem>>, vector<16xi32>,
      tpu.vector_store %arg10[%swap3A_391, %swap3A_392], %shift_right_arithmetic3A_389 {strides = array<i32>} : memref<8x128xi32, #tpu.memory_space<vmem>>, vector<16xi32>,
      %get3A_394 = arith.constant 4 : i32
      %get3A_395 = arith.index_cast %get3A_394 : i32 to index
      %get3A_396 = arith.constant 48 : index
      %get3A_397 = tpu.vector_load %arg9[%get3A_395, %get3A_396] {strides = array<i32>} : memref<8x128xi32, #tpu.memory_space<vmem>>, vector<16xi32>,
      %shift_right_arithmetic3A_398 = arith.constant 4 : i32
      %shift_right_arithmetic3A_399 = vector.broadcast %shift_right_arithmetic3A_398 : i32 to vector<16xi32>
      %shift_right_arithmetic3A_400 = arith.shrsi %get3A_397, %shift_right_arithmetic3A_399 : vector<16xi32>
      %swap3A_401 = arith.constant 4 : i32
      %swap3A_402 = arith.index_cast %swap3A_401 : i32 to index
      %swap3A_403 = arith.constant 48 : index
      %swap3A_404 = tpu.vector_load %arg10[%swap3A_402, %swap3A_403] {strides = array<i32>} : memref<8x128xi32, #tpu.memory_space<vmem>>, vector<16xi32>,
      tpu.vector_store %arg10[%swap3A_402, %swap3A_403], %shift_right_arithmetic3A_400 {strides = array<i32>} : memref<8x128xi32, #tpu.memory_space<vmem>>, vector<16xi32>,
      %get3A_405 = arith.constant 4 : i32
      %get3A_406 = arith.index_cast %get3A_405 : i32 to index
      %get3A_407 = arith.constant 64 : index
      %get3A_408 = tpu.vector_load %arg9[%get3A_406, %get3A_407] {strides = array<i32>} : memref<8x128xi32, #tpu.memory_space<vmem>>, vector<16xi32>,
      %shift_right_arithmetic3A_409 = arith.constant 4 : i32
      %shift_right_arithmetic3A_410 = vector.broadcast %shift_right_arithmetic3A_409 : i32 to vector<16xi32>
      %shift_right_arithmetic3A_411 = arith.shrsi %get3A_408, %shift_right_arithmetic3A_410 : vector<16xi32>
      %swap3A_412 = arith.constant 4 : i32
      %swap3A_413 = arith.index_cast %swap3A_412 : i32 to index
      %swap3A_414 = arith.constant 64 : index
      %swap3A_415 = tpu.vector_load %arg10[%swap3A_413, %swap3A_414] {strides = array<i32>} : memref<8x128xi32, #tpu.memory_space<vmem>>, vector<16xi32>,
      tpu.vector_store %arg10[%swap3A_413, %swap3A_414], %shift_right_arithmetic3A_411 {strides = array<i32>} : memref<8x128xi32, #tpu.memory_space<vmem>>, vector<16xi32>,
      %get3A_416 = arith.constant 4 : i32
      %get3A_417 = arith.index_cast %get3A_416 : i32 to index
      %get3A_418 = arith.constant 80 : index
      %get3A_419 = tpu.vector_load %arg9[%get3A_417, %get3A_418] {strides = array<i32>} : memref<8x128xi32, #tpu.memory_space<vmem>>, vector<16xi32>,
      %shift_right_arithmetic3A_420 = arith.constant 4 : i32
      %shift_right_arithmetic3A_421 = vector.broadcast %shift_right_arithmetic3A_420 : i32 to vector<16xi32>
      %shift_right_arithmetic3A_422 = arith.shrsi %get3A_419, %shift_right_arithmetic3A_421 : vector<16xi32>
      %swap3A_423 = arith.constant 4 : i32
      %swap3A_424 = arith.index_cast %swap3A_423 : i32 to index
      %swap3A_425 = arith.constant 80 : index
      %swap3A_426 = tpu.vector_load %arg10[%swap3A_424, %swap3A_425] {strides = array<i32>} : memref<8x128xi32, #tpu.memory_space<vmem>>, vector<16xi32>,
      tpu.vector_store %arg10[%swap3A_424, %swap3A_425], %shift_right_arithmetic3A_422 {strides = array<i32>} : memref<8x128xi32, #tpu.memory_space<vmem>>, vector<16xi32>,
      %get3A_427 = arith.constant 4 : i32
      %get3A_428 = arith.index_cast %get3A_427 : i32 to index
      %get3A_429 = arith.constant 96 : index
      %get3A_430 = tpu.vector_load %arg9[%get3A_428, %get3A_429] {strides = array<i32>} : memref<8x128xi32, #tpu.memory_space<vmem>>, vector<16xi32>,
      %shift_right_arithmetic3A_431 = arith.constant 4 : i32
      %shift_right_arithmetic3A_432 = vector.broadcast %shift_right_arithmetic3A_431 : i32 to vector<16xi32>
      %shift_right_arithmetic3A_433 = arith.shrsi %get3A_430, %shift_right_arithmetic3A_432 : vector<16xi32>
      %swap3A_434 = arith.constant 4 : i32
      %swap3A_435 = arith.index_cast %swap3A_434 : i32 to index
      %swap3A_436 = arith.constant 96 : index
      %swap3A_437 = tpu.vector_load %arg10[%swap3A_435, %swap3A_436] {strides = array<i32>} : memref<8x128xi32, #tpu.memory_space<vmem>>, vector<16xi32>,
      tpu.vector_store %arg10[%swap3A_435, %swap3A_436], %shift_right_arithmetic3A_433 {strides = array<i32>} : memref<8x128xi32, #tpu.memory_space<vmem>>, vector<16xi32>,
      %get3A_438 = arith.constant 4 : i32
      %get3A_439 = arith.index_cast %get3A_438 : i32 to index
      %get3A_440 = arith.constant 112 : index
      %get3A_441 = tpu.vector_load %arg9[%get3A_439, %get3A_440] {strides = array<i32>} : memref<8x128xi32, #tpu.memory_space<vmem>>, vector<16xi32>,
      %shift_right_arithmetic3A_442 = arith.constant 4 : i32
      %shift_right_arithmetic3A_443 = vector.broadcast %shift_right_arithmetic3A_442 : i32 to vector<16xi32>
      %shift_right_arithmetic3A_444 = arith.shrsi %get3A_441, %shift_right_arithmetic3A_443 : vector<16xi32>
      %swap3A_445 = arith.constant 4 : i32
      %swap3A_446 = arith.index_cast %swap3A_445 : i32 to index
      %swap3A_447 = arith.constant 112 : index
      %swap3A_448 = tpu.vector_load %arg10[%swap3A_446, %swap3A_447] {strides = array<i32>} : memref<8x128xi32, #tpu.memory_space<vmem>>, vector<16xi32>,
      tpu.vector_store %arg10[%swap3A_446, %swap3A_447], %shift_right_arithmetic3A_444 {strides = array<i32>} : memref<8x128xi32, #tpu.memory_space<vmem>>, vector<16xi32>,
      %get3A_449 = arith.constant 5 : i32
      %get3A_450 = arith.index_cast %get3A_449 : i32 to index
      %get3A_451 = arith.constant 0 : index
      %get3A_452 = tpu.vector_load %arg9[%get3A_450, %get3A_451] {strides = array<i32>} : memref<8x128xi32, #tpu.memory_space<vmem>>, vector<16xi32>,
      %shift_right_arithmetic3A_453 = arith.constant 4 : i32
      %shift_right_arithmetic3A_454 = vector.broadcast %shift_right_arithmetic3A_453 : i32 to vector<16xi32>
      %shift_right_arithmetic3A_455 = arith.shrsi %get3A_452, %shift_right_arithmetic3A_454 : vector<16xi32>
      %swap3A_456 = arith.constant 5 : i32
      %swap3A_457 = arith.index_cast %swap3A_456 : i32 to index
      %swap3A_458 = arith.constant 0 : index
      %swap3A_459 = tpu.vector_load %arg10[%swap3A_457, %swap3A_458] {strides = array<i32>} : memref<8x128xi32, #tpu.memory_space<vmem>>, vector<16xi32>,
      tpu.vector_store %arg10[%swap3A_457, %swap3A_458], %shift_right_arithmetic3A_455 {strides = array<i32>} : memref<8x128xi32, #tpu.memory_space<vmem>>, vector<16xi32>,
      %get3A_460 = arith.constant 5 : i32
      %get3A_461 = arith.index_cast %get3A_460 : i32 to index
      %get3A_462 = arith.constant 16 : index
      %get3A_463 = tpu.vector_load %arg9[%get3A_461, %get3A_462] {strides = array<i32>} : memref<8x128xi32, #tpu.memory_space<vmem>>, vector<16xi32>,
      %shift_right_arithmetic3A_464 = arith.constant 4 : i32
      %shift_right_arithmetic3A_465 = vector.broadcast %shift_right_arithmetic3A_464 : i32 to vector<16xi32>
      %shift_right_arithmetic3A_466 = arith.shrsi %get3A_463, %shift_right_arithmetic3A_465 : vector<16xi32>
      %swap3A_467 = arith.constant 5 : i32
      %swap3A_468 = arith.index_cast %swap3A_467 : i32 to index
      %swap3A_469 = arith.constant 16 : index
      %swap3A_470 = tpu.vector_load %arg10[%swap3A_468, %swap3A_469] {strides = array<i32>} : memref<8x128xi32, #tpu.memory_space<vmem>>, vector<16xi32>,
      tpu.vector_store %arg10[%swap3A_468, %swap3A_469], %shift_right_arithmetic3A_466 {strides = array<i32>} : memref<8x128xi32, #tpu.memory_space<vmem>>, vector<16xi32>,
      %get3A_471 = arith.constant 5 : i32
      %get3A_472 = arith.index_cast %get3A_471 : i32 to index
      %get3A_473 = arith.constant 32 : index
      %get3A_474 = tpu.vector_load %arg9[%get3A_472, %get3A_473] {strides = array<i32>} : memref<8x128xi32, #tpu.memory_space<vmem>>, vector<16xi32>,
      %shift_right_arithmetic3A_475 = arith.constant 4 : i32
      %shift_right_arithmetic3A_476 = vector.broadcast %shift_right_arithmetic3A_475 : i32 to vector<16xi32>
      %shift_right_arithmetic3A_477 = arith.shrsi %get3A_474, %shift_right_arithmetic3A_476 : vector<16xi32>
      %swap3A_478 = arith.constant 5 : i32
      %swap3A_479 = arith.index_cast %swap3A_478 : i32 to index
      %swap3A_480 = arith.constant 32 : index
      %swap3A_481 = tpu.vector_load %arg10[%swap3A_479, %swap3A_480] {strides = array<i32>} : memref<8x128xi32, #tpu.memory_space<vmem>>, vector<16xi32>,
      tpu.vector_store %arg10[%swap3A_479, %swap3A_480], %shift_right_arithmetic3A_477 {strides = array<i32>} : memref<8x128xi32, #tpu.memory_space<vmem>>, vector<16xi32>,
      %get3A_482 = arith.constant 5 : i32
      %get3A_483 = arith.index_cast %get3A_482 : i32 to index
      %get3A_484 = arith.constant 48 : index
      %get3A_485 = tpu.vector_load %arg9[%get3A_483, %get3A_484] {strides = array<i32>} : memref<8x128xi32, #tpu.memory_space<vmem>>, vector<16xi32>,
      %shift_right_arithmetic3A_486 = arith.constant 4 : i32
      %shift_right_arithmetic3A_487 = vector.broadcast %shift_right_arithmetic3A_486 : i32 to vector<16xi32>
      %shift_right_arithmetic3A_488 = arith.shrsi %get3A_485, %shift_right_arithmetic3A_487 : vector<16xi32>
      %swap3A_489 = arith.constant 5 : i32
      %swap3A_490 = arith.index_cast %swap3A_489 : i32 to index
      %swap3A_491 = arith.constant 48 : index
      %swap3A_492 = tpu.vector_load %arg10[%swap3A_490, %swap3A_491] {strides = array<i32>} : memref<8x128xi32, #tpu.memory_space<vmem>>, vector<16xi32>,
      tpu.vector_store %arg10[%swap3A_490, %swap3A_491], %shift_right_arithmetic3A_488 {strides = array<i32>} : memref<8x128xi32, #tpu.memory_space<vmem>>, vector<16xi32>,
      %get3A_493 = arith.constant 5 : i32
      %get3A_494 = arith.index_cast %get3A_493 : i32 to index
      %get3A_495 = arith.constant 64 : index
      %get3A_496 = tpu.vector_load %arg9[%get3A_494, %get3A_495] {strides = array<i32>} : memref<8x128xi32, #tpu.memory_space<vmem>>, vector<16xi32>,
      %shift_right_arithmetic3A_497 = arith.constant 4 : i32
      %shift_right_arithmetic3A_498 = vector.broadcast %shift_right_arithmetic3A_497 : i32 to vector<16xi32>
      %shift_right_arithmetic3A_499 = arith.shrsi %get3A_496, %shift_right_arithmetic3A_498 : vector<16xi32>
      %swap3A_500 = arith.constant 5 : i32
      %swap3A_501 = arith.index_cast %swap3A_500 : i32 to index
      %swap3A_502 = arith.constant 64 : index
      %swap3A_503 = tpu.vector_load %arg10[%swap3A_501, %swap3A_502] {strides = array<i32>} : memref<8x128xi32, #tpu.memory_space<vmem>>, vector<16xi32>,
      tpu.vector_store %arg10[%swap3A_501, %swap3A_502], %shift_right_arithmetic3A_499 {strides = array<i32>} : memref<8x128xi32, #tpu.memory_space<vmem>>, vector<16xi32>,
      %get3A_504 = arith.constant 5 : i32
      %get3A_505 = arith.index_cast %get3A_504 : i32 to index
      %get3A_506 = arith.constant 80 : index
      %get3A_507 = tpu.vector_load %arg9[%get3A_505, %get3A_506] {strides = array<i32>} : memref<8x128xi32, #tpu.memory_space<vmem>>, vector<16xi32>,
      %shift_right_arithmetic3A_508 = arith.constant 4 : i32
      %shift_right_arithmetic3A_509 = vector.broadcast %shift_right_arithmetic3A_508 : i32 to vector<16xi32>
      %shift_right_arithmetic3A_510 = arith.shrsi %get3A_507, %shift_right_arithmetic3A_509 : vector<16xi32>
      %swap3A_511 = arith.constant 5 : i32
      %swap3A_512 = arith.index_cast %swap3A_511 : i32 to index
      %swap3A_513 = arith.constant 80 : index
      %swap3A_514 = tpu.vector_load %arg10[%swap3A_512, %swap3A_513] {strides = array<i32>} : memref<8x128xi32, #tpu.memory_space<vmem>>, vector<16xi32>,
      tpu.vector_store %arg10[%swap3A_512, %swap3A_513], %shift_right_arithmetic3A_510 {strides = array<i32>} : memref<8x128xi32, #tpu.memory_space<vmem>>, vector<16xi32>,
      %get3A_515 = arith.constant 5 : i32
      %get3A_516 = arith.index_cast %get3A_515 : i32 to index
      %get3A_517 = arith.constant 96 : index
      %get3A_518 = tpu.vector_load %arg9[%get3A_516, %get3A_517] {strides = array<i32>} : memref<8x128xi32, #tpu.memory_space<vmem>>, vector<16xi32>,
      %shift_right_arithmetic3A_519 = arith.constant 4 : i32
      %shift_right_arithmetic3A_520 = vector.broadcast %shift_right_arithmetic3A_519 : i32 to vector<16xi32>
      %shift_right_arithmetic3A_521 = arith.shrsi %get3A_518, %shift_right_arithmetic3A_520 : vector<16xi32>
      %swap3A_522 = arith.constant 5 : i32
      %swap3A_523 = arith.index_cast %swap3A_522 : i32 to index
      %swap3A_524 = arith.constant 96 : index
      %swap3A_525 = tpu.vector_load %arg10[%swap3A_523, %swap3A_524] {strides = array<i32>} : memref<8x128xi32, #tpu.memory_space<vmem>>, vector<16xi32>,
      tpu.vector_store %arg10[%swap3A_523, %swap3A_524], %shift_right_arithmetic3A_521 {strides = array<i32>} : memref<8x128xi32, #tpu.memory_space<vmem>>, vector<16xi32>,
      %get3A_526 = arith.constant 5 : i32
      %get3A_527 = arith.index_cast %get3A_526 : i32 to index
      %get3A_528 = arith.constant 112 : index
      %get3A_529 = tpu.vector_load %arg9[%get3A_527, %get3A_528] {strides = array<i32>} : memref<8x128xi32, #tpu.memory_space<vmem>>, vector<16xi32>,
      %shift_right_arithmetic3A_530 = arith.constant 4 : i32
      %shift_right_arithmetic3A_531 = vector.broadcast %shift_right_arithmetic3A_530 : i32 to vector<16xi32>
      %shift_right_arithmetic3A_532 = arith.shrsi %get3A_529, %shift_right_arithmetic3A_531 : vector<16xi32>
      %swap3A_533 = arith.constant 5 : i32
      %swap3A_534 = arith.index_cast %swap3A_533 : i32 to index
      %swap3A_535 = arith.constant 112 : index
      %swap3A_536 = tpu.vector_load %arg10[%swap3A_534, %swap3A_535] {strides = array<i32>} : memref<8x128xi32, #tpu.memory_space<vmem>>, vector<16xi32>,
      tpu.vector_store %arg10[%swap3A_534, %swap3A_535], %shift_right_arithmetic3A_532 {strides = array<i32>} : memref<8x128xi32, #tpu.memory_space<vmem>>, vector<16xi32>,
      %get3A_537 = arith.constant 6 : i32
      %get3A_538 = arith.index_cast %get3A_537 : i32 to index
      %get3A_539 = arith.constant 0 : index
      %get3A_540 = tpu.vector_load %arg9[%get3A_538, %get3A_539] {strides = array<i32>} : memref<8x128xi32, #tpu.memory_space<vmem>>, vector<16xi32>,
      %shift_right_arithmetic3A_541 = arith.constant 4 : i32
      %shift_right_arithmetic3A_542 = vector.broadcast %shift_right_arithmetic3A_541 : i32 to vector<16xi32>
      %shift_right_arithmetic3A_543 = arith.shrsi %get3A_540, %shift_right_arithmetic3A_542 : vector<16xi32>
      %swap3A_544 = arith.constant 6 : i32
      %swap3A_545 = arith.index_cast %swap3A_544 : i32 to index
      %swap3A_546 = arith.constant 0 : index
      %swap3A_547 = tpu.vector_load %arg10[%swap3A_545, %swap3A_546] {strides = array<i32>} : memref<8x128xi32, #tpu.memory_space<vmem>>, vector<16xi32>,
      tpu.vector_store %arg10[%swap3A_545, %swap3A_546], %shift_right_arithmetic3A_543 {strides = array<i32>} : memref<8x128xi32, #tpu.memory_space<vmem>>, vector<16xi32>,
      %get3A_548 = arith.constant 6 : i32
      %get3A_549 = arith.index_cast %get3A_548 : i32 to index
      %get3A_550 = arith.constant 16 : index
      %get3A_551 = tpu.vector_load %arg9[%get3A_549, %get3A_550] {strides = array<i32>} : memref<8x128xi32, #tpu.memory_space<vmem>>, vector<16xi32>,
      %shift_right_arithmetic3A_552 = arith.constant 4 : i32
      %shift_right_arithmetic3A_553 = vector.broadcast %shift_right_arithmetic3A_552 : i32 to vector<16xi32>
      %shift_right_arithmetic3A_554 = arith.shrsi %get3A_551, %shift_right_arithmetic3A_553 : vector<16xi32>
      %swap3A_555 = arith.constant 6 : i32
      %swap3A_556 = arith.index_cast %swap3A_555 : i32 to index
      %swap3A_557 = arith.constant 16 : index
      %swap3A_558 = tpu.vector_load %arg10[%swap3A_556, %swap3A_557] {strides = array<i32>} : memref<8x128xi32, #tpu.memory_space<vmem>>, vector<16xi32>,
      tpu.vector_store %arg10[%swap3A_556, %swap3A_557], %shift_right_arithmetic3A_554 {strides = array<i32>} : memref<8x128xi32, #tpu.memory_space<vmem>>, vector<16xi32>,
      %get3A_559 = arith.constant 6 : i32
      %get3A_560 = arith.index_cast %get3A_559 : i32 to index
      %get3A_561 = arith.constant 32 : index
      %get3A_562 = tpu.vector_load %arg9[%get3A_560, %get3A_561] {strides = array<i32>} : memref<8x128xi32, #tpu.memory_space<vmem>>, vector<16xi32>,
      %shift_right_arithmetic3A_563 = arith.constant 4 : i32
      %shift_right_arithmetic3A_564 = vector.broadcast %shift_right_arithmetic3A_563 : i32 to vector<16xi32>
      %shift_right_arithmetic3A_565 = arith.shrsi %get3A_562, %shift_right_arithmetic3A_564 : vector<16xi32>
      %swap3A_566 = arith.constant 6 : i32
      %swap3A_567 = arith.index_cast %swap3A_566 : i32 to index
      %swap3A_568 = arith.constant 32 : index
      %swap3A_569 = tpu.vector_load %arg10[%swap3A_567, %swap3A_568] {strides = array<i32>} : memref<8x128xi32, #tpu.memory_space<vmem>>, vector<16xi32>,
      tpu.vector_store %arg10[%swap3A_567, %swap3A_568], %shift_right_arithmetic3A_565 {strides = array<i32>} : memref<8x128xi32, #tpu.memory_space<vmem>>, vector<16xi32>,
      %get3A_570 = arith.constant 6 : i32
      %get3A_571 = arith.index_cast %get3A_570 : i32 to index
      %get3A_572 = arith.constant 48 : index
      %get3A_573 = tpu.vector_load %arg9[%get3A_571, %get3A_572] {strides = array<i32>} : memref<8x128xi32, #tpu.memory_space<vmem>>, vector<16xi32>,
      %shift_right_arithmetic3A_574 = arith.constant 4 : i32
      %shift_right_arithmetic3A_575 = vector.broadcast %shift_right_arithmetic3A_574 : i32 to vector<16xi32>
      %shift_right_arithmetic3A_576 = arith.shrsi %get3A_573, %shift_right_arithmetic3A_575 : vector<16xi32>
      %swap3A_577 = arith.constant 6 : i32
      %swap3A_578 = arith.index_cast %swap3A_577 : i32 to index
      %swap3A_579 = arith.constant 48 : index
      %swap3A_580 = tpu.vector_load %arg10[%swap3A_578, %swap3A_579] {strides = array<i32>} : memref<8x128xi32, #tpu.memory_space<vmem>>, vector<16xi32>,
      tpu.vector_store %arg10[%swap3A_578, %swap3A_579], %shift_right_arithmetic3A_576 {strides = array<i32>} : memref<8x128xi32, #tpu.memory_space<vmem>>, vector<16xi32>,
      %get3A_581 = arith.constant 6 : i32
      %get3A_582 = arith.index_cast %get3A_581 : i32 to index
      %get3A_583 = arith.constant 64 : index
      %get3A_584 = tpu.vector_load %arg9[%get3A_582, %get3A_583] {strides = array<i32>} : memref<8x128xi32, #tpu.memory_space<vmem>>, vector<16xi32>,
      %shift_right_arithmetic3A_585 = arith.constant 4 : i32
      %shift_right_arithmetic3A_586 = vector.broadcast %shift_right_arithmetic3A_585 : i32 to vector<16xi32>
      %shift_right_arithmetic3A_587 = arith.shrsi %get3A_584, %shift_right_arithmetic3A_586 : vector<16xi32>
      %swap3A_588 = arith.constant 6 : i32
      %swap3A_589 = arith.index_cast %swap3A_588 : i32 to index
      %swap3A_590 = arith.constant 64 : index
      %swap3A_591 = tpu.vector_load %arg10[%swap3A_589, %swap3A_590] {strides = array<i32>} : memref<8x128xi32, #tpu.memory_space<vmem>>, vector<16xi32>,
      tpu.vector_store %arg10[%swap3A_589, %swap3A_590], %shift_right_arithmetic3A_587 {strides = array<i32>} : memref<8x128xi32, #tpu.memory_space<vmem>>, vector<16xi32>,
      %get3A_592 = arith.constant 6 : i32
      %get3A_593 = arith.index_cast %get3A_592 : i32 to index
      %get3A_594 = arith.constant 80 : index
      %get3A_595 = tpu.vector_load %arg9[%get3A_593, %get3A_594] {strides = array<i32>} : memref<8x128xi32, #tpu.memory_space<vmem>>, vector<16xi32>,
      %shift_right_arithmetic3A_596 = arith.constant 4 : i32
      %shift_right_arithmetic3A_597 = vector.broadcast %shift_right_arithmetic3A_596 : i32 to vector<16xi32>
      %shift_right_arithmetic3A_598 = arith.shrsi %get3A_595, %shift_right_arithmetic3A_597 : vector<16xi32>
      %swap3A_599 = arith.constant 6 : i32
      %swap3A_600 = arith.index_cast %swap3A_599 : i32 to index
      %swap3A_601 = arith.constant 80 : index
      %swap3A_602 = tpu.vector_load %arg10[%swap3A_600, %swap3A_601] {strides = array<i32>} : memref<8x128xi32, #tpu.memory_space<vmem>>, vector<16xi32>,
      tpu.vector_store %arg10[%swap3A_600, %swap3A_601], %shift_right_arithmetic3A_598 {strides = array<i32>} : memref<8x128xi32, #tpu.memory_space<vmem>>, vector<16xi32>,
      %get3A_603 = arith.constant 6 : i32
      %get3A_604 = arith.index_cast %get3A_603 : i32 to index
      %get3A_605 = arith.constant 96 : index
      %get3A_606 = tpu.vector_load %arg9[%get3A_604, %get3A_605] {strides = array<i32>} : memref<8x128xi32, #tpu.memory_space<vmem>>, vector<16xi32>,
      %shift_right_arithmetic3A_607 = arith.constant 4 : i32
      %shift_right_arithmetic3A_608 = vector.broadcast %shift_right_arithmetic3A_607 : i32 to vector<16xi32>
      %shift_right_arithmetic3A_609 = arith.shrsi %get3A_606, %shift_right_arithmetic3A_608 : vector<16xi32>
      %swap3A_610 = arith.constant 6 : i32
      %swap3A_611 = arith.index_cast %swap3A_610 : i32 to index
      %swap3A_612 = arith.constant 96 : index
      %swap3A_613 = tpu.vector_load %arg10[%swap3A_611, %swap3A_612] {strides = array<i32>} : memref<8x128xi32, #tpu.memory_space<vmem>>, vector<16xi32>,
      tpu.vector_store %arg10[%swap3A_611, %swap3A_612], %shift_right_arithmetic3A_609 {strides = array<i32>} : memref<8x128xi32, #tpu.memory_space<vmem>>, vector<16xi32>,
      %get3A_614 = arith.constant 6 : i32
      %get3A_615 = arith.index_cast %get3A_614 : i32 to index
      %get3A_616 = arith.constant 112 : index
      %get3A_617 = tpu.vector_load %arg9[%get3A_615, %get3A_616] {strides = array<i32>} : memref<8x128xi32, #tpu.memory_space<vmem>>, vector<16xi32>,
      %shift_right_arithmetic3A_618 = arith.constant 4 : i32
      %shift_right_arithmetic3A_619 = vector.broadcast %shift_right_arithmetic3A_618 : i32 to vector<16xi32>
      %shift_right_arithmetic3A_620 = arith.shrsi %get3A_617, %shift_right_arithmetic3A_619 : vector<16xi32>
      %swap3A_621 = arith.constant 6 : i32
      %swap3A_622 = arith.index_cast %swap3A_621 : i32 to index
      %swap3A_623 = arith.constant 112 : index
      %swap3A_624 = tpu.vector_load %arg10[%swap3A_622, %swap3A_623] {strides = array<i32>} : memref<8x128xi32, #tpu.memory_space<vmem>>, vector<16xi32>,
      tpu.vector_store %arg10[%swap3A_622, %swap3A_623], %shift_right_arithmetic3A_620 {strides = array<i32>} : memref<8x128xi32, #tpu.memory_space<vmem>>, vector<16xi32>,
      %get3A_625 = arith.constant 7 : i32
      %get3A_626 = arith.index_cast %get3A_625 : i32 to index
      %get3A_627 = arith.constant 0 : index
      %get3A_628 = tpu.vector_load %arg9[%get3A_626, %get3A_627] {strides = array<i32>} : memref<8x128xi32, #tpu.memory_space<vmem>>, vector<16xi32>,
      %shift_right_arithmetic3A_629 = arith.constant 4 : i32
      %shift_right_arithmetic3A_630 = vector.broadcast %shift_right_arithmetic3A_629 : i32 to vector<16xi32>
      %shift_right_arithmetic3A_631 = arith.shrsi %get3A_628, %shift_right_arithmetic3A_630 : vector<16xi32>
      %swap3A_632 = arith.constant 7 : i32
      %swap3A_633 = arith.index_cast %swap3A_632 : i32 to index
      %swap3A_634 = arith.constant 0 : index
      %swap3A_635 = tpu.vector_load %arg10[%swap3A_633, %swap3A_634] {strides = array<i32>} : memref<8x128xi32, #tpu.memory_space<vmem>>, vector<16xi32>,
      tpu.vector_store %arg10[%swap3A_633, %swap3A_634], %shift_right_arithmetic3A_631 {strides = array<i32>} : memref<8x128xi32, #tpu.memory_space<vmem>>, vector<16xi32>,
      %get3A_636 = arith.constant 7 : i32
      %get3A_637 = arith.index_cast %get3A_636 : i32 to index
      %get3A_638 = arith.constant 16 : index
      %get3A_639 = tpu.vector_load %arg9[%get3A_637, %get3A_638] {strides = array<i32>} : memref<8x128xi32, #tpu.memory_space<vmem>>, vector<16xi32>,
      %shift_right_arithmetic3A_640 = arith.constant 4 : i32
      %shift_right_arithmetic3A_641 = vector.broadcast %shift_right_arithmetic3A_640 : i32 to vector<16xi32>
      %shift_right_arithmetic3A_642 = arith.shrsi %get3A_639, %shift_right_arithmetic3A_641 : vector<16xi32>
      %swap3A_643 = arith.constant 7 : i32
      %swap3A_644 = arith.index_cast %swap3A_643 : i32 to index
      %swap3A_645 = arith.constant 16 : index
      %swap3A_646 = tpu.vector_load %arg10[%swap3A_644, %swap3A_645] {strides = array<i32>} : memref<8x128xi32, #tpu.memory_space<vmem>>, vector<16xi32>,
      tpu.vector_store %arg10[%swap3A_644, %swap3A_645], %shift_right_arithmetic3A_642 {strides = array<i32>} : memref<8x128xi32, #tpu.memory_space<vmem>>, vector<16xi32>,
      %get3A_647 = arith.constant 7 : i32
      %get3A_648 = arith.index_cast %get3A_647 : i32 to index
      %get3A_649 = arith.constant 32 : index
      %get3A_650 = tpu.vector_load %arg9[%get3A_648, %get3A_649] {strides = array<i32>} : memref<8x128xi32, #tpu.memory_space<vmem>>, vector<16xi32>,
      %shift_right_arithmetic3A_651 = arith.constant 4 : i32
      %shift_right_arithmetic3A_652 = vector.broadcast %shift_right_arithmetic3A_651 : i32 to vector<16xi32>
      %shift_right_arithmetic3A_653 = arith.shrsi %get3A_650, %shift_right_arithmetic3A_652 : vector<16xi32>
      %swap3A_654 = arith.constant 7 : i32
      %swap3A_655 = arith.index_cast %swap3A_654 : i32 to index
      %swap3A_656 = arith.constant 32 : index
      %swap3A_657 = tpu.vector_load %arg10[%swap3A_655, %swap3A_656] {strides = array<i32>} : memref<8x128xi32, #tpu.memory_space<vmem>>, vector<16xi32>,
      tpu.vector_store %arg10[%swap3A_655, %swap3A_656], %shift_right_arithmetic3A_653 {strides = array<i32>} : memref<8x128xi32, #tpu.memory_space<vmem>>, vector<16xi32>,
      %get3A_658 = arith.constant 7 : i32
      %get3A_659 = arith.index_cast %get3A_658 : i32 to index
      %get3A_660 = arith.constant 48 : index
      %get3A_661 = tpu.vector_load %arg9[%get3A_659, %get3A_660] {strides = array<i32>} : memref<8x128xi32, #tpu.memory_space<vmem>>, vector<16xi32>,
      %shift_right_arithmetic3A_662 = arith.constant 4 : i32
      %shift_right_arithmetic3A_663 = vector.broadcast %shift_right_arithmetic3A_662 : i32 to vector<16xi32>
      %shift_right_arithmetic3A_664 = arith.shrsi %get3A_661, %shift_right_arithmetic3A_663 : vector<16xi32>
      %swap3A_665 = arith.constant 7 : i32
      %swap3A_666 = arith.index_cast %swap3A_665 : i32 to index
      %swap3A_667 = arith.constant 48 : index
      %swap3A_668 = tpu.vector_load %arg10[%swap3A_666, %swap3A_667] {strides = array<i32>} : memref<8x128xi32, #tpu.memory_space<vmem>>, vector<16xi32>,
      tpu.vector_store %arg10[%swap3A_666, %swap3A_667], %shift_right_arithmetic3A_664 {strides = array<i32>} : memref<8x128xi32, #tpu.memory_space<vmem>>, vector<16xi32>,
      %get3A_669 = arith.constant 7 : i32
      %get3A_670 = arith.index_cast %get3A_669 : i32 to index
      %get3A_671 = arith.constant 64 : index
      %get3A_672 = tpu.vector_load %arg9[%get3A_670, %get3A_671] {strides = array<i32>} : memref<8x128xi32, #tpu.memory_space<vmem>>, vector<16xi32>,
      %shift_right_arithmetic3A_673 = arith.constant 4 : i32
      %shift_right_arithmetic3A_674 = vector.broadcast %shift_right_arithmetic3A_673 : i32 to vector<16xi32>
      %shift_right_arithmetic3A_675 = arith.shrsi %get3A_672, %shift_right_arithmetic3A_674 : vector<16xi32>
      %swap3A_676 = arith.constant 7 : i32
      %swap3A_677 = arith.index_cast %swap3A_676 : i32 to index
      %swap3A_678 = arith.constant 64 : index
      %swap3A_679 = tpu.vector_load %arg10[%swap3A_677, %swap3A_678] {strides = array<i32>} : memref<8x128xi32, #tpu.memory_space<vmem>>, vector<16xi32>,
      tpu.vector_store %arg10[%swap3A_677, %swap3A_678], %shift_right_arithmetic3A_675 {strides = array<i32>} : memref<8x128xi32, #tpu.memory_space<vmem>>, vector<16xi32>,
      %get3A_680 = arith.constant 7 : i32
      %get3A_681 = arith.index_cast %get3A_680 : i32 to index
      %get3A_682 = arith.constant 80 : index
      %get3A_683 = tpu.vector_load %arg9[%get3A_681, %get3A_682] {strides = array<i32>} : memref<8x128xi32, #tpu.memory_space<vmem>>, vector<16xi32>,
      %shift_right_arithmetic3A_684 = arith.constant 4 : i32
      %shift_right_arithmetic3A_685 = vector.broadcast %shift_right_arithmetic3A_684 : i32 to vector<16xi32>
      %shift_right_arithmetic3A_686 = arith.shrsi %get3A_683, %shift_right_arithmetic3A_685 : vector<16xi32>
      %swap3A_687 = arith.constant 7 : i32
      %swap3A_688 = arith.index_cast %swap3A_687 : i32 to index
      %swap3A_689 = arith.constant 80 : index
      %swap3A_690 = tpu.vector_load %arg10[%swap3A_688, %swap3A_689] {strides = array<i32>} : memref<8x128xi32, #tpu.memory_space<vmem>>, vector<16xi32>,
      tpu.vector_store %arg10[%swap3A_688, %swap3A_689], %shift_right_arithmetic3A_686 {strides = array<i32>} : memref<8x128xi32, #tpu.memory_space<vmem>>, vector<16xi32>,
      %get3A_691 = arith.constant 7 : i32
      %get3A_692 = arith.index_cast %get3A_691 : i32 to index
      %get3A_693 = arith.constant 96 : index
      %get3A_694 = tpu.vector_load %arg9[%get3A_692, %get3A_693] {strides = array<i32>} : memref<8x128xi32, #tpu.memory_space<vmem>>, vector<16xi32>,
      %shift_right_arithmetic3A_695 = arith.constant 4 : i32
      %shift_right_arithmetic3A_696 = vector.broadcast %shift_right_arithmetic3A_695 : i32 to vector<16xi32>
      %shift_right_arithmetic3A_697 = arith.shrsi %get3A_694, %shift_right_arithmetic3A_696 : vector<16xi32>
      %swap3A_698 = arith.constant 7 : i32
      %swap3A_699 = arith.index_cast %swap3A_698 : i32 to index
      %swap3A_700 = arith.constant 96 : index
      %swap3A_701 = tpu.vector_load %arg10[%swap3A_699, %swap3A_700] {strides = array<i32>} : memref<8x128xi32, #tpu.memory_space<vmem>>, vector<16xi32>,
      tpu.vector_store %arg10[%swap3A_699, %swap3A_700], %shift_right_arithmetic3A_697 {strides = array<i32>} : memref<8x128xi32, #tpu.memory_space<vmem>>, vector<16xi32>,
      %get3A_702 = arith.constant 7 : i32
      %get3A_703 = arith.index_cast %get3A_702 : i32 to index
      %get3A_704 = arith.constant 112 : index
      %get3A_705 = tpu.vector_load %arg9[%get3A_703, %get3A_704] {strides = array<i32>} : memref<8x128xi32, #tpu.memory_space<vmem>>, vector<16xi32>,
      %shift_right_arithmetic3A_706 = arith.constant 4 : i32
      %shift_right_arithmetic3A_707 = vector.broadcast %shift_right_arithmetic3A_706 : i32 to vector<16xi32>
      %shift_right_arithmetic3A_708 = arith.shrsi %get3A_705, %shift_right_arithmetic3A_707 : vector<16xi32>
      %swap3A_709 = arith.constant 7 : i32
      %swap3A_710 = arith.index_cast %swap3A_709 : i32 to index
      %swap3A_711 = arith.constant 112 : index
      %swap3A_712 = tpu.vector_load %arg10[%swap3A_710, %swap3A_711] {strides = array<i32>} : memref<8x128xi32, #tpu.memory_space<vmem>>, vector<16xi32>,
      tpu.vector_store %arg10[%swap3A_710, %swap3A_711], %shift_right_arithmetic3A_708 {strides = array<i32>} : memref<8x128xi32, #tpu.memory_space<vmem>>, vector<16xi32>,
      %dma_start3A = arith.constant 0 : i32
      %dma_start3A_713 = arith.constant 0 : i32
      %dma_start3A_714 = arith.constant 0 : i32
      %dma_start3A_715 = arith.constant 0 : i32
      %dma_start3A_716 = tpu.memref_slice %arg11[%dma_start3A_713, %dma_start3A_714, %dma_start3A_715] : memref<8x128x16xf32, #tpu.memory_space<vmem>> -> memref<1x128x16xf32, #tpu.memory_space<vmem>>
      %dma_start3A_717 = tpu.memref_squeeze %dma_start3A_716 : memref<1x128x16xf32, #tpu.memory_space<vmem>> -> memref<128x16xf32, #tpu.memory_space<vmem>>
      %dma_start3A_718 = arith.constant 0 : i32
      %dma_start3A_719 = tpu.memref_slice %arg8[%dma_start3A, %dma_start3A_718] : memref<8x128xi32, #tpu.memory_space<vmem>> -> memref<1x128xi32, #tpu.memory_space<vmem>>
      %dma_start3A_720 = tpu.memref_squeeze %dma_start3A_719 : memref<1x128xi32, #tpu.memory_space<vmem>> -> memref<128xi32, #tpu.memory_space<vmem>>
      %dma_start3A_721 = arith.constant 0 : i32
      %dma_start3A_722 = arith.constant 0 : i32
      %dma_start3A_723 = tpu.memref_slice %arg4[%dma_start3A_721, %dma_start3A_722] : memref<1703936x16xf32, #tpu.memory_space<hbm>> -> memref<1703936x16xf32, #tpu.memory_space<hbm>>
      tpu.enqueue_indirect_dma source(%dma_start3A_723 : memref<1703936x16xf32, #tpu.memory_space<hbm>>) target(%dma_start3A_717 : memref<128x16xf32, #tpu.memory_space<vmem>>) offsets(%dma_start3A_720 : memref<128xi32, #tpu.memory_space<vmem>>) semaphore(%arg14 : memref<!tpu.dma_semaphore, #tpu.memory_space<semaphore_mem>>)
      %dma_start3A_724 = arith.constant 0 : i32
      %dma_start3A_725 = arith.constant 0 : i32
      %dma_start3A_726 = arith.constant 0 : i32
      %dma_start3A_727 = tpu.memref_slice %arg12[%dma_start3A_725, %dma_start3A_726] : memref<1024x16xf32, #tpu.memory_space<vmem>> -> memref<128x16xf32, #tpu.memory_space<vmem>>
      %dma_start3A_728 = arith.constant 0 : i32
      %dma_start3A_729 = tpu.memref_slice %arg10[%dma_start3A_724, %dma_start3A_728] : memref<8x128xi32, #tpu.memory_space<vmem>> -> memref<1x128xi32, #tpu.memory_space<vmem>>
      %dma_start3A_730 = tpu.memref_squeeze %dma_start3A_729 : memref<1x128xi32, #tpu.memory_space<vmem>> -> memref<128xi32, #tpu.memory_space<vmem>>
      %dma_start3A_731 = arith.constant 0 : i32
      %dma_start3A_732 = arith.constant 0 : i32
      %dma_start3A_733 = tpu.memref_slice %arg5[%dma_start3A_731, %dma_start3A_732] : memref<163840x16xf32, #tpu.memory_space<hbm>> -> memref<163840x16xf32, #tpu.memory_space<hbm>>
      tpu.enqueue_indirect_dma source(%dma_start3A_733 : memref<163840x16xf32, #tpu.memory_space<hbm>>) target(%dma_start3A_727 : memref<128x16xf32, #tpu.memory_space<vmem>>) offsets(%dma_start3A_730 : memref<128xi32, #tpu.memory_space<vmem>>) semaphore(%arg15 : memref<!tpu.dma_semaphore, #tpu.memory_space<semaphore_mem>>)
      %dma_start3A_734 = arith.constant 1 : i32
      %dma_start3A_735 = arith.constant 1 : i32
      %dma_start3A_736 = arith.constant 0 : i32
      %dma_start3A_737 = arith.constant 0 : i32
      %dma_start3A_738 = tpu.memref_slice %arg11[%dma_start3A_735, %dma_start3A_736, %dma_start3A_737] : memref<8x128x16xf32, #tpu.memory_space<vmem>> -> memref<1x128x16xf32, #tpu.memory_space<vmem>>
      %dma_start3A_739 = tpu.memref_squeeze %dma_start3A_738 : memref<1x128x16xf32, #tpu.memory_space<vmem>> -> memref<128x16xf32, #tpu.memory_space<vmem>>
      %dma_start3A_740 = arith.constant 0 : i32
      %dma_start3A_741 = tpu.memref_slice %arg8[%dma_start3A_734, %dma_start3A_740] : memref<8x128xi32, #tpu.memory_space<vmem>> -> memref<1x128xi32, #tpu.memory_space<vmem>>
      %dma_start3A_742 = tpu.memref_squeeze %dma_start3A_741 : memref<1x128xi32, #tpu.memory_space<vmem>> -> memref<128xi32, #tpu.memory_space<vmem>>
      %dma_start3A_743 = arith.constant 0 : i32
      %dma_start3A_744 = arith.constant 0 : i32
      %dma_start3A_745 = tpu.memref_slice %arg4[%dma_start3A_743, %dma_start3A_744] : memref<1703936x16xf32, #tpu.memory_space<hbm>> -> memref<1703936x16xf32, #tpu.memory_space<hbm>>
      tpu.enqueue_indirect_dma source(%dma_start3A_745 : memref<1703936x16xf32, #tpu.memory_space<hbm>>) target(%dma_start3A_739 : memref<128x16xf32, #tpu.memory_space<vmem>>) offsets(%dma_start3A_742 : memref<128xi32, #tpu.memory_space<vmem>>) semaphore(%arg14 : memref<!tpu.dma_semaphore, #tpu.memory_space<semaphore_mem>>)
      %dma_start3A_746 = arith.constant 1 : i32
      %dma_start3A_747 = arith.constant 128 : i32
      %dma_start3A_748 = arith.constant 0 : i32
      %dma_start3A_749 = tpu.memref_slice %arg12[%dma_start3A_747, %dma_start3A_748] : memref<1024x16xf32, #tpu.memory_space<vmem>> -> memref<128x16xf32, #tpu.memory_space<vmem>>
      %dma_start3A_750 = arith.constant 0 : i32
      %dma_start3A_751 = tpu.memref_slice %arg10[%dma_start3A_746, %dma_start3A_750] : memref<8x128xi32, #tpu.memory_space<vmem>> -> memref<1x128xi32, #tpu.memory_space<vmem>>
      %dma_start3A_752 = tpu.memref_squeeze %dma_start3A_751 : memref<1x128xi32, #tpu.memory_space<vmem>> -> memref<128xi32, #tpu.memory_space<vmem>>
      %dma_start3A_753 = arith.constant 0 : i32
      %dma_start3A_754 = arith.constant 0 : i32
      %dma_start3A_755 = tpu.memref_slice %arg5[%dma_start3A_753, %dma_start3A_754] : memref<163840x16xf32, #tpu.memory_space<hbm>> -> memref<163840x16xf32, #tpu.memory_space<hbm>>
      tpu.enqueue_indirect_dma source(%dma_start3A_755 : memref<163840x16xf32, #tpu.memory_space<hbm>>) target(%dma_start3A_749 : memref<128x16xf32, #tpu.memory_space<vmem>>) offsets(%dma_start3A_752 : memref<128xi32, #tpu.memory_space<vmem>>) semaphore(%arg15 : memref<!tpu.dma_semaphore, #tpu.memory_space<semaphore_mem>>)
      %dma_start3A_756 = arith.constant 2 : i32
      %dma_start3A_757 = arith.constant 2 : i32
      %dma_start3A_758 = arith.constant 0 : i32
      %dma_start3A_759 = arith.constant 0 : i32
      %dma_start3A_760 = tpu.memref_slice %arg11[%dma_start3A_757, %dma_start3A_758, %dma_start3A_759] : memref<8x128x16xf32, #tpu.memory_space<vmem>> -> memref<1x128x16xf32, #tpu.memory_space<vmem>>
      %dma_start3A_761 = tpu.memref_squeeze %dma_start3A_760 : memref<1x128x16xf32, #tpu.memory_space<vmem>> -> memref<128x16xf32, #tpu.memory_space<vmem>>
      %dma_start3A_762 = arith.constant 0 : i32
      %dma_start3A_763 = tpu.memref_slice %arg8[%dma_start3A_756, %dma_start3A_762] : memref<8x128xi32, #tpu.memory_space<vmem>> -> memref<1x128xi32, #tpu.memory_space<vmem>>
      %dma_start3A_764 = tpu.memref_squeeze %dma_start3A_763 : memref<1x128xi32, #tpu.memory_space<vmem>> -> memref<128xi32, #tpu.memory_space<vmem>>
      %dma_start3A_765 = arith.constant 0 : i32
      %dma_start3A_766 = arith.constant 0 : i32
      %dma_start3A_767 = tpu.memref_slice %arg4[%dma_start3A_765, %dma_start3A_766] : memref<1703936x16xf32, #tpu.memory_space<hbm>> -> memref<1703936x16xf32, #tpu.memory_space<hbm>>
      tpu.enqueue_indirect_dma source(%dma_start3A_767 : memref<1703936x16xf32, #tpu.memory_space<hbm>>) target(%dma_start3A_761 : memref<128x16xf32, #tpu.memory_space<vmem>>) offsets(%dma_start3A_764 : memref<128xi32, #tpu.memory_space<vmem>>) semaphore(%arg14 : memref<!tpu.dma_semaphore, #tpu.memory_space<semaphore_mem>>)
      %dma_start3A_768 = arith.constant 2 : i32
      %dma_start3A_769 = arith.constant 256 : i32
      %dma_start3A_770 = arith.constant 0 : i32
      %dma_start3A_771 = tpu.memref_slice %arg12[%dma_start3A_769, %dma_start3A_770] : memref<1024x16xf32, #tpu.memory_space<vmem>> -> memref<128x16xf32, #tpu.memory_space<vmem>>
      %dma_start3A_772 = arith.constant 0 : i32
      %dma_start3A_773 = tpu.memref_slice %arg10[%dma_start3A_768, %dma_start3A_772] : memref<8x128xi32, #tpu.memory_space<vmem>> -> memref<1x128xi32, #tpu.memory_space<vmem>>
      %dma_start3A_774 = tpu.memref_squeeze %dma_start3A_773 : memref<1x128xi32, #tpu.memory_space<vmem>> -> memref<128xi32, #tpu.memory_space<vmem>>
      %dma_start3A_775 = arith.constant 0 : i32
      %dma_start3A_776 = arith.constant 0 : i32
      %dma_start3A_777 = tpu.memref_slice %arg5[%dma_start3A_775, %dma_start3A_776] : memref<163840x16xf32, #tpu.memory_space<hbm>> -> memref<163840x16xf32, #tpu.memory_space<hbm>>
      tpu.enqueue_indirect_dma source(%dma_start3A_777 : memref<163840x16xf32, #tpu.memory_space<hbm>>) target(%dma_start3A_771 : memref<128x16xf32, #tpu.memory_space<vmem>>) offsets(%dma_start3A_774 : memref<128xi32, #tpu.memory_space<vmem>>) semaphore(%arg15 : memref<!tpu.dma_semaphore, #tpu.memory_space<semaphore_mem>>)
      %dma_start3A_778 = arith.constant 3 : i32
      %dma_start3A_779 = arith.constant 3 : i32
      %dma_start3A_780 = arith.constant 0 : i32
      %dma_start3A_781 = arith.constant 0 : i32
      %dma_start3A_782 = tpu.memref_slice %arg11[%dma_start3A_779, %dma_start3A_780, %dma_start3A_781] : memref<8x128x16xf32, #tpu.memory_space<vmem>> -> memref<1x128x16xf32, #tpu.memory_space<vmem>>
      %dma_start3A_783 = tpu.memref_squeeze %dma_start3A_782 : memref<1x128x16xf32, #tpu.memory_space<vmem>> -> memref<128x16xf32, #tpu.memory_space<vmem>>
      %dma_start3A_784 = arith.constant 0 : i32
      %dma_start3A_785 = tpu.memref_slice %arg8[%dma_start3A_778, %dma_start3A_784] : memref<8x128xi32, #tpu.memory_space<vmem>> -> memref<1x128xi32, #tpu.memory_space<vmem>>
      %dma_start3A_786 = tpu.memref_squeeze %dma_start3A_785 : memref<1x128xi32, #tpu.memory_space<vmem>> -> memref<128xi32, #tpu.memory_space<vmem>>
      %dma_start3A_787 = arith.constant 0 : i32
      %dma_start3A_788 = arith.constant 0 : i32
      %dma_start3A_789 = tpu.memref_slice %arg4[%dma_start3A_787, %dma_start3A_788] : memref<1703936x16xf32, #tpu.memory_space<hbm>> -> memref<1703936x16xf32, #tpu.memory_space<hbm>>
      tpu.enqueue_indirect_dma source(%dma_start3A_789 : memref<1703936x16xf32, #tpu.memory_space<hbm>>) target(%dma_start3A_783 : memref<128x16xf32, #tpu.memory_space<vmem>>) offsets(%dma_start3A_786 : memref<128xi32, #tpu.memory_space<vmem>>) semaphore(%arg14 : memref<!tpu.dma_semaphore, #tpu.memory_space<semaphore_mem>>)
      %dma_start3A_790 = arith.constant 3 : i32
      %dma_start3A_791 = arith.constant 384 : i32
      %dma_start3A_792 = arith.constant 0 : i32
      %dma_start3A_793 = tpu.memref_slice %arg12[%dma_start3A_791, %dma_start3A_792] : memref<1024x16xf32, #tpu.memory_space<vmem>> -> memref<128x16xf32, #tpu.memory_space<vmem>>
      %dma_start3A_794 = arith.constant 0 : i32
      %dma_start3A_795 = tpu.memref_slice %arg10[%dma_start3A_790, %dma_start3A_794] : memref<8x128xi32, #tpu.memory_space<vmem>> -> memref<1x128xi32, #tpu.memory_space<vmem>>
      %dma_start3A_796 = tpu.memref_squeeze %dma_start3A_795 : memref<1x128xi32, #tpu.memory_space<vmem>> -> memref<128xi32, #tpu.memory_space<vmem>>
      %dma_start3A_797 = arith.constant 0 : i32
      %dma_start3A_798 = arith.constant 0 : i32
      %dma_start3A_799 = tpu.memref_slice %arg5[%dma_start3A_797, %dma_start3A_798] : memref<163840x16xf32, #tpu.memory_space<hbm>> -> memref<163840x16xf32, #tpu.memory_space<hbm>>
      tpu.enqueue_indirect_dma source(%dma_start3A_799 : memref<163840x16xf32, #tpu.memory_space<hbm>>) target(%dma_start3A_793 : memref<128x16xf32, #tpu.memory_space<vmem>>) offsets(%dma_start3A_796 : memref<128xi32, #tpu.memory_space<vmem>>) semaphore(%arg15 : memref<!tpu.dma_semaphore, #tpu.memory_space<semaphore_mem>>)
      %dma_start3A_800 = arith.constant 4 : i32
      %dma_start3A_801 = arith.constant 4 : i32
      %dma_start3A_802 = arith.constant 0 : i32
      %dma_start3A_803 = arith.constant 0 : i32
      %dma_start3A_804 = tpu.memref_slice %arg11[%dma_start3A_801, %dma_start3A_802, %dma_start3A_803] : memref<8x128x16xf32, #tpu.memory_space<vmem>> -> memref<1x128x16xf32, #tpu.memory_space<vmem>>
      %dma_start3A_805 = tpu.memref_squeeze %dma_start3A_804 : memref<1x128x16xf32, #tpu.memory_space<vmem>> -> memref<128x16xf32, #tpu.memory_space<vmem>>
      %dma_start3A_806 = arith.constant 0 : i32
      %dma_start3A_807 = tpu.memref_slice %arg8[%dma_start3A_800, %dma_start3A_806] : memref<8x128xi32, #tpu.memory_space<vmem>> -> memref<1x128xi32, #tpu.memory_space<vmem>>
      %dma_start3A_808 = tpu.memref_squeeze %dma_start3A_807 : memref<1x128xi32, #tpu.memory_space<vmem>> -> memref<128xi32, #tpu.memory_space<vmem>>
      %dma_start3A_809 = arith.constant 0 : i32
      %dma_start3A_810 = arith.constant 0 : i32
      %dma_start3A_811 = tpu.memref_slice %arg4[%dma_start3A_809, %dma_start3A_810] : memref<1703936x16xf32, #tpu.memory_space<hbm>> -> memref<1703936x16xf32, #tpu.memory_space<hbm>>
      tpu.enqueue_indirect_dma source(%dma_start3A_811 : memref<1703936x16xf32, #tpu.memory_space<hbm>>) target(%dma_start3A_805 : memref<128x16xf32, #tpu.memory_space<vmem>>) offsets(%dma_start3A_808 : memref<128xi32, #tpu.memory_space<vmem>>) semaphore(%arg14 : memref<!tpu.dma_semaphore, #tpu.memory_space<semaphore_mem>>)
      %dma_start3A_812 = arith.constant 4 : i32
      %dma_start3A_813 = arith.constant 512 : i32
      %dma_start3A_814 = arith.constant 0 : i32
      %dma_start3A_815 = tpu.memref_slice %arg12[%dma_start3A_813, %dma_start3A_814] : memref<1024x16xf32, #tpu.memory_space<vmem>> -> memref<128x16xf32, #tpu.memory_space<vmem>>
      %dma_start3A_816 = arith.constant 0 : i32
      %dma_start3A_817 = tpu.memref_slice %arg10[%dma_start3A_812, %dma_start3A_816] : memref<8x128xi32, #tpu.memory_space<vmem>> -> memref<1x128xi32, #tpu.memory_space<vmem>>
      %dma_start3A_818 = tpu.memref_squeeze %dma_start3A_817 : memref<1x128xi32, #tpu.memory_space<vmem>> -> memref<128xi32, #tpu.memory_space<vmem>>
      %dma_start3A_819 = arith.constant 0 : i32
      %dma_start3A_820 = arith.constant 0 : i32
      %dma_start3A_821 = tpu.memref_slice %arg5[%dma_start3A_819, %dma_start3A_820] : memref<163840x16xf32, #tpu.memory_space<hbm>> -> memref<163840x16xf32, #tpu.memory_space<hbm>>
      tpu.enqueue_indirect_dma source(%dma_start3A_821 : memref<163840x16xf32, #tpu.memory_space<hbm>>) target(%dma_start3A_815 : memref<128x16xf32, #tpu.memory_space<vmem>>) offsets(%dma_start3A_818 : memref<128xi32, #tpu.memory_space<vmem>>) semaphore(%arg15 : memref<!tpu.dma_semaphore, #tpu.memory_space<semaphore_mem>>)
      %dma_start3A_822 = arith.constant 5 : i32
      %dma_start3A_823 = arith.constant 5 : i32
      %dma_start3A_824 = arith.constant 0 : i32
      %dma_start3A_825 = arith.constant 0 : i32
      %dma_start3A_826 = tpu.memref_slice %arg11[%dma_start3A_823, %dma_start3A_824, %dma_start3A_825] : memref<8x128x16xf32, #tpu.memory_space<vmem>> -> memref<1x128x16xf32, #tpu.memory_space<vmem>>
      %dma_start3A_827 = tpu.memref_squeeze %dma_start3A_826 : memref<1x128x16xf32, #tpu.memory_space<vmem>> -> memref<128x16xf32, #tpu.memory_space<vmem>>
      %dma_start3A_828 = arith.constant 0 : i32
      %dma_start3A_829 = tpu.memref_slice %arg8[%dma_start3A_822, %dma_start3A_828] : memref<8x128xi32, #tpu.memory_space<vmem>> -> memref<1x128xi32, #tpu.memory_space<vmem>>
      %dma_start3A_830 = tpu.memref_squeeze %dma_start3A_829 : memref<1x128xi32, #tpu.memory_space<vmem>> -> memref<128xi32, #tpu.memory_space<vmem>>
      %dma_start3A_831 = arith.constant 0 : i32
      %dma_start3A_832 = arith.constant 0 : i32
      %dma_start3A_833 = tpu.memref_slice %arg4[%dma_start3A_831, %dma_start3A_832] : memref<1703936x16xf32, #tpu.memory_space<hbm>> -> memref<1703936x16xf32, #tpu.memory_space<hbm>>
      tpu.enqueue_indirect_dma source(%dma_start3A_833 : memref<1703936x16xf32, #tpu.memory_space<hbm>>) target(%dma_start3A_827 : memref<128x16xf32, #tpu.memory_space<vmem>>) offsets(%dma_start3A_830 : memref<128xi32, #tpu.memory_space<vmem>>) semaphore(%arg14 : memref<!tpu.dma_semaphore, #tpu.memory_space<semaphore_mem>>)
      %dma_start3A_834 = arith.constant 5 : i32
      %dma_start3A_835 = arith.constant 640 : i32
      %dma_start3A_836 = arith.constant 0 : i32
      %dma_start3A_837 = tpu.memref_slice %arg12[%dma_start3A_835, %dma_start3A_836] : memref<1024x16xf32, #tpu.memory_space<vmem>> -> memref<128x16xf32, #tpu.memory_space<vmem>>
      %dma_start3A_838 = arith.constant 0 : i32
      %dma_start3A_839 = tpu.memref_slice %arg10[%dma_start3A_834, %dma_start3A_838] : memref<8x128xi32, #tpu.memory_space<vmem>> -> memref<1x128xi32, #tpu.memory_space<vmem>>
      %dma_start3A_840 = tpu.memref_squeeze %dma_start3A_839 : memref<1x128xi32, #tpu.memory_space<vmem>> -> memref<128xi32, #tpu.memory_space<vmem>>
      %dma_start3A_841 = arith.constant 0 : i32
      %dma_start3A_842 = arith.constant 0 : i32
      %dma_start3A_843 = tpu.memref_slice %arg5[%dma_start3A_841, %dma_start3A_842] : memref<163840x16xf32, #tpu.memory_space<hbm>> -> memref<163840x16xf32, #tpu.memory_space<hbm>>
      tpu.enqueue_indirect_dma source(%dma_start3A_843 : memref<163840x16xf32, #tpu.memory_space<hbm>>) target(%dma_start3A_837 : memref<128x16xf32, #tpu.memory_space<vmem>>) offsets(%dma_start3A_840 : memref<128xi32, #tpu.memory_space<vmem>>) semaphore(%arg15 : memref<!tpu.dma_semaphore, #tpu.memory_space<semaphore_mem>>)
      %dma_start3A_844 = arith.constant 6 : i32
      %dma_start3A_845 = arith.constant 6 : i32
      %dma_start3A_846 = arith.constant 0 : i32
      %dma_start3A_847 = arith.constant 0 : i32
      %dma_start3A_848 = tpu.memref_slice %arg11[%dma_start3A_845, %dma_start3A_846, %dma_start3A_847] : memref<8x128x16xf32, #tpu.memory_space<vmem>> -> memref<1x128x16xf32, #tpu.memory_space<vmem>>
      %dma_start3A_849 = tpu.memref_squeeze %dma_start3A_848 : memref<1x128x16xf32, #tpu.memory_space<vmem>> -> memref<128x16xf32, #tpu.memory_space<vmem>>
      %dma_start3A_850 = arith.constant 0 : i32
      %dma_start3A_851 = tpu.memref_slice %arg8[%dma_start3A_844, %dma_start3A_850] : memref<8x128xi32, #tpu.memory_space<vmem>> -> memref<1x128xi32, #tpu.memory_space<vmem>>
      %dma_start3A_852 = tpu.memref_squeeze %dma_start3A_851 : memref<1x128xi32, #tpu.memory_space<vmem>> -> memref<128xi32, #tpu.memory_space<vmem>>
      %dma_start3A_853 = arith.constant 0 : i32
      %dma_start3A_854 = arith.constant 0 : i32
      %dma_start3A_855 = tpu.memref_slice %arg4[%dma_start3A_853, %dma_start3A_854] : memref<1703936x16xf32, #tpu.memory_space<hbm>> -> memref<1703936x16xf32, #tpu.memory_space<hbm>>
      tpu.enqueue_indirect_dma source(%dma_start3A_855 : memref<1703936x16xf32, #tpu.memory_space<hbm>>) target(%dma_start3A_849 : memref<128x16xf32, #tpu.memory_space<vmem>>) offsets(%dma_start3A_852 : memref<128xi32, #tpu.memory_space<vmem>>) semaphore(%arg14 : memref<!tpu.dma_semaphore, #tpu.memory_space<semaphore_mem>>)
      %dma_start3A_856 = arith.constant 6 : i32
      %dma_start3A_857 = arith.constant 768 : i32
      %dma_start3A_858 = arith.constant 0 : i32
      %dma_start3A_859 = tpu.memref_slice %arg12[%dma_start3A_857, %dma_start3A_858] : memref<1024x16xf32, #tpu.memory_space<vmem>> -> memref<128x16xf32, #tpu.memory_space<vmem>>
      %dma_start3A_860 = arith.constant 0 : i32
      %dma_start3A_861 = tpu.memref_slice %arg10[%dma_start3A_856, %dma_start3A_860] : memref<8x128xi32, #tpu.memory_space<vmem>> -> memref<1x128xi32, #tpu.memory_space<vmem>>
      %dma_start3A_862 = tpu.memref_squeeze %dma_start3A_861 : memref<1x128xi32, #tpu.memory_space<vmem>> -> memref<128xi32, #tpu.memory_space<vmem>>
      %dma_start3A_863 = arith.constant 0 : i32
      %dma_start3A_864 = arith.constant 0 : i32
      %dma_start3A_865 = tpu.memref_slice %arg5[%dma_start3A_863, %dma_start3A_864] : memref<163840x16xf32, #tpu.memory_space<hbm>> -> memref<163840x16xf32, #tpu.memory_space<hbm>>
      tpu.enqueue_indirect_dma source(%dma_start3A_865 : memref<163840x16xf32, #tpu.memory_space<hbm>>) target(%dma_start3A_859 : memref<128x16xf32, #tpu.memory_space<vmem>>) offsets(%dma_start3A_862 : memref<128xi32, #tpu.memory_space<vmem>>) semaphore(%arg15 : memref<!tpu.dma_semaphore, #tpu.memory_space<semaphore_mem>>)
      %dma_start3A_866 = arith.constant 7 : i32
      %dma_start3A_867 = arith.constant 7 : i32
      %dma_start3A_868 = arith.constant 0 : i32
      %dma_start3A_869 = arith.constant 0 : i32
      %dma_start3A_870 = tpu.memref_slice %arg11[%dma_start3A_867, %dma_start3A_868, %dma_start3A_869] : memref<8x128x16xf32, #tpu.memory_space<vmem>> -> memref<1x128x16xf32, #tpu.memory_space<vmem>>
      %dma_start3A_871 = tpu.memref_squeeze %dma_start3A_870 : memref<1x128x16xf32, #tpu.memory_space<vmem>> -> memref<128x16xf32, #tpu.memory_space<vmem>>
      %dma_start3A_872 = arith.constant 0 : i32
      %dma_start3A_873 = tpu.memref_slice %arg8[%dma_start3A_866, %dma_start3A_872] : memref<8x128xi32, #tpu.memory_space<vmem>> -> memref<1x128xi32, #tpu.memory_space<vmem>>
      %dma_start3A_874 = tpu.memref_squeeze %dma_start3A_873 : memref<1x128xi32, #tpu.memory_space<vmem>> -> memref<128xi32, #tpu.memory_space<vmem>>
      %dma_start3A_875 = arith.constant 0 : i32
      %dma_start3A_876 = arith.constant 0 : i32
      %dma_start3A_877 = tpu.memref_slice %arg4[%dma_start3A_875, %dma_start3A_876] : memref<1703936x16xf32, #tpu.memory_space<hbm>> -> memref<1703936x16xf32, #tpu.memory_space<hbm>>
      tpu.enqueue_indirect_dma source(%dma_start3A_877 : memref<1703936x16xf32, #tpu.memory_space<hbm>>) target(%dma_start3A_871 : memref<128x16xf32, #tpu.memory_space<vmem>>) offsets(%dma_start3A_874 : memref<128xi32, #tpu.memory_space<vmem>>) semaphore(%arg14 : memref<!tpu.dma_semaphore, #tpu.memory_space<semaphore_mem>>)
      %dma_start3A_878 = arith.constant 7 : i32
      %dma_start3A_879 = arith.constant 896 : i32
      %dma_start3A_880 = arith.constant 0 : i32
      %dma_start3A_881 = tpu.memref_slice %arg12[%dma_start3A_879, %dma_start3A_880] : memref<1024x16xf32, #tpu.memory_space<vmem>> -> memref<128x16xf32, #tpu.memory_space<vmem>>
      %dma_start3A_882 = arith.constant 0 : i32
      %dma_start3A_883 = tpu.memref_slice %arg10[%dma_start3A_878, %dma_start3A_882] : memref<8x128xi32, #tpu.memory_space<vmem>> -> memref<1x128xi32, #tpu.memory_space<vmem>>
      %dma_start3A_884 = tpu.memref_squeeze %dma_start3A_883 : memref<1x128xi32, #tpu.memory_space<vmem>> -> memref<128xi32, #tpu.memory_space<vmem>>
      %dma_start3A_885 = arith.constant 0 : i32
      %dma_start3A_886 = arith.constant 0 : i32
      %dma_start3A_887 = tpu.memref_slice %arg5[%dma_start3A_885, %dma_start3A_886] : memref<163840x16xf32, #tpu.memory_space<hbm>> -> memref<163840x16xf32, #tpu.memory_space<hbm>>
      tpu.enqueue_indirect_dma source(%dma_start3A_887 : memref<163840x16xf32, #tpu.memory_space<hbm>>) target(%dma_start3A_881 : memref<128x16xf32, #tpu.memory_space<vmem>>) offsets(%dma_start3A_884 : memref<128xi32, #tpu.memory_space<vmem>>) semaphore(%arg15 : memref<!tpu.dma_semaphore, #tpu.memory_space<semaphore_mem>>)
      %dma_wait3A = arith.constant 0 : i32
      %dma_wait3A_888 = arith.constant 0 : i32
      %dma_wait3A_889 = arith.constant 0 : i32
      %dma_wait3A_890 = arith.constant 0 : i32
      %dma_wait3A_891 = tpu.memref_slice %arg11[%dma_wait3A_888, %dma_wait3A_889, %dma_wait3A_890] : memref<8x128x16xf32, #tpu.memory_space<vmem>> -> memref<1x128x16xf32, #tpu.memory_space<vmem>>
      %dma_wait3A_892 = tpu.memref_squeeze %dma_wait3A_891 : memref<1x128x16xf32, #tpu.memory_space<vmem>> -> memref<128x16xf32, #tpu.memory_space<vmem>>
      %dma_wait3A_893 = arith.constant 0 : i32
      %dma_wait3A_894 = tpu.memref_slice %arg8[%dma_wait3A, %dma_wait3A_893] : memref<8x128xi32, #tpu.memory_space<vmem>> -> memref<1x128xi32, #tpu.memory_space<vmem>>
      %dma_wait3A_895 = tpu.memref_squeeze %dma_wait3A_894 : memref<1x128xi32, #tpu.memory_space<vmem>> -> memref<128xi32, #tpu.memory_space<vmem>>
      %dma_wait3A_896 = arith.constant 0 : i32
      %dma_wait3A_897 = arith.constant 0 : i32
      %dma_wait3A_898 = tpu.memref_slice %arg4[%dma_wait3A_896, %dma_wait3A_897] : memref<1703936x16xf32, #tpu.memory_space<hbm>> -> memref<1703936x16xf32, #tpu.memory_space<hbm>>
      tpu.wait_indirect_dma semaphore(%arg14 : memref<!tpu.dma_semaphore, #tpu.memory_space<semaphore_mem>>) src(%dma_wait3A_898 : memref<1703936x16xf32, #tpu.memory_space<hbm>>) dst(%dma_wait3A_892 : memref<128x16xf32, #tpu.memory_space<vmem>>)
      %dma_wait3A_899 = arith.constant 0 : i32
      %dma_wait3A_900 = arith.constant 0 : i32
      %dma_wait3A_901 = arith.constant 0 : i32
      %dma_wait3A_902 = tpu.memref_slice %arg12[%dma_wait3A_900, %dma_wait3A_901] : memref<1024x16xf32, #tpu.memory_space<vmem>> -> memref<128x16xf32, #tpu.memory_space<vmem>>
      %dma_wait3A_903 = arith.constant 0 : i32
      %dma_wait3A_904 = tpu.memref_slice %arg10[%dma_wait3A_899, %dma_wait3A_903] : memref<8x128xi32, #tpu.memory_space<vmem>> -> memref<1x128xi32, #tpu.memory_space<vmem>>
      %dma_wait3A_905 = tpu.memref_squeeze %dma_wait3A_904 : memref<1x128xi32, #tpu.memory_space<vmem>> -> memref<128xi32, #tpu.memory_space<vmem>>
      %dma_wait3A_906 = arith.constant 0 : i32
      %dma_wait3A_907 = arith.constant 0 : i32
      %dma_wait3A_908 = tpu.memref_slice %arg5[%dma_wait3A_906, %dma_wait3A_907] : memref<163840x16xf32, #tpu.memory_space<hbm>> -> memref<163840x16xf32, #tpu.memory_space<hbm>>
      tpu.wait_indirect_dma semaphore(%arg15 : memref<!tpu.dma_semaphore, #tpu.memory_space<semaphore_mem>>) src(%dma_wait3A_908 : memref<163840x16xf32, #tpu.memory_space<hbm>>) dst(%dma_wait3A_902 : memref<128x16xf32, #tpu.memory_space<vmem>>)
      %dma_wait3A_909 = arith.constant 1 : i32
      %dma_wait3A_910 = arith.constant 1 : i32
      %dma_wait3A_911 = arith.constant 0 : i32
      %dma_wait3A_912 = arith.constant 0 : i32
      %dma_wait3A_913 = tpu.memref_slice %arg11[%dma_wait3A_910, %dma_wait3A_911, %dma_wait3A_912] : memref<8x128x16xf32, #tpu.memory_space<vmem>> -> memref<1x128x16xf32, #tpu.memory_space<vmem>>
      %dma_wait3A_914 = tpu.memref_squeeze %dma_wait3A_913 : memref<1x128x16xf32, #tpu.memory_space<vmem>> -> memref<128x16xf32, #tpu.memory_space<vmem>>
      %dma_wait3A_915 = arith.constant 0 : i32
      %dma_wait3A_916 = tpu.memref_slice %arg8[%dma_wait3A_909, %dma_wait3A_915] : memref<8x128xi32, #tpu.memory_space<vmem>> -> memref<1x128xi32, #tpu.memory_space<vmem>>
      %dma_wait3A_917 = tpu.memref_squeeze %dma_wait3A_916 : memref<1x128xi32, #tpu.memory_space<vmem>> -> memref<128xi32, #tpu.memory_space<vmem>>
      %dma_wait3A_918 = arith.constant 0 : i32
      %dma_wait3A_919 = arith.constant 0 : i32
      %dma_wait3A_920 = tpu.memref_slice %arg4[%dma_wait3A_918, %dma_wait3A_919] : memref<1703936x16xf32, #tpu.memory_space<hbm>> -> memref<1703936x16xf32, #tpu.memory_space<hbm>>
      tpu.wait_indirect_dma semaphore(%arg14 : memref<!tpu.dma_semaphore, #tpu.memory_space<semaphore_mem>>) src(%dma_wait3A_920 : memref<1703936x16xf32, #tpu.memory_space<hbm>>) dst(%dma_wait3A_914 : memref<128x16xf32, #tpu.memory_space<vmem>>)
      %dma_wait3A_921 = arith.constant 1 : i32
      %dma_wait3A_922 = arith.constant 128 : i32
      %dma_wait3A_923 = arith.constant 0 : i32
      %dma_wait3A_924 = tpu.memref_slice %arg12[%dma_wait3A_922, %dma_wait3A_923] : memref<1024x16xf32, #tpu.memory_space<vmem>> -> memref<128x16xf32, #tpu.memory_space<vmem>>
      %dma_wait3A_925 = arith.constant 0 : i32
      %dma_wait3A_926 = tpu.memref_slice %arg10[%dma_wait3A_921, %dma_wait3A_925] : memref<8x128xi32, #tpu.memory_space<vmem>> -> memref<1x128xi32, #tpu.memory_space<vmem>>
      %dma_wait3A_927 = tpu.memref_squeeze %dma_wait3A_926 : memref<1x128xi32, #tpu.memory_space<vmem>> -> memref<128xi32, #tpu.memory_space<vmem>>
      %dma_wait3A_928 = arith.constant 0 : i32
      %dma_wait3A_929 = arith.constant 0 : i32
      %dma_wait3A_930 = tpu.memref_slice %arg5[%dma_wait3A_928, %dma_wait3A_929] : memref<163840x16xf32, #tpu.memory_space<hbm>> -> memref<163840x16xf32, #tpu.memory_space<hbm>>
      tpu.wait_indirect_dma semaphore(%arg15 : memref<!tpu.dma_semaphore, #tpu.memory_space<semaphore_mem>>) src(%dma_wait3A_930 : memref<163840x16xf32, #tpu.memory_space<hbm>>) dst(%dma_wait3A_924 : memref<128x16xf32, #tpu.memory_space<vmem>>)
      %dma_wait3A_931 = arith.constant 2 : i32
      %dma_wait3A_932 = arith.constant 2 : i32
      %dma_wait3A_933 = arith.constant 0 : i32
      %dma_wait3A_934 = arith.constant 0 : i32
      %dma_wait3A_935 = tpu.memref_slice %arg11[%dma_wait3A_932, %dma_wait3A_933, %dma_wait3A_934] : memref<8x128x16xf32, #tpu.memory_space<vmem>> -> memref<1x128x16xf32, #tpu.memory_space<vmem>>
      %dma_wait3A_936 = tpu.memref_squeeze %dma_wait3A_935 : memref<1x128x16xf32, #tpu.memory_space<vmem>> -> memref<128x16xf32, #tpu.memory_space<vmem>>
      %dma_wait3A_937 = arith.constant 0 : i32
      %dma_wait3A_938 = tpu.memref_slice %arg8[%dma_wait3A_931, %dma_wait3A_937] : memref<8x128xi32, #tpu.memory_space<vmem>> -> memref<1x128xi32, #tpu.memory_space<vmem>>
      %dma_wait3A_939 = tpu.memref_squeeze %dma_wait3A_938 : memref<1x128xi32, #tpu.memory_space<vmem>> -> memref<128xi32, #tpu.memory_space<vmem>>
      %dma_wait3A_940 = arith.constant 0 : i32
      %dma_wait3A_941 = arith.constant 0 : i32
      %dma_wait3A_942 = tpu.memref_slice %arg4[%dma_wait3A_940, %dma_wait3A_941] : memref<1703936x16xf32, #tpu.memory_space<hbm>> -> memref<1703936x16xf32, #tpu.memory_space<hbm>>
      tpu.wait_indirect_dma semaphore(%arg14 : memref<!tpu.dma_semaphore, #tpu.memory_space<semaphore_mem>>) src(%dma_wait3A_942 : memref<1703936x16xf32, #tpu.memory_space<hbm>>) dst(%dma_wait3A_936 : memref<128x16xf32, #tpu.memory_space<vmem>>)
      %dma_wait3A_943 = arith.constant 2 : i32
      %dma_wait3A_944 = arith.constant 256 : i32
      %dma_wait3A_945 = arith.constant 0 : i32
      %dma_wait3A_946 = tpu.memref_slice %arg12[%dma_wait3A_944, %dma_wait3A_945] : memref<1024x16xf32, #tpu.memory_space<vmem>> -> memref<128x16xf32, #tpu.memory_space<vmem>>
      %dma_wait3A_947 = arith.constant 0 : i32
      %dma_wait3A_948 = tpu.memref_slice %arg10[%dma_wait3A_943, %dma_wait3A_947] : memref<8x128xi32, #tpu.memory_space<vmem>> -> memref<1x128xi32, #tpu.memory_space<vmem>>
      %dma_wait3A_949 = tpu.memref_squeeze %dma_wait3A_948 : memref<1x128xi32, #tpu.memory_space<vmem>> -> memref<128xi32, #tpu.memory_space<vmem>>
      %dma_wait3A_950 = arith.constant 0 : i32
      %dma_wait3A_951 = arith.constant 0 : i32
      %dma_wait3A_952 = tpu.memref_slice %arg5[%dma_wait3A_950, %dma_wait3A_951] : memref<163840x16xf32, #tpu.memory_space<hbm>> -> memref<163840x16xf32, #tpu.memory_space<hbm>>
      tpu.wait_indirect_dma semaphore(%arg15 : memref<!tpu.dma_semaphore, #tpu.memory_space<semaphore_mem>>) src(%dma_wait3A_952 : memref<163840x16xf32, #tpu.memory_space<hbm>>) dst(%dma_wait3A_946 : memref<128x16xf32, #tpu.memory_space<vmem>>)
      %dma_wait3A_953 = arith.constant 3 : i32
      %dma_wait3A_954 = arith.constant 3 : i32
      %dma_wait3A_955 = arith.constant 0 : i32
      %dma_wait3A_956 = arith.constant 0 : i32
      %dma_wait3A_957 = tpu.memref_slice %arg11[%dma_wait3A_954, %dma_wait3A_955, %dma_wait3A_956] : memref<8x128x16xf32, #tpu.memory_space<vmem>> -> memref<1x128x16xf32, #tpu.memory_space<vmem>>
      %dma_wait3A_958 = tpu.memref_squeeze %dma_wait3A_957 : memref<1x128x16xf32, #tpu.memory_space<vmem>> -> memref<128x16xf32, #tpu.memory_space<vmem>>
      %dma_wait3A_959 = arith.constant 0 : i32
      %dma_wait3A_960 = tpu.memref_slice %arg8[%dma_wait3A_953, %dma_wait3A_959] : memref<8x128xi32, #tpu.memory_space<vmem>> -> memref<1x128xi32, #tpu.memory_space<vmem>>
      %dma_wait3A_961 = tpu.memref_squeeze %dma_wait3A_960 : memref<1x128xi32, #tpu.memory_space<vmem>> -> memref<128xi32, #tpu.memory_space<vmem>>
      %dma_wait3A_962 = arith.constant 0 : i32
      %dma_wait3A_963 = arith.constant 0 : i32
      %dma_wait3A_964 = tpu.memref_slice %arg4[%dma_wait3A_962, %dma_wait3A_963] : memref<1703936x16xf32, #tpu.memory_space<hbm>> -> memref<1703936x16xf32, #tpu.memory_space<hbm>>
      tpu.wait_indirect_dma semaphore(%arg14 : memref<!tpu.dma_semaphore, #tpu.memory_space<semaphore_mem>>) src(%dma_wait3A_964 : memref<1703936x16xf32, #tpu.memory_space<hbm>>) dst(%dma_wait3A_958 : memref<128x16xf32, #tpu.memory_space<vmem>>)
      %dma_wait3A_965 = arith.constant 3 : i32
      %dma_wait3A_966 = arith.constant 384 : i32
      %dma_wait3A_967 = arith.constant 0 : i32
      %dma_wait3A_968 = tpu.memref_slice %arg12[%dma_wait3A_966, %dma_wait3A_967] : memref<1024x16xf32, #tpu.memory_space<vmem>> -> memref<128x16xf32, #tpu.memory_space<vmem>>
      %dma_wait3A_969 = arith.constant 0 : i32
      %dma_wait3A_970 = tpu.memref_slice %arg10[%dma_wait3A_965, %dma_wait3A_969] : memref<8x128xi32, #tpu.memory_space<vmem>> -> memref<1x128xi32, #tpu.memory_space<vmem>>
      %dma_wait3A_971 = tpu.memref_squeeze %dma_wait3A_970 : memref<1x128xi32, #tpu.memory_space<vmem>> -> memref<128xi32, #tpu.memory_space<vmem>>
      %dma_wait3A_972 = arith.constant 0 : i32
      %dma_wait3A_973 = arith.constant 0 : i32
      %dma_wait3A_974 = tpu.memref_slice %arg5[%dma_wait3A_972, %dma_wait3A_973] : memref<163840x16xf32, #tpu.memory_space<hbm>> -> memref<163840x16xf32, #tpu.memory_space<hbm>>
      tpu.wait_indirect_dma semaphore(%arg15 : memref<!tpu.dma_semaphore, #tpu.memory_space<semaphore_mem>>) src(%dma_wait3A_974 : memref<163840x16xf32, #tpu.memory_space<hbm>>) dst(%dma_wait3A_968 : memref<128x16xf32, #tpu.memory_space<vmem>>)
      %dma_wait3A_975 = arith.constant 4 : i32
      %dma_wait3A_976 = arith.constant 4 : i32
      %dma_wait3A_977 = arith.constant 0 : i32
      %dma_wait3A_978 = arith.constant 0 : i32
      %dma_wait3A_979 = tpu.memref_slice %arg11[%dma_wait3A_976, %dma_wait3A_977, %dma_wait3A_978] : memref<8x128x16xf32, #tpu.memory_space<vmem>> -> memref<1x128x16xf32, #tpu.memory_space<vmem>>
      %dma_wait3A_980 = tpu.memref_squeeze %dma_wait3A_979 : memref<1x128x16xf32, #tpu.memory_space<vmem>> -> memref<128x16xf32, #tpu.memory_space<vmem>>
      %dma_wait3A_981 = arith.constant 0 : i32
      %dma_wait3A_982 = tpu.memref_slice %arg8[%dma_wait3A_975, %dma_wait3A_981] : memref<8x128xi32, #tpu.memory_space<vmem>> -> memref<1x128xi32, #tpu.memory_space<vmem>>
      %dma_wait3A_983 = tpu.memref_squeeze %dma_wait3A_982 : memref<1x128xi32, #tpu.memory_space<vmem>> -> memref<128xi32, #tpu.memory_space<vmem>>
      %dma_wait3A_984 = arith.constant 0 : i32
      %dma_wait3A_985 = arith.constant 0 : i32
      %dma_wait3A_986 = tpu.memref_slice %arg4[%dma_wait3A_984, %dma_wait3A_985] : memref<1703936x16xf32, #tpu.memory_space<hbm>> -> memref<1703936x16xf32, #tpu.memory_space<hbm>>
      tpu.wait_indirect_dma semaphore(%arg14 : memref<!tpu.dma_semaphore, #tpu.memory_space<semaphore_mem>>) src(%dma_wait3A_986 : memref<1703936x16xf32, #tpu.memory_space<hbm>>) dst(%dma_wait3A_980 : memref<128x16xf32, #tpu.memory_space<vmem>>)
      %dma_wait3A_987 = arith.constant 4 : i32
      %dma_wait3A_988 = arith.constant 512 : i32
      %dma_wait3A_989 = arith.constant 0 : i32
      %dma_wait3A_990 = tpu.memref_slice %arg12[%dma_wait3A_988, %dma_wait3A_989] : memref<1024x16xf32, #tpu.memory_space<vmem>> -> memref<128x16xf32, #tpu.memory_space<vmem>>
      %dma_wait3A_991 = arith.constant 0 : i32
      %dma_wait3A_992 = tpu.memref_slice %arg10[%dma_wait3A_987, %dma_wait3A_991] : memref<8x128xi32, #tpu.memory_space<vmem>> -> memref<1x128xi32, #tpu.memory_space<vmem>>
      %dma_wait3A_993 = tpu.memref_squeeze %dma_wait3A_992 : memref<1x128xi32, #tpu.memory_space<vmem>> -> memref<128xi32, #tpu.memory_space<vmem>>
      %dma_wait3A_994 = arith.constant 0 : i32
      %dma_wait3A_995 = arith.constant 0 : i32
      %dma_wait3A_996 = tpu.memref_slice %arg5[%dma_wait3A_994, %dma_wait3A_995] : memref<163840x16xf32, #tpu.memory_space<hbm>> -> memref<163840x16xf32, #tpu.memory_space<hbm>>
      tpu.wait_indirect_dma semaphore(%arg15 : memref<!tpu.dma_semaphore, #tpu.memory_space<semaphore_mem>>) src(%dma_wait3A_996 : memref<163840x16xf32, #tpu.memory_space<hbm>>) dst(%dma_wait3A_990 : memref<128x16xf32, #tpu.memory_space<vmem>>)
      %dma_wait3A_997 = arith.constant 5 : i32
      %dma_wait3A_998 = arith.constant 5 : i32
      %dma_wait3A_999 = arith.constant 0 : i32
      %dma_wait3A_1000 = arith.constant 0 : i32
      %dma_wait3A_1001 = tpu.memref_slice %arg11[%dma_wait3A_998, %dma_wait3A_999, %dma_wait3A_1000] : memref<8x128x16xf32, #tpu.memory_space<vmem>> -> memref<1x128x16xf32, #tpu.memory_space<vmem>>
      %dma_wait3A_1002 = tpu.memref_squeeze %dma_wait3A_1001 : memref<1x128x16xf32, #tpu.memory_space<vmem>> -> memref<128x16xf32, #tpu.memory_space<vmem>>
      %dma_wait3A_1003 = arith.constant 0 : i32
      %dma_wait3A_1004 = tpu.memref_slice %arg8[%dma_wait3A_997, %dma_wait3A_1003] : memref<8x128xi32, #tpu.memory_space<vmem>> -> memref<1x128xi32, #tpu.memory_space<vmem>>
      %dma_wait3A_1005 = tpu.memref_squeeze %dma_wait3A_1004 : memref<1x128xi32, #tpu.memory_space<vmem>> -> memref<128xi32, #tpu.memory_space<vmem>>
      %dma_wait3A_1006 = arith.constant 0 : i32
      %dma_wait3A_1007 = arith.constant 0 : i32
      %dma_wait3A_1008 = tpu.memref_slice %arg4[%dma_wait3A_1006, %dma_wait3A_1007] : memref<1703936x16xf32, #tpu.memory_space<hbm>> -> memref<1703936x16xf32, #tpu.memory_space<hbm>>
      tpu.wait_indirect_dma semaphore(%arg14 : memref<!tpu.dma_semaphore, #tpu.memory_space<semaphore_mem>>) src(%dma_wait3A_1008 : memref<1703936x16xf32, #tpu.memory_space<hbm>>) dst(%dma_wait3A_1002 : memref<128x16xf32, #tpu.memory_space<vmem>>)
      %dma_wait3A_1009 = arith.constant 5 : i32
      %dma_wait3A_1010 = arith.constant 640 : i32
      %dma_wait3A_1011 = arith.constant 0 : i32
      %dma_wait3A_1012 = tpu.memref_slice %arg12[%dma_wait3A_1010, %dma_wait3A_1011] : memref<1024x16xf32, #tpu.memory_space<vmem>> -> memref<128x16xf32, #tpu.memory_space<vmem>>
      %dma_wait3A_1013 = arith.constant 0 : i32
      %dma_wait3A_1014 = tpu.memref_slice %arg10[%dma_wait3A_1009, %dma_wait3A_1013] : memref<8x128xi32, #tpu.memory_space<vmem>> -> memref<1x128xi32, #tpu.memory_space<vmem>>
      %dma_wait3A_1015 = tpu.memref_squeeze %dma_wait3A_1014 : memref<1x128xi32, #tpu.memory_space<vmem>> -> memref<128xi32, #tpu.memory_space<vmem>>
      %dma_wait3A_1016 = arith.constant 0 : i32
      %dma_wait3A_1017 = arith.constant 0 : i32
      %dma_wait3A_1018 = tpu.memref_slice %arg5[%dma_wait3A_1016, %dma_wait3A_1017] : memref<163840x16xf32, #tpu.memory_space<hbm>> -> memref<163840x16xf32, #tpu.memory_space<hbm>>
      tpu.wait_indirect_dma semaphore(%arg15 : memref<!tpu.dma_semaphore, #tpu.memory_space<semaphore_mem>>) src(%dma_wait3A_1018 : memref<163840x16xf32, #tpu.memory_space<hbm>>) dst(%dma_wait3A_1012 : memref<128x16xf32, #tpu.memory_space<vmem>>)
      %dma_wait3A_1019 = arith.constant 6 : i32
      %dma_wait3A_1020 = arith.constant 6 : i32
      %dma_wait3A_1021 = arith.constant 0 : i32
      %dma_wait3A_1022 = arith.constant 0 : i32
      %dma_wait3A_1023 = tpu.memref_slice %arg11[%dma_wait3A_1020, %dma_wait3A_1021, %dma_wait3A_1022] : memref<8x128x16xf32, #tpu.memory_space<vmem>> -> memref<1x128x16xf32, #tpu.memory_space<vmem>>
      %dma_wait3A_1024 = tpu.memref_squeeze %dma_wait3A_1023 : memref<1x128x16xf32, #tpu.memory_space<vmem>> -> memref<128x16xf32, #tpu.memory_space<vmem>>
      %dma_wait3A_1025 = arith.constant 0 : i32
      %dma_wait3A_1026 = tpu.memref_slice %arg8[%dma_wait3A_1019, %dma_wait3A_1025] : memref<8x128xi32, #tpu.memory_space<vmem>> -> memref<1x128xi32, #tpu.memory_space<vmem>>
      %dma_wait3A_1027 = tpu.memref_squeeze %dma_wait3A_1026 : memref<1x128xi32, #tpu.memory_space<vmem>> -> memref<128xi32, #tpu.memory_space<vmem>>
      %dma_wait3A_1028 = arith.constant 0 : i32
      %dma_wait3A_1029 = arith.constant 0 : i32
      %dma_wait3A_1030 = tpu.memref_slice %arg4[%dma_wait3A_1028, %dma_wait3A_1029] : memref<1703936x16xf32, #tpu.memory_space<hbm>> -> memref<1703936x16xf32, #tpu.memory_space<hbm>>
      tpu.wait_indirect_dma semaphore(%arg14 : memref<!tpu.dma_semaphore, #tpu.memory_space<semaphore_mem>>) src(%dma_wait3A_1030 : memref<1703936x16xf32, #tpu.memory_space<hbm>>) dst(%dma_wait3A_1024 : memref<128x16xf32, #tpu.memory_space<vmem>>)
      %dma_wait3A_1031 = arith.constant 6 : i32
      %dma_wait3A_1032 = arith.constant 768 : i32
      %dma_wait3A_1033 = arith.constant 0 : i32
      %dma_wait3A_1034 = tpu.memref_slice %arg12[%dma_wait3A_1032, %dma_wait3A_1033] : memref<1024x16xf32, #tpu.memory_space<vmem>> -> memref<128x16xf32, #tpu.memory_space<vmem>>
      %dma_wait3A_1035 = arith.constant 0 : i32
      %dma_wait3A_1036 = tpu.memref_slice %arg10[%dma_wait3A_1031, %dma_wait3A_1035] : memref<8x128xi32, #tpu.memory_space<vmem>> -> memref<1x128xi32, #tpu.memory_space<vmem>>
      %dma_wait3A_1037 = tpu.memref_squeeze %dma_wait3A_1036 : memref<1x128xi32, #tpu.memory_space<vmem>> -> memref<128xi32, #tpu.memory_space<vmem>>
      %dma_wait3A_1038 = arith.constant 0 : i32
      %dma_wait3A_1039 = arith.constant 0 : i32
      %dma_wait3A_1040 = tpu.memref_slice %arg5[%dma_wait3A_1038, %dma_wait3A_1039] : memref<163840x16xf32, #tpu.memory_space<hbm>> -> memref<163840x16xf32, #tpu.memory_space<hbm>>
      tpu.wait_indirect_dma semaphore(%arg15 : memref<!tpu.dma_semaphore, #tpu.memory_space<semaphore_mem>>) src(%dma_wait3A_1040 : memref<163840x16xf32, #tpu.memory_space<hbm>>) dst(%dma_wait3A_1034 : memref<128x16xf32, #tpu.memory_space<vmem>>)
      %dma_wait3A_1041 = arith.constant 7 : i32
      %dma_wait3A_1042 = arith.constant 7 : i32
      %dma_wait3A_1043 = arith.constant 0 : i32
      %dma_wait3A_1044 = arith.constant 0 : i32
      %dma_wait3A_1045 = tpu.memref_slice %arg11[%dma_wait3A_1042, %dma_wait3A_1043, %dma_wait3A_1044] : memref<8x128x16xf32, #tpu.memory_space<vmem>> -> memref<1x128x16xf32, #tpu.memory_space<vmem>>
      %dma_wait3A_1046 = tpu.memref_squeeze %dma_wait3A_1045 : memref<1x128x16xf32, #tpu.memory_space<vmem>> -> memref<128x16xf32, #tpu.memory_space<vmem>>
      %dma_wait3A_1047 = arith.constant 0 : i32
      %dma_wait3A_1048 = tpu.memref_slice %arg8[%dma_wait3A_1041, %dma_wait3A_1047] : memref<8x128xi32, #tpu.memory_space<vmem>> -> memref<1x128xi32, #tpu.memory_space<vmem>>
      %dma_wait3A_1049 = tpu.memref_squeeze %dma_wait3A_1048 : memref<1x128xi32, #tpu.memory_space<vmem>> -> memref<128xi32, #tpu.memory_space<vmem>>
      %dma_wait3A_1050 = arith.constant 0 : i32
      %dma_wait3A_1051 = arith.constant 0 : i32
      %dma_wait3A_1052 = tpu.memref_slice %arg4[%dma_wait3A_1050, %dma_wait3A_1051] : memref<1703936x16xf32, #tpu.memory_space<hbm>> -> memref<1703936x16xf32, #tpu.memory_space<hbm>>
      tpu.wait_indirect_dma semaphore(%arg14 : memref<!tpu.dma_semaphore, #tpu.memory_space<semaphore_mem>>) src(%dma_wait3A_1052 : memref<1703936x16xf32, #tpu.memory_space<hbm>>) dst(%dma_wait3A_1046 : memref<128x16xf32, #tpu.memory_space<vmem>>)
      %dma_wait3A_1053 = arith.constant 7 : i32
      %dma_wait3A_1054 = arith.constant 896 : i32
      %dma_wait3A_1055 = arith.constant 0 : i32
      %dma_wait3A_1056 = tpu.memref_slice %arg12[%dma_wait3A_1054, %dma_wait3A_1055] : memref<1024x16xf32, #tpu.memory_space<vmem>> -> memref<128x16xf32, #tpu.memory_space<vmem>>
      %dma_wait3A_1057 = arith.constant 0 : i32
      %dma_wait3A_1058 = tpu.memref_slice %arg10[%dma_wait3A_1053, %dma_wait3A_1057] : memref<8x128xi32, #tpu.memory_space<vmem>> -> memref<1x128xi32, #tpu.memory_space<vmem>>
      %dma_wait3A_1059 = tpu.memref_squeeze %dma_wait3A_1058 : memref<1x128xi32, #tpu.memory_space<vmem>> -> memref<128xi32, #tpu.memory_space<vmem>>
      %dma_wait3A_1060 = arith.constant 0 : i32
      %dma_wait3A_1061 = arith.constant 0 : i32
      %dma_wait3A_1062 = tpu.memref_slice %arg5[%dma_wait3A_1060, %dma_wait3A_1061] : memref<163840x16xf32, #tpu.memory_space<hbm>> -> memref<163840x16xf32, #tpu.memory_space<hbm>>
      tpu.wait_indirect_dma semaphore(%arg15 : memref<!tpu.dma_semaphore, #tpu.memory_space<semaphore_mem>>) src(%dma_wait3A_1062 : memref<163840x16xf32, #tpu.memory_space<hbm>>) dst(%dma_wait3A_1056 : memref<128x16xf32, #tpu.memory_space<vmem>>)
      "tpu.region"() ({
        %run_scoped3A = tpu.sem_alloc : memref<!tpu.dma_semaphore, #tpu.memory_space<semaphore_mem>>
        %dma_start3A_2021 = arith.constant 0 : i32
        %dma_start3A_2022 = arith.constant 0 : i32
        %dma_start3A_2023 = tpu.memref_slice %arg6[%add3A_11, %dma_start3A_2021, %dma_start3A_2022] : memref<2048x128x16xf32, #tpu.memory_space<hbm>> -> memref<8x128x16xf32, #tpu.memory_space<hbm>>
        %dma_start3A_2024 = arith.constant 0 : i32
        %dma_start3A_2025 = arith.constant 0 : i32
        %dma_start3A_2026 = tpu.memref_slice %arg6[%add3A_11, %dma_start3A_2024, %dma_start3A_2025] : memref<2048x128x16xf32, #tpu.memory_space<hbm>> -> memref<8x128x16xf32, #tpu.memory_space<hbm>>
        tpu.enqueue_dma source(%arg11 : memref<8x128x16xf32, #tpu.memory_space<vmem>>) target(%dma_start3A_2026 : memref<8x128x16xf32, #tpu.memory_space<hbm>>) target_semaphore(%run_scoped3A : memref<!tpu.dma_semaphore, #tpu.memory_space<semaphore_mem>>)
        %dma_wait3A_2027 = arith.constant 0 : i32
        %dma_wait3A_2028 = arith.constant 0 : i32
        %dma_wait3A_2029 = tpu.memref_slice %arg6[%add3A_11, %dma_wait3A_2027, %dma_wait3A_2028] : memref<2048x128x16xf32, #tpu.memory_space<hbm>> -> memref<8x128x16xf32, #tpu.memory_space<hbm>>
        %dma_wait3A_2030 = arith.constant 0 : i32
        %dma_wait3A_2031 = arith.constant 0 : i32
        %dma_wait3A_2032 = tpu.memref_slice %arg6[%add3A_11, %dma_wait3A_2030, %dma_wait3A_2031] : memref<2048x128x16xf32, #tpu.memory_space<hbm>> -> memref<8x128x16xf32, #tpu.memory_space<hbm>>
        tpu.wait_dma2 semaphore(%run_scoped3A : memref<!tpu.dma_semaphore, #tpu.memory_space<semaphore_mem>>) src(%arg11 : memref<8x128x16xf32, #tpu.memory_space<vmem>>) dst(%dma_wait3A_2032 : memref<8x128x16xf32, #tpu.memory_space<hbm>>)
        tpu.yield
      }) : () -> ()
      %iota3A = tpu.iota {dimensions = array<i32: 0>} : vector<16xi32>
      %get3A_1063 = arith.constant 0 : i32
      %get3A_1064 = arith.index_cast %get3A_1063 : i32 to index
      %get3A_1065 = arith.constant 0 : index
      %get3A_1066 = tpu.vector_load %arg9[%get3A_1064, %get3A_1065] {strides = array<i32>} : memref<8x128xi32, #tpu.memory_space<vmem>>, vector<16xi32>,
      %and3A = arith.constant 15 : i32
      %and3A_1067 = vector.broadcast %and3A : i32 to vector<16xi32>
      %and3A_1068 = arith.andi %get3A_1066, %and3A_1067 : vector<16xi32>
      %add3A_1069 = arith.constant 0 : i32
      %add3A_1070 = vector.broadcast %add3A_1069 : i32 to vector<16xi32>
      %add3A_1071 = arith.addi %iota3A, %add3A_1070 : vector<16xi32>
      %gather3A = tpu.vector_load_idx %arg12[%add3A_1071, %and3A_1068] : memref<1024x16xf32, #tpu.memory_space<vmem>>[vector<16xi32>, vector<16xi32>], vector<16xf32>,
      %swap3A_1072 = arith.constant 0 : i32
      %swap3A_1073 = arith.index_cast %swap3A_1072 : i32 to index
      %swap3A_1074 = arith.constant 0 : index
      %swap3A_1075 = tpu.vector_load %arg13[%swap3A_1073, %swap3A_1074] {strides = array<i32>} : memref<8x128xf32, #tpu.memory_space<vmem>>, vector<16xf32>,
      tpu.vector_store %arg13[%swap3A_1073, %swap3A_1074], %gather3A {strides = array<i32>} : memref<8x128xf32, #tpu.memory_space<vmem>>, vector<16xf32>,
      %get3A_1076 = arith.constant 0 : i32
      %get3A_1077 = arith.index_cast %get3A_1076 : i32 to index
      %get3A_1078 = arith.constant 16 : index
      %get3A_1079 = tpu.vector_load %arg9[%get3A_1077, %get3A_1078] {strides = array<i32>} : memref<8x128xi32, #tpu.memory_space<vmem>>, vector<16xi32>,
      %and3A_1080 = arith.constant 15 : i32
      %and3A_1081 = vector.broadcast %and3A_1080 : i32 to vector<16xi32>
      %and3A_1082 = arith.andi %get3A_1079, %and3A_1081 : vector<16xi32>
      %add3A_1083 = arith.constant 16 : i32
      %add3A_1084 = vector.broadcast %add3A_1083 : i32 to vector<16xi32>
      %add3A_1085 = arith.addi %iota3A, %add3A_1084 : vector<16xi32>
      %gather3A_1086 = tpu.vector_load_idx %arg12[%add3A_1085, %and3A_1082] : memref<1024x16xf32, #tpu.memory_space<vmem>>[vector<16xi32>, vector<16xi32>], vector<16xf32>,
      %swap3A_1087 = arith.constant 0 : i32
      %swap3A_1088 = arith.index_cast %swap3A_1087 : i32 to index
      %swap3A_1089 = arith.constant 16 : index
      %swap3A_1090 = tpu.vector_load %arg13[%swap3A_1088, %swap3A_1089] {strides = array<i32>} : memref<8x128xf32, #tpu.memory_space<vmem>>, vector<16xf32>,
      tpu.vector_store %arg13[%swap3A_1088, %swap3A_1089], %gather3A_1086 {strides = array<i32>} : memref<8x128xf32, #tpu.memory_space<vmem>>, vector<16xf32>,
      %get3A_1091 = arith.constant 0 : i32
      %get3A_1092 = arith.index_cast %get3A_1091 : i32 to index
      %get3A_1093 = arith.constant 32 : index
      %get3A_1094 = tpu.vector_load %arg9[%get3A_1092, %get3A_1093] {strides = array<i32>} : memref<8x128xi32, #tpu.memory_space<vmem>>, vector<16xi32>,
      %and3A_1095 = arith.constant 15 : i32
      %and3A_1096 = vector.broadcast %and3A_1095 : i32 to vector<16xi32>
      %and3A_1097 = arith.andi %get3A_1094, %and3A_1096 : vector<16xi32>
      %add3A_1098 = arith.constant 32 : i32
      %add3A_1099 = vector.broadcast %add3A_1098 : i32 to vector<16xi32>
      %add3A_1100 = arith.addi %iota3A, %add3A_1099 : vector<16xi32>
      %gather3A_1101 = tpu.vector_load_idx %arg12[%add3A_1100, %and3A_1097] : memref<1024x16xf32, #tpu.memory_space<vmem>>[vector<16xi32>, vector<16xi32>], vector<16xf32>,
      %swap3A_1102 = arith.constant 0 : i32
      %swap3A_1103 = arith.index_cast %swap3A_1102 : i32 to index
      %swap3A_1104 = arith.constant 32 : index
      %swap3A_1105 = tpu.vector_load %arg13[%swap3A_1103, %swap3A_1104] {strides = array<i32>} : memref<8x128xf32, #tpu.memory_space<vmem>>, vector<16xf32>,
      tpu.vector_store %arg13[%swap3A_1103, %swap3A_1104], %gather3A_1101 {strides = array<i32>} : memref<8x128xf32, #tpu.memory_space<vmem>>, vector<16xf32>,
      %get3A_1106 = arith.constant 0 : i32
      %get3A_1107 = arith.index_cast %get3A_1106 : i32 to index
      %get3A_1108 = arith.constant 48 : index
      %get3A_1109 = tpu.vector_load %arg9[%get3A_1107, %get3A_1108] {strides = array<i32>} : memref<8x128xi32, #tpu.memory_space<vmem>>, vector<16xi32>,
      %and3A_1110 = arith.constant 15 : i32
      %and3A_1111 = vector.broadcast %and3A_1110 : i32 to vector<16xi32>
      %and3A_1112 = arith.andi %get3A_1109, %and3A_1111 : vector<16xi32>
      %add3A_1113 = arith.constant 48 : i32
      %add3A_1114 = vector.broadcast %add3A_1113 : i32 to vector<16xi32>
      %add3A_1115 = arith.addi %iota3A, %add3A_1114 : vector<16xi32>
      %gather3A_1116 = tpu.vector_load_idx %arg12[%add3A_1115, %and3A_1112] : memref<1024x16xf32, #tpu.memory_space<vmem>>[vector<16xi32>, vector<16xi32>], vector<16xf32>,
      %swap3A_1117 = arith.constant 0 : i32
      %swap3A_1118 = arith.index_cast %swap3A_1117 : i32 to index
      %swap3A_1119 = arith.constant 48 : index
      %swap3A_1120 = tpu.vector_load %arg13[%swap3A_1118, %swap3A_1119] {strides = array<i32>} : memref<8x128xf32, #tpu.memory_space<vmem>>, vector<16xf32>,
      tpu.vector_store %arg13[%swap3A_1118, %swap3A_1119], %gather3A_1116 {strides = array<i32>} : memref<8x128xf32, #tpu.memory_space<vmem>>, vector<16xf32>,
      %get3A_1121 = arith.constant 0 : i32
      %get3A_1122 = arith.index_cast %get3A_1121 : i32 to index
      %get3A_1123 = arith.constant 64 : index
      %get3A_1124 = tpu.vector_load %arg9[%get3A_1122, %get3A_1123] {strides = array<i32>} : memref<8x128xi32, #tpu.memory_space<vmem>>, vector<16xi32>,
      %and3A_1125 = arith.constant 15 : i32
      %and3A_1126 = vector.broadcast %and3A_1125 : i32 to vector<16xi32>
      %and3A_1127 = arith.andi %get3A_1124, %and3A_1126 : vector<16xi32>
      %add3A_1128 = arith.constant 64 : i32
      %add3A_1129 = vector.broadcast %add3A_1128 : i32 to vector<16xi32>
      %add3A_1130 = arith.addi %iota3A, %add3A_1129 : vector<16xi32>
      %gather3A_1131 = tpu.vector_load_idx %arg12[%add3A_1130, %and3A_1127] : memref<1024x16xf32, #tpu.memory_space<vmem>>[vector<16xi32>, vector<16xi32>], vector<16xf32>,
      %swap3A_1132 = arith.constant 0 : i32
      %swap3A_1133 = arith.index_cast %swap3A_1132 : i32 to index
      %swap3A_1134 = arith.constant 64 : index
      %swap3A_1135 = tpu.vector_load %arg13[%swap3A_1133, %swap3A_1134] {strides = array<i32>} : memref<8x128xf32, #tpu.memory_space<vmem>>, vector<16xf32>,
      tpu.vector_store %arg13[%swap3A_1133, %swap3A_1134], %gather3A_1131 {strides = array<i32>} : memref<8x128xf32, #tpu.memory_space<vmem>>, vector<16xf32>,
      %get3A_1136 = arith.constant 0 : i32
      %get3A_1137 = arith.index_cast %get3A_1136 : i32 to index
      %get3A_1138 = arith.constant 80 : index
      %get3A_1139 = tpu.vector_load %arg9[%get3A_1137, %get3A_1138] {strides = array<i32>} : memref<8x128xi32, #tpu.memory_space<vmem>>, vector<16xi32>,
      %and3A_1140 = arith.constant 15 : i32
      %and3A_1141 = vector.broadcast %and3A_1140 : i32 to vector<16xi32>
      %and3A_1142 = arith.andi %get3A_1139, %and3A_1141 : vector<16xi32>
      %add3A_1143 = arith.constant 80 : i32
      %add3A_1144 = vector.broadcast %add3A_1143 : i32 to vector<16xi32>
      %add3A_1145 = arith.addi %iota3A, %add3A_1144 : vector<16xi32>
      %gather3A_1146 = tpu.vector_load_idx %arg12[%add3A_1145, %and3A_1142] : memref<1024x16xf32, #tpu.memory_space<vmem>>[vector<16xi32>, vector<16xi32>], vector<16xf32>,
      %swap3A_1147 = arith.constant 0 : i32
      %swap3A_1148 = arith.index_cast %swap3A_1147 : i32 to index
      %swap3A_1149 = arith.constant 80 : index
      %swap3A_1150 = tpu.vector_load %arg13[%swap3A_1148, %swap3A_1149] {strides = array<i32>} : memref<8x128xf32, #tpu.memory_space<vmem>>, vector<16xf32>,
      tpu.vector_store %arg13[%swap3A_1148, %swap3A_1149], %gather3A_1146 {strides = array<i32>} : memref<8x128xf32, #tpu.memory_space<vmem>>, vector<16xf32>,
      %get3A_1151 = arith.constant 0 : i32
      %get3A_1152 = arith.index_cast %get3A_1151 : i32 to index
      %get3A_1153 = arith.constant 96 : index
      %get3A_1154 = tpu.vector_load %arg9[%get3A_1152, %get3A_1153] {strides = array<i32>} : memref<8x128xi32, #tpu.memory_space<vmem>>, vector<16xi32>,
      %and3A_1155 = arith.constant 15 : i32
      %and3A_1156 = vector.broadcast %and3A_1155 : i32 to vector<16xi32>
      %and3A_1157 = arith.andi %get3A_1154, %and3A_1156 : vector<16xi32>
      %add3A_1158 = arith.constant 96 : i32
      %add3A_1159 = vector.broadcast %add3A_1158 : i32 to vector<16xi32>
      %add3A_1160 = arith.addi %iota3A, %add3A_1159 : vector<16xi32>
      %gather3A_1161 = tpu.vector_load_idx %arg12[%add3A_1160, %and3A_1157] : memref<1024x16xf32, #tpu.memory_space<vmem>>[vector<16xi32>, vector<16xi32>], vector<16xf32>,
      %swap3A_1162 = arith.constant 0 : i32
      %swap3A_1163 = arith.index_cast %swap3A_1162 : i32 to index
      %swap3A_1164 = arith.constant 96 : index
      %swap3A_1165 = tpu.vector_load %arg13[%swap3A_1163, %swap3A_1164] {strides = array<i32>} : memref<8x128xf32, #tpu.memory_space<vmem>>, vector<16xf32>,
      tpu.vector_store %arg13[%swap3A_1163, %swap3A_1164], %gather3A_1161 {strides = array<i32>} : memref<8x128xf32, #tpu.memory_space<vmem>>, vector<16xf32>,
      %get3A_1166 = arith.constant 0 : i32
      %get3A_1167 = arith.index_cast %get3A_1166 : i32 to index
      %get3A_1168 = arith.constant 112 : index
      %get3A_1169 = tpu.vector_load %arg9[%get3A_1167, %get3A_1168] {strides = array<i32>} : memref<8x128xi32, #tpu.memory_space<vmem>>, vector<16xi32>,
      %and3A_1170 = arith.constant 15 : i32
      %and3A_1171 = vector.broadcast %and3A_1170 : i32 to vector<16xi32>
      %and3A_1172 = arith.andi %get3A_1169, %and3A_1171 : vector<16xi32>
      %add3A_1173 = arith.constant 112 : i32
      %add3A_1174 = vector.broadcast %add3A_1173 : i32 to vector<16xi32>
      %add3A_1175 = arith.addi %iota3A, %add3A_1174 : vector<16xi32>
      %gather3A_1176 = tpu.vector_load_idx %arg12[%add3A_1175, %and3A_1172] : memref<1024x16xf32, #tpu.memory_space<vmem>>[vector<16xi32>, vector<16xi32>], vector<16xf32>,
      %swap3A_1177 = arith.constant 0 : i32
      %swap3A_1178 = arith.index_cast %swap3A_1177 : i32 to index
      %swap3A_1179 = arith.constant 112 : index
      %swap3A_1180 = tpu.vector_load %arg13[%swap3A_1178, %swap3A_1179] {strides = array<i32>} : memref<8x128xf32, #tpu.memory_space<vmem>>, vector<16xf32>,
      tpu.vector_store %arg13[%swap3A_1178, %swap3A_1179], %gather3A_1176 {strides = array<i32>} : memref<8x128xf32, #tpu.memory_space<vmem>>, vector<16xf32>,
      %get3A_1181 = arith.constant 1 : i32
      %get3A_1182 = arith.index_cast %get3A_1181 : i32 to index
      %get3A_1183 = arith.constant 0 : index
      %get3A_1184 = tpu.vector_load %arg9[%get3A_1182, %get3A_1183] {strides = array<i32>} : memref<8x128xi32, #tpu.memory_space<vmem>>, vector<16xi32>,
      %and3A_1185 = arith.constant 15 : i32
      %and3A_1186 = vector.broadcast %and3A_1185 : i32 to vector<16xi32>
      %and3A_1187 = arith.andi %get3A_1184, %and3A_1186 : vector<16xi32>
      %add3A_1188 = arith.constant 128 : i32
      %add3A_1189 = vector.broadcast %add3A_1188 : i32 to vector<16xi32>
      %add3A_1190 = arith.addi %iota3A, %add3A_1189 : vector<16xi32>
      %gather3A_1191 = tpu.vector_load_idx %arg12[%add3A_1190, %and3A_1187] : memref<1024x16xf32, #tpu.memory_space<vmem>>[vector<16xi32>, vector<16xi32>], vector<16xf32>,
      %swap3A_1192 = arith.constant 1 : i32
      %swap3A_1193 = arith.index_cast %swap3A_1192 : i32 to index
      %swap3A_1194 = arith.constant 0 : index
      %swap3A_1195 = tpu.vector_load %arg13[%swap3A_1193, %swap3A_1194] {strides = array<i32>} : memref<8x128xf32, #tpu.memory_space<vmem>>, vector<16xf32>,
      tpu.vector_store %arg13[%swap3A_1193, %swap3A_1194], %gather3A_1191 {strides = array<i32>} : memref<8x128xf32, #tpu.memory_space<vmem>>, vector<16xf32>,
      %get3A_1196 = arith.constant 1 : i32
      %get3A_1197 = arith.index_cast %get3A_1196 : i32 to index
      %get3A_1198 = arith.constant 16 : index
      %get3A_1199 = tpu.vector_load %arg9[%get3A_1197, %get3A_1198] {strides = array<i32>} : memref<8x128xi32, #tpu.memory_space<vmem>>, vector<16xi32>,
      %and3A_1200 = arith.constant 15 : i32
      %and3A_1201 = vector.broadcast %and3A_1200 : i32 to vector<16xi32>
      %and3A_1202 = arith.andi %get3A_1199, %and3A_1201 : vector<16xi32>
      %add3A_1203 = arith.constant 144 : i32
      %add3A_1204 = vector.broadcast %add3A_1203 : i32 to vector<16xi32>
      %add3A_1205 = arith.addi %iota3A, %add3A_1204 : vector<16xi32>
      %gather3A_1206 = tpu.vector_load_idx %arg12[%add3A_1205, %and3A_1202] : memref<1024x16xf32, #tpu.memory_space<vmem>>[vector<16xi32>, vector<16xi32>], vector<16xf32>,
      %swap3A_1207 = arith.constant 1 : i32
      %swap3A_1208 = arith.index_cast %swap3A_1207 : i32 to index
      %swap3A_1209 = arith.constant 16 : index
      %swap3A_1210 = tpu.vector_load %arg13[%swap3A_1208, %swap3A_1209] {strides = array<i32>} : memref<8x128xf32, #tpu.memory_space<vmem>>, vector<16xf32>,
      tpu.vector_store %arg13[%swap3A_1208, %swap3A_1209], %gather3A_1206 {strides = array<i32>} : memref<8x128xf32, #tpu.memory_space<vmem>>, vector<16xf32>,
      %get3A_1211 = arith.constant 1 : i32
      %get3A_1212 = arith.index_cast %get3A_1211 : i32 to index
      %get3A_1213 = arith.constant 32 : index
      %get3A_1214 = tpu.vector_load %arg9[%get3A_1212, %get3A_1213] {strides = array<i32>} : memref<8x128xi32, #tpu.memory_space<vmem>>, vector<16xi32>,
      %and3A_1215 = arith.constant 15 : i32
      %and3A_1216 = vector.broadcast %and3A_1215 : i32 to vector<16xi32>
      %and3A_1217 = arith.andi %get3A_1214, %and3A_1216 : vector<16xi32>
      %add3A_1218 = arith.constant 160 : i32
      %add3A_1219 = vector.broadcast %add3A_1218 : i32 to vector<16xi32>
      %add3A_1220 = arith.addi %iota3A, %add3A_1219 : vector<16xi32>
      %gather3A_1221 = tpu.vector_load_idx %arg12[%add3A_1220, %and3A_1217] : memref<1024x16xf32, #tpu.memory_space<vmem>>[vector<16xi32>, vector<16xi32>], vector<16xf32>,
      %swap3A_1222 = arith.constant 1 : i32
      %swap3A_1223 = arith.index_cast %swap3A_1222 : i32 to index
      %swap3A_1224 = arith.constant 32 : index
      %swap3A_1225 = tpu.vector_load %arg13[%swap3A_1223, %swap3A_1224] {strides = array<i32>} : memref<8x128xf32, #tpu.memory_space<vmem>>, vector<16xf32>,
      tpu.vector_store %arg13[%swap3A_1223, %swap3A_1224], %gather3A_1221 {strides = array<i32>} : memref<8x128xf32, #tpu.memory_space<vmem>>, vector<16xf32>,
      %get3A_1226 = arith.constant 1 : i32
      %get3A_1227 = arith.index_cast %get3A_1226 : i32 to index
      %get3A_1228 = arith.constant 48 : index
      %get3A_1229 = tpu.vector_load %arg9[%get3A_1227, %get3A_1228] {strides = array<i32>} : memref<8x128xi32, #tpu.memory_space<vmem>>, vector<16xi32>,
      %and3A_1230 = arith.constant 15 : i32
      %and3A_1231 = vector.broadcast %and3A_1230 : i32 to vector<16xi32>
      %and3A_1232 = arith.andi %get3A_1229, %and3A_1231 : vector<16xi32>
      %add3A_1233 = arith.constant 176 : i32
      %add3A_1234 = vector.broadcast %add3A_1233 : i32 to vector<16xi32>
      %add3A_1235 = arith.addi %iota3A, %add3A_1234 : vector<16xi32>
      %gather3A_1236 = tpu.vector_load_idx %arg12[%add3A_1235, %and3A_1232] : memref<1024x16xf32, #tpu.memory_space<vmem>>[vector<16xi32>, vector<16xi32>], vector<16xf32>,
      %swap3A_1237 = arith.constant 1 : i32
      %swap3A_1238 = arith.index_cast %swap3A_1237 : i32 to index
      %swap3A_1239 = arith.constant 48 : index
      %swap3A_1240 = tpu.vector_load %arg13[%swap3A_1238, %swap3A_1239] {strides = array<i32>} : memref<8x128xf32, #tpu.memory_space<vmem>>, vector<16xf32>,
      tpu.vector_store %arg13[%swap3A_1238, %swap3A_1239], %gather3A_1236 {strides = array<i32>} : memref<8x128xf32, #tpu.memory_space<vmem>>, vector<16xf32>,
      %get3A_1241 = arith.constant 1 : i32
      %get3A_1242 = arith.index_cast %get3A_1241 : i32 to index
      %get3A_1243 = arith.constant 64 : index
      %get3A_1244 = tpu.vector_load %arg9[%get3A_1242, %get3A_1243] {strides = array<i32>} : memref<8x128xi32, #tpu.memory_space<vmem>>, vector<16xi32>,
      %and3A_1245 = arith.constant 15 : i32
      %and3A_1246 = vector.broadcast %and3A_1245 : i32 to vector<16xi32>
      %and3A_1247 = arith.andi %get3A_1244, %and3A_1246 : vector<16xi32>
      %add3A_1248 = arith.constant 192 : i32
      %add3A_1249 = vector.broadcast %add3A_1248 : i32 to vector<16xi32>
      %add3A_1250 = arith.addi %iota3A, %add3A_1249 : vector<16xi32>
      %gather3A_1251 = tpu.vector_load_idx %arg12[%add3A_1250, %and3A_1247] : memref<1024x16xf32, #tpu.memory_space<vmem>>[vector<16xi32>, vector<16xi32>], vector<16xf32>,
      %swap3A_1252 = arith.constant 1 : i32
      %swap3A_1253 = arith.index_cast %swap3A_1252 : i32 to index
      %swap3A_1254 = arith.constant 64 : index
      %swap3A_1255 = tpu.vector_load %arg13[%swap3A_1253, %swap3A_1254] {strides = array<i32>} : memref<8x128xf32, #tpu.memory_space<vmem>>, vector<16xf32>,
      tpu.vector_store %arg13[%swap3A_1253, %swap3A_1254], %gather3A_1251 {strides = array<i32>} : memref<8x128xf32, #tpu.memory_space<vmem>>, vector<16xf32>,
      %get3A_1256 = arith.constant 1 : i32
      %get3A_1257 = arith.index_cast %get3A_1256 : i32 to index
      %get3A_1258 = arith.constant 80 : index
      %get3A_1259 = tpu.vector_load %arg9[%get3A_1257, %get3A_1258] {strides = array<i32>} : memref<8x128xi32, #tpu.memory_space<vmem>>, vector<16xi32>,
      %and3A_1260 = arith.constant 15 : i32
      %and3A_1261 = vector.broadcast %and3A_1260 : i32 to vector<16xi32>
      %and3A_1262 = arith.andi %get3A_1259, %and3A_1261 : vector<16xi32>
      %add3A_1263 = arith.constant 208 : i32
      %add3A_1264 = vector.broadcast %add3A_1263 : i32 to vector<16xi32>
      %add3A_1265 = arith.addi %iota3A, %add3A_1264 : vector<16xi32>
      %gather3A_1266 = tpu.vector_load_idx %arg12[%add3A_1265, %and3A_1262] : memref<1024x16xf32, #tpu.memory_space<vmem>>[vector<16xi32>, vector<16xi32>], vector<16xf32>,
      %swap3A_1267 = arith.constant 1 : i32
      %swap3A_1268 = arith.index_cast %swap3A_1267 : i32 to index
      %swap3A_1269 = arith.constant 80 : index
      %swap3A_1270 = tpu.vector_load %arg13[%swap3A_1268, %swap3A_1269] {strides = array<i32>} : memref<8x128xf32, #tpu.memory_space<vmem>>, vector<16xf32>,
      tpu.vector_store %arg13[%swap3A_1268, %swap3A_1269], %gather3A_1266 {strides = array<i32>} : memref<8x128xf32, #tpu.memory_space<vmem>>, vector<16xf32>,
      %get3A_1271 = arith.constant 1 : i32
      %get3A_1272 = arith.index_cast %get3A_1271 : i32 to index
      %get3A_1273 = arith.constant 96 : index
      %get3A_1274 = tpu.vector_load %arg9[%get3A_1272, %get3A_1273] {strides = array<i32>} : memref<8x128xi32, #tpu.memory_space<vmem>>, vector<16xi32>,
      %and3A_1275 = arith.constant 15 : i32
      %and3A_1276 = vector.broadcast %and3A_1275 : i32 to vector<16xi32>
      %and3A_1277 = arith.andi %get3A_1274, %and3A_1276 : vector<16xi32>
      %add3A_1278 = arith.constant 224 : i32
      %add3A_1279 = vector.broadcast %add3A_1278 : i32 to vector<16xi32>
      %add3A_1280 = arith.addi %iota3A, %add3A_1279 : vector<16xi32>
      %gather3A_1281 = tpu.vector_load_idx %arg12[%add3A_1280, %and3A_1277] : memref<1024x16xf32, #tpu.memory_space<vmem>>[vector<16xi32>, vector<16xi32>], vector<16xf32>,
      %swap3A_1282 = arith.constant 1 : i32
      %swap3A_1283 = arith.index_cast %swap3A_1282 : i32 to index
      %swap3A_1284 = arith.constant 96 : index
      %swap3A_1285 = tpu.vector_load %arg13[%swap3A_1283, %swap3A_1284] {strides = array<i32>} : memref<8x128xf32, #tpu.memory_space<vmem>>, vector<16xf32>,
      tpu.vector_store %arg13[%swap3A_1283, %swap3A_1284], %gather3A_1281 {strides = array<i32>} : memref<8x128xf32, #tpu.memory_space<vmem>>, vector<16xf32>,
      %get3A_1286 = arith.constant 1 : i32
      %get3A_1287 = arith.index_cast %get3A_1286 : i32 to index
      %get3A_1288 = arith.constant 112 : index
      %get3A_1289 = tpu.vector_load %arg9[%get3A_1287, %get3A_1288] {strides = array<i32>} : memref<8x128xi32, #tpu.memory_space<vmem>>, vector<16xi32>,
      %and3A_1290 = arith.constant 15 : i32
      %and3A_1291 = vector.broadcast %and3A_1290 : i32 to vector<16xi32>
      %and3A_1292 = arith.andi %get3A_1289, %and3A_1291 : vector<16xi32>
      %add3A_1293 = arith.constant 240 : i32
      %add3A_1294 = vector.broadcast %add3A_1293 : i32 to vector<16xi32>
      %add3A_1295 = arith.addi %iota3A, %add3A_1294 : vector<16xi32>
      %gather3A_1296 = tpu.vector_load_idx %arg12[%add3A_1295, %and3A_1292] : memref<1024x16xf32, #tpu.memory_space<vmem>>[vector<16xi32>, vector<16xi32>], vector<16xf32>,
      %swap3A_1297 = arith.constant 1 : i32
      %swap3A_1298 = arith.index_cast %swap3A_1297 : i32 to index
      %swap3A_1299 = arith.constant 112 : index
      %swap3A_1300 = tpu.vector_load %arg13[%swap3A_1298, %swap3A_1299] {strides = array<i32>} : memref<8x128xf32, #tpu.memory_space<vmem>>, vector<16xf32>,
      tpu.vector_store %arg13[%swap3A_1298, %swap3A_1299], %gather3A_1296 {strides = array<i32>} : memref<8x128xf32, #tpu.memory_space<vmem>>, vector<16xf32>,
      %get3A_1301 = arith.constant 2 : i32
      %get3A_1302 = arith.index_cast %get3A_1301 : i32 to index
      %get3A_1303 = arith.constant 0 : index
      %get3A_1304 = tpu.vector_load %arg9[%get3A_1302, %get3A_1303] {strides = array<i32>} : memref<8x128xi32, #tpu.memory_space<vmem>>, vector<16xi32>,
      %and3A_1305 = arith.constant 15 : i32
      %and3A_1306 = vector.broadcast %and3A_1305 : i32 to vector<16xi32>
      %and3A_1307 = arith.andi %get3A_1304, %and3A_1306 : vector<16xi32>
      %add3A_1308 = arith.constant 256 : i32
      %add3A_1309 = vector.broadcast %add3A_1308 : i32 to vector<16xi32>
      %add3A_1310 = arith.addi %iota3A, %add3A_1309 : vector<16xi32>
      %gather3A_1311 = tpu.vector_load_idx %arg12[%add3A_1310, %and3A_1307] : memref<1024x16xf32, #tpu.memory_space<vmem>>[vector<16xi32>, vector<16xi32>], vector<16xf32>,
      %swap3A_1312 = arith.constant 2 : i32
      %swap3A_1313 = arith.index_cast %swap3A_1312 : i32 to index
      %swap3A_1314 = arith.constant 0 : index
      %swap3A_1315 = tpu.vector_load %arg13[%swap3A_1313, %swap3A_1314] {strides = array<i32>} : memref<8x128xf32, #tpu.memory_space<vmem>>, vector<16xf32>,
      tpu.vector_store %arg13[%swap3A_1313, %swap3A_1314], %gather3A_1311 {strides = array<i32>} : memref<8x128xf32, #tpu.memory_space<vmem>>, vector<16xf32>,
      %get3A_1316 = arith.constant 2 : i32
      %get3A_1317 = arith.index_cast %get3A_1316 : i32 to index
      %get3A_1318 = arith.constant 16 : index
      %get3A_1319 = tpu.vector_load %arg9[%get3A_1317, %get3A_1318] {strides = array<i32>} : memref<8x128xi32, #tpu.memory_space<vmem>>, vector<16xi32>,
      %and3A_1320 = arith.constant 15 : i32
      %and3A_1321 = vector.broadcast %and3A_1320 : i32 to vector<16xi32>
      %and3A_1322 = arith.andi %get3A_1319, %and3A_1321 : vector<16xi32>
      %add3A_1323 = arith.constant 272 : i32
      %add3A_1324 = vector.broadcast %add3A_1323 : i32 to vector<16xi32>
      %add3A_1325 = arith.addi %iota3A, %add3A_1324 : vector<16xi32>
      %gather3A_1326 = tpu.vector_load_idx %arg12[%add3A_1325, %and3A_1322] : memref<1024x16xf32, #tpu.memory_space<vmem>>[vector<16xi32>, vector<16xi32>], vector<16xf32>,
      %swap3A_1327 = arith.constant 2 : i32
      %swap3A_1328 = arith.index_cast %swap3A_1327 : i32 to index
      %swap3A_1329 = arith.constant 16 : index
      %swap3A_1330 = tpu.vector_load %arg13[%swap3A_1328, %swap3A_1329] {strides = array<i32>} : memref<8x128xf32, #tpu.memory_space<vmem>>, vector<16xf32>,
      tpu.vector_store %arg13[%swap3A_1328, %swap3A_1329], %gather3A_1326 {strides = array<i32>} : memref<8x128xf32, #tpu.memory_space<vmem>>, vector<16xf32>,
      %get3A_1331 = arith.constant 2 : i32
      %get3A_1332 = arith.index_cast %get3A_1331 : i32 to index
      %get3A_1333 = arith.constant 32 : index
      %get3A_1334 = tpu.vector_load %arg9[%get3A_1332, %get3A_1333] {strides = array<i32>} : memref<8x128xi32, #tpu.memory_space<vmem>>, vector<16xi32>,
      %and3A_1335 = arith.constant 15 : i32
      %and3A_1336 = vector.broadcast %and3A_1335 : i32 to vector<16xi32>
      %and3A_1337 = arith.andi %get3A_1334, %and3A_1336 : vector<16xi32>
      %add3A_1338 = arith.constant 288 : i32
      %add3A_1339 = vector.broadcast %add3A_1338 : i32 to vector<16xi32>
      %add3A_1340 = arith.addi %iota3A, %add3A_1339 : vector<16xi32>
      %gather3A_1341 = tpu.vector_load_idx %arg12[%add3A_1340, %and3A_1337] : memref<1024x16xf32, #tpu.memory_space<vmem>>[vector<16xi32>, vector<16xi32>], vector<16xf32>,
      %swap3A_1342 = arith.constant 2 : i32
      %swap3A_1343 = arith.index_cast %swap3A_1342 : i32 to index
      %swap3A_1344 = arith.constant 32 : index
      %swap3A_1345 = tpu.vector_load %arg13[%swap3A_1343, %swap3A_1344] {strides = array<i32>} : memref<8x128xf32, #tpu.memory_space<vmem>>, vector<16xf32>,
      tpu.vector_store %arg13[%swap3A_1343, %swap3A_1344], %gather3A_1341 {strides = array<i32>} : memref<8x128xf32, #tpu.memory_space<vmem>>, vector<16xf32>,
      %get3A_1346 = arith.constant 2 : i32
      %get3A_1347 = arith.index_cast %get3A_1346 : i32 to index
      %get3A_1348 = arith.constant 48 : index
      %get3A_1349 = tpu.vector_load %arg9[%get3A_1347, %get3A_1348] {strides = array<i32>} : memref<8x128xi32, #tpu.memory_space<vmem>>, vector<16xi32>,
      %and3A_1350 = arith.constant 15 : i32
      %and3A_1351 = vector.broadcast %and3A_1350 : i32 to vector<16xi32>
      %and3A_1352 = arith.andi %get3A_1349, %and3A_1351 : vector<16xi32>
      %add3A_1353 = arith.constant 304 : i32
      %add3A_1354 = vector.broadcast %add3A_1353 : i32 to vector<16xi32>
      %add3A_1355 = arith.addi %iota3A, %add3A_1354 : vector<16xi32>
      %gather3A_1356 = tpu.vector_load_idx %arg12[%add3A_1355, %and3A_1352] : memref<1024x16xf32, #tpu.memory_space<vmem>>[vector<16xi32>, vector<16xi32>], vector<16xf32>,
      %swap3A_1357 = arith.constant 2 : i32
      %swap3A_1358 = arith.index_cast %swap3A_1357 : i32 to index
      %swap3A_1359 = arith.constant 48 : index
      %swap3A_1360 = tpu.vector_load %arg13[%swap3A_1358, %swap3A_1359] {strides = array<i32>} : memref<8x128xf32, #tpu.memory_space<vmem>>, vector<16xf32>,
      tpu.vector_store %arg13[%swap3A_1358, %swap3A_1359], %gather3A_1356 {strides = array<i32>} : memref<8x128xf32, #tpu.memory_space<vmem>>, vector<16xf32>,
      %get3A_1361 = arith.constant 2 : i32
      %get3A_1362 = arith.index_cast %get3A_1361 : i32 to index
      %get3A_1363 = arith.constant 64 : index
      %get3A_1364 = tpu.vector_load %arg9[%get3A_1362, %get3A_1363] {strides = array<i32>} : memref<8x128xi32, #tpu.memory_space<vmem>>, vector<16xi32>,
      %and3A_1365 = arith.constant 15 : i32
      %and3A_1366 = vector.broadcast %and3A_1365 : i32 to vector<16xi32>
      %and3A_1367 = arith.andi %get3A_1364, %and3A_1366 : vector<16xi32>
      %add3A_1368 = arith.constant 320 : i32
      %add3A_1369 = vector.broadcast %add3A_1368 : i32 to vector<16xi32>
      %add3A_1370 = arith.addi %iota3A, %add3A_1369 : vector<16xi32>
      %gather3A_1371 = tpu.vector_load_idx %arg12[%add3A_1370, %and3A_1367] : memref<1024x16xf32, #tpu.memory_space<vmem>>[vector<16xi32>, vector<16xi32>], vector<16xf32>,
      %swap3A_1372 = arith.constant 2 : i32
      %swap3A_1373 = arith.index_cast %swap3A_1372 : i32 to index
      %swap3A_1374 = arith.constant 64 : index
      %swap3A_1375 = tpu.vector_load %arg13[%swap3A_1373, %swap3A_1374] {strides = array<i32>} : memref<8x128xf32, #tpu.memory_space<vmem>>, vector<16xf32>,
      tpu.vector_store %arg13[%swap3A_1373, %swap3A_1374], %gather3A_1371 {strides = array<i32>} : memref<8x128xf32, #tpu.memory_space<vmem>>, vector<16xf32>,
      %get3A_1376 = arith.constant 2 : i32
      %get3A_1377 = arith.index_cast %get3A_1376 : i32 to index
      %get3A_1378 = arith.constant 80 : index
      %get3A_1379 = tpu.vector_load %arg9[%get3A_1377, %get3A_1378] {strides = array<i32>} : memref<8x128xi32, #tpu.memory_space<vmem>>, vector<16xi32>,
      %and3A_1380 = arith.constant 15 : i32
      %and3A_1381 = vector.broadcast %and3A_1380 : i32 to vector<16xi32>
      %and3A_1382 = arith.andi %get3A_1379, %and3A_1381 : vector<16xi32>
      %add3A_1383 = arith.constant 336 : i32
      %add3A_1384 = vector.broadcast %add3A_1383 : i32 to vector<16xi32>
      %add3A_1385 = arith.addi %iota3A, %add3A_1384 : vector<16xi32>
      %gather3A_1386 = tpu.vector_load_idx %arg12[%add3A_1385, %and3A_1382] : memref<1024x16xf32, #tpu.memory_space<vmem>>[vector<16xi32>, vector<16xi32>], vector<16xf32>,
      %swap3A_1387 = arith.constant 2 : i32
      %swap3A_1388 = arith.index_cast %swap3A_1387 : i32 to index
      %swap3A_1389 = arith.constant 80 : index
      %swap3A_1390 = tpu.vector_load %arg13[%swap3A_1388, %swap3A_1389] {strides = array<i32>} : memref<8x128xf32, #tpu.memory_space<vmem>>, vector<16xf32>,
      tpu.vector_store %arg13[%swap3A_1388, %swap3A_1389], %gather3A_1386 {strides = array<i32>} : memref<8x128xf32, #tpu.memory_space<vmem>>, vector<16xf32>,
      %get3A_1391 = arith.constant 2 : i32
      %get3A_1392 = arith.index_cast %get3A_1391 : i32 to index
      %get3A_1393 = arith.constant 96 : index
      %get3A_1394 = tpu.vector_load %arg9[%get3A_1392, %get3A_1393] {strides = array<i32>} : memref<8x128xi32, #tpu.memory_space<vmem>>, vector<16xi32>,
      %and3A_1395 = arith.constant 15 : i32
      %and3A_1396 = vector.broadcast %and3A_1395 : i32 to vector<16xi32>
      %and3A_1397 = arith.andi %get3A_1394, %and3A_1396 : vector<16xi32>
      %add3A_1398 = arith.constant 352 : i32
      %add3A_1399 = vector.broadcast %add3A_1398 : i32 to vector<16xi32>
      %add3A_1400 = arith.addi %iota3A, %add3A_1399 : vector<16xi32>
      %gather3A_1401 = tpu.vector_load_idx %arg12[%add3A_1400, %and3A_1397] : memref<1024x16xf32, #tpu.memory_space<vmem>>[vector<16xi32>, vector<16xi32>], vector<16xf32>,
      %swap3A_1402 = arith.constant 2 : i32
      %swap3A_1403 = arith.index_cast %swap3A_1402 : i32 to index
      %swap3A_1404 = arith.constant 96 : index
      %swap3A_1405 = tpu.vector_load %arg13[%swap3A_1403, %swap3A_1404] {strides = array<i32>} : memref<8x128xf32, #tpu.memory_space<vmem>>, vector<16xf32>,
      tpu.vector_store %arg13[%swap3A_1403, %swap3A_1404], %gather3A_1401 {strides = array<i32>} : memref<8x128xf32, #tpu.memory_space<vmem>>, vector<16xf32>,
      %get3A_1406 = arith.constant 2 : i32
      %get3A_1407 = arith.index_cast %get3A_1406 : i32 to index
      %get3A_1408 = arith.constant 112 : index
      %get3A_1409 = tpu.vector_load %arg9[%get3A_1407, %get3A_1408] {strides = array<i32>} : memref<8x128xi32, #tpu.memory_space<vmem>>, vector<16xi32>,
      %and3A_1410 = arith.constant 15 : i32
      %and3A_1411 = vector.broadcast %and3A_1410 : i32 to vector<16xi32>
      %and3A_1412 = arith.andi %get3A_1409, %and3A_1411 : vector<16xi32>
      %add3A_1413 = arith.constant 368 : i32
      %add3A_1414 = vector.broadcast %add3A_1413 : i32 to vector<16xi32>
      %add3A_1415 = arith.addi %iota3A, %add3A_1414 : vector<16xi32>
      %gather3A_1416 = tpu.vector_load_idx %arg12[%add3A_1415, %and3A_1412] : memref<1024x16xf32, #tpu.memory_space<vmem>>[vector<16xi32>, vector<16xi32>], vector<16xf32>,
      %swap3A_1417 = arith.constant 2 : i32
      %swap3A_1418 = arith.index_cast %swap3A_1417 : i32 to index
      %swap3A_1419 = arith.constant 112 : index
      %swap3A_1420 = tpu.vector_load %arg13[%swap3A_1418, %swap3A_1419] {strides = array<i32>} : memref<8x128xf32, #tpu.memory_space<vmem>>, vector<16xf32>,
      tpu.vector_store %arg13[%swap3A_1418, %swap3A_1419], %gather3A_1416 {strides = array<i32>} : memref<8x128xf32, #tpu.memory_space<vmem>>, vector<16xf32>,
      %get3A_1421 = arith.constant 3 : i32
      %get3A_1422 = arith.index_cast %get3A_1421 : i32 to index
      %get3A_1423 = arith.constant 0 : index
      %get3A_1424 = tpu.vector_load %arg9[%get3A_1422, %get3A_1423] {strides = array<i32>} : memref<8x128xi32, #tpu.memory_space<vmem>>, vector<16xi32>,
      %and3A_1425 = arith.constant 15 : i32
      %and3A_1426 = vector.broadcast %and3A_1425 : i32 to vector<16xi32>
      %and3A_1427 = arith.andi %get3A_1424, %and3A_1426 : vector<16xi32>
      %add3A_1428 = arith.constant 384 : i32
      %add3A_1429 = vector.broadcast %add3A_1428 : i32 to vector<16xi32>
      %add3A_1430 = arith.addi %iota3A, %add3A_1429 : vector<16xi32>
      %gather3A_1431 = tpu.vector_load_idx %arg12[%add3A_1430, %and3A_1427] : memref<1024x16xf32, #tpu.memory_space<vmem>>[vector<16xi32>, vector<16xi32>], vector<16xf32>,
      %swap3A_1432 = arith.constant 3 : i32
      %swap3A_1433 = arith.index_cast %swap3A_1432 : i32 to index
      %swap3A_1434 = arith.constant 0 : index
      %swap3A_1435 = tpu.vector_load %arg13[%swap3A_1433, %swap3A_1434] {strides = array<i32>} : memref<8x128xf32, #tpu.memory_space<vmem>>, vector<16xf32>,
      tpu.vector_store %arg13[%swap3A_1433, %swap3A_1434], %gather3A_1431 {strides = array<i32>} : memref<8x128xf32, #tpu.memory_space<vmem>>, vector<16xf32>,
      %get3A_1436 = arith.constant 3 : i32
      %get3A_1437 = arith.index_cast %get3A_1436 : i32 to index
      %get3A_1438 = arith.constant 16 : index
      %get3A_1439 = tpu.vector_load %arg9[%get3A_1437, %get3A_1438] {strides = array<i32>} : memref<8x128xi32, #tpu.memory_space<vmem>>, vector<16xi32>,
      %and3A_1440 = arith.constant 15 : i32
      %and3A_1441 = vector.broadcast %and3A_1440 : i32 to vector<16xi32>
      %and3A_1442 = arith.andi %get3A_1439, %and3A_1441 : vector<16xi32>
      %add3A_1443 = arith.constant 400 : i32
      %add3A_1444 = vector.broadcast %add3A_1443 : i32 to vector<16xi32>
      %add3A_1445 = arith.addi %iota3A, %add3A_1444 : vector<16xi32>
      %gather3A_1446 = tpu.vector_load_idx %arg12[%add3A_1445, %and3A_1442] : memref<1024x16xf32, #tpu.memory_space<vmem>>[vector<16xi32>, vector<16xi32>], vector<16xf32>,
      %swap3A_1447 = arith.constant 3 : i32
      %swap3A_1448 = arith.index_cast %swap3A_1447 : i32 to index
      %swap3A_1449 = arith.constant 16 : index
      %swap3A_1450 = tpu.vector_load %arg13[%swap3A_1448, %swap3A_1449] {strides = array<i32>} : memref<8x128xf32, #tpu.memory_space<vmem>>, vector<16xf32>,
      tpu.vector_store %arg13[%swap3A_1448, %swap3A_1449], %gather3A_1446 {strides = array<i32>} : memref<8x128xf32, #tpu.memory_space<vmem>>, vector<16xf32>,
      %get3A_1451 = arith.constant 3 : i32
      %get3A_1452 = arith.index_cast %get3A_1451 : i32 to index
      %get3A_1453 = arith.constant 32 : index
      %get3A_1454 = tpu.vector_load %arg9[%get3A_1452, %get3A_1453] {strides = array<i32>} : memref<8x128xi32, #tpu.memory_space<vmem>>, vector<16xi32>,
      %and3A_1455 = arith.constant 15 : i32
      %and3A_1456 = vector.broadcast %and3A_1455 : i32 to vector<16xi32>
      %and3A_1457 = arith.andi %get3A_1454, %and3A_1456 : vector<16xi32>
      %add3A_1458 = arith.constant 416 : i32
      %add3A_1459 = vector.broadcast %add3A_1458 : i32 to vector<16xi32>
      %add3A_1460 = arith.addi %iota3A, %add3A_1459 : vector<16xi32>
      %gather3A_1461 = tpu.vector_load_idx %arg12[%add3A_1460, %and3A_1457] : memref<1024x16xf32, #tpu.memory_space<vmem>>[vector<16xi32>, vector<16xi32>], vector<16xf32>,
      %swap3A_1462 = arith.constant 3 : i32
      %swap3A_1463 = arith.index_cast %swap3A_1462 : i32 to index
      %swap3A_1464 = arith.constant 32 : index
      %swap3A_1465 = tpu.vector_load %arg13[%swap3A_1463, %swap3A_1464] {strides = array<i32>} : memref<8x128xf32, #tpu.memory_space<vmem>>, vector<16xf32>,
      tpu.vector_store %arg13[%swap3A_1463, %swap3A_1464], %gather3A_1461 {strides = array<i32>} : memref<8x128xf32, #tpu.memory_space<vmem>>, vector<16xf32>,
      %get3A_1466 = arith.constant 3 : i32
      %get3A_1467 = arith.index_cast %get3A_1466 : i32 to index
      %get3A_1468 = arith.constant 48 : index
      %get3A_1469 = tpu.vector_load %arg9[%get3A_1467, %get3A_1468] {strides = array<i32>} : memref<8x128xi32, #tpu.memory_space<vmem>>, vector<16xi32>,
      %and3A_1470 = arith.constant 15 : i32
      %and3A_1471 = vector.broadcast %and3A_1470 : i32 to vector<16xi32>
      %and3A_1472 = arith.andi %get3A_1469, %and3A_1471 : vector<16xi32>
      %add3A_1473 = arith.constant 432 : i32
      %add3A_1474 = vector.broadcast %add3A_1473 : i32 to vector<16xi32>
      %add3A_1475 = arith.addi %iota3A, %add3A_1474 : vector<16xi32>
      %gather3A_1476 = tpu.vector_load_idx %arg12[%add3A_1475, %and3A_1472] : memref<1024x16xf32, #tpu.memory_space<vmem>>[vector<16xi32>, vector<16xi32>], vector<16xf32>,
      %swap3A_1477 = arith.constant 3 : i32
      %swap3A_1478 = arith.index_cast %swap3A_1477 : i32 to index
      %swap3A_1479 = arith.constant 48 : index
      %swap3A_1480 = tpu.vector_load %arg13[%swap3A_1478, %swap3A_1479] {strides = array<i32>} : memref<8x128xf32, #tpu.memory_space<vmem>>, vector<16xf32>,
      tpu.vector_store %arg13[%swap3A_1478, %swap3A_1479], %gather3A_1476 {strides = array<i32>} : memref<8x128xf32, #tpu.memory_space<vmem>>, vector<16xf32>,
      %get3A_1481 = arith.constant 3 : i32
      %get3A_1482 = arith.index_cast %get3A_1481 : i32 to index
      %get3A_1483 = arith.constant 64 : index
      %get3A_1484 = tpu.vector_load %arg9[%get3A_1482, %get3A_1483] {strides = array<i32>} : memref<8x128xi32, #tpu.memory_space<vmem>>, vector<16xi32>,
      %and3A_1485 = arith.constant 15 : i32
      %and3A_1486 = vector.broadcast %and3A_1485 : i32 to vector<16xi32>
      %and3A_1487 = arith.andi %get3A_1484, %and3A_1486 : vector<16xi32>
      %add3A_1488 = arith.constant 448 : i32
      %add3A_1489 = vector.broadcast %add3A_1488 : i32 to vector<16xi32>
      %add3A_1490 = arith.addi %iota3A, %add3A_1489 : vector<16xi32>
      %gather3A_1491 = tpu.vector_load_idx %arg12[%add3A_1490, %and3A_1487] : memref<1024x16xf32, #tpu.memory_space<vmem>>[vector<16xi32>, vector<16xi32>], vector<16xf32>,
      %swap3A_1492 = arith.constant 3 : i32
      %swap3A_1493 = arith.index_cast %swap3A_1492 : i32 to index
      %swap3A_1494 = arith.constant 64 : index
      %swap3A_1495 = tpu.vector_load %arg13[%swap3A_1493, %swap3A_1494] {strides = array<i32>} : memref<8x128xf32, #tpu.memory_space<vmem>>, vector<16xf32>,
      tpu.vector_store %arg13[%swap3A_1493, %swap3A_1494], %gather3A_1491 {strides = array<i32>} : memref<8x128xf32, #tpu.memory_space<vmem>>, vector<16xf32>,
      %get3A_1496 = arith.constant 3 : i32
      %get3A_1497 = arith.index_cast %get3A_1496 : i32 to index
      %get3A_1498 = arith.constant 80 : index
      %get3A_1499 = tpu.vector_load %arg9[%get3A_1497, %get3A_1498] {strides = array<i32>} : memref<8x128xi32, #tpu.memory_space<vmem>>, vector<16xi32>,
      %and3A_1500 = arith.constant 15 : i32
      %and3A_1501 = vector.broadcast %and3A_1500 : i32 to vector<16xi32>
      %and3A_1502 = arith.andi %get3A_1499, %and3A_1501 : vector<16xi32>
      %add3A_1503 = arith.constant 464 : i32
      %add3A_1504 = vector.broadcast %add3A_1503 : i32 to vector<16xi32>
      %add3A_1505 = arith.addi %iota3A, %add3A_1504 : vector<16xi32>
      %gather3A_1506 = tpu.vector_load_idx %arg12[%add3A_1505, %and3A_1502] : memref<1024x16xf32, #tpu.memory_space<vmem>>[vector<16xi32>, vector<16xi32>], vector<16xf32>,
      %swap3A_1507 = arith.constant 3 : i32
      %swap3A_1508 = arith.index_cast %swap3A_1507 : i32 to index
      %swap3A_1509 = arith.constant 80 : index
      %swap3A_1510 = tpu.vector_load %arg13[%swap3A_1508, %swap3A_1509] {strides = array<i32>} : memref<8x128xf32, #tpu.memory_space<vmem>>, vector<16xf32>,
      tpu.vector_store %arg13[%swap3A_1508, %swap3A_1509], %gather3A_1506 {strides = array<i32>} : memref<8x128xf32, #tpu.memory_space<vmem>>, vector<16xf32>,
      %get3A_1511 = arith.constant 3 : i32
      %get3A_1512 = arith.index_cast %get3A_1511 : i32 to index
      %get3A_1513 = arith.constant 96 : index
      %get3A_1514 = tpu.vector_load %arg9[%get3A_1512, %get3A_1513] {strides = array<i32>} : memref<8x128xi32, #tpu.memory_space<vmem>>, vector<16xi32>,
      %and3A_1515 = arith.constant 15 : i32
      %and3A_1516 = vector.broadcast %and3A_1515 : i32 to vector<16xi32>
      %and3A_1517 = arith.andi %get3A_1514, %and3A_1516 : vector<16xi32>
      %add3A_1518 = arith.constant 480 : i32
      %add3A_1519 = vector.broadcast %add3A_1518 : i32 to vector<16xi32>
      %add3A_1520 = arith.addi %iota3A, %add3A_1519 : vector<16xi32>
      %gather3A_1521 = tpu.vector_load_idx %arg12[%add3A_1520, %and3A_1517] : memref<1024x16xf32, #tpu.memory_space<vmem>>[vector<16xi32>, vector<16xi32>], vector<16xf32>,
      %swap3A_1522 = arith.constant 3 : i32
      %swap3A_1523 = arith.index_cast %swap3A_1522 : i32 to index
      %swap3A_1524 = arith.constant 96 : index
      %swap3A_1525 = tpu.vector_load %arg13[%swap3A_1523, %swap3A_1524] {strides = array<i32>} : memref<8x128xf32, #tpu.memory_space<vmem>>, vector<16xf32>,
      tpu.vector_store %arg13[%swap3A_1523, %swap3A_1524], %gather3A_1521 {strides = array<i32>} : memref<8x128xf32, #tpu.memory_space<vmem>>, vector<16xf32>,
      %get3A_1526 = arith.constant 3 : i32
      %get3A_1527 = arith.index_cast %get3A_1526 : i32 to index
      %get3A_1528 = arith.constant 112 : index
      %get3A_1529 = tpu.vector_load %arg9[%get3A_1527, %get3A_1528] {strides = array<i32>} : memref<8x128xi32, #tpu.memory_space<vmem>>, vector<16xi32>,
      %and3A_1530 = arith.constant 15 : i32
      %and3A_1531 = vector.broadcast %and3A_1530 : i32 to vector<16xi32>
      %and3A_1532 = arith.andi %get3A_1529, %and3A_1531 : vector<16xi32>
      %add3A_1533 = arith.constant 496 : i32
      %add3A_1534 = vector.broadcast %add3A_1533 : i32 to vector<16xi32>
      %add3A_1535 = arith.addi %iota3A, %add3A_1534 : vector<16xi32>
      %gather3A_1536 = tpu.vector_load_idx %arg12[%add3A_1535, %and3A_1532] : memref<1024x16xf32, #tpu.memory_space<vmem>>[vector<16xi32>, vector<16xi32>], vector<16xf32>,
      %swap3A_1537 = arith.constant 3 : i32
      %swap3A_1538 = arith.index_cast %swap3A_1537 : i32 to index
      %swap3A_1539 = arith.constant 112 : index
      %swap3A_1540 = tpu.vector_load %arg13[%swap3A_1538, %swap3A_1539] {strides = array<i32>} : memref<8x128xf32, #tpu.memory_space<vmem>>, vector<16xf32>,
      tpu.vector_store %arg13[%swap3A_1538, %swap3A_1539], %gather3A_1536 {strides = array<i32>} : memref<8x128xf32, #tpu.memory_space<vmem>>, vector<16xf32>,
      %get3A_1541 = arith.constant 4 : i32
      %get3A_1542 = arith.index_cast %get3A_1541 : i32 to index
      %get3A_1543 = arith.constant 0 : index
      %get3A_1544 = tpu.vector_load %arg9[%get3A_1542, %get3A_1543] {strides = array<i32>} : memref<8x128xi32, #tpu.memory_space<vmem>>, vector<16xi32>,
      %and3A_1545 = arith.constant 15 : i32
      %and3A_1546 = vector.broadcast %and3A_1545 : i32 to vector<16xi32>
      %and3A_1547 = arith.andi %get3A_1544, %and3A_1546 : vector<16xi32>
      %add3A_1548 = arith.constant 512 : i32
      %add3A_1549 = vector.broadcast %add3A_1548 : i32 to vector<16xi32>
      %add3A_1550 = arith.addi %iota3A, %add3A_1549 : vector<16xi32>
      %gather3A_1551 = tpu.vector_load_idx %arg12[%add3A_1550, %and3A_1547] : memref<1024x16xf32, #tpu.memory_space<vmem>>[vector<16xi32>, vector<16xi32>], vector<16xf32>,
      %swap3A_1552 = arith.constant 4 : i32
      %swap3A_1553 = arith.index_cast %swap3A_1552 : i32 to index
      %swap3A_1554 = arith.constant 0 : index
      %swap3A_1555 = tpu.vector_load %arg13[%swap3A_1553, %swap3A_1554] {strides = array<i32>} : memref<8x128xf32, #tpu.memory_space<vmem>>, vector<16xf32>,
      tpu.vector_store %arg13[%swap3A_1553, %swap3A_1554], %gather3A_1551 {strides = array<i32>} : memref<8x128xf32, #tpu.memory_space<vmem>>, vector<16xf32>,
      %get3A_1556 = arith.constant 4 : i32
      %get3A_1557 = arith.index_cast %get3A_1556 : i32 to index
      %get3A_1558 = arith.constant 16 : index
      %get3A_1559 = tpu.vector_load %arg9[%get3A_1557, %get3A_1558] {strides = array<i32>} : memref<8x128xi32, #tpu.memory_space<vmem>>, vector<16xi32>,
      %and3A_1560 = arith.constant 15 : i32
      %and3A_1561 = vector.broadcast %and3A_1560 : i32 to vector<16xi32>
      %and3A_1562 = arith.andi %get3A_1559, %and3A_1561 : vector<16xi32>
      %add3A_1563 = arith.constant 528 : i32
      %add3A_1564 = vector.broadcast %add3A_1563 : i32 to vector<16xi32>
      %add3A_1565 = arith.addi %iota3A, %add3A_1564 : vector<16xi32>
      %gather3A_1566 = tpu.vector_load_idx %arg12[%add3A_1565, %and3A_1562] : memref<1024x16xf32, #tpu.memory_space<vmem>>[vector<16xi32>, vector<16xi32>], vector<16xf32>,
      %swap3A_1567 = arith.constant 4 : i32
      %swap3A_1568 = arith.index_cast %swap3A_1567 : i32 to index
      %swap3A_1569 = arith.constant 16 : index
      %swap3A_1570 = tpu.vector_load %arg13[%swap3A_1568, %swap3A_1569] {strides = array<i32>} : memref<8x128xf32, #tpu.memory_space<vmem>>, vector<16xf32>,
      tpu.vector_store %arg13[%swap3A_1568, %swap3A_1569], %gather3A_1566 {strides = array<i32>} : memref<8x128xf32, #tpu.memory_space<vmem>>, vector<16xf32>,
      %get3A_1571 = arith.constant 4 : i32
      %get3A_1572 = arith.index_cast %get3A_1571 : i32 to index
      %get3A_1573 = arith.constant 32 : index
      %get3A_1574 = tpu.vector_load %arg9[%get3A_1572, %get3A_1573] {strides = array<i32>} : memref<8x128xi32, #tpu.memory_space<vmem>>, vector<16xi32>,
      %and3A_1575 = arith.constant 15 : i32
      %and3A_1576 = vector.broadcast %and3A_1575 : i32 to vector<16xi32>
      %and3A_1577 = arith.andi %get3A_1574, %and3A_1576 : vector<16xi32>
      %add3A_1578 = arith.constant 544 : i32
      %add3A_1579 = vector.broadcast %add3A_1578 : i32 to vector<16xi32>
      %add3A_1580 = arith.addi %iota3A, %add3A_1579 : vector<16xi32>
      %gather3A_1581 = tpu.vector_load_idx %arg12[%add3A_1580, %and3A_1577] : memref<1024x16xf32, #tpu.memory_space<vmem>>[vector<16xi32>, vector<16xi32>], vector<16xf32>,
      %swap3A_1582 = arith.constant 4 : i32
      %swap3A_1583 = arith.index_cast %swap3A_1582 : i32 to index
      %swap3A_1584 = arith.constant 32 : index
      %swap3A_1585 = tpu.vector_load %arg13[%swap3A_1583, %swap3A_1584] {strides = array<i32>} : memref<8x128xf32, #tpu.memory_space<vmem>>, vector<16xf32>,
      tpu.vector_store %arg13[%swap3A_1583, %swap3A_1584], %gather3A_1581 {strides = array<i32>} : memref<8x128xf32, #tpu.memory_space<vmem>>, vector<16xf32>,
      %get3A_1586 = arith.constant 4 : i32
      %get3A_1587 = arith.index_cast %get3A_1586 : i32 to index
      %get3A_1588 = arith.constant 48 : index
      %get3A_1589 = tpu.vector_load %arg9[%get3A_1587, %get3A_1588] {strides = array<i32>} : memref<8x128xi32, #tpu.memory_space<vmem>>, vector<16xi32>,
      %and3A_1590 = arith.constant 15 : i32
      %and3A_1591 = vector.broadcast %and3A_1590 : i32 to vector<16xi32>
      %and3A_1592 = arith.andi %get3A_1589, %and3A_1591 : vector<16xi32>
      %add3A_1593 = arith.constant 560 : i32
      %add3A_1594 = vector.broadcast %add3A_1593 : i32 to vector<16xi32>
      %add3A_1595 = arith.addi %iota3A, %add3A_1594 : vector<16xi32>
      %gather3A_1596 = tpu.vector_load_idx %arg12[%add3A_1595, %and3A_1592] : memref<1024x16xf32, #tpu.memory_space<vmem>>[vector<16xi32>, vector<16xi32>], vector<16xf32>,
      %swap3A_1597 = arith.constant 4 : i32
      %swap3A_1598 = arith.index_cast %swap3A_1597 : i32 to index
      %swap3A_1599 = arith.constant 48 : index
      %swap3A_1600 = tpu.vector_load %arg13[%swap3A_1598, %swap3A_1599] {strides = array<i32>} : memref<8x128xf32, #tpu.memory_space<vmem>>, vector<16xf32>,
      tpu.vector_store %arg13[%swap3A_1598, %swap3A_1599], %gather3A_1596 {strides = array<i32>} : memref<8x128xf32, #tpu.memory_space<vmem>>, vector<16xf32>,
      %get3A_1601 = arith.constant 4 : i32
      %get3A_1602 = arith.index_cast %get3A_1601 : i32 to index
      %get3A_1603 = arith.constant 64 : index
      %get3A_1604 = tpu.vector_load %arg9[%get3A_1602, %get3A_1603] {strides = array<i32>} : memref<8x128xi32, #tpu.memory_space<vmem>>, vector<16xi32>,
      %and3A_1605 = arith.constant 15 : i32
      %and3A_1606 = vector.broadcast %and3A_1605 : i32 to vector<16xi32>
      %and3A_1607 = arith.andi %get3A_1604, %and3A_1606 : vector<16xi32>
      %add3A_1608 = arith.constant 576 : i32
      %add3A_1609 = vector.broadcast %add3A_1608 : i32 to vector<16xi32>
      %add3A_1610 = arith.addi %iota3A, %add3A_1609 : vector<16xi32>
      %gather3A_1611 = tpu.vector_load_idx %arg12[%add3A_1610, %and3A_1607] : memref<1024x16xf32, #tpu.memory_space<vmem>>[vector<16xi32>, vector<16xi32>], vector<16xf32>,
      %swap3A_1612 = arith.constant 4 : i32
      %swap3A_1613 = arith.index_cast %swap3A_1612 : i32 to index
      %swap3A_1614 = arith.constant 64 : index
      %swap3A_1615 = tpu.vector_load %arg13[%swap3A_1613, %swap3A_1614] {strides = array<i32>} : memref<8x128xf32, #tpu.memory_space<vmem>>, vector<16xf32>,
      tpu.vector_store %arg13[%swap3A_1613, %swap3A_1614], %gather3A_1611 {strides = array<i32>} : memref<8x128xf32, #tpu.memory_space<vmem>>, vector<16xf32>,
      %get3A_1616 = arith.constant 4 : i32
      %get3A_1617 = arith.index_cast %get3A_1616 : i32 to index
      %get3A_1618 = arith.constant 80 : index
      %get3A_1619 = tpu.vector_load %arg9[%get3A_1617, %get3A_1618] {strides = array<i32>} : memref<8x128xi32, #tpu.memory_space<vmem>>, vector<16xi32>,
      %and3A_1620 = arith.constant 15 : i32
      %and3A_1621 = vector.broadcast %and3A_1620 : i32 to vector<16xi32>
      %and3A_1622 = arith.andi %get3A_1619, %and3A_1621 : vector<16xi32>
      %add3A_1623 = arith.constant 592 : i32
      %add3A_1624 = vector.broadcast %add3A_1623 : i32 to vector<16xi32>
      %add3A_1625 = arith.addi %iota3A, %add3A_1624 : vector<16xi32>
      %gather3A_1626 = tpu.vector_load_idx %arg12[%add3A_1625, %and3A_1622] : memref<1024x16xf32, #tpu.memory_space<vmem>>[vector<16xi32>, vector<16xi32>], vector<16xf32>,
      %swap3A_1627 = arith.constant 4 : i32
      %swap3A_1628 = arith.index_cast %swap3A_1627 : i32 to index
      %swap3A_1629 = arith.constant 80 : index
      %swap3A_1630 = tpu.vector_load %arg13[%swap3A_1628, %swap3A_1629] {strides = array<i32>} : memref<8x128xf32, #tpu.memory_space<vmem>>, vector<16xf32>,
      tpu.vector_store %arg13[%swap3A_1628, %swap3A_1629], %gather3A_1626 {strides = array<i32>} : memref<8x128xf32, #tpu.memory_space<vmem>>, vector<16xf32>,
      %get3A_1631 = arith.constant 4 : i32
      %get3A_1632 = arith.index_cast %get3A_1631 : i32 to index
      %get3A_1633 = arith.constant 96 : index
      %get3A_1634 = tpu.vector_load %arg9[%get3A_1632, %get3A_1633] {strides = array<i32>} : memref<8x128xi32, #tpu.memory_space<vmem>>, vector<16xi32>,
      %and3A_1635 = arith.constant 15 : i32
      %and3A_1636 = vector.broadcast %and3A_1635 : i32 to vector<16xi32>
      %and3A_1637 = arith.andi %get3A_1634, %and3A_1636 : vector<16xi32>
      %add3A_1638 = arith.constant 608 : i32
      %add3A_1639 = vector.broadcast %add3A_1638 : i32 to vector<16xi32>
      %add3A_1640 = arith.addi %iota3A, %add3A_1639 : vector<16xi32>
      %gather3A_1641 = tpu.vector_load_idx %arg12[%add3A_1640, %and3A_1637] : memref<1024x16xf32, #tpu.memory_space<vmem>>[vector<16xi32>, vector<16xi32>], vector<16xf32>,
      %swap3A_1642 = arith.constant 4 : i32
      %swap3A_1643 = arith.index_cast %swap3A_1642 : i32 to index
      %swap3A_1644 = arith.constant 96 : index
      %swap3A_1645 = tpu.vector_load %arg13[%swap3A_1643, %swap3A_1644] {strides = array<i32>} : memref<8x128xf32, #tpu.memory_space<vmem>>, vector<16xf32>,
      tpu.vector_store %arg13[%swap3A_1643, %swap3A_1644], %gather3A_1641 {strides = array<i32>} : memref<8x128xf32, #tpu.memory_space<vmem>>, vector<16xf32>,
      %get3A_1646 = arith.constant 4 : i32
      %get3A_1647 = arith.index_cast %get3A_1646 : i32 to index
      %get3A_1648 = arith.constant 112 : index
      %get3A_1649 = tpu.vector_load %arg9[%get3A_1647, %get3A_1648] {strides = array<i32>} : memref<8x128xi32, #tpu.memory_space<vmem>>, vector<16xi32>,
      %and3A_1650 = arith.constant 15 : i32
      %and3A_1651 = vector.broadcast %and3A_1650 : i32 to vector<16xi32>
      %and3A_1652 = arith.andi %get3A_1649, %and3A_1651 : vector<16xi32>
      %add3A_1653 = arith.constant 624 : i32
      %add3A_1654 = vector.broadcast %add3A_1653 : i32 to vector<16xi32>
      %add3A_1655 = arith.addi %iota3A, %add3A_1654 : vector<16xi32>
      %gather3A_1656 = tpu.vector_load_idx %arg12[%add3A_1655, %and3A_1652] : memref<1024x16xf32, #tpu.memory_space<vmem>>[vector<16xi32>, vector<16xi32>], vector<16xf32>,
      %swap3A_1657 = arith.constant 4 : i32
      %swap3A_1658 = arith.index_cast %swap3A_1657 : i32 to index
      %swap3A_1659 = arith.constant 112 : index
      %swap3A_1660 = tpu.vector_load %arg13[%swap3A_1658, %swap3A_1659] {strides = array<i32>} : memref<8x128xf32, #tpu.memory_space<vmem>>, vector<16xf32>,
      tpu.vector_store %arg13[%swap3A_1658, %swap3A_1659], %gather3A_1656 {strides = array<i32>} : memref<8x128xf32, #tpu.memory_space<vmem>>, vector<16xf32>,
      %get3A_1661 = arith.constant 5 : i32
      %get3A_1662 = arith.index_cast %get3A_1661 : i32 to index
      %get3A_1663 = arith.constant 0 : index
      %get3A_1664 = tpu.vector_load %arg9[%get3A_1662, %get3A_1663] {strides = array<i32>} : memref<8x128xi32, #tpu.memory_space<vmem>>, vector<16xi32>,
      %and3A_1665 = arith.constant 15 : i32
      %and3A_1666 = vector.broadcast %and3A_1665 : i32 to vector<16xi32>
      %and3A_1667 = arith.andi %get3A_1664, %and3A_1666 : vector<16xi32>
      %add3A_1668 = arith.constant 640 : i32
      %add3A_1669 = vector.broadcast %add3A_1668 : i32 to vector<16xi32>
      %add3A_1670 = arith.addi %iota3A, %add3A_1669 : vector<16xi32>
      %gather3A_1671 = tpu.vector_load_idx %arg12[%add3A_1670, %and3A_1667] : memref<1024x16xf32, #tpu.memory_space<vmem>>[vector<16xi32>, vector<16xi32>], vector<16xf32>,
      %swap3A_1672 = arith.constant 5 : i32
      %swap3A_1673 = arith.index_cast %swap3A_1672 : i32 to index
      %swap3A_1674 = arith.constant 0 : index
      %swap3A_1675 = tpu.vector_load %arg13[%swap3A_1673, %swap3A_1674] {strides = array<i32>} : memref<8x128xf32, #tpu.memory_space<vmem>>, vector<16xf32>,
      tpu.vector_store %arg13[%swap3A_1673, %swap3A_1674], %gather3A_1671 {strides = array<i32>} : memref<8x128xf32, #tpu.memory_space<vmem>>, vector<16xf32>,
      %get3A_1676 = arith.constant 5 : i32
      %get3A_1677 = arith.index_cast %get3A_1676 : i32 to index
      %get3A_1678 = arith.constant 16 : index
      %get3A_1679 = tpu.vector_load %arg9[%get3A_1677, %get3A_1678] {strides = array<i32>} : memref<8x128xi32, #tpu.memory_space<vmem>>, vector<16xi32>,
      %and3A_1680 = arith.constant 15 : i32
      %and3A_1681 = vector.broadcast %and3A_1680 : i32 to vector<16xi32>
      %and3A_1682 = arith.andi %get3A_1679, %and3A_1681 : vector<16xi32>
      %add3A_1683 = arith.constant 656 : i32
      %add3A_1684 = vector.broadcast %add3A_1683 : i32 to vector<16xi32>
      %add3A_1685 = arith.addi %iota3A, %add3A_1684 : vector<16xi32>
      %gather3A_1686 = tpu.vector_load_idx %arg12[%add3A_1685, %and3A_1682] : memref<1024x16xf32, #tpu.memory_space<vmem>>[vector<16xi32>, vector<16xi32>], vector<16xf32>,
      %swap3A_1687 = arith.constant 5 : i32
      %swap3A_1688 = arith.index_cast %swap3A_1687 : i32 to index
      %swap3A_1689 = arith.constant 16 : index
      %swap3A_1690 = tpu.vector_load %arg13[%swap3A_1688, %swap3A_1689] {strides = array<i32>} : memref<8x128xf32, #tpu.memory_space<vmem>>, vector<16xf32>,
      tpu.vector_store %arg13[%swap3A_1688, %swap3A_1689], %gather3A_1686 {strides = array<i32>} : memref<8x128xf32, #tpu.memory_space<vmem>>, vector<16xf32>,
      %get3A_1691 = arith.constant 5 : i32
      %get3A_1692 = arith.index_cast %get3A_1691 : i32 to index
      %get3A_1693 = arith.constant 32 : index
      %get3A_1694 = tpu.vector_load %arg9[%get3A_1692, %get3A_1693] {strides = array<i32>} : memref<8x128xi32, #tpu.memory_space<vmem>>, vector<16xi32>,
      %and3A_1695 = arith.constant 15 : i32
      %and3A_1696 = vector.broadcast %and3A_1695 : i32 to vector<16xi32>
      %and3A_1697 = arith.andi %get3A_1694, %and3A_1696 : vector<16xi32>
      %add3A_1698 = arith.constant 672 : i32
      %add3A_1699 = vector.broadcast %add3A_1698 : i32 to vector<16xi32>
      %add3A_1700 = arith.addi %iota3A, %add3A_1699 : vector<16xi32>
      %gather3A_1701 = tpu.vector_load_idx %arg12[%add3A_1700, %and3A_1697] : memref<1024x16xf32, #tpu.memory_space<vmem>>[vector<16xi32>, vector<16xi32>], vector<16xf32>,
      %swap3A_1702 = arith.constant 5 : i32
      %swap3A_1703 = arith.index_cast %swap3A_1702 : i32 to index
      %swap3A_1704 = arith.constant 32 : index
      %swap3A_1705 = tpu.vector_load %arg13[%swap3A_1703, %swap3A_1704] {strides = array<i32>} : memref<8x128xf32, #tpu.memory_space<vmem>>, vector<16xf32>,
      tpu.vector_store %arg13[%swap3A_1703, %swap3A_1704], %gather3A_1701 {strides = array<i32>} : memref<8x128xf32, #tpu.memory_space<vmem>>, vector<16xf32>,
      %get3A_1706 = arith.constant 5 : i32
      %get3A_1707 = arith.index_cast %get3A_1706 : i32 to index
      %get3A_1708 = arith.constant 48 : index
      %get3A_1709 = tpu.vector_load %arg9[%get3A_1707, %get3A_1708] {strides = array<i32>} : memref<8x128xi32, #tpu.memory_space<vmem>>, vector<16xi32>,
      %and3A_1710 = arith.constant 15 : i32
      %and3A_1711 = vector.broadcast %and3A_1710 : i32 to vector<16xi32>
      %and3A_1712 = arith.andi %get3A_1709, %and3A_1711 : vector<16xi32>
      %add3A_1713 = arith.constant 688 : i32
      %add3A_1714 = vector.broadcast %add3A_1713 : i32 to vector<16xi32>
      %add3A_1715 = arith.addi %iota3A, %add3A_1714 : vector<16xi32>
      %gather3A_1716 = tpu.vector_load_idx %arg12[%add3A_1715, %and3A_1712] : memref<1024x16xf32, #tpu.memory_space<vmem>>[vector<16xi32>, vector<16xi32>], vector<16xf32>,
      %swap3A_1717 = arith.constant 5 : i32
      %swap3A_1718 = arith.index_cast %swap3A_1717 : i32 to index
      %swap3A_1719 = arith.constant 48 : index
      %swap3A_1720 = tpu.vector_load %arg13[%swap3A_1718, %swap3A_1719] {strides = array<i32>} : memref<8x128xf32, #tpu.memory_space<vmem>>, vector<16xf32>,
      tpu.vector_store %arg13[%swap3A_1718, %swap3A_1719], %gather3A_1716 {strides = array<i32>} : memref<8x128xf32, #tpu.memory_space<vmem>>, vector<16xf32>,
      %get3A_1721 = arith.constant 5 : i32
      %get3A_1722 = arith.index_cast %get3A_1721 : i32 to index
      %get3A_1723 = arith.constant 64 : index
      %get3A_1724 = tpu.vector_load %arg9[%get3A_1722, %get3A_1723] {strides = array<i32>} : memref<8x128xi32, #tpu.memory_space<vmem>>, vector<16xi32>,
      %and3A_1725 = arith.constant 15 : i32
      %and3A_1726 = vector.broadcast %and3A_1725 : i32 to vector<16xi32>
      %and3A_1727 = arith.andi %get3A_1724, %and3A_1726 : vector<16xi32>
      %add3A_1728 = arith.constant 704 : i32
      %add3A_1729 = vector.broadcast %add3A_1728 : i32 to vector<16xi32>
      %add3A_1730 = arith.addi %iota3A, %add3A_1729 : vector<16xi32>
      %gather3A_1731 = tpu.vector_load_idx %arg12[%add3A_1730, %and3A_1727] : memref<1024x16xf32, #tpu.memory_space<vmem>>[vector<16xi32>, vector<16xi32>], vector<16xf32>,
      %swap3A_1732 = arith.constant 5 : i32
      %swap3A_1733 = arith.index_cast %swap3A_1732 : i32 to index
      %swap3A_1734 = arith.constant 64 : index
      %swap3A_1735 = tpu.vector_load %arg13[%swap3A_1733, %swap3A_1734] {strides = array<i32>} : memref<8x128xf32, #tpu.memory_space<vmem>>, vector<16xf32>,
      tpu.vector_store %arg13[%swap3A_1733, %swap3A_1734], %gather3A_1731 {strides = array<i32>} : memref<8x128xf32, #tpu.memory_space<vmem>>, vector<16xf32>,
      %get3A_1736 = arith.constant 5 : i32
      %get3A_1737 = arith.index_cast %get3A_1736 : i32 to index
      %get3A_1738 = arith.constant 80 : index
      %get3A_1739 = tpu.vector_load %arg9[%get3A_1737, %get3A_1738] {strides = array<i32>} : memref<8x128xi32, #tpu.memory_space<vmem>>, vector<16xi32>,
      %and3A_1740 = arith.constant 15 : i32
      %and3A_1741 = vector.broadcast %and3A_1740 : i32 to vector<16xi32>
      %and3A_1742 = arith.andi %get3A_1739, %and3A_1741 : vector<16xi32>
      %add3A_1743 = arith.constant 720 : i32
      %add3A_1744 = vector.broadcast %add3A_1743 : i32 to vector<16xi32>
      %add3A_1745 = arith.addi %iota3A, %add3A_1744 : vector<16xi32>
      %gather3A_1746 = tpu.vector_load_idx %arg12[%add3A_1745, %and3A_1742] : memref<1024x16xf32, #tpu.memory_space<vmem>>[vector<16xi32>, vector<16xi32>], vector<16xf32>,
      %swap3A_1747 = arith.constant 5 : i32
      %swap3A_1748 = arith.index_cast %swap3A_1747 : i32 to index
      %swap3A_1749 = arith.constant 80 : index
      %swap3A_1750 = tpu.vector_load %arg13[%swap3A_1748, %swap3A_1749] {strides = array<i32>} : memref<8x128xf32, #tpu.memory_space<vmem>>, vector<16xf32>,
      tpu.vector_store %arg13[%swap3A_1748, %swap3A_1749], %gather3A_1746 {strides = array<i32>} : memref<8x128xf32, #tpu.memory_space<vmem>>, vector<16xf32>,
      %get3A_1751 = arith.constant 5 : i32
      %get3A_1752 = arith.index_cast %get3A_1751 : i32 to index
      %get3A_1753 = arith.constant 96 : index
      %get3A_1754 = tpu.vector_load %arg9[%get3A_1752, %get3A_1753] {strides = array<i32>} : memref<8x128xi32, #tpu.memory_space<vmem>>, vector<16xi32>,
      %and3A_1755 = arith.constant 15 : i32
      %and3A_1756 = vector.broadcast %and3A_1755 : i32 to vector<16xi32>
      %and3A_1757 = arith.andi %get3A_1754, %and3A_1756 : vector<16xi32>
      %add3A_1758 = arith.constant 736 : i32
      %add3A_1759 = vector.broadcast %add3A_1758 : i32 to vector<16xi32>
      %add3A_1760 = arith.addi %iota3A, %add3A_1759 : vector<16xi32>
      %gather3A_1761 = tpu.vector_load_idx %arg12[%add3A_1760, %and3A_1757] : memref<1024x16xf32, #tpu.memory_space<vmem>>[vector<16xi32>, vector<16xi32>], vector<16xf32>,
      %swap3A_1762 = arith.constant 5 : i32
      %swap3A_1763 = arith.index_cast %swap3A_1762 : i32 to index
      %swap3A_1764 = arith.constant 96 : index
      %swap3A_1765 = tpu.vector_load %arg13[%swap3A_1763, %swap3A_1764] {strides = array<i32>} : memref<8x128xf32, #tpu.memory_space<vmem>>, vector<16xf32>,
      tpu.vector_store %arg13[%swap3A_1763, %swap3A_1764], %gather3A_1761 {strides = array<i32>} : memref<8x128xf32, #tpu.memory_space<vmem>>, vector<16xf32>,
      %get3A_1766 = arith.constant 5 : i32
      %get3A_1767 = arith.index_cast %get3A_1766 : i32 to index
      %get3A_1768 = arith.constant 112 : index
      %get3A_1769 = tpu.vector_load %arg9[%get3A_1767, %get3A_1768] {strides = array<i32>} : memref<8x128xi32, #tpu.memory_space<vmem>>, vector<16xi32>,
      %and3A_1770 = arith.constant 15 : i32
      %and3A_1771 = vector.broadcast %and3A_1770 : i32 to vector<16xi32>
      %and3A_1772 = arith.andi %get3A_1769, %and3A_1771 : vector<16xi32>
      %add3A_1773 = arith.constant 752 : i32
      %add3A_1774 = vector.broadcast %add3A_1773 : i32 to vector<16xi32>
      %add3A_1775 = arith.addi %iota3A, %add3A_1774 : vector<16xi32>
      %gather3A_1776 = tpu.vector_load_idx %arg12[%add3A_1775, %and3A_1772] : memref<1024x16xf32, #tpu.memory_space<vmem>>[vector<16xi32>, vector<16xi32>], vector<16xf32>,
      %swap3A_1777 = arith.constant 5 : i32
      %swap3A_1778 = arith.index_cast %swap3A_1777 : i32 to index
      %swap3A_1779 = arith.constant 112 : index
      %swap3A_1780 = tpu.vector_load %arg13[%swap3A_1778, %swap3A_1779] {strides = array<i32>} : memref<8x128xf32, #tpu.memory_space<vmem>>, vector<16xf32>,
      tpu.vector_store %arg13[%swap3A_1778, %swap3A_1779], %gather3A_1776 {strides = array<i32>} : memref<8x128xf32, #tpu.memory_space<vmem>>, vector<16xf32>,
      %get3A_1781 = arith.constant 6 : i32
      %get3A_1782 = arith.index_cast %get3A_1781 : i32 to index
      %get3A_1783 = arith.constant 0 : index
      %get3A_1784 = tpu.vector_load %arg9[%get3A_1782, %get3A_1783] {strides = array<i32>} : memref<8x128xi32, #tpu.memory_space<vmem>>, vector<16xi32>,
      %and3A_1785 = arith.constant 15 : i32
      %and3A_1786 = vector.broadcast %and3A_1785 : i32 to vector<16xi32>
      %and3A_1787 = arith.andi %get3A_1784, %and3A_1786 : vector<16xi32>
      %add3A_1788 = arith.constant 768 : i32
      %add3A_1789 = vector.broadcast %add3A_1788 : i32 to vector<16xi32>
      %add3A_1790 = arith.addi %iota3A, %add3A_1789 : vector<16xi32>
      %gather3A_1791 = tpu.vector_load_idx %arg12[%add3A_1790, %and3A_1787] : memref<1024x16xf32, #tpu.memory_space<vmem>>[vector<16xi32>, vector<16xi32>], vector<16xf32>,
      %swap3A_1792 = arith.constant 6 : i32
      %swap3A_1793 = arith.index_cast %swap3A_1792 : i32 to index
      %swap3A_1794 = arith.constant 0 : index
      %swap3A_1795 = tpu.vector_load %arg13[%swap3A_1793, %swap3A_1794] {strides = array<i32>} : memref<8x128xf32, #tpu.memory_space<vmem>>, vector<16xf32>,
      tpu.vector_store %arg13[%swap3A_1793, %swap3A_1794], %gather3A_1791 {strides = array<i32>} : memref<8x128xf32, #tpu.memory_space<vmem>>, vector<16xf32>,
      %get3A_1796 = arith.constant 6 : i32
      %get3A_1797 = arith.index_cast %get3A_1796 : i32 to index
      %get3A_1798 = arith.constant 16 : index
      %get3A_1799 = tpu.vector_load %arg9[%get3A_1797, %get3A_1798] {strides = array<i32>} : memref<8x128xi32, #tpu.memory_space<vmem>>, vector<16xi32>,
      %and3A_1800 = arith.constant 15 : i32
      %and3A_1801 = vector.broadcast %and3A_1800 : i32 to vector<16xi32>
      %and3A_1802 = arith.andi %get3A_1799, %and3A_1801 : vector<16xi32>
      %add3A_1803 = arith.constant 784 : i32
      %add3A_1804 = vector.broadcast %add3A_1803 : i32 to vector<16xi32>
      %add3A_1805 = arith.addi %iota3A, %add3A_1804 : vector<16xi32>
      %gather3A_1806 = tpu.vector_load_idx %arg12[%add3A_1805, %and3A_1802] : memref<1024x16xf32, #tpu.memory_space<vmem>>[vector<16xi32>, vector<16xi32>], vector<16xf32>,
      %swap3A_1807 = arith.constant 6 : i32
      %swap3A_1808 = arith.index_cast %swap3A_1807 : i32 to index
      %swap3A_1809 = arith.constant 16 : index
      %swap3A_1810 = tpu.vector_load %arg13[%swap3A_1808, %swap3A_1809] {strides = array<i32>} : memref<8x128xf32, #tpu.memory_space<vmem>>, vector<16xf32>,
      tpu.vector_store %arg13[%swap3A_1808, %swap3A_1809], %gather3A_1806 {strides = array<i32>} : memref<8x128xf32, #tpu.memory_space<vmem>>, vector<16xf32>,
      %get3A_1811 = arith.constant 6 : i32
      %get3A_1812 = arith.index_cast %get3A_1811 : i32 to index
      %get3A_1813 = arith.constant 32 : index
      %get3A_1814 = tpu.vector_load %arg9[%get3A_1812, %get3A_1813] {strides = array<i32>} : memref<8x128xi32, #tpu.memory_space<vmem>>, vector<16xi32>,
      %and3A_1815 = arith.constant 15 : i32
      %and3A_1816 = vector.broadcast %and3A_1815 : i32 to vector<16xi32>
      %and3A_1817 = arith.andi %get3A_1814, %and3A_1816 : vector<16xi32>
      %add3A_1818 = arith.constant 800 : i32
      %add3A_1819 = vector.broadcast %add3A_1818 : i32 to vector<16xi32>
      %add3A_1820 = arith.addi %iota3A, %add3A_1819 : vector<16xi32>
      %gather3A_1821 = tpu.vector_load_idx %arg12[%add3A_1820, %and3A_1817] : memref<1024x16xf32, #tpu.memory_space<vmem>>[vector<16xi32>, vector<16xi32>], vector<16xf32>,
      %swap3A_1822 = arith.constant 6 : i32
      %swap3A_1823 = arith.index_cast %swap3A_1822 : i32 to index
      %swap3A_1824 = arith.constant 32 : index
      %swap3A_1825 = tpu.vector_load %arg13[%swap3A_1823, %swap3A_1824] {strides = array<i32>} : memref<8x128xf32, #tpu.memory_space<vmem>>, vector<16xf32>,
      tpu.vector_store %arg13[%swap3A_1823, %swap3A_1824], %gather3A_1821 {strides = array<i32>} : memref<8x128xf32, #tpu.memory_space<vmem>>, vector<16xf32>,
      %get3A_1826 = arith.constant 6 : i32
      %get3A_1827 = arith.index_cast %get3A_1826 : i32 to index
      %get3A_1828 = arith.constant 48 : index
      %get3A_1829 = tpu.vector_load %arg9[%get3A_1827, %get3A_1828] {strides = array<i32>} : memref<8x128xi32, #tpu.memory_space<vmem>>, vector<16xi32>,
      %and3A_1830 = arith.constant 15 : i32
      %and3A_1831 = vector.broadcast %and3A_1830 : i32 to vector<16xi32>
      %and3A_1832 = arith.andi %get3A_1829, %and3A_1831 : vector<16xi32>
      %add3A_1833 = arith.constant 816 : i32
      %add3A_1834 = vector.broadcast %add3A_1833 : i32 to vector<16xi32>
      %add3A_1835 = arith.addi %iota3A, %add3A_1834 : vector<16xi32>
      %gather3A_1836 = tpu.vector_load_idx %arg12[%add3A_1835, %and3A_1832] : memref<1024x16xf32, #tpu.memory_space<vmem>>[vector<16xi32>, vector<16xi32>], vector<16xf32>,
      %swap3A_1837 = arith.constant 6 : i32
      %swap3A_1838 = arith.index_cast %swap3A_1837 : i32 to index
      %swap3A_1839 = arith.constant 48 : index
      %swap3A_1840 = tpu.vector_load %arg13[%swap3A_1838, %swap3A_1839] {strides = array<i32>} : memref<8x128xf32, #tpu.memory_space<vmem>>, vector<16xf32>,
      tpu.vector_store %arg13[%swap3A_1838, %swap3A_1839], %gather3A_1836 {strides = array<i32>} : memref<8x128xf32, #tpu.memory_space<vmem>>, vector<16xf32>,
      %get3A_1841 = arith.constant 6 : i32
      %get3A_1842 = arith.index_cast %get3A_1841 : i32 to index
      %get3A_1843 = arith.constant 64 : index
      %get3A_1844 = tpu.vector_load %arg9[%get3A_1842, %get3A_1843] {strides = array<i32>} : memref<8x128xi32, #tpu.memory_space<vmem>>, vector<16xi32>,
      %and3A_1845 = arith.constant 15 : i32
      %and3A_1846 = vector.broadcast %and3A_1845 : i32 to vector<16xi32>
      %and3A_1847 = arith.andi %get3A_1844, %and3A_1846 : vector<16xi32>
      %add3A_1848 = arith.constant 832 : i32
      %add3A_1849 = vector.broadcast %add3A_1848 : i32 to vector<16xi32>
      %add3A_1850 = arith.addi %iota3A, %add3A_1849 : vector<16xi32>
      %gather3A_1851 = tpu.vector_load_idx %arg12[%add3A_1850, %and3A_1847] : memref<1024x16xf32, #tpu.memory_space<vmem>>[vector<16xi32>, vector<16xi32>], vector<16xf32>,
      %swap3A_1852 = arith.constant 6 : i32
      %swap3A_1853 = arith.index_cast %swap3A_1852 : i32 to index
      %swap3A_1854 = arith.constant 64 : index
      %swap3A_1855 = tpu.vector_load %arg13[%swap3A_1853, %swap3A_1854] {strides = array<i32>} : memref<8x128xf32, #tpu.memory_space<vmem>>, vector<16xf32>,
      tpu.vector_store %arg13[%swap3A_1853, %swap3A_1854], %gather3A_1851 {strides = array<i32>} : memref<8x128xf32, #tpu.memory_space<vmem>>, vector<16xf32>,
      %get3A_1856 = arith.constant 6 : i32
      %get3A_1857 = arith.index_cast %get3A_1856 : i32 to index
      %get3A_1858 = arith.constant 80 : index
      %get3A_1859 = tpu.vector_load %arg9[%get3A_1857, %get3A_1858] {strides = array<i32>} : memref<8x128xi32, #tpu.memory_space<vmem>>, vector<16xi32>,
      %and3A_1860 = arith.constant 15 : i32
      %and3A_1861 = vector.broadcast %and3A_1860 : i32 to vector<16xi32>
      %and3A_1862 = arith.andi %get3A_1859, %and3A_1861 : vector<16xi32>
      %add3A_1863 = arith.constant 848 : i32
      %add3A_1864 = vector.broadcast %add3A_1863 : i32 to vector<16xi32>
      %add3A_1865 = arith.addi %iota3A, %add3A_1864 : vector<16xi32>
      %gather3A_1866 = tpu.vector_load_idx %arg12[%add3A_1865, %and3A_1862] : memref<1024x16xf32, #tpu.memory_space<vmem>>[vector<16xi32>, vector<16xi32>], vector<16xf32>,
      %swap3A_1867 = arith.constant 6 : i32
      %swap3A_1868 = arith.index_cast %swap3A_1867 : i32 to index
      %swap3A_1869 = arith.constant 80 : index
      %swap3A_1870 = tpu.vector_load %arg13[%swap3A_1868, %swap3A_1869] {strides = array<i32>} : memref<8x128xf32, #tpu.memory_space<vmem>>, vector<16xf32>,
      tpu.vector_store %arg13[%swap3A_1868, %swap3A_1869], %gather3A_1866 {strides = array<i32>} : memref<8x128xf32, #tpu.memory_space<vmem>>, vector<16xf32>,
      %get3A_1871 = arith.constant 6 : i32
      %get3A_1872 = arith.index_cast %get3A_1871 : i32 to index
      %get3A_1873 = arith.constant 96 : index
      %get3A_1874 = tpu.vector_load %arg9[%get3A_1872, %get3A_1873] {strides = array<i32>} : memref<8x128xi32, #tpu.memory_space<vmem>>, vector<16xi32>,
      %and3A_1875 = arith.constant 15 : i32
      %and3A_1876 = vector.broadcast %and3A_1875 : i32 to vector<16xi32>
      %and3A_1877 = arith.andi %get3A_1874, %and3A_1876 : vector<16xi32>
      %add3A_1878 = arith.constant 864 : i32
      %add3A_1879 = vector.broadcast %add3A_1878 : i32 to vector<16xi32>
      %add3A_1880 = arith.addi %iota3A, %add3A_1879 : vector<16xi32>
      %gather3A_1881 = tpu.vector_load_idx %arg12[%add3A_1880, %and3A_1877] : memref<1024x16xf32, #tpu.memory_space<vmem>>[vector<16xi32>, vector<16xi32>], vector<16xf32>,
      %swap3A_1882 = arith.constant 6 : i32
      %swap3A_1883 = arith.index_cast %swap3A_1882 : i32 to index
      %swap3A_1884 = arith.constant 96 : index
      %swap3A_1885 = tpu.vector_load %arg13[%swap3A_1883, %swap3A_1884] {strides = array<i32>} : memref<8x128xf32, #tpu.memory_space<vmem>>, vector<16xf32>,
      tpu.vector_store %arg13[%swap3A_1883, %swap3A_1884], %gather3A_1881 {strides = array<i32>} : memref<8x128xf32, #tpu.memory_space<vmem>>, vector<16xf32>,
      %get3A_1886 = arith.constant 6 : i32
      %get3A_1887 = arith.index_cast %get3A_1886 : i32 to index
      %get3A_1888 = arith.constant 112 : index
      %get3A_1889 = tpu.vector_load %arg9[%get3A_1887, %get3A_1888] {strides = array<i32>} : memref<8x128xi32, #tpu.memory_space<vmem>>, vector<16xi32>,
      %and3A_1890 = arith.constant 15 : i32
      %and3A_1891 = vector.broadcast %and3A_1890 : i32 to vector<16xi32>
      %and3A_1892 = arith.andi %get3A_1889, %and3A_1891 : vector<16xi32>
      %add3A_1893 = arith.constant 880 : i32
      %add3A_1894 = vector.broadcast %add3A_1893 : i32 to vector<16xi32>
      %add3A_1895 = arith.addi %iota3A, %add3A_1894 : vector<16xi32>
      %gather3A_1896 = tpu.vector_load_idx %arg12[%add3A_1895, %and3A_1892] : memref<1024x16xf32, #tpu.memory_space<vmem>>[vector<16xi32>, vector<16xi32>], vector<16xf32>,
      %swap3A_1897 = arith.constant 6 : i32
      %swap3A_1898 = arith.index_cast %swap3A_1897 : i32 to index
      %swap3A_1899 = arith.constant 112 : index
      %swap3A_1900 = tpu.vector_load %arg13[%swap3A_1898, %swap3A_1899] {strides = array<i32>} : memref<8x128xf32, #tpu.memory_space<vmem>>, vector<16xf32>,
      tpu.vector_store %arg13[%swap3A_1898, %swap3A_1899], %gather3A_1896 {strides = array<i32>} : memref<8x128xf32, #tpu.memory_space<vmem>>, vector<16xf32>,
      %get3A_1901 = arith.constant 7 : i32
      %get3A_1902 = arith.index_cast %get3A_1901 : i32 to index
      %get3A_1903 = arith.constant 0 : index
      %get3A_1904 = tpu.vector_load %arg9[%get3A_1902, %get3A_1903] {strides = array<i32>} : memref<8x128xi32, #tpu.memory_space<vmem>>, vector<16xi32>,
      %and3A_1905 = arith.constant 15 : i32
      %and3A_1906 = vector.broadcast %and3A_1905 : i32 to vector<16xi32>
      %and3A_1907 = arith.andi %get3A_1904, %and3A_1906 : vector<16xi32>
      %add3A_1908 = arith.constant 896 : i32
      %add3A_1909 = vector.broadcast %add3A_1908 : i32 to vector<16xi32>
      %add3A_1910 = arith.addi %iota3A, %add3A_1909 : vector<16xi32>
      %gather3A_1911 = tpu.vector_load_idx %arg12[%add3A_1910, %and3A_1907] : memref<1024x16xf32, #tpu.memory_space<vmem>>[vector<16xi32>, vector<16xi32>], vector<16xf32>,
      %swap3A_1912 = arith.constant 7 : i32
      %swap3A_1913 = arith.index_cast %swap3A_1912 : i32 to index
      %swap3A_1914 = arith.constant 0 : index
      %swap3A_1915 = tpu.vector_load %arg13[%swap3A_1913, %swap3A_1914] {strides = array<i32>} : memref<8x128xf32, #tpu.memory_space<vmem>>, vector<16xf32>,
      tpu.vector_store %arg13[%swap3A_1913, %swap3A_1914], %gather3A_1911 {strides = array<i32>} : memref<8x128xf32, #tpu.memory_space<vmem>>, vector<16xf32>,
      %get3A_1916 = arith.constant 7 : i32
      %get3A_1917 = arith.index_cast %get3A_1916 : i32 to index
      %get3A_1918 = arith.constant 16 : index
      %get3A_1919 = tpu.vector_load %arg9[%get3A_1917, %get3A_1918] {strides = array<i32>} : memref<8x128xi32, #tpu.memory_space<vmem>>, vector<16xi32>,
      %and3A_1920 = arith.constant 15 : i32
      %and3A_1921 = vector.broadcast %and3A_1920 : i32 to vector<16xi32>
      %and3A_1922 = arith.andi %get3A_1919, %and3A_1921 : vector<16xi32>
      %add3A_1923 = arith.constant 912 : i32
      %add3A_1924 = vector.broadcast %add3A_1923 : i32 to vector<16xi32>
      %add3A_1925 = arith.addi %iota3A, %add3A_1924 : vector<16xi32>
      %gather3A_1926 = tpu.vector_load_idx %arg12[%add3A_1925, %and3A_1922] : memref<1024x16xf32, #tpu.memory_space<vmem>>[vector<16xi32>, vector<16xi32>], vector<16xf32>,
      %swap3A_1927 = arith.constant 7 : i32
      %swap3A_1928 = arith.index_cast %swap3A_1927 : i32 to index
      %swap3A_1929 = arith.constant 16 : index
      %swap3A_1930 = tpu.vector_load %arg13[%swap3A_1928, %swap3A_1929] {strides = array<i32>} : memref<8x128xf32, #tpu.memory_space<vmem>>, vector<16xf32>,
      tpu.vector_store %arg13[%swap3A_1928, %swap3A_1929], %gather3A_1926 {strides = array<i32>} : memref<8x128xf32, #tpu.memory_space<vmem>>, vector<16xf32>,
      %get3A_1931 = arith.constant 7 : i32
      %get3A_1932 = arith.index_cast %get3A_1931 : i32 to index
      %get3A_1933 = arith.constant 32 : index
      %get3A_1934 = tpu.vector_load %arg9[%get3A_1932, %get3A_1933] {strides = array<i32>} : memref<8x128xi32, #tpu.memory_space<vmem>>, vector<16xi32>,
      %and3A_1935 = arith.constant 15 : i32
      %and3A_1936 = vector.broadcast %and3A_1935 : i32 to vector<16xi32>
      %and3A_1937 = arith.andi %get3A_1934, %and3A_1936 : vector<16xi32>
      %add3A_1938 = arith.constant 928 : i32
      %add3A_1939 = vector.broadcast %add3A_1938 : i32 to vector<16xi32>
      %add3A_1940 = arith.addi %iota3A, %add3A_1939 : vector<16xi32>
      %gather3A_1941 = tpu.vector_load_idx %arg12[%add3A_1940, %and3A_1937] : memref<1024x16xf32, #tpu.memory_space<vmem>>[vector<16xi32>, vector<16xi32>], vector<16xf32>,
      %swap3A_1942 = arith.constant 7 : i32
      %swap3A_1943 = arith.index_cast %swap3A_1942 : i32 to index
      %swap3A_1944 = arith.constant 32 : index
      %swap3A_1945 = tpu.vector_load %arg13[%swap3A_1943, %swap3A_1944] {strides = array<i32>} : memref<8x128xf32, #tpu.memory_space<vmem>>, vector<16xf32>,
      tpu.vector_store %arg13[%swap3A_1943, %swap3A_1944], %gather3A_1941 {strides = array<i32>} : memref<8x128xf32, #tpu.memory_space<vmem>>, vector<16xf32>,
      %get3A_1946 = arith.constant 7 : i32
      %get3A_1947 = arith.index_cast %get3A_1946 : i32 to index
      %get3A_1948 = arith.constant 48 : index
      %get3A_1949 = tpu.vector_load %arg9[%get3A_1947, %get3A_1948] {strides = array<i32>} : memref<8x128xi32, #tpu.memory_space<vmem>>, vector<16xi32>,
      %and3A_1950 = arith.constant 15 : i32
      %and3A_1951 = vector.broadcast %and3A_1950 : i32 to vector<16xi32>
      %and3A_1952 = arith.andi %get3A_1949, %and3A_1951 : vector<16xi32>
      %add3A_1953 = arith.constant 944 : i32
      %add3A_1954 = vector.broadcast %add3A_1953 : i32 to vector<16xi32>
      %add3A_1955 = arith.addi %iota3A, %add3A_1954 : vector<16xi32>
      %gather3A_1956 = tpu.vector_load_idx %arg12[%add3A_1955, %and3A_1952] : memref<1024x16xf32, #tpu.memory_space<vmem>>[vector<16xi32>, vector<16xi32>], vector<16xf32>,
      %swap3A_1957 = arith.constant 7 : i32
      %swap3A_1958 = arith.index_cast %swap3A_1957 : i32 to index
      %swap3A_1959 = arith.constant 48 : index
      %swap3A_1960 = tpu.vector_load %arg13[%swap3A_1958, %swap3A_1959] {strides = array<i32>} : memref<8x128xf32, #tpu.memory_space<vmem>>, vector<16xf32>,
      tpu.vector_store %arg13[%swap3A_1958, %swap3A_1959], %gather3A_1956 {strides = array<i32>} : memref<8x128xf32, #tpu.memory_space<vmem>>, vector<16xf32>,
      %get3A_1961 = arith.constant 7 : i32
      %get3A_1962 = arith.index_cast %get3A_1961 : i32 to index
      %get3A_1963 = arith.constant 64 : index
      %get3A_1964 = tpu.vector_load %arg9[%get3A_1962, %get3A_1963] {strides = array<i32>} : memref<8x128xi32, #tpu.memory_space<vmem>>, vector<16xi32>,
      %and3A_1965 = arith.constant 15 : i32
      %and3A_1966 = vector.broadcast %and3A_1965 : i32 to vector<16xi32>
      %and3A_1967 = arith.andi %get3A_1964, %and3A_1966 : vector<16xi32>
      %add3A_1968 = arith.constant 960 : i32
      %add3A_1969 = vector.broadcast %add3A_1968 : i32 to vector<16xi32>
      %add3A_1970 = arith.addi %iota3A, %add3A_1969 : vector<16xi32>
      %gather3A_1971 = tpu.vector_load_idx %arg12[%add3A_1970, %and3A_1967] : memref<1024x16xf32, #tpu.memory_space<vmem>>[vector<16xi32>, vector<16xi32>], vector<16xf32>,
      %swap3A_1972 = arith.constant 7 : i32
      %swap3A_1973 = arith.index_cast %swap3A_1972 : i32 to index
      %swap3A_1974 = arith.constant 64 : index
      %swap3A_1975 = tpu.vector_load %arg13[%swap3A_1973, %swap3A_1974] {strides = array<i32>} : memref<8x128xf32, #tpu.memory_space<vmem>>, vector<16xf32>,
      tpu.vector_store %arg13[%swap3A_1973, %swap3A_1974], %gather3A_1971 {strides = array<i32>} : memref<8x128xf32, #tpu.memory_space<vmem>>, vector<16xf32>,
      %get3A_1976 = arith.constant 7 : i32
      %get3A_1977 = arith.index_cast %get3A_1976 : i32 to index
      %get3A_1978 = arith.constant 80 : index
      %get3A_1979 = tpu.vector_load %arg9[%get3A_1977, %get3A_1978] {strides = array<i32>} : memref<8x128xi32, #tpu.memory_space<vmem>>, vector<16xi32>,
      %and3A_1980 = arith.constant 15 : i32
      %and3A_1981 = vector.broadcast %and3A_1980 : i32 to vector<16xi32>
      %and3A_1982 = arith.andi %get3A_1979, %and3A_1981 : vector<16xi32>
      %add3A_1983 = arith.constant 976 : i32
      %add3A_1984 = vector.broadcast %add3A_1983 : i32 to vector<16xi32>
      %add3A_1985 = arith.addi %iota3A, %add3A_1984 : vector<16xi32>
      %gather3A_1986 = tpu.vector_load_idx %arg12[%add3A_1985, %and3A_1982] : memref<1024x16xf32, #tpu.memory_space<vmem>>[vector<16xi32>, vector<16xi32>], vector<16xf32>,
      %swap3A_1987 = arith.constant 7 : i32
      %swap3A_1988 = arith.index_cast %swap3A_1987 : i32 to index
      %swap3A_1989 = arith.constant 80 : index
      %swap3A_1990 = tpu.vector_load %arg13[%swap3A_1988, %swap3A_1989] {strides = array<i32>} : memref<8x128xf32, #tpu.memory_space<vmem>>, vector<16xf32>,
      tpu.vector_store %arg13[%swap3A_1988, %swap3A_1989], %gather3A_1986 {strides = array<i32>} : memref<8x128xf32, #tpu.memory_space<vmem>>, vector<16xf32>,
      %get3A_1991 = arith.constant 7 : i32
      %get3A_1992 = arith.index_cast %get3A_1991 : i32 to index
      %get3A_1993 = arith.constant 96 : index
      %get3A_1994 = tpu.vector_load %arg9[%get3A_1992, %get3A_1993] {strides = array<i32>} : memref<8x128xi32, #tpu.memory_space<vmem>>, vector<16xi32>,
      %and3A_1995 = arith.constant 15 : i32
      %and3A_1996 = vector.broadcast %and3A_1995 : i32 to vector<16xi32>
      %and3A_1997 = arith.andi %get3A_1994, %and3A_1996 : vector<16xi32>
      %add3A_1998 = arith.constant 992 : i32
      %add3A_1999 = vector.broadcast %add3A_1998 : i32 to vector<16xi32>
      %add3A_2000 = arith.addi %iota3A, %add3A_1999 : vector<16xi32>
      %gather3A_2001 = tpu.vector_load_idx %arg12[%add3A_2000, %and3A_1997] : memref<1024x16xf32, #tpu.memory_space<vmem>>[vector<16xi32>, vector<16xi32>], vector<16xf32>,
      %swap3A_2002 = arith.constant 7 : i32
      %swap3A_2003 = arith.index_cast %swap3A_2002 : i32 to index
      %swap3A_2004 = arith.constant 96 : index
      %swap3A_2005 = tpu.vector_load %arg13[%swap3A_2003, %swap3A_2004] {strides = array<i32>} : memref<8x128xf32, #tpu.memory_space<vmem>>, vector<16xf32>,
      tpu.vector_store %arg13[%swap3A_2003, %swap3A_2004], %gather3A_2001 {strides = array<i32>} : memref<8x128xf32, #tpu.memory_space<vmem>>, vector<16xf32>,
      %get3A_2006 = arith.constant 7 : i32
      %get3A_2007 = arith.index_cast %get3A_2006 : i32 to index
      %get3A_2008 = arith.constant 112 : index
      %get3A_2009 = tpu.vector_load %arg9[%get3A_2007, %get3A_2008] {strides = array<i32>} : memref<8x128xi32, #tpu.memory_space<vmem>>, vector<16xi32>,
      %and3A_2010 = arith.constant 15 : i32
      %and3A_2011 = vector.broadcast %and3A_2010 : i32 to vector<16xi32>
      %and3A_2012 = arith.andi %get3A_2009, %and3A_2011 : vector<16xi32>
      %add3A_2013 = arith.constant 1008 : i32
      %add3A_2014 = vector.broadcast %add3A_2013 : i32 to vector<16xi32>
      %add3A_2015 = arith.addi %iota3A, %add3A_2014 : vector<16xi32>
      %gather3A_2016 = tpu.vector_load_idx %arg12[%add3A_2015, %and3A_2012] : memref<1024x16xf32, #tpu.memory_space<vmem>>[vector<16xi32>, vector<16xi32>], vector<16xf32>,
      %swap3A_2017 = arith.constant 7 : i32
      %swap3A_2018 = arith.index_cast %swap3A_2017 : i32 to index
      %swap3A_2019 = arith.constant 112 : index
      %swap3A_2020 = tpu.vector_load %arg13[%swap3A_2018, %swap3A_2019] {strides = array<i32>} : memref<8x128xf32, #tpu.memory_space<vmem>>, vector<16xf32>,
      tpu.vector_store %arg13[%swap3A_2018, %swap3A_2019], %gather3A_2016 {strides = array<i32>} : memref<8x128xf32, #tpu.memory_space<vmem>>, vector<16xf32>,
      "tpu.region"() ({
        %run_scoped3A = tpu.sem_alloc : memref<!tpu.dma_semaphore, #tpu.memory_space<semaphore_mem>>
        %dma_start3A_2021 = arith.constant 0 : i32
        %dma_start3A_2022 = tpu.memref_slice %arg7[%add3A_11, %dma_start3A_2021] : memref<2048x128xf32, #tpu.memory_space<hbm>> -> memref<8x128xf32, #tpu.memory_space<hbm>>
        %dma_start3A_2023 = arith.constant 0 : i32
        %dma_start3A_2024 = tpu.memref_slice %arg7[%add3A_11, %dma_start3A_2023] : memref<2048x128xf32, #tpu.memory_space<hbm>> -> memref<8x128xf32, #tpu.memory_space<hbm>>
        tpu.enqueue_dma source(%arg13 : memref<8x128xf32, #tpu.memory_space<vmem>>) target(%dma_start3A_2024 : memref<8x128xf32, #tpu.memory_space<hbm>>) target_semaphore(%run_scoped3A : memref<!tpu.dma_semaphore, #tpu.memory_space<semaphore_mem>>)
        %dma_wait3A_2025 = arith.constant 0 : i32
        %dma_wait3A_2026 = tpu.memref_slice %arg7[%add3A_11, %dma_wait3A_2025] : memref<2048x128xf32, #tpu.memory_space<hbm>> -> memref<8x128xf32, #tpu.memory_space<hbm>>
        %dma_wait3A_2027 = arith.constant 0 : i32
        %dma_wait3A_2028 = tpu.memref_slice %arg7[%add3A_11, %dma_wait3A_2027] : memref<2048x128xf32, #tpu.memory_space<hbm>> -> memref<8x128xf32, #tpu.memory_space<hbm>>
        tpu.wait_dma2 semaphore(%run_scoped3A : memref<!tpu.dma_semaphore, #tpu.memory_space<semaphore_mem>>) src(%arg13 : memref<8x128xf32, #tpu.memory_space<vmem>>) dst(%dma_wait3A_2028 : memref<8x128xf32, #tpu.memory_space<hbm>>)
        tpu.yield
      }) : () -> ()
    }
    %scan3A_7 = arith.constant 8 : i32
    return
  }
}

#map = affine_map<(d0, d1) -> (0, 0)>
#map1 = affine_map<(d0, d1) -> (0, 0, 0)>
module attributes {stable_mosaic.version = 14 : i64} {
  func.func @k(%arg0: i32, %arg1: i32, %arg2: memref<1280x128xi32, #tpu.memory_space<hbm>>, %arg3: memref<1280x128xi32, #tpu.memory_space<hbm>>, %arg4: memref<1703936x16xf32, #tpu.memory_space<hbm>>, %arg5: memref<163840x16xf32, #tpu.memory_space<hbm>>, %arg6: memref<1280x128x16xf32, #tpu.memory_space<hbm>>, %arg7: memref<1280x128xf32, #tpu.memory_space<hbm>>, %arg8: memref<8x128xi32, #tpu.memory_space<vmem>>, %arg9: memref<8x128xi32, #tpu.memory_space<vmem>>, %arg10: memref<8x128xi32, #tpu.memory_space<vmem>>, %arg11: memref<8x128x16xf32, #tpu.memory_space<vmem>>, %arg12: memref<1024x16xf32, #tpu.memory_space<vmem>>, %arg13: memref<8x128xf32, #tpu.memory_space<vmem>>, %arg14: memref<!tpu.dma_semaphore, #tpu.memory_space<semaphore_mem>>, %arg15: memref<!tpu.dma_semaphore, #tpu.memory_space<semaphore_mem>>) attributes {dimension_semantics = [#tpu.dimension_semantics<core_parallel>, #tpu.dimension_semantics<subcore_parallel>], iteration_bounds = array<i64: 2, 16>, scalar_prefetch = 0 : i64, scratch_operands = 8 : i64, tpu.core_type = #tpu.core_type<sc_vector_subcore>, window_params = [{transform_indices = #map}, {transform_indices = #map}, {transform_indices = #map}, {transform_indices = #map}, {transform_indices = #map1}, {transform_indices = #map}]} {
    %mul3A = arith.constant 2 : i32
    %mul3A_0 = arith.muli %arg1, %mul3A : i32
    %add3A = arith.addi %mul3A_0, %arg0 : i32
    %mul3A_1 = arith.constant 40 : i32
    %mul3A_2 = arith.muli %add3A, %mul3A_1 : i32
    %scan3A = arith.constant 0 : i32
    %scan3A_3 = arith.constant 0 : i32
    %scan3A_4 = arith.constant 5 : i32
    %scan3A_5 = arith.addi %scan3A_3, %scan3A_4 : i32
    %scan3A_6 = arith.constant 1 : i32
    scf.for %scan3A_8 = %scan3A_3 to %scan3A_5 step %scan3A_6  : i32 {
      %mul3A_9 = arith.constant 8 : i32
      %mul3A_10 = arith.muli %scan3A_8, %mul3A_9 : i32
      %add3A_11 = arith.addi %mul3A_2, %mul3A_10 : i32
      "tpu.region"() ({
        %run_scoped3A = tpu.sem_alloc : memref<!tpu.dma_semaphore, #tpu.memory_space<semaphore_mem>>
        %dma_start3A_2021 = arith.constant 0 : i32
        %dma_start3A_2022 = tpu.memref_slice %arg2[%add3A_11, %dma_start3A_2021] : memref<1280x128xi32, #tpu.memory_space<hbm>> -> memref<8x128xi32, #tpu.memory_space<hbm>>
        %dma_start3A_2023 = arith.constant 0 : i32
        %dma_start3A_2024 = tpu.memref_slice %arg2[%add3A_11, %dma_start3A_2023] : memref<1280x128xi32, #tpu.memory_space<hbm>> -> memref<8x128xi32, #tpu.memory_space<hbm>>
        tpu.enqueue_dma source(%dma_start3A_2024 : memref<8x128xi32, #tpu.memory_space<hbm>>) target(%arg8 : memref<8x128xi32, #tpu.memory_space<vmem>>) target_semaphore(%run_scoped3A : memref<!tpu.dma_semaphore, #tpu.memory_space<semaphore_mem>>)
        %dma_wait3A_2025 = arith.constant 0 : i32
        %dma_wait3A_2026 = tpu.memref_slice %arg2[%add3A_11, %dma_wait3A_2025] : memref<1280x128xi32, #tpu.memory_space<hbm>> -> memref<8x128xi32, #tpu.memory_space<hbm>>
        %dma_wait3A_2027 = arith.constant 0 : i32
        %dma_wait3A_2028 = tpu.memref_slice %arg2[%add3A_11, %dma_wait3A_2027] : memref<1280x128xi32, #tpu.memory_space<hbm>> -> memref<8x128xi32, #tpu.memory_space<hbm>>
        tpu.wait_dma2 semaphore(%run_scoped3A : memref<!tpu.dma_semaphore, #tpu.memory_space<semaphore_mem>>) src(%dma_wait3A_2028 : memref<8x128xi32, #tpu.memory_space<hbm>>) dst(%arg8 : memref<8x128xi32, #tpu.memory_space<vmem>>)
        tpu.yield
      }) : () -> ()
      "tpu.region"() ({
        %run_scoped3A = tpu.sem_alloc : memref<!tpu.dma_semaphore, #tpu.memory_space<semaphore_mem>>
        %dma_start3A_2021 = arith.constant 0 : i32
        %dma_start3A_2022 = tpu.memref_slice %arg3[%add3A_11, %dma_start3A_2021] : memref<1280x128xi32, #tpu.memory_space<hbm>> -> memref<8x128xi32, #tpu.memory_space<hbm>>
        %dma_start3A_2023 = arith.constant 0 : i32
        %dma_start3A_2024 = tpu.memref_slice %arg3[%add3A_11, %dma_start3A_2023] : memref<1280x128xi32, #tpu.memory_space<hbm>> -> memref<8x128xi32, #tpu.memory_space<hbm>>
        tpu.enqueue_dma source(%dma_start3A_2024 : memref<8x128xi32, #tpu.memory_space<hbm>>) target(%arg9 : memref<8x128xi32, #tpu.memory_space<vmem>>) target_semaphore(%run_scoped3A : memref<!tpu.dma_semaphore, #tpu.memory_space<semaphore_mem>>)
        %dma_wait3A_2025 = arith.constant 0 : i32
        %dma_wait3A_2026 = tpu.memref_slice %arg3[%add3A_11, %dma_wait3A_2025] : memref<1280x128xi32, #tpu.memory_space<hbm>> -> memref<8x128xi32, #tpu.memory_space<hbm>>
        %dma_wait3A_2027 = arith.constant 0 : i32
        %dma_wait3A_2028 = tpu.memref_slice %arg3[%add3A_11, %dma_wait3A_2027] : memref<1280x128xi32, #tpu.memory_space<hbm>> -> memref<8x128xi32, #tpu.memory_space<hbm>>
        tpu.wait_dma2 semaphore(%run_scoped3A : memref<!tpu.dma_semaphore, #tpu.memory_space<semaphore_mem>>) src(%dma_wait3A_2028 : memref<8x128xi32, #tpu.memory_space<hbm>>) dst(%arg9 : memref<8x128xi32, #tpu.memory_space<vmem>>)
        tpu.yield
      }) : () -> ()
      %get3A = arith.constant 0 : i32
      %get3A_12 = arith.index_cast %get3A : i32 to index
      %get3A_13 = arith.constant 0 : index
      %get3A_14 = tpu.vector_load %arg9[%get3A_12, %get3A_13] {strides = array<i32>} : memref<8x128xi32, #tpu.memory_space<vmem>>, vector<16xi32>,
      %shift_right_arithmetic3A = arith.constant 4 : i32
      %shift_right_arithmetic3A_15 = vector.broadcast %shift_right_arithmetic3A : i32 to vector<16xi32>
      %shift_right_arithmetic3A_16 = arith.shrsi %get3A_14, %shift_right_arithmetic3A_15 : vector<16xi32>
      %swap3A = arith.constant 0 : i32
      %swap3A_17 = arith.index_cast %swap3A : i32 to index
      %swap3A_18 = arith.constant 0 : index
      %swap3A_19 = tpu.vector_load %arg10[%swap3A_17, %swap3A_18] {strides = array<i32>} : memref<8x128xi32, #tpu.memory_space<vmem>>, vector<16xi32>,
      tpu.vector_store %arg10[%swap3A_17, %swap3A_18], %shift_right_arithmetic3A_16 {strides = array<i32>} : memref<8x128xi32, #tpu.memory_space<vmem>>, vector<16xi32>,
      %get3A_20 = arith.constant 0 : i32
      %get3A_21 = arith.index_cast %get3A_20 : i32 to index
      %get3A_22 = arith.constant 16 : index
      %get3A_23 = tpu.vector_load %arg9[%get3A_21, %get3A_22] {strides = array<i32>} : memref<8x128xi32, #tpu.memory_space<vmem>>, vector<16xi32>,
      %shift_right_arithmetic3A_24 = arith.constant 4 : i32
      %shift_right_arithmetic3A_25 = vector.broadcast %shift_right_arithmetic3A_24 : i32 to vector<16xi32>
      %shift_right_arithmetic3A_26 = arith.shrsi %get3A_23, %shift_right_arithmetic3A_25 : vector<16xi32>
      %swap3A_27 = arith.constant 0 : i32
      %swap3A_28 = arith.index_cast %swap3A_27 : i32 to index
      %swap3A_29 = arith.constant 16 : index
      %swap3A_30 = tpu.vector_load %arg10[%swap3A_28, %swap3A_29] {strides = array<i32>} : memref<8x128xi32, #tpu.memory_space<vmem>>, vector<16xi32>,
      tpu.vector_store %arg10[%swap3A_28, %swap3A_29], %shift_right_arithmetic3A_26 {strides = array<i32>} : memref<8x128xi32, #tpu.memory_space<vmem>>, vector<16xi32>,
      %get3A_31 = arith.constant 0 : i32
      %get3A_32 = arith.index_cast %get3A_31 : i32 to index
      %get3A_33 = arith.constant 32 : index
      %get3A_34 = tpu.vector_load %arg9[%get3A_32, %get3A_33] {strides = array<i32>} : memref<8x128xi32, #tpu.memory_space<vmem>>, vector<16xi32>,
      %shift_right_arithmetic3A_35 = arith.constant 4 : i32
      %shift_right_arithmetic3A_36 = vector.broadcast %shift_right_arithmetic3A_35 : i32 to vector<16xi32>
      %shift_right_arithmetic3A_37 = arith.shrsi %get3A_34, %shift_right_arithmetic3A_36 : vector<16xi32>
      %swap3A_38 = arith.constant 0 : i32
      %swap3A_39 = arith.index_cast %swap3A_38 : i32 to index
      %swap3A_40 = arith.constant 32 : index
      %swap3A_41 = tpu.vector_load %arg10[%swap3A_39, %swap3A_40] {strides = array<i32>} : memref<8x128xi32, #tpu.memory_space<vmem>>, vector<16xi32>,
      tpu.vector_store %arg10[%swap3A_39, %swap3A_40], %shift_right_arithmetic3A_37 {strides = array<i32>} : memref<8x128xi32, #tpu.memory_space<vmem>>, vector<16xi32>,
      %get3A_42 = arith.constant 0 : i32
      %get3A_43 = arith.index_cast %get3A_42 : i32 to index
      %get3A_44 = arith.constant 48 : index
      %get3A_45 = tpu.vector_load %arg9[%get3A_43, %get3A_44] {strides = array<i32>} : memref<8x128xi32, #tpu.memory_space<vmem>>, vector<16xi32>,
      %shift_right_arithmetic3A_46 = arith.constant 4 : i32
      %shift_right_arithmetic3A_47 = vector.broadcast %shift_right_arithmetic3A_46 : i32 to vector<16xi32>
      %shift_right_arithmetic3A_48 = arith.shrsi %get3A_45, %shift_right_arithmetic3A_47 : vector<16xi32>
      %swap3A_49 = arith.constant 0 : i32
      %swap3A_50 = arith.index_cast %swap3A_49 : i32 to index
      %swap3A_51 = arith.constant 48 : index
      %swap3A_52 = tpu.vector_load %arg10[%swap3A_50, %swap3A_51] {strides = array<i32>} : memref<8x128xi32, #tpu.memory_space<vmem>>, vector<16xi32>,
      tpu.vector_store %arg10[%swap3A_50, %swap3A_51], %shift_right_arithmetic3A_48 {strides = array<i32>} : memref<8x128xi32, #tpu.memory_space<vmem>>, vector<16xi32>,
      %get3A_53 = arith.constant 0 : i32
      %get3A_54 = arith.index_cast %get3A_53 : i32 to index
      %get3A_55 = arith.constant 64 : index
      %get3A_56 = tpu.vector_load %arg9[%get3A_54, %get3A_55] {strides = array<i32>} : memref<8x128xi32, #tpu.memory_space<vmem>>, vector<16xi32>,
      %shift_right_arithmetic3A_57 = arith.constant 4 : i32
      %shift_right_arithmetic3A_58 = vector.broadcast %shift_right_arithmetic3A_57 : i32 to vector<16xi32>
      %shift_right_arithmetic3A_59 = arith.shrsi %get3A_56, %shift_right_arithmetic3A_58 : vector<16xi32>
      %swap3A_60 = arith.constant 0 : i32
      %swap3A_61 = arith.index_cast %swap3A_60 : i32 to index
      %swap3A_62 = arith.constant 64 : index
      %swap3A_63 = tpu.vector_load %arg10[%swap3A_61, %swap3A_62] {strides = array<i32>} : memref<8x128xi32, #tpu.memory_space<vmem>>, vector<16xi32>,
      tpu.vector_store %arg10[%swap3A_61, %swap3A_62], %shift_right_arithmetic3A_59 {strides = array<i32>} : memref<8x128xi32, #tpu.memory_space<vmem>>, vector<16xi32>,
      %get3A_64 = arith.constant 0 : i32
      %get3A_65 = arith.index_cast %get3A_64 : i32 to index
      %get3A_66 = arith.constant 80 : index
      %get3A_67 = tpu.vector_load %arg9[%get3A_65, %get3A_66] {strides = array<i32>} : memref<8x128xi32, #tpu.memory_space<vmem>>, vector<16xi32>,
      %shift_right_arithmetic3A_68 = arith.constant 4 : i32
      %shift_right_arithmetic3A_69 = vector.broadcast %shift_right_arithmetic3A_68 : i32 to vector<16xi32>
      %shift_right_arithmetic3A_70 = arith.shrsi %get3A_67, %shift_right_arithmetic3A_69 : vector<16xi32>
      %swap3A_71 = arith.constant 0 : i32
      %swap3A_72 = arith.index_cast %swap3A_71 : i32 to index
      %swap3A_73 = arith.constant 80 : index
      %swap3A_74 = tpu.vector_load %arg10[%swap3A_72, %swap3A_73] {strides = array<i32>} : memref<8x128xi32, #tpu.memory_space<vmem>>, vector<16xi32>,
      tpu.vector_store %arg10[%swap3A_72, %swap3A_73], %shift_right_arithmetic3A_70 {strides = array<i32>} : memref<8x128xi32, #tpu.memory_space<vmem>>, vector<16xi32>,
      %get3A_75 = arith.constant 0 : i32
      %get3A_76 = arith.index_cast %get3A_75 : i32 to index
      %get3A_77 = arith.constant 96 : index
      %get3A_78 = tpu.vector_load %arg9[%get3A_76, %get3A_77] {strides = array<i32>} : memref<8x128xi32, #tpu.memory_space<vmem>>, vector<16xi32>,
      %shift_right_arithmetic3A_79 = arith.constant 4 : i32
      %shift_right_arithmetic3A_80 = vector.broadcast %shift_right_arithmetic3A_79 : i32 to vector<16xi32>
      %shift_right_arithmetic3A_81 = arith.shrsi %get3A_78, %shift_right_arithmetic3A_80 : vector<16xi32>
      %swap3A_82 = arith.constant 0 : i32
      %swap3A_83 = arith.index_cast %swap3A_82 : i32 to index
      %swap3A_84 = arith.constant 96 : index
      %swap3A_85 = tpu.vector_load %arg10[%swap3A_83, %swap3A_84] {strides = array<i32>} : memref<8x128xi32, #tpu.memory_space<vmem>>, vector<16xi32>,
      tpu.vector_store %arg10[%swap3A_83, %swap3A_84], %shift_right_arithmetic3A_81 {strides = array<i32>} : memref<8x128xi32, #tpu.memory_space<vmem>>, vector<16xi32>,
      %get3A_86 = arith.constant 0 : i32
      %get3A_87 = arith.index_cast %get3A_86 : i32 to index
      %get3A_88 = arith.constant 112 : index
      %get3A_89 = tpu.vector_load %arg9[%get3A_87, %get3A_88] {strides = array<i32>} : memref<8x128xi32, #tpu.memory_space<vmem>>, vector<16xi32>,
      %shift_right_arithmetic3A_90 = arith.constant 4 : i32
      %shift_right_arithmetic3A_91 = vector.broadcast %shift_right_arithmetic3A_90 : i32 to vector<16xi32>
      %shift_right_arithmetic3A_92 = arith.shrsi %get3A_89, %shift_right_arithmetic3A_91 : vector<16xi32>
      %swap3A_93 = arith.constant 0 : i32
      %swap3A_94 = arith.index_cast %swap3A_93 : i32 to index
      %swap3A_95 = arith.constant 112 : index
      %swap3A_96 = tpu.vector_load %arg10[%swap3A_94, %swap3A_95] {strides = array<i32>} : memref<8x128xi32, #tpu.memory_space<vmem>>, vector<16xi32>,
      tpu.vector_store %arg10[%swap3A_94, %swap3A_95], %shift_right_arithmetic3A_92 {strides = array<i32>} : memref<8x128xi32, #tpu.memory_space<vmem>>, vector<16xi32>,
      %get3A_97 = arith.constant 1 : i32
      %get3A_98 = arith.index_cast %get3A_97 : i32 to index
      %get3A_99 = arith.constant 0 : index
      %get3A_100 = tpu.vector_load %arg9[%get3A_98, %get3A_99] {strides = array<i32>} : memref<8x128xi32, #tpu.memory_space<vmem>>, vector<16xi32>,
      %shift_right_arithmetic3A_101 = arith.constant 4 : i32
      %shift_right_arithmetic3A_102 = vector.broadcast %shift_right_arithmetic3A_101 : i32 to vector<16xi32>
      %shift_right_arithmetic3A_103 = arith.shrsi %get3A_100, %shift_right_arithmetic3A_102 : vector<16xi32>
      %swap3A_104 = arith.constant 1 : i32
      %swap3A_105 = arith.index_cast %swap3A_104 : i32 to index
      %swap3A_106 = arith.constant 0 : index
      %swap3A_107 = tpu.vector_load %arg10[%swap3A_105, %swap3A_106] {strides = array<i32>} : memref<8x128xi32, #tpu.memory_space<vmem>>, vector<16xi32>,
      tpu.vector_store %arg10[%swap3A_105, %swap3A_106], %shift_right_arithmetic3A_103 {strides = array<i32>} : memref<8x128xi32, #tpu.memory_space<vmem>>, vector<16xi32>,
      %get3A_108 = arith.constant 1 : i32
      %get3A_109 = arith.index_cast %get3A_108 : i32 to index
      %get3A_110 = arith.constant 16 : index
      %get3A_111 = tpu.vector_load %arg9[%get3A_109, %get3A_110] {strides = array<i32>} : memref<8x128xi32, #tpu.memory_space<vmem>>, vector<16xi32>,
      %shift_right_arithmetic3A_112 = arith.constant 4 : i32
      %shift_right_arithmetic3A_113 = vector.broadcast %shift_right_arithmetic3A_112 : i32 to vector<16xi32>
      %shift_right_arithmetic3A_114 = arith.shrsi %get3A_111, %shift_right_arithmetic3A_113 : vector<16xi32>
      %swap3A_115 = arith.constant 1 : i32
      %swap3A_116 = arith.index_cast %swap3A_115 : i32 to index
      %swap3A_117 = arith.constant 16 : index
      %swap3A_118 = tpu.vector_load %arg10[%swap3A_116, %swap3A_117] {strides = array<i32>} : memref<8x128xi32, #tpu.memory_space<vmem>>, vector<16xi32>,
      tpu.vector_store %arg10[%swap3A_116, %swap3A_117], %shift_right_arithmetic3A_114 {strides = array<i32>} : memref<8x128xi32, #tpu.memory_space<vmem>>, vector<16xi32>,
      %get3A_119 = arith.constant 1 : i32
      %get3A_120 = arith.index_cast %get3A_119 : i32 to index
      %get3A_121 = arith.constant 32 : index
      %get3A_122 = tpu.vector_load %arg9[%get3A_120, %get3A_121] {strides = array<i32>} : memref<8x128xi32, #tpu.memory_space<vmem>>, vector<16xi32>,
      %shift_right_arithmetic3A_123 = arith.constant 4 : i32
      %shift_right_arithmetic3A_124 = vector.broadcast %shift_right_arithmetic3A_123 : i32 to vector<16xi32>
      %shift_right_arithmetic3A_125 = arith.shrsi %get3A_122, %shift_right_arithmetic3A_124 : vector<16xi32>
      %swap3A_126 = arith.constant 1 : i32
      %swap3A_127 = arith.index_cast %swap3A_126 : i32 to index
      %swap3A_128 = arith.constant 32 : index
      %swap3A_129 = tpu.vector_load %arg10[%swap3A_127, %swap3A_128] {strides = array<i32>} : memref<8x128xi32, #tpu.memory_space<vmem>>, vector<16xi32>,
      tpu.vector_store %arg10[%swap3A_127, %swap3A_128], %shift_right_arithmetic3A_125 {strides = array<i32>} : memref<8x128xi32, #tpu.memory_space<vmem>>, vector<16xi32>,
      %get3A_130 = arith.constant 1 : i32
      %get3A_131 = arith.index_cast %get3A_130 : i32 to index
      %get3A_132 = arith.constant 48 : index
      %get3A_133 = tpu.vector_load %arg9[%get3A_131, %get3A_132] {strides = array<i32>} : memref<8x128xi32, #tpu.memory_space<vmem>>, vector<16xi32>,
      %shift_right_arithmetic3A_134 = arith.constant 4 : i32
      %shift_right_arithmetic3A_135 = vector.broadcast %shift_right_arithmetic3A_134 : i32 to vector<16xi32>
      %shift_right_arithmetic3A_136 = arith.shrsi %get3A_133, %shift_right_arithmetic3A_135 : vector<16xi32>
      %swap3A_137 = arith.constant 1 : i32
      %swap3A_138 = arith.index_cast %swap3A_137 : i32 to index
      %swap3A_139 = arith.constant 48 : index
      %swap3A_140 = tpu.vector_load %arg10[%swap3A_138, %swap3A_139] {strides = array<i32>} : memref<8x128xi32, #tpu.memory_space<vmem>>, vector<16xi32>,
      tpu.vector_store %arg10[%swap3A_138, %swap3A_139], %shift_right_arithmetic3A_136 {strides = array<i32>} : memref<8x128xi32, #tpu.memory_space<vmem>>, vector<16xi32>,
      %get3A_141 = arith.constant 1 : i32
      %get3A_142 = arith.index_cast %get3A_141 : i32 to index
      %get3A_143 = arith.constant 64 : index
      %get3A_144 = tpu.vector_load %arg9[%get3A_142, %get3A_143] {strides = array<i32>} : memref<8x128xi32, #tpu.memory_space<vmem>>, vector<16xi32>,
      %shift_right_arithmetic3A_145 = arith.constant 4 : i32
      %shift_right_arithmetic3A_146 = vector.broadcast %shift_right_arithmetic3A_145 : i32 to vector<16xi32>
      %shift_right_arithmetic3A_147 = arith.shrsi %get3A_144, %shift_right_arithmetic3A_146 : vector<16xi32>
      %swap3A_148 = arith.constant 1 : i32
      %swap3A_149 = arith.index_cast %swap3A_148 : i32 to index
      %swap3A_150 = arith.constant 64 : index
      %swap3A_151 = tpu.vector_load %arg10[%swap3A_149, %swap3A_150] {strides = array<i32>} : memref<8x128xi32, #tpu.memory_space<vmem>>, vector<16xi32>,
      tpu.vector_store %arg10[%swap3A_149, %swap3A_150], %shift_right_arithmetic3A_147 {strides = array<i32>} : memref<8x128xi32, #tpu.memory_space<vmem>>, vector<16xi32>,
      %get3A_152 = arith.constant 1 : i32
      %get3A_153 = arith.index_cast %get3A_152 : i32 to index
      %get3A_154 = arith.constant 80 : index
      %get3A_155 = tpu.vector_load %arg9[%get3A_153, %get3A_154] {strides = array<i32>} : memref<8x128xi32, #tpu.memory_space<vmem>>, vector<16xi32>,
      %shift_right_arithmetic3A_156 = arith.constant 4 : i32
      %shift_right_arithmetic3A_157 = vector.broadcast %shift_right_arithmetic3A_156 : i32 to vector<16xi32>
      %shift_right_arithmetic3A_158 = arith.shrsi %get3A_155, %shift_right_arithmetic3A_157 : vector<16xi32>
      %swap3A_159 = arith.constant 1 : i32
      %swap3A_160 = arith.index_cast %swap3A_159 : i32 to index
      %swap3A_161 = arith.constant 80 : index
      %swap3A_162 = tpu.vector_load %arg10[%swap3A_160, %swap3A_161] {strides = array<i32>} : memref<8x128xi32, #tpu.memory_space<vmem>>, vector<16xi32>,
      tpu.vector_store %arg10[%swap3A_160, %swap3A_161], %shift_right_arithmetic3A_158 {strides = array<i32>} : memref<8x128xi32, #tpu.memory_space<vmem>>, vector<16xi32>,
      %get3A_163 = arith.constant 1 : i32
      %get3A_164 = arith.index_cast %get3A_163 : i32 to index
      %get3A_165 = arith.constant 96 : index
      %get3A_166 = tpu.vector_load %arg9[%get3A_164, %get3A_165] {strides = array<i32>} : memref<8x128xi32, #tpu.memory_space<vmem>>, vector<16xi32>,
      %shift_right_arithmetic3A_167 = arith.constant 4 : i32
      %shift_right_arithmetic3A_168 = vector.broadcast %shift_right_arithmetic3A_167 : i32 to vector<16xi32>
      %shift_right_arithmetic3A_169 = arith.shrsi %get3A_166, %shift_right_arithmetic3A_168 : vector<16xi32>
      %swap3A_170 = arith.constant 1 : i32
      %swap3A_171 = arith.index_cast %swap3A_170 : i32 to index
      %swap3A_172 = arith.constant 96 : index
      %swap3A_173 = tpu.vector_load %arg10[%swap3A_171, %swap3A_172] {strides = array<i32>} : memref<8x128xi32, #tpu.memory_space<vmem>>, vector<16xi32>,
      tpu.vector_store %arg10[%swap3A_171, %swap3A_172], %shift_right_arithmetic3A_169 {strides = array<i32>} : memref<8x128xi32, #tpu.memory_space<vmem>>, vector<16xi32>,
      %get3A_174 = arith.constant 1 : i32
      %get3A_175 = arith.index_cast %get3A_174 : i32 to index
      %get3A_176 = arith.constant 112 : index
      %get3A_177 = tpu.vector_load %arg9[%get3A_175, %get3A_176] {strides = array<i32>} : memref<8x128xi32, #tpu.memory_space<vmem>>, vector<16xi32>,
      %shift_right_arithmetic3A_178 = arith.constant 4 : i32
      %shift_right_arithmetic3A_179 = vector.broadcast %shift_right_arithmetic3A_178 : i32 to vector<16xi32>
      %shift_right_arithmetic3A_180 = arith.shrsi %get3A_177, %shift_right_arithmetic3A_179 : vector<16xi32>
      %swap3A_181 = arith.constant 1 : i32
      %swap3A_182 = arith.index_cast %swap3A_181 : i32 to index
      %swap3A_183 = arith.constant 112 : index
      %swap3A_184 = tpu.vector_load %arg10[%swap3A_182, %swap3A_183] {strides = array<i32>} : memref<8x128xi32, #tpu.memory_space<vmem>>, vector<16xi32>,
      tpu.vector_store %arg10[%swap3A_182, %swap3A_183], %shift_right_arithmetic3A_180 {strides = array<i32>} : memref<8x128xi32, #tpu.memory_space<vmem>>, vector<16xi32>,
      %get3A_185 = arith.constant 2 : i32
      %get3A_186 = arith.index_cast %get3A_185 : i32 to index
      %get3A_187 = arith.constant 0 : index
      %get3A_188 = tpu.vector_load %arg9[%get3A_186, %get3A_187] {strides = array<i32>} : memref<8x128xi32, #tpu.memory_space<vmem>>, vector<16xi32>,
      %shift_right_arithmetic3A_189 = arith.constant 4 : i32
      %shift_right_arithmetic3A_190 = vector.broadcast %shift_right_arithmetic3A_189 : i32 to vector<16xi32>
      %shift_right_arithmetic3A_191 = arith.shrsi %get3A_188, %shift_right_arithmetic3A_190 : vector<16xi32>
      %swap3A_192 = arith.constant 2 : i32
      %swap3A_193 = arith.index_cast %swap3A_192 : i32 to index
      %swap3A_194 = arith.constant 0 : index
      %swap3A_195 = tpu.vector_load %arg10[%swap3A_193, %swap3A_194] {strides = array<i32>} : memref<8x128xi32, #tpu.memory_space<vmem>>, vector<16xi32>,
      tpu.vector_store %arg10[%swap3A_193, %swap3A_194], %shift_right_arithmetic3A_191 {strides = array<i32>} : memref<8x128xi32, #tpu.memory_space<vmem>>, vector<16xi32>,
      %get3A_196 = arith.constant 2 : i32
      %get3A_197 = arith.index_cast %get3A_196 : i32 to index
      %get3A_198 = arith.constant 16 : index
      %get3A_199 = tpu.vector_load %arg9[%get3A_197, %get3A_198] {strides = array<i32>} : memref<8x128xi32, #tpu.memory_space<vmem>>, vector<16xi32>,
      %shift_right_arithmetic3A_200 = arith.constant 4 : i32
      %shift_right_arithmetic3A_201 = vector.broadcast %shift_right_arithmetic3A_200 : i32 to vector<16xi32>
      %shift_right_arithmetic3A_202 = arith.shrsi %get3A_199, %shift_right_arithmetic3A_201 : vector<16xi32>
      %swap3A_203 = arith.constant 2 : i32
      %swap3A_204 = arith.index_cast %swap3A_203 : i32 to index
      %swap3A_205 = arith.constant 16 : index
      %swap3A_206 = tpu.vector_load %arg10[%swap3A_204, %swap3A_205] {strides = array<i32>} : memref<8x128xi32, #tpu.memory_space<vmem>>, vector<16xi32>,
      tpu.vector_store %arg10[%swap3A_204, %swap3A_205], %shift_right_arithmetic3A_202 {strides = array<i32>} : memref<8x128xi32, #tpu.memory_space<vmem>>, vector<16xi32>,
      %get3A_207 = arith.constant 2 : i32
      %get3A_208 = arith.index_cast %get3A_207 : i32 to index
      %get3A_209 = arith.constant 32 : index
      %get3A_210 = tpu.vector_load %arg9[%get3A_208, %get3A_209] {strides = array<i32>} : memref<8x128xi32, #tpu.memory_space<vmem>>, vector<16xi32>,
      %shift_right_arithmetic3A_211 = arith.constant 4 : i32
      %shift_right_arithmetic3A_212 = vector.broadcast %shift_right_arithmetic3A_211 : i32 to vector<16xi32>
      %shift_right_arithmetic3A_213 = arith.shrsi %get3A_210, %shift_right_arithmetic3A_212 : vector<16xi32>
      %swap3A_214 = arith.constant 2 : i32
      %swap3A_215 = arith.index_cast %swap3A_214 : i32 to index
      %swap3A_216 = arith.constant 32 : index
      %swap3A_217 = tpu.vector_load %arg10[%swap3A_215, %swap3A_216] {strides = array<i32>} : memref<8x128xi32, #tpu.memory_space<vmem>>, vector<16xi32>,
      tpu.vector_store %arg10[%swap3A_215, %swap3A_216], %shift_right_arithmetic3A_213 {strides = array<i32>} : memref<8x128xi32, #tpu.memory_space<vmem>>, vector<16xi32>,
      %get3A_218 = arith.constant 2 : i32
      %get3A_219 = arith.index_cast %get3A_218 : i32 to index
      %get3A_220 = arith.constant 48 : index
      %get3A_221 = tpu.vector_load %arg9[%get3A_219, %get3A_220] {strides = array<i32>} : memref<8x128xi32, #tpu.memory_space<vmem>>, vector<16xi32>,
      %shift_right_arithmetic3A_222 = arith.constant 4 : i32
      %shift_right_arithmetic3A_223 = vector.broadcast %shift_right_arithmetic3A_222 : i32 to vector<16xi32>
      %shift_right_arithmetic3A_224 = arith.shrsi %get3A_221, %shift_right_arithmetic3A_223 : vector<16xi32>
      %swap3A_225 = arith.constant 2 : i32
      %swap3A_226 = arith.index_cast %swap3A_225 : i32 to index
      %swap3A_227 = arith.constant 48 : index
      %swap3A_228 = tpu.vector_load %arg10[%swap3A_226, %swap3A_227] {strides = array<i32>} : memref<8x128xi32, #tpu.memory_space<vmem>>, vector<16xi32>,
      tpu.vector_store %arg10[%swap3A_226, %swap3A_227], %shift_right_arithmetic3A_224 {strides = array<i32>} : memref<8x128xi32, #tpu.memory_space<vmem>>, vector<16xi32>,
      %get3A_229 = arith.constant 2 : i32
      %get3A_230 = arith.index_cast %get3A_229 : i32 to index
      %get3A_231 = arith.constant 64 : index
      %get3A_232 = tpu.vector_load %arg9[%get3A_230, %get3A_231] {strides = array<i32>} : memref<8x128xi32, #tpu.memory_space<vmem>>, vector<16xi32>,
      %shift_right_arithmetic3A_233 = arith.constant 4 : i32
      %shift_right_arithmetic3A_234 = vector.broadcast %shift_right_arithmetic3A_233 : i32 to vector<16xi32>
      %shift_right_arithmetic3A_235 = arith.shrsi %get3A_232, %shift_right_arithmetic3A_234 : vector<16xi32>
      %swap3A_236 = arith.constant 2 : i32
      %swap3A_237 = arith.index_cast %swap3A_236 : i32 to index
      %swap3A_238 = arith.constant 64 : index
      %swap3A_239 = tpu.vector_load %arg10[%swap3A_237, %swap3A_238] {strides = array<i32>} : memref<8x128xi32, #tpu.memory_space<vmem>>, vector<16xi32>,
      tpu.vector_store %arg10[%swap3A_237, %swap3A_238], %shift_right_arithmetic3A_235 {strides = array<i32>} : memref<8x128xi32, #tpu.memory_space<vmem>>, vector<16xi32>,
      %get3A_240 = arith.constant 2 : i32
      %get3A_241 = arith.index_cast %get3A_240 : i32 to index
      %get3A_242 = arith.constant 80 : index
      %get3A_243 = tpu.vector_load %arg9[%get3A_241, %get3A_242] {strides = array<i32>} : memref<8x128xi32, #tpu.memory_space<vmem>>, vector<16xi32>,
      %shift_right_arithmetic3A_244 = arith.constant 4 : i32
      %shift_right_arithmetic3A_245 = vector.broadcast %shift_right_arithmetic3A_244 : i32 to vector<16xi32>
      %shift_right_arithmetic3A_246 = arith.shrsi %get3A_243, %shift_right_arithmetic3A_245 : vector<16xi32>
      %swap3A_247 = arith.constant 2 : i32
      %swap3A_248 = arith.index_cast %swap3A_247 : i32 to index
      %swap3A_249 = arith.constant 80 : index
      %swap3A_250 = tpu.vector_load %arg10[%swap3A_248, %swap3A_249] {strides = array<i32>} : memref<8x128xi32, #tpu.memory_space<vmem>>, vector<16xi32>,
      tpu.vector_store %arg10[%swap3A_248, %swap3A_249], %shift_right_arithmetic3A_246 {strides = array<i32>} : memref<8x128xi32, #tpu.memory_space<vmem>>, vector<16xi32>,
      %get3A_251 = arith.constant 2 : i32
      %get3A_252 = arith.index_cast %get3A_251 : i32 to index
      %get3A_253 = arith.constant 96 : index
      %get3A_254 = tpu.vector_load %arg9[%get3A_252, %get3A_253] {strides = array<i32>} : memref<8x128xi32, #tpu.memory_space<vmem>>, vector<16xi32>,
      %shift_right_arithmetic3A_255 = arith.constant 4 : i32
      %shift_right_arithmetic3A_256 = vector.broadcast %shift_right_arithmetic3A_255 : i32 to vector<16xi32>
      %shift_right_arithmetic3A_257 = arith.shrsi %get3A_254, %shift_right_arithmetic3A_256 : vector<16xi32>
      %swap3A_258 = arith.constant 2 : i32
      %swap3A_259 = arith.index_cast %swap3A_258 : i32 to index
      %swap3A_260 = arith.constant 96 : index
      %swap3A_261 = tpu.vector_load %arg10[%swap3A_259, %swap3A_260] {strides = array<i32>} : memref<8x128xi32, #tpu.memory_space<vmem>>, vector<16xi32>,
      tpu.vector_store %arg10[%swap3A_259, %swap3A_260], %shift_right_arithmetic3A_257 {strides = array<i32>} : memref<8x128xi32, #tpu.memory_space<vmem>>, vector<16xi32>,
      %get3A_262 = arith.constant 2 : i32
      %get3A_263 = arith.index_cast %get3A_262 : i32 to index
      %get3A_264 = arith.constant 112 : index
      %get3A_265 = tpu.vector_load %arg9[%get3A_263, %get3A_264] {strides = array<i32>} : memref<8x128xi32, #tpu.memory_space<vmem>>, vector<16xi32>,
      %shift_right_arithmetic3A_266 = arith.constant 4 : i32
      %shift_right_arithmetic3A_267 = vector.broadcast %shift_right_arithmetic3A_266 : i32 to vector<16xi32>
      %shift_right_arithmetic3A_268 = arith.shrsi %get3A_265, %shift_right_arithmetic3A_267 : vector<16xi32>
      %swap3A_269 = arith.constant 2 : i32
      %swap3A_270 = arith.index_cast %swap3A_269 : i32 to index
      %swap3A_271 = arith.constant 112 : index
      %swap3A_272 = tpu.vector_load %arg10[%swap3A_270, %swap3A_271] {strides = array<i32>} : memref<8x128xi32, #tpu.memory_space<vmem>>, vector<16xi32>,
      tpu.vector_store %arg10[%swap3A_270, %swap3A_271], %shift_right_arithmetic3A_268 {strides = array<i32>} : memref<8x128xi32, #tpu.memory_space<vmem>>, vector<16xi32>,
      %get3A_273 = arith.constant 3 : i32
      %get3A_274 = arith.index_cast %get3A_273 : i32 to index
      %get3A_275 = arith.constant 0 : index
      %get3A_276 = tpu.vector_load %arg9[%get3A_274, %get3A_275] {strides = array<i32>} : memref<8x128xi32, #tpu.memory_space<vmem>>, vector<16xi32>,
      %shift_right_arithmetic3A_277 = arith.constant 4 : i32
      %shift_right_arithmetic3A_278 = vector.broadcast %shift_right_arithmetic3A_277 : i32 to vector<16xi32>
      %shift_right_arithmetic3A_279 = arith.shrsi %get3A_276, %shift_right_arithmetic3A_278 : vector<16xi32>
      %swap3A_280 = arith.constant 3 : i32
      %swap3A_281 = arith.index_cast %swap3A_280 : i32 to index
      %swap3A_282 = arith.constant 0 : index
      %swap3A_283 = tpu.vector_load %arg10[%swap3A_281, %swap3A_282] {strides = array<i32>} : memref<8x128xi32, #tpu.memory_space<vmem>>, vector<16xi32>,
      tpu.vector_store %arg10[%swap3A_281, %swap3A_282], %shift_right_arithmetic3A_279 {strides = array<i32>} : memref<8x128xi32, #tpu.memory_space<vmem>>, vector<16xi32>,
      %get3A_284 = arith.constant 3 : i32
      %get3A_285 = arith.index_cast %get3A_284 : i32 to index
      %get3A_286 = arith.constant 16 : index
      %get3A_287 = tpu.vector_load %arg9[%get3A_285, %get3A_286] {strides = array<i32>} : memref<8x128xi32, #tpu.memory_space<vmem>>, vector<16xi32>,
      %shift_right_arithmetic3A_288 = arith.constant 4 : i32
      %shift_right_arithmetic3A_289 = vector.broadcast %shift_right_arithmetic3A_288 : i32 to vector<16xi32>
      %shift_right_arithmetic3A_290 = arith.shrsi %get3A_287, %shift_right_arithmetic3A_289 : vector<16xi32>
      %swap3A_291 = arith.constant 3 : i32
      %swap3A_292 = arith.index_cast %swap3A_291 : i32 to index
      %swap3A_293 = arith.constant 16 : index
      %swap3A_294 = tpu.vector_load %arg10[%swap3A_292, %swap3A_293] {strides = array<i32>} : memref<8x128xi32, #tpu.memory_space<vmem>>, vector<16xi32>,
      tpu.vector_store %arg10[%swap3A_292, %swap3A_293], %shift_right_arithmetic3A_290 {strides = array<i32>} : memref<8x128xi32, #tpu.memory_space<vmem>>, vector<16xi32>,
      %get3A_295 = arith.constant 3 : i32
      %get3A_296 = arith.index_cast %get3A_295 : i32 to index
      %get3A_297 = arith.constant 32 : index
      %get3A_298 = tpu.vector_load %arg9[%get3A_296, %get3A_297] {strides = array<i32>} : memref<8x128xi32, #tpu.memory_space<vmem>>, vector<16xi32>,
      %shift_right_arithmetic3A_299 = arith.constant 4 : i32
      %shift_right_arithmetic3A_300 = vector.broadcast %shift_right_arithmetic3A_299 : i32 to vector<16xi32>
      %shift_right_arithmetic3A_301 = arith.shrsi %get3A_298, %shift_right_arithmetic3A_300 : vector<16xi32>
      %swap3A_302 = arith.constant 3 : i32
      %swap3A_303 = arith.index_cast %swap3A_302 : i32 to index
      %swap3A_304 = arith.constant 32 : index
      %swap3A_305 = tpu.vector_load %arg10[%swap3A_303, %swap3A_304] {strides = array<i32>} : memref<8x128xi32, #tpu.memory_space<vmem>>, vector<16xi32>,
      tpu.vector_store %arg10[%swap3A_303, %swap3A_304], %shift_right_arithmetic3A_301 {strides = array<i32>} : memref<8x128xi32, #tpu.memory_space<vmem>>, vector<16xi32>,
      %get3A_306 = arith.constant 3 : i32
      %get3A_307 = arith.index_cast %get3A_306 : i32 to index
      %get3A_308 = arith.constant 48 : index
      %get3A_309 = tpu.vector_load %arg9[%get3A_307, %get3A_308] {strides = array<i32>} : memref<8x128xi32, #tpu.memory_space<vmem>>, vector<16xi32>,
      %shift_right_arithmetic3A_310 = arith.constant 4 : i32
      %shift_right_arithmetic3A_311 = vector.broadcast %shift_right_arithmetic3A_310 : i32 to vector<16xi32>
      %shift_right_arithmetic3A_312 = arith.shrsi %get3A_309, %shift_right_arithmetic3A_311 : vector<16xi32>
      %swap3A_313 = arith.constant 3 : i32
      %swap3A_314 = arith.index_cast %swap3A_313 : i32 to index
      %swap3A_315 = arith.constant 48 : index
      %swap3A_316 = tpu.vector_load %arg10[%swap3A_314, %swap3A_315] {strides = array<i32>} : memref<8x128xi32, #tpu.memory_space<vmem>>, vector<16xi32>,
      tpu.vector_store %arg10[%swap3A_314, %swap3A_315], %shift_right_arithmetic3A_312 {strides = array<i32>} : memref<8x128xi32, #tpu.memory_space<vmem>>, vector<16xi32>,
      %get3A_317 = arith.constant 3 : i32
      %get3A_318 = arith.index_cast %get3A_317 : i32 to index
      %get3A_319 = arith.constant 64 : index
      %get3A_320 = tpu.vector_load %arg9[%get3A_318, %get3A_319] {strides = array<i32>} : memref<8x128xi32, #tpu.memory_space<vmem>>, vector<16xi32>,
      %shift_right_arithmetic3A_321 = arith.constant 4 : i32
      %shift_right_arithmetic3A_322 = vector.broadcast %shift_right_arithmetic3A_321 : i32 to vector<16xi32>
      %shift_right_arithmetic3A_323 = arith.shrsi %get3A_320, %shift_right_arithmetic3A_322 : vector<16xi32>
      %swap3A_324 = arith.constant 3 : i32
      %swap3A_325 = arith.index_cast %swap3A_324 : i32 to index
      %swap3A_326 = arith.constant 64 : index
      %swap3A_327 = tpu.vector_load %arg10[%swap3A_325, %swap3A_326] {strides = array<i32>} : memref<8x128xi32, #tpu.memory_space<vmem>>, vector<16xi32>,
      tpu.vector_store %arg10[%swap3A_325, %swap3A_326], %shift_right_arithmetic3A_323 {strides = array<i32>} : memref<8x128xi32, #tpu.memory_space<vmem>>, vector<16xi32>,
      %get3A_328 = arith.constant 3 : i32
      %get3A_329 = arith.index_cast %get3A_328 : i32 to index
      %get3A_330 = arith.constant 80 : index
      %get3A_331 = tpu.vector_load %arg9[%get3A_329, %get3A_330] {strides = array<i32>} : memref<8x128xi32, #tpu.memory_space<vmem>>, vector<16xi32>,
      %shift_right_arithmetic3A_332 = arith.constant 4 : i32
      %shift_right_arithmetic3A_333 = vector.broadcast %shift_right_arithmetic3A_332 : i32 to vector<16xi32>
      %shift_right_arithmetic3A_334 = arith.shrsi %get3A_331, %shift_right_arithmetic3A_333 : vector<16xi32>
      %swap3A_335 = arith.constant 3 : i32
      %swap3A_336 = arith.index_cast %swap3A_335 : i32 to index
      %swap3A_337 = arith.constant 80 : index
      %swap3A_338 = tpu.vector_load %arg10[%swap3A_336, %swap3A_337] {strides = array<i32>} : memref<8x128xi32, #tpu.memory_space<vmem>>, vector<16xi32>,
      tpu.vector_store %arg10[%swap3A_336, %swap3A_337], %shift_right_arithmetic3A_334 {strides = array<i32>} : memref<8x128xi32, #tpu.memory_space<vmem>>, vector<16xi32>,
      %get3A_339 = arith.constant 3 : i32
      %get3A_340 = arith.index_cast %get3A_339 : i32 to index
      %get3A_341 = arith.constant 96 : index
      %get3A_342 = tpu.vector_load %arg9[%get3A_340, %get3A_341] {strides = array<i32>} : memref<8x128xi32, #tpu.memory_space<vmem>>, vector<16xi32>,
      %shift_right_arithmetic3A_343 = arith.constant 4 : i32
      %shift_right_arithmetic3A_344 = vector.broadcast %shift_right_arithmetic3A_343 : i32 to vector<16xi32>
      %shift_right_arithmetic3A_345 = arith.shrsi %get3A_342, %shift_right_arithmetic3A_344 : vector<16xi32>
      %swap3A_346 = arith.constant 3 : i32
      %swap3A_347 = arith.index_cast %swap3A_346 : i32 to index
      %swap3A_348 = arith.constant 96 : index
      %swap3A_349 = tpu.vector_load %arg10[%swap3A_347, %swap3A_348] {strides = array<i32>} : memref<8x128xi32, #tpu.memory_space<vmem>>, vector<16xi32>,
      tpu.vector_store %arg10[%swap3A_347, %swap3A_348], %shift_right_arithmetic3A_345 {strides = array<i32>} : memref<8x128xi32, #tpu.memory_space<vmem>>, vector<16xi32>,
      %get3A_350 = arith.constant 3 : i32
      %get3A_351 = arith.index_cast %get3A_350 : i32 to index
      %get3A_352 = arith.constant 112 : index
      %get3A_353 = tpu.vector_load %arg9[%get3A_351, %get3A_352] {strides = array<i32>} : memref<8x128xi32, #tpu.memory_space<vmem>>, vector<16xi32>,
      %shift_right_arithmetic3A_354 = arith.constant 4 : i32
      %shift_right_arithmetic3A_355 = vector.broadcast %shift_right_arithmetic3A_354 : i32 to vector<16xi32>
      %shift_right_arithmetic3A_356 = arith.shrsi %get3A_353, %shift_right_arithmetic3A_355 : vector<16xi32>
      %swap3A_357 = arith.constant 3 : i32
      %swap3A_358 = arith.index_cast %swap3A_357 : i32 to index
      %swap3A_359 = arith.constant 112 : index
      %swap3A_360 = tpu.vector_load %arg10[%swap3A_358, %swap3A_359] {strides = array<i32>} : memref<8x128xi32, #tpu.memory_space<vmem>>, vector<16xi32>,
      tpu.vector_store %arg10[%swap3A_358, %swap3A_359], %shift_right_arithmetic3A_356 {strides = array<i32>} : memref<8x128xi32, #tpu.memory_space<vmem>>, vector<16xi32>,
      %get3A_361 = arith.constant 4 : i32
      %get3A_362 = arith.index_cast %get3A_361 : i32 to index
      %get3A_363 = arith.constant 0 : index
      %get3A_364 = tpu.vector_load %arg9[%get3A_362, %get3A_363] {strides = array<i32>} : memref<8x128xi32, #tpu.memory_space<vmem>>, vector<16xi32>,
      %shift_right_arithmetic3A_365 = arith.constant 4 : i32
      %shift_right_arithmetic3A_366 = vector.broadcast %shift_right_arithmetic3A_365 : i32 to vector<16xi32>
      %shift_right_arithmetic3A_367 = arith.shrsi %get3A_364, %shift_right_arithmetic3A_366 : vector<16xi32>
      %swap3A_368 = arith.constant 4 : i32
      %swap3A_369 = arith.index_cast %swap3A_368 : i32 to index
      %swap3A_370 = arith.constant 0 : index
      %swap3A_371 = tpu.vector_load %arg10[%swap3A_369, %swap3A_370] {strides = array<i32>} : memref<8x128xi32, #tpu.memory_space<vmem>>, vector<16xi32>,
      tpu.vector_store %arg10[%swap3A_369, %swap3A_370], %shift_right_arithmetic3A_367 {strides = array<i32>} : memref<8x128xi32, #tpu.memory_space<vmem>>, vector<16xi32>,
      %get3A_372 = arith.constant 4 : i32
      %get3A_373 = arith.index_cast %get3A_372 : i32 to index
      %get3A_374 = arith.constant 16 : index
      %get3A_375 = tpu.vector_load %arg9[%get3A_373, %get3A_374] {strides = array<i32>} : memref<8x128xi32, #tpu.memory_space<vmem>>, vector<16xi32>,
      %shift_right_arithmetic3A_376 = arith.constant 4 : i32
      %shift_right_arithmetic3A_377 = vector.broadcast %shift_right_arithmetic3A_376 : i32 to vector<16xi32>
      %shift_right_arithmetic3A_378 = arith.shrsi %get3A_375, %shift_right_arithmetic3A_377 : vector<16xi32>
      %swap3A_379 = arith.constant 4 : i32
      %swap3A_380 = arith.index_cast %swap3A_379 : i32 to index
      %swap3A_381 = arith.constant 16 : index
      %swap3A_382 = tpu.vector_load %arg10[%swap3A_380, %swap3A_381] {strides = array<i32>} : memref<8x128xi32, #tpu.memory_space<vmem>>, vector<16xi32>,
      tpu.vector_store %arg10[%swap3A_380, %swap3A_381], %shift_right_arithmetic3A_378 {strides = array<i32>} : memref<8x128xi32, #tpu.memory_space<vmem>>, vector<16xi32>,
      %get3A_383 = arith.constant 4 : i32
      %get3A_384 = arith.index_cast %get3A_383 : i32 to index
      %get3A_385 = arith.constant 32 : index
      %get3A_386 = tpu.vector_load %arg9[%get3A_384, %get3A_385] {strides = array<i32>} : memref<8x128xi32, #tpu.memory_space<vmem>>, vector<16xi32>,
      %shift_right_arithmetic3A_387 = arith.constant 4 : i32
      %shift_right_arithmetic3A_388 = vector.broadcast %shift_right_arithmetic3A_387 : i32 to vector<16xi32>
      %shift_right_arithmetic3A_389 = arith.shrsi %get3A_386, %shift_right_arithmetic3A_388 : vector<16xi32>
      %swap3A_390 = arith.constant 4 : i32
      %swap3A_391 = arith.index_cast %swap3A_390 : i32 to index
      %swap3A_392 = arith.constant 32 : index
      %swap3A_393 = tpu.vector_load %arg10[%swap3A_391, %swap3A_392] {strides = array<i32>} : memref<8x128xi32, #tpu.memory_space<vmem>>, vector<16xi32>,
      tpu.vector_store %arg10[%swap3A_391, %swap3A_392], %shift_right_arithmetic3A_389 {strides = array<i32>} : memref<8x128xi32, #tpu.memory_space<vmem>>, vector<16xi32>,
      %get3A_394 = arith.constant 4 : i32
      %get3A_395 = arith.index_cast %get3A_394 : i32 to index
      %get3A_396 = arith.constant 48 : index
      %get3A_397 = tpu.vector_load %arg9[%get3A_395, %get3A_396] {strides = array<i32>} : memref<8x128xi32, #tpu.memory_space<vmem>>, vector<16xi32>,
      %shift_right_arithmetic3A_398 = arith.constant 4 : i32
      %shift_right_arithmetic3A_399 = vector.broadcast %shift_right_arithmetic3A_398 : i32 to vector<16xi32>
      %shift_right_arithmetic3A_400 = arith.shrsi %get3A_397, %shift_right_arithmetic3A_399 : vector<16xi32>
      %swap3A_401 = arith.constant 4 : i32
      %swap3A_402 = arith.index_cast %swap3A_401 : i32 to index
      %swap3A_403 = arith.constant 48 : index
      %swap3A_404 = tpu.vector_load %arg10[%swap3A_402, %swap3A_403] {strides = array<i32>} : memref<8x128xi32, #tpu.memory_space<vmem>>, vector<16xi32>,
      tpu.vector_store %arg10[%swap3A_402, %swap3A_403], %shift_right_arithmetic3A_400 {strides = array<i32>} : memref<8x128xi32, #tpu.memory_space<vmem>>, vector<16xi32>,
      %get3A_405 = arith.constant 4 : i32
      %get3A_406 = arith.index_cast %get3A_405 : i32 to index
      %get3A_407 = arith.constant 64 : index
      %get3A_408 = tpu.vector_load %arg9[%get3A_406, %get3A_407] {strides = array<i32>} : memref<8x128xi32, #tpu.memory_space<vmem>>, vector<16xi32>,
      %shift_right_arithmetic3A_409 = arith.constant 4 : i32
      %shift_right_arithmetic3A_410 = vector.broadcast %shift_right_arithmetic3A_409 : i32 to vector<16xi32>
      %shift_right_arithmetic3A_411 = arith.shrsi %get3A_408, %shift_right_arithmetic3A_410 : vector<16xi32>
      %swap3A_412 = arith.constant 4 : i32
      %swap3A_413 = arith.index_cast %swap3A_412 : i32 to index
      %swap3A_414 = arith.constant 64 : index
      %swap3A_415 = tpu.vector_load %arg10[%swap3A_413, %swap3A_414] {strides = array<i32>} : memref<8x128xi32, #tpu.memory_space<vmem>>, vector<16xi32>,
      tpu.vector_store %arg10[%swap3A_413, %swap3A_414], %shift_right_arithmetic3A_411 {strides = array<i32>} : memref<8x128xi32, #tpu.memory_space<vmem>>, vector<16xi32>,
      %get3A_416 = arith.constant 4 : i32
      %get3A_417 = arith.index_cast %get3A_416 : i32 to index
      %get3A_418 = arith.constant 80 : index
      %get3A_419 = tpu.vector_load %arg9[%get3A_417, %get3A_418] {strides = array<i32>} : memref<8x128xi32, #tpu.memory_space<vmem>>, vector<16xi32>,
      %shift_right_arithmetic3A_420 = arith.constant 4 : i32
      %shift_right_arithmetic3A_421 = vector.broadcast %shift_right_arithmetic3A_420 : i32 to vector<16xi32>
      %shift_right_arithmetic3A_422 = arith.shrsi %get3A_419, %shift_right_arithmetic3A_421 : vector<16xi32>
      %swap3A_423 = arith.constant 4 : i32
      %swap3A_424 = arith.index_cast %swap3A_423 : i32 to index
      %swap3A_425 = arith.constant 80 : index
      %swap3A_426 = tpu.vector_load %arg10[%swap3A_424, %swap3A_425] {strides = array<i32>} : memref<8x128xi32, #tpu.memory_space<vmem>>, vector<16xi32>,
      tpu.vector_store %arg10[%swap3A_424, %swap3A_425], %shift_right_arithmetic3A_422 {strides = array<i32>} : memref<8x128xi32, #tpu.memory_space<vmem>>, vector<16xi32>,
      %get3A_427 = arith.constant 4 : i32
      %get3A_428 = arith.index_cast %get3A_427 : i32 to index
      %get3A_429 = arith.constant 96 : index
      %get3A_430 = tpu.vector_load %arg9[%get3A_428, %get3A_429] {strides = array<i32>} : memref<8x128xi32, #tpu.memory_space<vmem>>, vector<16xi32>,
      %shift_right_arithmetic3A_431 = arith.constant 4 : i32
      %shift_right_arithmetic3A_432 = vector.broadcast %shift_right_arithmetic3A_431 : i32 to vector<16xi32>
      %shift_right_arithmetic3A_433 = arith.shrsi %get3A_430, %shift_right_arithmetic3A_432 : vector<16xi32>
      %swap3A_434 = arith.constant 4 : i32
      %swap3A_435 = arith.index_cast %swap3A_434 : i32 to index
      %swap3A_436 = arith.constant 96 : index
      %swap3A_437 = tpu.vector_load %arg10[%swap3A_435, %swap3A_436] {strides = array<i32>} : memref<8x128xi32, #tpu.memory_space<vmem>>, vector<16xi32>,
      tpu.vector_store %arg10[%swap3A_435, %swap3A_436], %shift_right_arithmetic3A_433 {strides = array<i32>} : memref<8x128xi32, #tpu.memory_space<vmem>>, vector<16xi32>,
      %get3A_438 = arith.constant 4 : i32
      %get3A_439 = arith.index_cast %get3A_438 : i32 to index
      %get3A_440 = arith.constant 112 : index
      %get3A_441 = tpu.vector_load %arg9[%get3A_439, %get3A_440] {strides = array<i32>} : memref<8x128xi32, #tpu.memory_space<vmem>>, vector<16xi32>,
      %shift_right_arithmetic3A_442 = arith.constant 4 : i32
      %shift_right_arithmetic3A_443 = vector.broadcast %shift_right_arithmetic3A_442 : i32 to vector<16xi32>
      %shift_right_arithmetic3A_444 = arith.shrsi %get3A_441, %shift_right_arithmetic3A_443 : vector<16xi32>
      %swap3A_445 = arith.constant 4 : i32
      %swap3A_446 = arith.index_cast %swap3A_445 : i32 to index
      %swap3A_447 = arith.constant 112 : index
      %swap3A_448 = tpu.vector_load %arg10[%swap3A_446, %swap3A_447] {strides = array<i32>} : memref<8x128xi32, #tpu.memory_space<vmem>>, vector<16xi32>,
      tpu.vector_store %arg10[%swap3A_446, %swap3A_447], %shift_right_arithmetic3A_444 {strides = array<i32>} : memref<8x128xi32, #tpu.memory_space<vmem>>, vector<16xi32>,
      %get3A_449 = arith.constant 5 : i32
      %get3A_450 = arith.index_cast %get3A_449 : i32 to index
      %get3A_451 = arith.constant 0 : index
      %get3A_452 = tpu.vector_load %arg9[%get3A_450, %get3A_451] {strides = array<i32>} : memref<8x128xi32, #tpu.memory_space<vmem>>, vector<16xi32>,
      %shift_right_arithmetic3A_453 = arith.constant 4 : i32
      %shift_right_arithmetic3A_454 = vector.broadcast %shift_right_arithmetic3A_453 : i32 to vector<16xi32>
      %shift_right_arithmetic3A_455 = arith.shrsi %get3A_452, %shift_right_arithmetic3A_454 : vector<16xi32>
      %swap3A_456 = arith.constant 5 : i32
      %swap3A_457 = arith.index_cast %swap3A_456 : i32 to index
      %swap3A_458 = arith.constant 0 : index
      %swap3A_459 = tpu.vector_load %arg10[%swap3A_457, %swap3A_458] {strides = array<i32>} : memref<8x128xi32, #tpu.memory_space<vmem>>, vector<16xi32>,
      tpu.vector_store %arg10[%swap3A_457, %swap3A_458], %shift_right_arithmetic3A_455 {strides = array<i32>} : memref<8x128xi32, #tpu.memory_space<vmem>>, vector<16xi32>,
      %get3A_460 = arith.constant 5 : i32
      %get3A_461 = arith.index_cast %get3A_460 : i32 to index
      %get3A_462 = arith.constant 16 : index
      %get3A_463 = tpu.vector_load %arg9[%get3A_461, %get3A_462] {strides = array<i32>} : memref<8x128xi32, #tpu.memory_space<vmem>>, vector<16xi32>,
      %shift_right_arithmetic3A_464 = arith.constant 4 : i32
      %shift_right_arithmetic3A_465 = vector.broadcast %shift_right_arithmetic3A_464 : i32 to vector<16xi32>
      %shift_right_arithmetic3A_466 = arith.shrsi %get3A_463, %shift_right_arithmetic3A_465 : vector<16xi32>
      %swap3A_467 = arith.constant 5 : i32
      %swap3A_468 = arith.index_cast %swap3A_467 : i32 to index
      %swap3A_469 = arith.constant 16 : index
      %swap3A_470 = tpu.vector_load %arg10[%swap3A_468, %swap3A_469] {strides = array<i32>} : memref<8x128xi32, #tpu.memory_space<vmem>>, vector<16xi32>,
      tpu.vector_store %arg10[%swap3A_468, %swap3A_469], %shift_right_arithmetic3A_466 {strides = array<i32>} : memref<8x128xi32, #tpu.memory_space<vmem>>, vector<16xi32>,
      %get3A_471 = arith.constant 5 : i32
      %get3A_472 = arith.index_cast %get3A_471 : i32 to index
      %get3A_473 = arith.constant 32 : index
      %get3A_474 = tpu.vector_load %arg9[%get3A_472, %get3A_473] {strides = array<i32>} : memref<8x128xi32, #tpu.memory_space<vmem>>, vector<16xi32>,
      %shift_right_arithmetic3A_475 = arith.constant 4 : i32
      %shift_right_arithmetic3A_476 = vector.broadcast %shift_right_arithmetic3A_475 : i32 to vector<16xi32>
      %shift_right_arithmetic3A_477 = arith.shrsi %get3A_474, %shift_right_arithmetic3A_476 : vector<16xi32>
      %swap3A_478 = arith.constant 5 : i32
      %swap3A_479 = arith.index_cast %swap3A_478 : i32 to index
      %swap3A_480 = arith.constant 32 : index
      %swap3A_481 = tpu.vector_load %arg10[%swap3A_479, %swap3A_480] {strides = array<i32>} : memref<8x128xi32, #tpu.memory_space<vmem>>, vector<16xi32>,
      tpu.vector_store %arg10[%swap3A_479, %swap3A_480], %shift_right_arithmetic3A_477 {strides = array<i32>} : memref<8x128xi32, #tpu.memory_space<vmem>>, vector<16xi32>,
      %get3A_482 = arith.constant 5 : i32
      %get3A_483 = arith.index_cast %get3A_482 : i32 to index
      %get3A_484 = arith.constant 48 : index
      %get3A_485 = tpu.vector_load %arg9[%get3A_483, %get3A_484] {strides = array<i32>} : memref<8x128xi32, #tpu.memory_space<vmem>>, vector<16xi32>,
      %shift_right_arithmetic3A_486 = arith.constant 4 : i32
      %shift_right_arithmetic3A_487 = vector.broadcast %shift_right_arithmetic3A_486 : i32 to vector<16xi32>
      %shift_right_arithmetic3A_488 = arith.shrsi %get3A_485, %shift_right_arithmetic3A_487 : vector<16xi32>
      %swap3A_489 = arith.constant 5 : i32
      %swap3A_490 = arith.index_cast %swap3A_489 : i32 to index
      %swap3A_491 = arith.constant 48 : index
      %swap3A_492 = tpu.vector_load %arg10[%swap3A_490, %swap3A_491] {strides = array<i32>} : memref<8x128xi32, #tpu.memory_space<vmem>>, vector<16xi32>,
      tpu.vector_store %arg10[%swap3A_490, %swap3A_491], %shift_right_arithmetic3A_488 {strides = array<i32>} : memref<8x128xi32, #tpu.memory_space<vmem>>, vector<16xi32>,
      %get3A_493 = arith.constant 5 : i32
      %get3A_494 = arith.index_cast %get3A_493 : i32 to index
      %get3A_495 = arith.constant 64 : index
      %get3A_496 = tpu.vector_load %arg9[%get3A_494, %get3A_495] {strides = array<i32>} : memref<8x128xi32, #tpu.memory_space<vmem>>, vector<16xi32>,
      %shift_right_arithmetic3A_497 = arith.constant 4 : i32
      %shift_right_arithmetic3A_498 = vector.broadcast %shift_right_arithmetic3A_497 : i32 to vector<16xi32>
      %shift_right_arithmetic3A_499 = arith.shrsi %get3A_496, %shift_right_arithmetic3A_498 : vector<16xi32>
      %swap3A_500 = arith.constant 5 : i32
      %swap3A_501 = arith.index_cast %swap3A_500 : i32 to index
      %swap3A_502 = arith.constant 64 : index
      %swap3A_503 = tpu.vector_load %arg10[%swap3A_501, %swap3A_502] {strides = array<i32>} : memref<8x128xi32, #tpu.memory_space<vmem>>, vector<16xi32>,
      tpu.vector_store %arg10[%swap3A_501, %swap3A_502], %shift_right_arithmetic3A_499 {strides = array<i32>} : memref<8x128xi32, #tpu.memory_space<vmem>>, vector<16xi32>,
      %get3A_504 = arith.constant 5 : i32
      %get3A_505 = arith.index_cast %get3A_504 : i32 to index
      %get3A_506 = arith.constant 80 : index
      %get3A_507 = tpu.vector_load %arg9[%get3A_505, %get3A_506] {strides = array<i32>} : memref<8x128xi32, #tpu.memory_space<vmem>>, vector<16xi32>,
      %shift_right_arithmetic3A_508 = arith.constant 4 : i32
      %shift_right_arithmetic3A_509 = vector.broadcast %shift_right_arithmetic3A_508 : i32 to vector<16xi32>
      %shift_right_arithmetic3A_510 = arith.shrsi %get3A_507, %shift_right_arithmetic3A_509 : vector<16xi32>
      %swap3A_511 = arith.constant 5 : i32
      %swap3A_512 = arith.index_cast %swap3A_511 : i32 to index
      %swap3A_513 = arith.constant 80 : index
      %swap3A_514 = tpu.vector_load %arg10[%swap3A_512, %swap3A_513] {strides = array<i32>} : memref<8x128xi32, #tpu.memory_space<vmem>>, vector<16xi32>,
      tpu.vector_store %arg10[%swap3A_512, %swap3A_513], %shift_right_arithmetic3A_510 {strides = array<i32>} : memref<8x128xi32, #tpu.memory_space<vmem>>, vector<16xi32>,
      %get3A_515 = arith.constant 5 : i32
      %get3A_516 = arith.index_cast %get3A_515 : i32 to index
      %get3A_517 = arith.constant 96 : index
      %get3A_518 = tpu.vector_load %arg9[%get3A_516, %get3A_517] {strides = array<i32>} : memref<8x128xi32, #tpu.memory_space<vmem>>, vector<16xi32>,
      %shift_right_arithmetic3A_519 = arith.constant 4 : i32
      %shift_right_arithmetic3A_520 = vector.broadcast %shift_right_arithmetic3A_519 : i32 to vector<16xi32>
      %shift_right_arithmetic3A_521 = arith.shrsi %get3A_518, %shift_right_arithmetic3A_520 : vector<16xi32>
      %swap3A_522 = arith.constant 5 : i32
      %swap3A_523 = arith.index_cast %swap3A_522 : i32 to index
      %swap3A_524 = arith.constant 96 : index
      %swap3A_525 = tpu.vector_load %arg10[%swap3A_523, %swap3A_524] {strides = array<i32>} : memref<8x128xi32, #tpu.memory_space<vmem>>, vector<16xi32>,
      tpu.vector_store %arg10[%swap3A_523, %swap3A_524], %shift_right_arithmetic3A_521 {strides = array<i32>} : memref<8x128xi32, #tpu.memory_space<vmem>>, vector<16xi32>,
      %get3A_526 = arith.constant 5 : i32
      %get3A_527 = arith.index_cast %get3A_526 : i32 to index
      %get3A_528 = arith.constant 112 : index
      %get3A_529 = tpu.vector_load %arg9[%get3A_527, %get3A_528] {strides = array<i32>} : memref<8x128xi32, #tpu.memory_space<vmem>>, vector<16xi32>,
      %shift_right_arithmetic3A_530 = arith.constant 4 : i32
      %shift_right_arithmetic3A_531 = vector.broadcast %shift_right_arithmetic3A_530 : i32 to vector<16xi32>
      %shift_right_arithmetic3A_532 = arith.shrsi %get3A_529, %shift_right_arithmetic3A_531 : vector<16xi32>
      %swap3A_533 = arith.constant 5 : i32
      %swap3A_534 = arith.index_cast %swap3A_533 : i32 to index
      %swap3A_535 = arith.constant 112 : index
      %swap3A_536 = tpu.vector_load %arg10[%swap3A_534, %swap3A_535] {strides = array<i32>} : memref<8x128xi32, #tpu.memory_space<vmem>>, vector<16xi32>,
      tpu.vector_store %arg10[%swap3A_534, %swap3A_535], %shift_right_arithmetic3A_532 {strides = array<i32>} : memref<8x128xi32, #tpu.memory_space<vmem>>, vector<16xi32>,
      %get3A_537 = arith.constant 6 : i32
      %get3A_538 = arith.index_cast %get3A_537 : i32 to index
      %get3A_539 = arith.constant 0 : index
      %get3A_540 = tpu.vector_load %arg9[%get3A_538, %get3A_539] {strides = array<i32>} : memref<8x128xi32, #tpu.memory_space<vmem>>, vector<16xi32>,
      %shift_right_arithmetic3A_541 = arith.constant 4 : i32
      %shift_right_arithmetic3A_542 = vector.broadcast %shift_right_arithmetic3A_541 : i32 to vector<16xi32>
      %shift_right_arithmetic3A_543 = arith.shrsi %get3A_540, %shift_right_arithmetic3A_542 : vector<16xi32>
      %swap3A_544 = arith.constant 6 : i32
      %swap3A_545 = arith.index_cast %swap3A_544 : i32 to index
      %swap3A_546 = arith.constant 0 : index
      %swap3A_547 = tpu.vector_load %arg10[%swap3A_545, %swap3A_546] {strides = array<i32>} : memref<8x128xi32, #tpu.memory_space<vmem>>, vector<16xi32>,
      tpu.vector_store %arg10[%swap3A_545, %swap3A_546], %shift_right_arithmetic3A_543 {strides = array<i32>} : memref<8x128xi32, #tpu.memory_space<vmem>>, vector<16xi32>,
      %get3A_548 = arith.constant 6 : i32
      %get3A_549 = arith.index_cast %get3A_548 : i32 to index
      %get3A_550 = arith.constant 16 : index
      %get3A_551 = tpu.vector_load %arg9[%get3A_549, %get3A_550] {strides = array<i32>} : memref<8x128xi32, #tpu.memory_space<vmem>>, vector<16xi32>,
      %shift_right_arithmetic3A_552 = arith.constant 4 : i32
      %shift_right_arithmetic3A_553 = vector.broadcast %shift_right_arithmetic3A_552 : i32 to vector<16xi32>
      %shift_right_arithmetic3A_554 = arith.shrsi %get3A_551, %shift_right_arithmetic3A_553 : vector<16xi32>
      %swap3A_555 = arith.constant 6 : i32
      %swap3A_556 = arith.index_cast %swap3A_555 : i32 to index
      %swap3A_557 = arith.constant 16 : index
      %swap3A_558 = tpu.vector_load %arg10[%swap3A_556, %swap3A_557] {strides = array<i32>} : memref<8x128xi32, #tpu.memory_space<vmem>>, vector<16xi32>,
      tpu.vector_store %arg10[%swap3A_556, %swap3A_557], %shift_right_arithmetic3A_554 {strides = array<i32>} : memref<8x128xi32, #tpu.memory_space<vmem>>, vector<16xi32>,
      %get3A_559 = arith.constant 6 : i32
      %get3A_560 = arith.index_cast %get3A_559 : i32 to index
      %get3A_561 = arith.constant 32 : index
      %get3A_562 = tpu.vector_load %arg9[%get3A_560, %get3A_561] {strides = array<i32>} : memref<8x128xi32, #tpu.memory_space<vmem>>, vector<16xi32>,
      %shift_right_arithmetic3A_563 = arith.constant 4 : i32
      %shift_right_arithmetic3A_564 = vector.broadcast %shift_right_arithmetic3A_563 : i32 to vector<16xi32>
      %shift_right_arithmetic3A_565 = arith.shrsi %get3A_562, %shift_right_arithmetic3A_564 : vector<16xi32>
      %swap3A_566 = arith.constant 6 : i32
      %swap3A_567 = arith.index_cast %swap3A_566 : i32 to index
      %swap3A_568 = arith.constant 32 : index
      %swap3A_569 = tpu.vector_load %arg10[%swap3A_567, %swap3A_568] {strides = array<i32>} : memref<8x128xi32, #tpu.memory_space<vmem>>, vector<16xi32>,
      tpu.vector_store %arg10[%swap3A_567, %swap3A_568], %shift_right_arithmetic3A_565 {strides = array<i32>} : memref<8x128xi32, #tpu.memory_space<vmem>>, vector<16xi32>,
      %get3A_570 = arith.constant 6 : i32
      %get3A_571 = arith.index_cast %get3A_570 : i32 to index
      %get3A_572 = arith.constant 48 : index
      %get3A_573 = tpu.vector_load %arg9[%get3A_571, %get3A_572] {strides = array<i32>} : memref<8x128xi32, #tpu.memory_space<vmem>>, vector<16xi32>,
      %shift_right_arithmetic3A_574 = arith.constant 4 : i32
      %shift_right_arithmetic3A_575 = vector.broadcast %shift_right_arithmetic3A_574 : i32 to vector<16xi32>
      %shift_right_arithmetic3A_576 = arith.shrsi %get3A_573, %shift_right_arithmetic3A_575 : vector<16xi32>
      %swap3A_577 = arith.constant 6 : i32
      %swap3A_578 = arith.index_cast %swap3A_577 : i32 to index
      %swap3A_579 = arith.constant 48 : index
      %swap3A_580 = tpu.vector_load %arg10[%swap3A_578, %swap3A_579] {strides = array<i32>} : memref<8x128xi32, #tpu.memory_space<vmem>>, vector<16xi32>,
      tpu.vector_store %arg10[%swap3A_578, %swap3A_579], %shift_right_arithmetic3A_576 {strides = array<i32>} : memref<8x128xi32, #tpu.memory_space<vmem>>, vector<16xi32>,
      %get3A_581 = arith.constant 6 : i32
      %get3A_582 = arith.index_cast %get3A_581 : i32 to index
      %get3A_583 = arith.constant 64 : index
      %get3A_584 = tpu.vector_load %arg9[%get3A_582, %get3A_583] {strides = array<i32>} : memref<8x128xi32, #tpu.memory_space<vmem>>, vector<16xi32>,
      %shift_right_arithmetic3A_585 = arith.constant 4 : i32
      %shift_right_arithmetic3A_586 = vector.broadcast %shift_right_arithmetic3A_585 : i32 to vector<16xi32>
      %shift_right_arithmetic3A_587 = arith.shrsi %get3A_584, %shift_right_arithmetic3A_586 : vector<16xi32>
      %swap3A_588 = arith.constant 6 : i32
      %swap3A_589 = arith.index_cast %swap3A_588 : i32 to index
      %swap3A_590 = arith.constant 64 : index
      %swap3A_591 = tpu.vector_load %arg10[%swap3A_589, %swap3A_590] {strides = array<i32>} : memref<8x128xi32, #tpu.memory_space<vmem>>, vector<16xi32>,
      tpu.vector_store %arg10[%swap3A_589, %swap3A_590], %shift_right_arithmetic3A_587 {strides = array<i32>} : memref<8x128xi32, #tpu.memory_space<vmem>>, vector<16xi32>,
      %get3A_592 = arith.constant 6 : i32
      %get3A_593 = arith.index_cast %get3A_592 : i32 to index
      %get3A_594 = arith.constant 80 : index
      %get3A_595 = tpu.vector_load %arg9[%get3A_593, %get3A_594] {strides = array<i32>} : memref<8x128xi32, #tpu.memory_space<vmem>>, vector<16xi32>,
      %shift_right_arithmetic3A_596 = arith.constant 4 : i32
      %shift_right_arithmetic3A_597 = vector.broadcast %shift_right_arithmetic3A_596 : i32 to vector<16xi32>
      %shift_right_arithmetic3A_598 = arith.shrsi %get3A_595, %shift_right_arithmetic3A_597 : vector<16xi32>
      %swap3A_599 = arith.constant 6 : i32
      %swap3A_600 = arith.index_cast %swap3A_599 : i32 to index
      %swap3A_601 = arith.constant 80 : index
      %swap3A_602 = tpu.vector_load %arg10[%swap3A_600, %swap3A_601] {strides = array<i32>} : memref<8x128xi32, #tpu.memory_space<vmem>>, vector<16xi32>,
      tpu.vector_store %arg10[%swap3A_600, %swap3A_601], %shift_right_arithmetic3A_598 {strides = array<i32>} : memref<8x128xi32, #tpu.memory_space<vmem>>, vector<16xi32>,
      %get3A_603 = arith.constant 6 : i32
      %get3A_604 = arith.index_cast %get3A_603 : i32 to index
      %get3A_605 = arith.constant 96 : index
      %get3A_606 = tpu.vector_load %arg9[%get3A_604, %get3A_605] {strides = array<i32>} : memref<8x128xi32, #tpu.memory_space<vmem>>, vector<16xi32>,
      %shift_right_arithmetic3A_607 = arith.constant 4 : i32
      %shift_right_arithmetic3A_608 = vector.broadcast %shift_right_arithmetic3A_607 : i32 to vector<16xi32>
      %shift_right_arithmetic3A_609 = arith.shrsi %get3A_606, %shift_right_arithmetic3A_608 : vector<16xi32>
      %swap3A_610 = arith.constant 6 : i32
      %swap3A_611 = arith.index_cast %swap3A_610 : i32 to index
      %swap3A_612 = arith.constant 96 : index
      %swap3A_613 = tpu.vector_load %arg10[%swap3A_611, %swap3A_612] {strides = array<i32>} : memref<8x128xi32, #tpu.memory_space<vmem>>, vector<16xi32>,
      tpu.vector_store %arg10[%swap3A_611, %swap3A_612], %shift_right_arithmetic3A_609 {strides = array<i32>} : memref<8x128xi32, #tpu.memory_space<vmem>>, vector<16xi32>,
      %get3A_614 = arith.constant 6 : i32
      %get3A_615 = arith.index_cast %get3A_614 : i32 to index
      %get3A_616 = arith.constant 112 : index
      %get3A_617 = tpu.vector_load %arg9[%get3A_615, %get3A_616] {strides = array<i32>} : memref<8x128xi32, #tpu.memory_space<vmem>>, vector<16xi32>,
      %shift_right_arithmetic3A_618 = arith.constant 4 : i32
      %shift_right_arithmetic3A_619 = vector.broadcast %shift_right_arithmetic3A_618 : i32 to vector<16xi32>
      %shift_right_arithmetic3A_620 = arith.shrsi %get3A_617, %shift_right_arithmetic3A_619 : vector<16xi32>
      %swap3A_621 = arith.constant 6 : i32
      %swap3A_622 = arith.index_cast %swap3A_621 : i32 to index
      %swap3A_623 = arith.constant 112 : index
      %swap3A_624 = tpu.vector_load %arg10[%swap3A_622, %swap3A_623] {strides = array<i32>} : memref<8x128xi32, #tpu.memory_space<vmem>>, vector<16xi32>,
      tpu.vector_store %arg10[%swap3A_622, %swap3A_623], %shift_right_arithmetic3A_620 {strides = array<i32>} : memref<8x128xi32, #tpu.memory_space<vmem>>, vector<16xi32>,
      %get3A_625 = arith.constant 7 : i32
      %get3A_626 = arith.index_cast %get3A_625 : i32 to index
      %get3A_627 = arith.constant 0 : index
      %get3A_628 = tpu.vector_load %arg9[%get3A_626, %get3A_627] {strides = array<i32>} : memref<8x128xi32, #tpu.memory_space<vmem>>, vector<16xi32>,
      %shift_right_arithmetic3A_629 = arith.constant 4 : i32
      %shift_right_arithmetic3A_630 = vector.broadcast %shift_right_arithmetic3A_629 : i32 to vector<16xi32>
      %shift_right_arithmetic3A_631 = arith.shrsi %get3A_628, %shift_right_arithmetic3A_630 : vector<16xi32>
      %swap3A_632 = arith.constant 7 : i32
      %swap3A_633 = arith.index_cast %swap3A_632 : i32 to index
      %swap3A_634 = arith.constant 0 : index
      %swap3A_635 = tpu.vector_load %arg10[%swap3A_633, %swap3A_634] {strides = array<i32>} : memref<8x128xi32, #tpu.memory_space<vmem>>, vector<16xi32>,
      tpu.vector_store %arg10[%swap3A_633, %swap3A_634], %shift_right_arithmetic3A_631 {strides = array<i32>} : memref<8x128xi32, #tpu.memory_space<vmem>>, vector<16xi32>,
      %get3A_636 = arith.constant 7 : i32
      %get3A_637 = arith.index_cast %get3A_636 : i32 to index
      %get3A_638 = arith.constant 16 : index
      %get3A_639 = tpu.vector_load %arg9[%get3A_637, %get3A_638] {strides = array<i32>} : memref<8x128xi32, #tpu.memory_space<vmem>>, vector<16xi32>,
      %shift_right_arithmetic3A_640 = arith.constant 4 : i32
      %shift_right_arithmetic3A_641 = vector.broadcast %shift_right_arithmetic3A_640 : i32 to vector<16xi32>
      %shift_right_arithmetic3A_642 = arith.shrsi %get3A_639, %shift_right_arithmetic3A_641 : vector<16xi32>
      %swap3A_643 = arith.constant 7 : i32
      %swap3A_644 = arith.index_cast %swap3A_643 : i32 to index
      %swap3A_645 = arith.constant 16 : index
      %swap3A_646 = tpu.vector_load %arg10[%swap3A_644, %swap3A_645] {strides = array<i32>} : memref<8x128xi32, #tpu.memory_space<vmem>>, vector<16xi32>,
      tpu.vector_store %arg10[%swap3A_644, %swap3A_645], %shift_right_arithmetic3A_642 {strides = array<i32>} : memref<8x128xi32, #tpu.memory_space<vmem>>, vector<16xi32>,
      %get3A_647 = arith.constant 7 : i32
      %get3A_648 = arith.index_cast %get3A_647 : i32 to index
      %get3A_649 = arith.constant 32 : index
      %get3A_650 = tpu.vector_load %arg9[%get3A_648, %get3A_649] {strides = array<i32>} : memref<8x128xi32, #tpu.memory_space<vmem>>, vector<16xi32>,
      %shift_right_arithmetic3A_651 = arith.constant 4 : i32
      %shift_right_arithmetic3A_652 = vector.broadcast %shift_right_arithmetic3A_651 : i32 to vector<16xi32>
      %shift_right_arithmetic3A_653 = arith.shrsi %get3A_650, %shift_right_arithmetic3A_652 : vector<16xi32>
      %swap3A_654 = arith.constant 7 : i32
      %swap3A_655 = arith.index_cast %swap3A_654 : i32 to index
      %swap3A_656 = arith.constant 32 : index
      %swap3A_657 = tpu.vector_load %arg10[%swap3A_655, %swap3A_656] {strides = array<i32>} : memref<8x128xi32, #tpu.memory_space<vmem>>, vector<16xi32>,
      tpu.vector_store %arg10[%swap3A_655, %swap3A_656], %shift_right_arithmetic3A_653 {strides = array<i32>} : memref<8x128xi32, #tpu.memory_space<vmem>>, vector<16xi32>,
      %get3A_658 = arith.constant 7 : i32
      %get3A_659 = arith.index_cast %get3A_658 : i32 to index
      %get3A_660 = arith.constant 48 : index
      %get3A_661 = tpu.vector_load %arg9[%get3A_659, %get3A_660] {strides = array<i32>} : memref<8x128xi32, #tpu.memory_space<vmem>>, vector<16xi32>,
      %shift_right_arithmetic3A_662 = arith.constant 4 : i32
      %shift_right_arithmetic3A_663 = vector.broadcast %shift_right_arithmetic3A_662 : i32 to vector<16xi32>
      %shift_right_arithmetic3A_664 = arith.shrsi %get3A_661, %shift_right_arithmetic3A_663 : vector<16xi32>
      %swap3A_665 = arith.constant 7 : i32
      %swap3A_666 = arith.index_cast %swap3A_665 : i32 to index
      %swap3A_667 = arith.constant 48 : index
      %swap3A_668 = tpu.vector_load %arg10[%swap3A_666, %swap3A_667] {strides = array<i32>} : memref<8x128xi32, #tpu.memory_space<vmem>>, vector<16xi32>,
      tpu.vector_store %arg10[%swap3A_666, %swap3A_667], %shift_right_arithmetic3A_664 {strides = array<i32>} : memref<8x128xi32, #tpu.memory_space<vmem>>, vector<16xi32>,
      %get3A_669 = arith.constant 7 : i32
      %get3A_670 = arith.index_cast %get3A_669 : i32 to index
      %get3A_671 = arith.constant 64 : index
      %get3A_672 = tpu.vector_load %arg9[%get3A_670, %get3A_671] {strides = array<i32>} : memref<8x128xi32, #tpu.memory_space<vmem>>, vector<16xi32>,
      %shift_right_arithmetic3A_673 = arith.constant 4 : i32
      %shift_right_arithmetic3A_674 = vector.broadcast %shift_right_arithmetic3A_673 : i32 to vector<16xi32>
      %shift_right_arithmetic3A_675 = arith.shrsi %get3A_672, %shift_right_arithmetic3A_674 : vector<16xi32>
      %swap3A_676 = arith.constant 7 : i32
      %swap3A_677 = arith.index_cast %swap3A_676 : i32 to index
      %swap3A_678 = arith.constant 64 : index
      %swap3A_679 = tpu.vector_load %arg10[%swap3A_677, %swap3A_678] {strides = array<i32>} : memref<8x128xi32, #tpu.memory_space<vmem>>, vector<16xi32>,
      tpu.vector_store %arg10[%swap3A_677, %swap3A_678], %shift_right_arithmetic3A_675 {strides = array<i32>} : memref<8x128xi32, #tpu.memory_space<vmem>>, vector<16xi32>,
      %get3A_680 = arith.constant 7 : i32
      %get3A_681 = arith.index_cast %get3A_680 : i32 to index
      %get3A_682 = arith.constant 80 : index
      %get3A_683 = tpu.vector_load %arg9[%get3A_681, %get3A_682] {strides = array<i32>} : memref<8x128xi32, #tpu.memory_space<vmem>>, vector<16xi32>,
      %shift_right_arithmetic3A_684 = arith.constant 4 : i32
      %shift_right_arithmetic3A_685 = vector.broadcast %shift_right_arithmetic3A_684 : i32 to vector<16xi32>
      %shift_right_arithmetic3A_686 = arith.shrsi %get3A_683, %shift_right_arithmetic3A_685 : vector<16xi32>
      %swap3A_687 = arith.constant 7 : i32
      %swap3A_688 = arith.index_cast %swap3A_687 : i32 to index
      %swap3A_689 = arith.constant 80 : index
      %swap3A_690 = tpu.vector_load %arg10[%swap3A_688, %swap3A_689] {strides = array<i32>} : memref<8x128xi32, #tpu.memory_space<vmem>>, vector<16xi32>,
      tpu.vector_store %arg10[%swap3A_688, %swap3A_689], %shift_right_arithmetic3A_686 {strides = array<i32>} : memref<8x128xi32, #tpu.memory_space<vmem>>, vector<16xi32>,
      %get3A_691 = arith.constant 7 : i32
      %get3A_692 = arith.index_cast %get3A_691 : i32 to index
      %get3A_693 = arith.constant 96 : index
      %get3A_694 = tpu.vector_load %arg9[%get3A_692, %get3A_693] {strides = array<i32>} : memref<8x128xi32, #tpu.memory_space<vmem>>, vector<16xi32>,
      %shift_right_arithmetic3A_695 = arith.constant 4 : i32
      %shift_right_arithmetic3A_696 = vector.broadcast %shift_right_arithmetic3A_695 : i32 to vector<16xi32>
      %shift_right_arithmetic3A_697 = arith.shrsi %get3A_694, %shift_right_arithmetic3A_696 : vector<16xi32>
      %swap3A_698 = arith.constant 7 : i32
      %swap3A_699 = arith.index_cast %swap3A_698 : i32 to index
      %swap3A_700 = arith.constant 96 : index
      %swap3A_701 = tpu.vector_load %arg10[%swap3A_699, %swap3A_700] {strides = array<i32>} : memref<8x128xi32, #tpu.memory_space<vmem>>, vector<16xi32>,
      tpu.vector_store %arg10[%swap3A_699, %swap3A_700], %shift_right_arithmetic3A_697 {strides = array<i32>} : memref<8x128xi32, #tpu.memory_space<vmem>>, vector<16xi32>,
      %get3A_702 = arith.constant 7 : i32
      %get3A_703 = arith.index_cast %get3A_702 : i32 to index
      %get3A_704 = arith.constant 112 : index
      %get3A_705 = tpu.vector_load %arg9[%get3A_703, %get3A_704] {strides = array<i32>} : memref<8x128xi32, #tpu.memory_space<vmem>>, vector<16xi32>,
      %shift_right_arithmetic3A_706 = arith.constant 4 : i32
      %shift_right_arithmetic3A_707 = vector.broadcast %shift_right_arithmetic3A_706 : i32 to vector<16xi32>
      %shift_right_arithmetic3A_708 = arith.shrsi %get3A_705, %shift_right_arithmetic3A_707 : vector<16xi32>
      %swap3A_709 = arith.constant 7 : i32
      %swap3A_710 = arith.index_cast %swap3A_709 : i32 to index
      %swap3A_711 = arith.constant 112 : index
      %swap3A_712 = tpu.vector_load %arg10[%swap3A_710, %swap3A_711] {strides = array<i32>} : memref<8x128xi32, #tpu.memory_space<vmem>>, vector<16xi32>,
      tpu.vector_store %arg10[%swap3A_710, %swap3A_711], %shift_right_arithmetic3A_708 {strides = array<i32>} : memref<8x128xi32, #tpu.memory_space<vmem>>, vector<16xi32>,
      %dma_start3A = arith.constant 0 : i32
      %dma_start3A_713 = arith.constant 0 : i32
      %dma_start3A_714 = arith.constant 0 : i32
      %dma_start3A_715 = arith.constant 0 : i32
      %dma_start3A_716 = tpu.memref_slice %arg11[%dma_start3A_713, %dma_start3A_714, %dma_start3A_715] : memref<8x128x16xf32, #tpu.memory_space<vmem>> -> memref<1x128x16xf32, #tpu.memory_space<vmem>>
      %dma_start3A_717 = tpu.memref_squeeze %dma_start3A_716 : memref<1x128x16xf32, #tpu.memory_space<vmem>> -> memref<128x16xf32, #tpu.memory_space<vmem>>
      %dma_start3A_718 = arith.constant 0 : i32
      %dma_start3A_719 = tpu.memref_slice %arg8[%dma_start3A, %dma_start3A_718] : memref<8x128xi32, #tpu.memory_space<vmem>> -> memref<1x128xi32, #tpu.memory_space<vmem>>
      %dma_start3A_720 = tpu.memref_squeeze %dma_start3A_719 : memref<1x128xi32, #tpu.memory_space<vmem>> -> memref<128xi32, #tpu.memory_space<vmem>>
      %dma_start3A_721 = arith.constant 0 : i32
      %dma_start3A_722 = arith.constant 0 : i32
      %dma_start3A_723 = tpu.memref_slice %arg4[%dma_start3A_721, %dma_start3A_722] : memref<1703936x16xf32, #tpu.memory_space<hbm>> -> memref<1703936x16xf32, #tpu.memory_space<hbm>>
      tpu.enqueue_indirect_dma source(%dma_start3A_723 : memref<1703936x16xf32, #tpu.memory_space<hbm>>) target(%dma_start3A_717 : memref<128x16xf32, #tpu.memory_space<vmem>>) offsets(%dma_start3A_720 : memref<128xi32, #tpu.memory_space<vmem>>) semaphore(%arg14 : memref<!tpu.dma_semaphore, #tpu.memory_space<semaphore_mem>>)
      %dma_start3A_724 = arith.constant 0 : i32
      %dma_start3A_725 = arith.constant 0 : i32
      %dma_start3A_726 = arith.constant 0 : i32
      %dma_start3A_727 = tpu.memref_slice %arg12[%dma_start3A_725, %dma_start3A_726] : memref<1024x16xf32, #tpu.memory_space<vmem>> -> memref<128x16xf32, #tpu.memory_space<vmem>>
      %dma_start3A_728 = arith.constant 0 : i32
      %dma_start3A_729 = tpu.memref_slice %arg10[%dma_start3A_724, %dma_start3A_728] : memref<8x128xi32, #tpu.memory_space<vmem>> -> memref<1x128xi32, #tpu.memory_space<vmem>>
      %dma_start3A_730 = tpu.memref_squeeze %dma_start3A_729 : memref<1x128xi32, #tpu.memory_space<vmem>> -> memref<128xi32, #tpu.memory_space<vmem>>
      %dma_start3A_731 = arith.constant 0 : i32
      %dma_start3A_732 = arith.constant 0 : i32
      %dma_start3A_733 = tpu.memref_slice %arg5[%dma_start3A_731, %dma_start3A_732] : memref<163840x16xf32, #tpu.memory_space<hbm>> -> memref<163840x16xf32, #tpu.memory_space<hbm>>
      tpu.enqueue_indirect_dma source(%dma_start3A_733 : memref<163840x16xf32, #tpu.memory_space<hbm>>) target(%dma_start3A_727 : memref<128x16xf32, #tpu.memory_space<vmem>>) offsets(%dma_start3A_730 : memref<128xi32, #tpu.memory_space<vmem>>) semaphore(%arg15 : memref<!tpu.dma_semaphore, #tpu.memory_space<semaphore_mem>>)
      %dma_start3A_734 = arith.constant 1 : i32
      %dma_start3A_735 = arith.constant 1 : i32
      %dma_start3A_736 = arith.constant 0 : i32
      %dma_start3A_737 = arith.constant 0 : i32
      %dma_start3A_738 = tpu.memref_slice %arg11[%dma_start3A_735, %dma_start3A_736, %dma_start3A_737] : memref<8x128x16xf32, #tpu.memory_space<vmem>> -> memref<1x128x16xf32, #tpu.memory_space<vmem>>
      %dma_start3A_739 = tpu.memref_squeeze %dma_start3A_738 : memref<1x128x16xf32, #tpu.memory_space<vmem>> -> memref<128x16xf32, #tpu.memory_space<vmem>>
      %dma_start3A_740 = arith.constant 0 : i32
      %dma_start3A_741 = tpu.memref_slice %arg8[%dma_start3A_734, %dma_start3A_740] : memref<8x128xi32, #tpu.memory_space<vmem>> -> memref<1x128xi32, #tpu.memory_space<vmem>>
      %dma_start3A_742 = tpu.memref_squeeze %dma_start3A_741 : memref<1x128xi32, #tpu.memory_space<vmem>> -> memref<128xi32, #tpu.memory_space<vmem>>
      %dma_start3A_743 = arith.constant 0 : i32
      %dma_start3A_744 = arith.constant 0 : i32
      %dma_start3A_745 = tpu.memref_slice %arg4[%dma_start3A_743, %dma_start3A_744] : memref<1703936x16xf32, #tpu.memory_space<hbm>> -> memref<1703936x16xf32, #tpu.memory_space<hbm>>
      tpu.enqueue_indirect_dma source(%dma_start3A_745 : memref<1703936x16xf32, #tpu.memory_space<hbm>>) target(%dma_start3A_739 : memref<128x16xf32, #tpu.memory_space<vmem>>) offsets(%dma_start3A_742 : memref<128xi32, #tpu.memory_space<vmem>>) semaphore(%arg14 : memref<!tpu.dma_semaphore, #tpu.memory_space<semaphore_mem>>)
      %dma_start3A_746 = arith.constant 1 : i32
      %dma_start3A_747 = arith.constant 128 : i32
      %dma_start3A_748 = arith.constant 0 : i32
      %dma_start3A_749 = tpu.memref_slice %arg12[%dma_start3A_747, %dma_start3A_748] : memref<1024x16xf32, #tpu.memory_space<vmem>> -> memref<128x16xf32, #tpu.memory_space<vmem>>
      %dma_start3A_750 = arith.constant 0 : i32
      %dma_start3A_751 = tpu.memref_slice %arg10[%dma_start3A_746, %dma_start3A_750] : memref<8x128xi32, #tpu.memory_space<vmem>> -> memref<1x128xi32, #tpu.memory_space<vmem>>
      %dma_start3A_752 = tpu.memref_squeeze %dma_start3A_751 : memref<1x128xi32, #tpu.memory_space<vmem>> -> memref<128xi32, #tpu.memory_space<vmem>>
      %dma_start3A_753 = arith.constant 0 : i32
      %dma_start3A_754 = arith.constant 0 : i32
      %dma_start3A_755 = tpu.memref_slice %arg5[%dma_start3A_753, %dma_start3A_754] : memref<163840x16xf32, #tpu.memory_space<hbm>> -> memref<163840x16xf32, #tpu.memory_space<hbm>>
      tpu.enqueue_indirect_dma source(%dma_start3A_755 : memref<163840x16xf32, #tpu.memory_space<hbm>>) target(%dma_start3A_749 : memref<128x16xf32, #tpu.memory_space<vmem>>) offsets(%dma_start3A_752 : memref<128xi32, #tpu.memory_space<vmem>>) semaphore(%arg15 : memref<!tpu.dma_semaphore, #tpu.memory_space<semaphore_mem>>)
      %dma_start3A_756 = arith.constant 2 : i32
      %dma_start3A_757 = arith.constant 2 : i32
      %dma_start3A_758 = arith.constant 0 : i32
      %dma_start3A_759 = arith.constant 0 : i32
      %dma_start3A_760 = tpu.memref_slice %arg11[%dma_start3A_757, %dma_start3A_758, %dma_start3A_759] : memref<8x128x16xf32, #tpu.memory_space<vmem>> -> memref<1x128x16xf32, #tpu.memory_space<vmem>>
      %dma_start3A_761 = tpu.memref_squeeze %dma_start3A_760 : memref<1x128x16xf32, #tpu.memory_space<vmem>> -> memref<128x16xf32, #tpu.memory_space<vmem>>
      %dma_start3A_762 = arith.constant 0 : i32
      %dma_start3A_763 = tpu.memref_slice %arg8[%dma_start3A_756, %dma_start3A_762] : memref<8x128xi32, #tpu.memory_space<vmem>> -> memref<1x128xi32, #tpu.memory_space<vmem>>
      %dma_start3A_764 = tpu.memref_squeeze %dma_start3A_763 : memref<1x128xi32, #tpu.memory_space<vmem>> -> memref<128xi32, #tpu.memory_space<vmem>>
      %dma_start3A_765 = arith.constant 0 : i32
      %dma_start3A_766 = arith.constant 0 : i32
      %dma_start3A_767 = tpu.memref_slice %arg4[%dma_start3A_765, %dma_start3A_766] : memref<1703936x16xf32, #tpu.memory_space<hbm>> -> memref<1703936x16xf32, #tpu.memory_space<hbm>>
      tpu.enqueue_indirect_dma source(%dma_start3A_767 : memref<1703936x16xf32, #tpu.memory_space<hbm>>) target(%dma_start3A_761 : memref<128x16xf32, #tpu.memory_space<vmem>>) offsets(%dma_start3A_764 : memref<128xi32, #tpu.memory_space<vmem>>) semaphore(%arg14 : memref<!tpu.dma_semaphore, #tpu.memory_space<semaphore_mem>>)
      %dma_start3A_768 = arith.constant 2 : i32
      %dma_start3A_769 = arith.constant 256 : i32
      %dma_start3A_770 = arith.constant 0 : i32
      %dma_start3A_771 = tpu.memref_slice %arg12[%dma_start3A_769, %dma_start3A_770] : memref<1024x16xf32, #tpu.memory_space<vmem>> -> memref<128x16xf32, #tpu.memory_space<vmem>>
      %dma_start3A_772 = arith.constant 0 : i32
      %dma_start3A_773 = tpu.memref_slice %arg10[%dma_start3A_768, %dma_start3A_772] : memref<8x128xi32, #tpu.memory_space<vmem>> -> memref<1x128xi32, #tpu.memory_space<vmem>>
      %dma_start3A_774 = tpu.memref_squeeze %dma_start3A_773 : memref<1x128xi32, #tpu.memory_space<vmem>> -> memref<128xi32, #tpu.memory_space<vmem>>
      %dma_start3A_775 = arith.constant 0 : i32
      %dma_start3A_776 = arith.constant 0 : i32
      %dma_start3A_777 = tpu.memref_slice %arg5[%dma_start3A_775, %dma_start3A_776] : memref<163840x16xf32, #tpu.memory_space<hbm>> -> memref<163840x16xf32, #tpu.memory_space<hbm>>
      tpu.enqueue_indirect_dma source(%dma_start3A_777 : memref<163840x16xf32, #tpu.memory_space<hbm>>) target(%dma_start3A_771 : memref<128x16xf32, #tpu.memory_space<vmem>>) offsets(%dma_start3A_774 : memref<128xi32, #tpu.memory_space<vmem>>) semaphore(%arg15 : memref<!tpu.dma_semaphore, #tpu.memory_space<semaphore_mem>>)
      %dma_start3A_778 = arith.constant 3 : i32
      %dma_start3A_779 = arith.constant 3 : i32
      %dma_start3A_780 = arith.constant 0 : i32
      %dma_start3A_781 = arith.constant 0 : i32
      %dma_start3A_782 = tpu.memref_slice %arg11[%dma_start3A_779, %dma_start3A_780, %dma_start3A_781] : memref<8x128x16xf32, #tpu.memory_space<vmem>> -> memref<1x128x16xf32, #tpu.memory_space<vmem>>
      %dma_start3A_783 = tpu.memref_squeeze %dma_start3A_782 : memref<1x128x16xf32, #tpu.memory_space<vmem>> -> memref<128x16xf32, #tpu.memory_space<vmem>>
      %dma_start3A_784 = arith.constant 0 : i32
      %dma_start3A_785 = tpu.memref_slice %arg8[%dma_start3A_778, %dma_start3A_784] : memref<8x128xi32, #tpu.memory_space<vmem>> -> memref<1x128xi32, #tpu.memory_space<vmem>>
      %dma_start3A_786 = tpu.memref_squeeze %dma_start3A_785 : memref<1x128xi32, #tpu.memory_space<vmem>> -> memref<128xi32, #tpu.memory_space<vmem>>
      %dma_start3A_787 = arith.constant 0 : i32
      %dma_start3A_788 = arith.constant 0 : i32
      %dma_start3A_789 = tpu.memref_slice %arg4[%dma_start3A_787, %dma_start3A_788] : memref<1703936x16xf32, #tpu.memory_space<hbm>> -> memref<1703936x16xf32, #tpu.memory_space<hbm>>
      tpu.enqueue_indirect_dma source(%dma_start3A_789 : memref<1703936x16xf32, #tpu.memory_space<hbm>>) target(%dma_start3A_783 : memref<128x16xf32, #tpu.memory_space<vmem>>) offsets(%dma_start3A_786 : memref<128xi32, #tpu.memory_space<vmem>>) semaphore(%arg14 : memref<!tpu.dma_semaphore, #tpu.memory_space<semaphore_mem>>)
      %dma_start3A_790 = arith.constant 3 : i32
      %dma_start3A_791 = arith.constant 384 : i32
      %dma_start3A_792 = arith.constant 0 : i32
      %dma_start3A_793 = tpu.memref_slice %arg12[%dma_start3A_791, %dma_start3A_792] : memref<1024x16xf32, #tpu.memory_space<vmem>> -> memref<128x16xf32, #tpu.memory_space<vmem>>
      %dma_start3A_794 = arith.constant 0 : i32
      %dma_start3A_795 = tpu.memref_slice %arg10[%dma_start3A_790, %dma_start3A_794] : memref<8x128xi32, #tpu.memory_space<vmem>> -> memref<1x128xi32, #tpu.memory_space<vmem>>
      %dma_start3A_796 = tpu.memref_squeeze %dma_start3A_795 : memref<1x128xi32, #tpu.memory_space<vmem>> -> memref<128xi32, #tpu.memory_space<vmem>>
      %dma_start3A_797 = arith.constant 0 : i32
      %dma_start3A_798 = arith.constant 0 : i32
      %dma_start3A_799 = tpu.memref_slice %arg5[%dma_start3A_797, %dma_start3A_798] : memref<163840x16xf32, #tpu.memory_space<hbm>> -> memref<163840x16xf32, #tpu.memory_space<hbm>>
      tpu.enqueue_indirect_dma source(%dma_start3A_799 : memref<163840x16xf32, #tpu.memory_space<hbm>>) target(%dma_start3A_793 : memref<128x16xf32, #tpu.memory_space<vmem>>) offsets(%dma_start3A_796 : memref<128xi32, #tpu.memory_space<vmem>>) semaphore(%arg15 : memref<!tpu.dma_semaphore, #tpu.memory_space<semaphore_mem>>)
      %dma_start3A_800 = arith.constant 4 : i32
      %dma_start3A_801 = arith.constant 4 : i32
      %dma_start3A_802 = arith.constant 0 : i32
      %dma_start3A_803 = arith.constant 0 : i32
      %dma_start3A_804 = tpu.memref_slice %arg11[%dma_start3A_801, %dma_start3A_802, %dma_start3A_803] : memref<8x128x16xf32, #tpu.memory_space<vmem>> -> memref<1x128x16xf32, #tpu.memory_space<vmem>>
      %dma_start3A_805 = tpu.memref_squeeze %dma_start3A_804 : memref<1x128x16xf32, #tpu.memory_space<vmem>> -> memref<128x16xf32, #tpu.memory_space<vmem>>
      %dma_start3A_806 = arith.constant 0 : i32
      %dma_start3A_807 = tpu.memref_slice %arg8[%dma_start3A_800, %dma_start3A_806] : memref<8x128xi32, #tpu.memory_space<vmem>> -> memref<1x128xi32, #tpu.memory_space<vmem>>
      %dma_start3A_808 = tpu.memref_squeeze %dma_start3A_807 : memref<1x128xi32, #tpu.memory_space<vmem>> -> memref<128xi32, #tpu.memory_space<vmem>>
      %dma_start3A_809 = arith.constant 0 : i32
      %dma_start3A_810 = arith.constant 0 : i32
      %dma_start3A_811 = tpu.memref_slice %arg4[%dma_start3A_809, %dma_start3A_810] : memref<1703936x16xf32, #tpu.memory_space<hbm>> -> memref<1703936x16xf32, #tpu.memory_space<hbm>>
      tpu.enqueue_indirect_dma source(%dma_start3A_811 : memref<1703936x16xf32, #tpu.memory_space<hbm>>) target(%dma_start3A_805 : memref<128x16xf32, #tpu.memory_space<vmem>>) offsets(%dma_start3A_808 : memref<128xi32, #tpu.memory_space<vmem>>) semaphore(%arg14 : memref<!tpu.dma_semaphore, #tpu.memory_space<semaphore_mem>>)
      %dma_start3A_812 = arith.constant 4 : i32
      %dma_start3A_813 = arith.constant 512 : i32
      %dma_start3A_814 = arith.constant 0 : i32
      %dma_start3A_815 = tpu.memref_slice %arg12[%dma_start3A_813, %dma_start3A_814] : memref<1024x16xf32, #tpu.memory_space<vmem>> -> memref<128x16xf32, #tpu.memory_space<vmem>>
      %dma_start3A_816 = arith.constant 0 : i32
      %dma_start3A_817 = tpu.memref_slice %arg10[%dma_start3A_812, %dma_start3A_816] : memref<8x128xi32, #tpu.memory_space<vmem>> -> memref<1x128xi32, #tpu.memory_space<vmem>>
      %dma_start3A_818 = tpu.memref_squeeze %dma_start3A_817 : memref<1x128xi32, #tpu.memory_space<vmem>> -> memref<128xi32, #tpu.memory_space<vmem>>
      %dma_start3A_819 = arith.constant 0 : i32
      %dma_start3A_820 = arith.constant 0 : i32
      %dma_start3A_821 = tpu.memref_slice %arg5[%dma_start3A_819, %dma_start3A_820] : memref<163840x16xf32, #tpu.memory_space<hbm>> -> memref<163840x16xf32, #tpu.memory_space<hbm>>
      tpu.enqueue_indirect_dma source(%dma_start3A_821 : memref<163840x16xf32, #tpu.memory_space<hbm>>) target(%dma_start3A_815 : memref<128x16xf32, #tpu.memory_space<vmem>>) offsets(%dma_start3A_818 : memref<128xi32, #tpu.memory_space<vmem>>) semaphore(%arg15 : memref<!tpu.dma_semaphore, #tpu.memory_space<semaphore_mem>>)
      %dma_start3A_822 = arith.constant 5 : i32
      %dma_start3A_823 = arith.constant 5 : i32
      %dma_start3A_824 = arith.constant 0 : i32
      %dma_start3A_825 = arith.constant 0 : i32
      %dma_start3A_826 = tpu.memref_slice %arg11[%dma_start3A_823, %dma_start3A_824, %dma_start3A_825] : memref<8x128x16xf32, #tpu.memory_space<vmem>> -> memref<1x128x16xf32, #tpu.memory_space<vmem>>
      %dma_start3A_827 = tpu.memref_squeeze %dma_start3A_826 : memref<1x128x16xf32, #tpu.memory_space<vmem>> -> memref<128x16xf32, #tpu.memory_space<vmem>>
      %dma_start3A_828 = arith.constant 0 : i32
      %dma_start3A_829 = tpu.memref_slice %arg8[%dma_start3A_822, %dma_start3A_828] : memref<8x128xi32, #tpu.memory_space<vmem>> -> memref<1x128xi32, #tpu.memory_space<vmem>>
      %dma_start3A_830 = tpu.memref_squeeze %dma_start3A_829 : memref<1x128xi32, #tpu.memory_space<vmem>> -> memref<128xi32, #tpu.memory_space<vmem>>
      %dma_start3A_831 = arith.constant 0 : i32
      %dma_start3A_832 = arith.constant 0 : i32
      %dma_start3A_833 = tpu.memref_slice %arg4[%dma_start3A_831, %dma_start3A_832] : memref<1703936x16xf32, #tpu.memory_space<hbm>> -> memref<1703936x16xf32, #tpu.memory_space<hbm>>
      tpu.enqueue_indirect_dma source(%dma_start3A_833 : memref<1703936x16xf32, #tpu.memory_space<hbm>>) target(%dma_start3A_827 : memref<128x16xf32, #tpu.memory_space<vmem>>) offsets(%dma_start3A_830 : memref<128xi32, #tpu.memory_space<vmem>>) semaphore(%arg14 : memref<!tpu.dma_semaphore, #tpu.memory_space<semaphore_mem>>)
      %dma_start3A_834 = arith.constant 5 : i32
      %dma_start3A_835 = arith.constant 640 : i32
      %dma_start3A_836 = arith.constant 0 : i32
      %dma_start3A_837 = tpu.memref_slice %arg12[%dma_start3A_835, %dma_start3A_836] : memref<1024x16xf32, #tpu.memory_space<vmem>> -> memref<128x16xf32, #tpu.memory_space<vmem>>
      %dma_start3A_838 = arith.constant 0 : i32
      %dma_start3A_839 = tpu.memref_slice %arg10[%dma_start3A_834, %dma_start3A_838] : memref<8x128xi32, #tpu.memory_space<vmem>> -> memref<1x128xi32, #tpu.memory_space<vmem>>
      %dma_start3A_840 = tpu.memref_squeeze %dma_start3A_839 : memref<1x128xi32, #tpu.memory_space<vmem>> -> memref<128xi32, #tpu.memory_space<vmem>>
      %dma_start3A_841 = arith.constant 0 : i32
      %dma_start3A_842 = arith.constant 0 : i32
      %dma_start3A_843 = tpu.memref_slice %arg5[%dma_start3A_841, %dma_start3A_842] : memref<163840x16xf32, #tpu.memory_space<hbm>> -> memref<163840x16xf32, #tpu.memory_space<hbm>>
      tpu.enqueue_indirect_dma source(%dma_start3A_843 : memref<163840x16xf32, #tpu.memory_space<hbm>>) target(%dma_start3A_837 : memref<128x16xf32, #tpu.memory_space<vmem>>) offsets(%dma_start3A_840 : memref<128xi32, #tpu.memory_space<vmem>>) semaphore(%arg15 : memref<!tpu.dma_semaphore, #tpu.memory_space<semaphore_mem>>)
      %dma_start3A_844 = arith.constant 6 : i32
      %dma_start3A_845 = arith.constant 6 : i32
      %dma_start3A_846 = arith.constant 0 : i32
      %dma_start3A_847 = arith.constant 0 : i32
      %dma_start3A_848 = tpu.memref_slice %arg11[%dma_start3A_845, %dma_start3A_846, %dma_start3A_847] : memref<8x128x16xf32, #tpu.memory_space<vmem>> -> memref<1x128x16xf32, #tpu.memory_space<vmem>>
      %dma_start3A_849 = tpu.memref_squeeze %dma_start3A_848 : memref<1x128x16xf32, #tpu.memory_space<vmem>> -> memref<128x16xf32, #tpu.memory_space<vmem>>
      %dma_start3A_850 = arith.constant 0 : i32
      %dma_start3A_851 = tpu.memref_slice %arg8[%dma_start3A_844, %dma_start3A_850] : memref<8x128xi32, #tpu.memory_space<vmem>> -> memref<1x128xi32, #tpu.memory_space<vmem>>
      %dma_start3A_852 = tpu.memref_squeeze %dma_start3A_851 : memref<1x128xi32, #tpu.memory_space<vmem>> -> memref<128xi32, #tpu.memory_space<vmem>>
      %dma_start3A_853 = arith.constant 0 : i32
      %dma_start3A_854 = arith.constant 0 : i32
      %dma_start3A_855 = tpu.memref_slice %arg4[%dma_start3A_853, %dma_start3A_854] : memref<1703936x16xf32, #tpu.memory_space<hbm>> -> memref<1703936x16xf32, #tpu.memory_space<hbm>>
      tpu.enqueue_indirect_dma source(%dma_start3A_855 : memref<1703936x16xf32, #tpu.memory_space<hbm>>) target(%dma_start3A_849 : memref<128x16xf32, #tpu.memory_space<vmem>>) offsets(%dma_start3A_852 : memref<128xi32, #tpu.memory_space<vmem>>) semaphore(%arg14 : memref<!tpu.dma_semaphore, #tpu.memory_space<semaphore_mem>>)
      %dma_start3A_856 = arith.constant 6 : i32
      %dma_start3A_857 = arith.constant 768 : i32
      %dma_start3A_858 = arith.constant 0 : i32
      %dma_start3A_859 = tpu.memref_slice %arg12[%dma_start3A_857, %dma_start3A_858] : memref<1024x16xf32, #tpu.memory_space<vmem>> -> memref<128x16xf32, #tpu.memory_space<vmem>>
      %dma_start3A_860 = arith.constant 0 : i32
      %dma_start3A_861 = tpu.memref_slice %arg10[%dma_start3A_856, %dma_start3A_860] : memref<8x128xi32, #tpu.memory_space<vmem>> -> memref<1x128xi32, #tpu.memory_space<vmem>>
      %dma_start3A_862 = tpu.memref_squeeze %dma_start3A_861 : memref<1x128xi32, #tpu.memory_space<vmem>> -> memref<128xi32, #tpu.memory_space<vmem>>
      %dma_start3A_863 = arith.constant 0 : i32
      %dma_start3A_864 = arith.constant 0 : i32
      %dma_start3A_865 = tpu.memref_slice %arg5[%dma_start3A_863, %dma_start3A_864] : memref<163840x16xf32, #tpu.memory_space<hbm>> -> memref<163840x16xf32, #tpu.memory_space<hbm>>
      tpu.enqueue_indirect_dma source(%dma_start3A_865 : memref<163840x16xf32, #tpu.memory_space<hbm>>) target(%dma_start3A_859 : memref<128x16xf32, #tpu.memory_space<vmem>>) offsets(%dma_start3A_862 : memref<128xi32, #tpu.memory_space<vmem>>) semaphore(%arg15 : memref<!tpu.dma_semaphore, #tpu.memory_space<semaphore_mem>>)
      %dma_start3A_866 = arith.constant 7 : i32
      %dma_start3A_867 = arith.constant 7 : i32
      %dma_start3A_868 = arith.constant 0 : i32
      %dma_start3A_869 = arith.constant 0 : i32
      %dma_start3A_870 = tpu.memref_slice %arg11[%dma_start3A_867, %dma_start3A_868, %dma_start3A_869] : memref<8x128x16xf32, #tpu.memory_space<vmem>> -> memref<1x128x16xf32, #tpu.memory_space<vmem>>
      %dma_start3A_871 = tpu.memref_squeeze %dma_start3A_870 : memref<1x128x16xf32, #tpu.memory_space<vmem>> -> memref<128x16xf32, #tpu.memory_space<vmem>>
      %dma_start3A_872 = arith.constant 0 : i32
      %dma_start3A_873 = tpu.memref_slice %arg8[%dma_start3A_866, %dma_start3A_872] : memref<8x128xi32, #tpu.memory_space<vmem>> -> memref<1x128xi32, #tpu.memory_space<vmem>>
      %dma_start3A_874 = tpu.memref_squeeze %dma_start3A_873 : memref<1x128xi32, #tpu.memory_space<vmem>> -> memref<128xi32, #tpu.memory_space<vmem>>
      %dma_start3A_875 = arith.constant 0 : i32
      %dma_start3A_876 = arith.constant 0 : i32
      %dma_start3A_877 = tpu.memref_slice %arg4[%dma_start3A_875, %dma_start3A_876] : memref<1703936x16xf32, #tpu.memory_space<hbm>> -> memref<1703936x16xf32, #tpu.memory_space<hbm>>
      tpu.enqueue_indirect_dma source(%dma_start3A_877 : memref<1703936x16xf32, #tpu.memory_space<hbm>>) target(%dma_start3A_871 : memref<128x16xf32, #tpu.memory_space<vmem>>) offsets(%dma_start3A_874 : memref<128xi32, #tpu.memory_space<vmem>>) semaphore(%arg14 : memref<!tpu.dma_semaphore, #tpu.memory_space<semaphore_mem>>)
      %dma_start3A_878 = arith.constant 7 : i32
      %dma_start3A_879 = arith.constant 896 : i32
      %dma_start3A_880 = arith.constant 0 : i32
      %dma_start3A_881 = tpu.memref_slice %arg12[%dma_start3A_879, %dma_start3A_880] : memref<1024x16xf32, #tpu.memory_space<vmem>> -> memref<128x16xf32, #tpu.memory_space<vmem>>
      %dma_start3A_882 = arith.constant 0 : i32
      %dma_start3A_883 = tpu.memref_slice %arg10[%dma_start3A_878, %dma_start3A_882] : memref<8x128xi32, #tpu.memory_space<vmem>> -> memref<1x128xi32, #tpu.memory_space<vmem>>
      %dma_start3A_884 = tpu.memref_squeeze %dma_start3A_883 : memref<1x128xi32, #tpu.memory_space<vmem>> -> memref<128xi32, #tpu.memory_space<vmem>>
      %dma_start3A_885 = arith.constant 0 : i32
      %dma_start3A_886 = arith.constant 0 : i32
      %dma_start3A_887 = tpu.memref_slice %arg5[%dma_start3A_885, %dma_start3A_886] : memref<163840x16xf32, #tpu.memory_space<hbm>> -> memref<163840x16xf32, #tpu.memory_space<hbm>>
      tpu.enqueue_indirect_dma source(%dma_start3A_887 : memref<163840x16xf32, #tpu.memory_space<hbm>>) target(%dma_start3A_881 : memref<128x16xf32, #tpu.memory_space<vmem>>) offsets(%dma_start3A_884 : memref<128xi32, #tpu.memory_space<vmem>>) semaphore(%arg15 : memref<!tpu.dma_semaphore, #tpu.memory_space<semaphore_mem>>)
      %dma_wait3A = arith.constant 0 : i32
      %dma_wait3A_888 = arith.constant 0 : i32
      %dma_wait3A_889 = arith.constant 0 : i32
      %dma_wait3A_890 = arith.constant 0 : i32
      %dma_wait3A_891 = tpu.memref_slice %arg11[%dma_wait3A_888, %dma_wait3A_889, %dma_wait3A_890] : memref<8x128x16xf32, #tpu.memory_space<vmem>> -> memref<1x128x16xf32, #tpu.memory_space<vmem>>
      %dma_wait3A_892 = tpu.memref_squeeze %dma_wait3A_891 : memref<1x128x16xf32, #tpu.memory_space<vmem>> -> memref<128x16xf32, #tpu.memory_space<vmem>>
      %dma_wait3A_893 = arith.constant 0 : i32
      %dma_wait3A_894 = tpu.memref_slice %arg8[%dma_wait3A, %dma_wait3A_893] : memref<8x128xi32, #tpu.memory_space<vmem>> -> memref<1x128xi32, #tpu.memory_space<vmem>>
      %dma_wait3A_895 = tpu.memref_squeeze %dma_wait3A_894 : memref<1x128xi32, #tpu.memory_space<vmem>> -> memref<128xi32, #tpu.memory_space<vmem>>
      %dma_wait3A_896 = arith.constant 0 : i32
      %dma_wait3A_897 = arith.constant 0 : i32
      %dma_wait3A_898 = tpu.memref_slice %arg4[%dma_wait3A_896, %dma_wait3A_897] : memref<1703936x16xf32, #tpu.memory_space<hbm>> -> memref<1703936x16xf32, #tpu.memory_space<hbm>>
      tpu.wait_indirect_dma semaphore(%arg14 : memref<!tpu.dma_semaphore, #tpu.memory_space<semaphore_mem>>) src(%dma_wait3A_898 : memref<1703936x16xf32, #tpu.memory_space<hbm>>) dst(%dma_wait3A_892 : memref<128x16xf32, #tpu.memory_space<vmem>>)
      %dma_wait3A_899 = arith.constant 0 : i32
      %dma_wait3A_900 = arith.constant 0 : i32
      %dma_wait3A_901 = arith.constant 0 : i32
      %dma_wait3A_902 = tpu.memref_slice %arg12[%dma_wait3A_900, %dma_wait3A_901] : memref<1024x16xf32, #tpu.memory_space<vmem>> -> memref<128x16xf32, #tpu.memory_space<vmem>>
      %dma_wait3A_903 = arith.constant 0 : i32
      %dma_wait3A_904 = tpu.memref_slice %arg10[%dma_wait3A_899, %dma_wait3A_903] : memref<8x128xi32, #tpu.memory_space<vmem>> -> memref<1x128xi32, #tpu.memory_space<vmem>>
      %dma_wait3A_905 = tpu.memref_squeeze %dma_wait3A_904 : memref<1x128xi32, #tpu.memory_space<vmem>> -> memref<128xi32, #tpu.memory_space<vmem>>
      %dma_wait3A_906 = arith.constant 0 : i32
      %dma_wait3A_907 = arith.constant 0 : i32
      %dma_wait3A_908 = tpu.memref_slice %arg5[%dma_wait3A_906, %dma_wait3A_907] : memref<163840x16xf32, #tpu.memory_space<hbm>> -> memref<163840x16xf32, #tpu.memory_space<hbm>>
      tpu.wait_indirect_dma semaphore(%arg15 : memref<!tpu.dma_semaphore, #tpu.memory_space<semaphore_mem>>) src(%dma_wait3A_908 : memref<163840x16xf32, #tpu.memory_space<hbm>>) dst(%dma_wait3A_902 : memref<128x16xf32, #tpu.memory_space<vmem>>)
      %dma_wait3A_909 = arith.constant 1 : i32
      %dma_wait3A_910 = arith.constant 1 : i32
      %dma_wait3A_911 = arith.constant 0 : i32
      %dma_wait3A_912 = arith.constant 0 : i32
      %dma_wait3A_913 = tpu.memref_slice %arg11[%dma_wait3A_910, %dma_wait3A_911, %dma_wait3A_912] : memref<8x128x16xf32, #tpu.memory_space<vmem>> -> memref<1x128x16xf32, #tpu.memory_space<vmem>>
      %dma_wait3A_914 = tpu.memref_squeeze %dma_wait3A_913 : memref<1x128x16xf32, #tpu.memory_space<vmem>> -> memref<128x16xf32, #tpu.memory_space<vmem>>
      %dma_wait3A_915 = arith.constant 0 : i32
      %dma_wait3A_916 = tpu.memref_slice %arg8[%dma_wait3A_909, %dma_wait3A_915] : memref<8x128xi32, #tpu.memory_space<vmem>> -> memref<1x128xi32, #tpu.memory_space<vmem>>
      %dma_wait3A_917 = tpu.memref_squeeze %dma_wait3A_916 : memref<1x128xi32, #tpu.memory_space<vmem>> -> memref<128xi32, #tpu.memory_space<vmem>>
      %dma_wait3A_918 = arith.constant 0 : i32
      %dma_wait3A_919 = arith.constant 0 : i32
      %dma_wait3A_920 = tpu.memref_slice %arg4[%dma_wait3A_918, %dma_wait3A_919] : memref<1703936x16xf32, #tpu.memory_space<hbm>> -> memref<1703936x16xf32, #tpu.memory_space<hbm>>
      tpu.wait_indirect_dma semaphore(%arg14 : memref<!tpu.dma_semaphore, #tpu.memory_space<semaphore_mem>>) src(%dma_wait3A_920 : memref<1703936x16xf32, #tpu.memory_space<hbm>>) dst(%dma_wait3A_914 : memref<128x16xf32, #tpu.memory_space<vmem>>)
      %dma_wait3A_921 = arith.constant 1 : i32
      %dma_wait3A_922 = arith.constant 128 : i32
      %dma_wait3A_923 = arith.constant 0 : i32
      %dma_wait3A_924 = tpu.memref_slice %arg12[%dma_wait3A_922, %dma_wait3A_923] : memref<1024x16xf32, #tpu.memory_space<vmem>> -> memref<128x16xf32, #tpu.memory_space<vmem>>
      %dma_wait3A_925 = arith.constant 0 : i32
      %dma_wait3A_926 = tpu.memref_slice %arg10[%dma_wait3A_921, %dma_wait3A_925] : memref<8x128xi32, #tpu.memory_space<vmem>> -> memref<1x128xi32, #tpu.memory_space<vmem>>
      %dma_wait3A_927 = tpu.memref_squeeze %dma_wait3A_926 : memref<1x128xi32, #tpu.memory_space<vmem>> -> memref<128xi32, #tpu.memory_space<vmem>>
      %dma_wait3A_928 = arith.constant 0 : i32
      %dma_wait3A_929 = arith.constant 0 : i32
      %dma_wait3A_930 = tpu.memref_slice %arg5[%dma_wait3A_928, %dma_wait3A_929] : memref<163840x16xf32, #tpu.memory_space<hbm>> -> memref<163840x16xf32, #tpu.memory_space<hbm>>
      tpu.wait_indirect_dma semaphore(%arg15 : memref<!tpu.dma_semaphore, #tpu.memory_space<semaphore_mem>>) src(%dma_wait3A_930 : memref<163840x16xf32, #tpu.memory_space<hbm>>) dst(%dma_wait3A_924 : memref<128x16xf32, #tpu.memory_space<vmem>>)
      %dma_wait3A_931 = arith.constant 2 : i32
      %dma_wait3A_932 = arith.constant 2 : i32
      %dma_wait3A_933 = arith.constant 0 : i32
      %dma_wait3A_934 = arith.constant 0 : i32
      %dma_wait3A_935 = tpu.memref_slice %arg11[%dma_wait3A_932, %dma_wait3A_933, %dma_wait3A_934] : memref<8x128x16xf32, #tpu.memory_space<vmem>> -> memref<1x128x16xf32, #tpu.memory_space<vmem>>
      %dma_wait3A_936 = tpu.memref_squeeze %dma_wait3A_935 : memref<1x128x16xf32, #tpu.memory_space<vmem>> -> memref<128x16xf32, #tpu.memory_space<vmem>>
      %dma_wait3A_937 = arith.constant 0 : i32
      %dma_wait3A_938 = tpu.memref_slice %arg8[%dma_wait3A_931, %dma_wait3A_937] : memref<8x128xi32, #tpu.memory_space<vmem>> -> memref<1x128xi32, #tpu.memory_space<vmem>>
      %dma_wait3A_939 = tpu.memref_squeeze %dma_wait3A_938 : memref<1x128xi32, #tpu.memory_space<vmem>> -> memref<128xi32, #tpu.memory_space<vmem>>
      %dma_wait3A_940 = arith.constant 0 : i32
      %dma_wait3A_941 = arith.constant 0 : i32
      %dma_wait3A_942 = tpu.memref_slice %arg4[%dma_wait3A_940, %dma_wait3A_941] : memref<1703936x16xf32, #tpu.memory_space<hbm>> -> memref<1703936x16xf32, #tpu.memory_space<hbm>>
      tpu.wait_indirect_dma semaphore(%arg14 : memref<!tpu.dma_semaphore, #tpu.memory_space<semaphore_mem>>) src(%dma_wait3A_942 : memref<1703936x16xf32, #tpu.memory_space<hbm>>) dst(%dma_wait3A_936 : memref<128x16xf32, #tpu.memory_space<vmem>>)
      %dma_wait3A_943 = arith.constant 2 : i32
      %dma_wait3A_944 = arith.constant 256 : i32
      %dma_wait3A_945 = arith.constant 0 : i32
      %dma_wait3A_946 = tpu.memref_slice %arg12[%dma_wait3A_944, %dma_wait3A_945] : memref<1024x16xf32, #tpu.memory_space<vmem>> -> memref<128x16xf32, #tpu.memory_space<vmem>>
      %dma_wait3A_947 = arith.constant 0 : i32
      %dma_wait3A_948 = tpu.memref_slice %arg10[%dma_wait3A_943, %dma_wait3A_947] : memref<8x128xi32, #tpu.memory_space<vmem>> -> memref<1x128xi32, #tpu.memory_space<vmem>>
      %dma_wait3A_949 = tpu.memref_squeeze %dma_wait3A_948 : memref<1x128xi32, #tpu.memory_space<vmem>> -> memref<128xi32, #tpu.memory_space<vmem>>
      %dma_wait3A_950 = arith.constant 0 : i32
      %dma_wait3A_951 = arith.constant 0 : i32
      %dma_wait3A_952 = tpu.memref_slice %arg5[%dma_wait3A_950, %dma_wait3A_951] : memref<163840x16xf32, #tpu.memory_space<hbm>> -> memref<163840x16xf32, #tpu.memory_space<hbm>>
      tpu.wait_indirect_dma semaphore(%arg15 : memref<!tpu.dma_semaphore, #tpu.memory_space<semaphore_mem>>) src(%dma_wait3A_952 : memref<163840x16xf32, #tpu.memory_space<hbm>>) dst(%dma_wait3A_946 : memref<128x16xf32, #tpu.memory_space<vmem>>)
      %dma_wait3A_953 = arith.constant 3 : i32
      %dma_wait3A_954 = arith.constant 3 : i32
      %dma_wait3A_955 = arith.constant 0 : i32
      %dma_wait3A_956 = arith.constant 0 : i32
      %dma_wait3A_957 = tpu.memref_slice %arg11[%dma_wait3A_954, %dma_wait3A_955, %dma_wait3A_956] : memref<8x128x16xf32, #tpu.memory_space<vmem>> -> memref<1x128x16xf32, #tpu.memory_space<vmem>>
      %dma_wait3A_958 = tpu.memref_squeeze %dma_wait3A_957 : memref<1x128x16xf32, #tpu.memory_space<vmem>> -> memref<128x16xf32, #tpu.memory_space<vmem>>
      %dma_wait3A_959 = arith.constant 0 : i32
      %dma_wait3A_960 = tpu.memref_slice %arg8[%dma_wait3A_953, %dma_wait3A_959] : memref<8x128xi32, #tpu.memory_space<vmem>> -> memref<1x128xi32, #tpu.memory_space<vmem>>
      %dma_wait3A_961 = tpu.memref_squeeze %dma_wait3A_960 : memref<1x128xi32, #tpu.memory_space<vmem>> -> memref<128xi32, #tpu.memory_space<vmem>>
      %dma_wait3A_962 = arith.constant 0 : i32
      %dma_wait3A_963 = arith.constant 0 : i32
      %dma_wait3A_964 = tpu.memref_slice %arg4[%dma_wait3A_962, %dma_wait3A_963] : memref<1703936x16xf32, #tpu.memory_space<hbm>> -> memref<1703936x16xf32, #tpu.memory_space<hbm>>
      tpu.wait_indirect_dma semaphore(%arg14 : memref<!tpu.dma_semaphore, #tpu.memory_space<semaphore_mem>>) src(%dma_wait3A_964 : memref<1703936x16xf32, #tpu.memory_space<hbm>>) dst(%dma_wait3A_958 : memref<128x16xf32, #tpu.memory_space<vmem>>)
      %dma_wait3A_965 = arith.constant 3 : i32
      %dma_wait3A_966 = arith.constant 384 : i32
      %dma_wait3A_967 = arith.constant 0 : i32
      %dma_wait3A_968 = tpu.memref_slice %arg12[%dma_wait3A_966, %dma_wait3A_967] : memref<1024x16xf32, #tpu.memory_space<vmem>> -> memref<128x16xf32, #tpu.memory_space<vmem>>
      %dma_wait3A_969 = arith.constant 0 : i32
      %dma_wait3A_970 = tpu.memref_slice %arg10[%dma_wait3A_965, %dma_wait3A_969] : memref<8x128xi32, #tpu.memory_space<vmem>> -> memref<1x128xi32, #tpu.memory_space<vmem>>
      %dma_wait3A_971 = tpu.memref_squeeze %dma_wait3A_970 : memref<1x128xi32, #tpu.memory_space<vmem>> -> memref<128xi32, #tpu.memory_space<vmem>>
      %dma_wait3A_972 = arith.constant 0 : i32
      %dma_wait3A_973 = arith.constant 0 : i32
      %dma_wait3A_974 = tpu.memref_slice %arg5[%dma_wait3A_972, %dma_wait3A_973] : memref<163840x16xf32, #tpu.memory_space<hbm>> -> memref<163840x16xf32, #tpu.memory_space<hbm>>
      tpu.wait_indirect_dma semaphore(%arg15 : memref<!tpu.dma_semaphore, #tpu.memory_space<semaphore_mem>>) src(%dma_wait3A_974 : memref<163840x16xf32, #tpu.memory_space<hbm>>) dst(%dma_wait3A_968 : memref<128x16xf32, #tpu.memory_space<vmem>>)
      %dma_wait3A_975 = arith.constant 4 : i32
      %dma_wait3A_976 = arith.constant 4 : i32
      %dma_wait3A_977 = arith.constant 0 : i32
      %dma_wait3A_978 = arith.constant 0 : i32
      %dma_wait3A_979 = tpu.memref_slice %arg11[%dma_wait3A_976, %dma_wait3A_977, %dma_wait3A_978] : memref<8x128x16xf32, #tpu.memory_space<vmem>> -> memref<1x128x16xf32, #tpu.memory_space<vmem>>
      %dma_wait3A_980 = tpu.memref_squeeze %dma_wait3A_979 : memref<1x128x16xf32, #tpu.memory_space<vmem>> -> memref<128x16xf32, #tpu.memory_space<vmem>>
      %dma_wait3A_981 = arith.constant 0 : i32
      %dma_wait3A_982 = tpu.memref_slice %arg8[%dma_wait3A_975, %dma_wait3A_981] : memref<8x128xi32, #tpu.memory_space<vmem>> -> memref<1x128xi32, #tpu.memory_space<vmem>>
      %dma_wait3A_983 = tpu.memref_squeeze %dma_wait3A_982 : memref<1x128xi32, #tpu.memory_space<vmem>> -> memref<128xi32, #tpu.memory_space<vmem>>
      %dma_wait3A_984 = arith.constant 0 : i32
      %dma_wait3A_985 = arith.constant 0 : i32
      %dma_wait3A_986 = tpu.memref_slice %arg4[%dma_wait3A_984, %dma_wait3A_985] : memref<1703936x16xf32, #tpu.memory_space<hbm>> -> memref<1703936x16xf32, #tpu.memory_space<hbm>>
      tpu.wait_indirect_dma semaphore(%arg14 : memref<!tpu.dma_semaphore, #tpu.memory_space<semaphore_mem>>) src(%dma_wait3A_986 : memref<1703936x16xf32, #tpu.memory_space<hbm>>) dst(%dma_wait3A_980 : memref<128x16xf32, #tpu.memory_space<vmem>>)
      %dma_wait3A_987 = arith.constant 4 : i32
      %dma_wait3A_988 = arith.constant 512 : i32
      %dma_wait3A_989 = arith.constant 0 : i32
      %dma_wait3A_990 = tpu.memref_slice %arg12[%dma_wait3A_988, %dma_wait3A_989] : memref<1024x16xf32, #tpu.memory_space<vmem>> -> memref<128x16xf32, #tpu.memory_space<vmem>>
      %dma_wait3A_991 = arith.constant 0 : i32
      %dma_wait3A_992 = tpu.memref_slice %arg10[%dma_wait3A_987, %dma_wait3A_991] : memref<8x128xi32, #tpu.memory_space<vmem>> -> memref<1x128xi32, #tpu.memory_space<vmem>>
      %dma_wait3A_993 = tpu.memref_squeeze %dma_wait3A_992 : memref<1x128xi32, #tpu.memory_space<vmem>> -> memref<128xi32, #tpu.memory_space<vmem>>
      %dma_wait3A_994 = arith.constant 0 : i32
      %dma_wait3A_995 = arith.constant 0 : i32
      %dma_wait3A_996 = tpu.memref_slice %arg5[%dma_wait3A_994, %dma_wait3A_995] : memref<163840x16xf32, #tpu.memory_space<hbm>> -> memref<163840x16xf32, #tpu.memory_space<hbm>>
      tpu.wait_indirect_dma semaphore(%arg15 : memref<!tpu.dma_semaphore, #tpu.memory_space<semaphore_mem>>) src(%dma_wait3A_996 : memref<163840x16xf32, #tpu.memory_space<hbm>>) dst(%dma_wait3A_990 : memref<128x16xf32, #tpu.memory_space<vmem>>)
      %dma_wait3A_997 = arith.constant 5 : i32
      %dma_wait3A_998 = arith.constant 5 : i32
      %dma_wait3A_999 = arith.constant 0 : i32
      %dma_wait3A_1000 = arith.constant 0 : i32
      %dma_wait3A_1001 = tpu.memref_slice %arg11[%dma_wait3A_998, %dma_wait3A_999, %dma_wait3A_1000] : memref<8x128x16xf32, #tpu.memory_space<vmem>> -> memref<1x128x16xf32, #tpu.memory_space<vmem>>
      %dma_wait3A_1002 = tpu.memref_squeeze %dma_wait3A_1001 : memref<1x128x16xf32, #tpu.memory_space<vmem>> -> memref<128x16xf32, #tpu.memory_space<vmem>>
      %dma_wait3A_1003 = arith.constant 0 : i32
      %dma_wait3A_1004 = tpu.memref_slice %arg8[%dma_wait3A_997, %dma_wait3A_1003] : memref<8x128xi32, #tpu.memory_space<vmem>> -> memref<1x128xi32, #tpu.memory_space<vmem>>
      %dma_wait3A_1005 = tpu.memref_squeeze %dma_wait3A_1004 : memref<1x128xi32, #tpu.memory_space<vmem>> -> memref<128xi32, #tpu.memory_space<vmem>>
      %dma_wait3A_1006 = arith.constant 0 : i32
      %dma_wait3A_1007 = arith.constant 0 : i32
      %dma_wait3A_1008 = tpu.memref_slice %arg4[%dma_wait3A_1006, %dma_wait3A_1007] : memref<1703936x16xf32, #tpu.memory_space<hbm>> -> memref<1703936x16xf32, #tpu.memory_space<hbm>>
      tpu.wait_indirect_dma semaphore(%arg14 : memref<!tpu.dma_semaphore, #tpu.memory_space<semaphore_mem>>) src(%dma_wait3A_1008 : memref<1703936x16xf32, #tpu.memory_space<hbm>>) dst(%dma_wait3A_1002 : memref<128x16xf32, #tpu.memory_space<vmem>>)
      %dma_wait3A_1009 = arith.constant 5 : i32
      %dma_wait3A_1010 = arith.constant 640 : i32
      %dma_wait3A_1011 = arith.constant 0 : i32
      %dma_wait3A_1012 = tpu.memref_slice %arg12[%dma_wait3A_1010, %dma_wait3A_1011] : memref<1024x16xf32, #tpu.memory_space<vmem>> -> memref<128x16xf32, #tpu.memory_space<vmem>>
      %dma_wait3A_1013 = arith.constant 0 : i32
      %dma_wait3A_1014 = tpu.memref_slice %arg10[%dma_wait3A_1009, %dma_wait3A_1013] : memref<8x128xi32, #tpu.memory_space<vmem>> -> memref<1x128xi32, #tpu.memory_space<vmem>>
      %dma_wait3A_1015 = tpu.memref_squeeze %dma_wait3A_1014 : memref<1x128xi32, #tpu.memory_space<vmem>> -> memref<128xi32, #tpu.memory_space<vmem>>
      %dma_wait3A_1016 = arith.constant 0 : i32
      %dma_wait3A_1017 = arith.constant 0 : i32
      %dma_wait3A_1018 = tpu.memref_slice %arg5[%dma_wait3A_1016, %dma_wait3A_1017] : memref<163840x16xf32, #tpu.memory_space<hbm>> -> memref<163840x16xf32, #tpu.memory_space<hbm>>
      tpu.wait_indirect_dma semaphore(%arg15 : memref<!tpu.dma_semaphore, #tpu.memory_space<semaphore_mem>>) src(%dma_wait3A_1018 : memref<163840x16xf32, #tpu.memory_space<hbm>>) dst(%dma_wait3A_1012 : memref<128x16xf32, #tpu.memory_space<vmem>>)
      %dma_wait3A_1019 = arith.constant 6 : i32
      %dma_wait3A_1020 = arith.constant 6 : i32
      %dma_wait3A_1021 = arith.constant 0 : i32
      %dma_wait3A_1022 = arith.constant 0 : i32
      %dma_wait3A_1023 = tpu.memref_slice %arg11[%dma_wait3A_1020, %dma_wait3A_1021, %dma_wait3A_1022] : memref<8x128x16xf32, #tpu.memory_space<vmem>> -> memref<1x128x16xf32, #tpu.memory_space<vmem>>
      %dma_wait3A_1024 = tpu.memref_squeeze %dma_wait3A_1023 : memref<1x128x16xf32, #tpu.memory_space<vmem>> -> memref<128x16xf32, #tpu.memory_space<vmem>>
      %dma_wait3A_1025 = arith.constant 0 : i32
      %dma_wait3A_1026 = tpu.memref_slice %arg8[%dma_wait3A_1019, %dma_wait3A_1025] : memref<8x128xi32, #tpu.memory_space<vmem>> -> memref<1x128xi32, #tpu.memory_space<vmem>>
      %dma_wait3A_1027 = tpu.memref_squeeze %dma_wait3A_1026 : memref<1x128xi32, #tpu.memory_space<vmem>> -> memref<128xi32, #tpu.memory_space<vmem>>
      %dma_wait3A_1028 = arith.constant 0 : i32
      %dma_wait3A_1029 = arith.constant 0 : i32
      %dma_wait3A_1030 = tpu.memref_slice %arg4[%dma_wait3A_1028, %dma_wait3A_1029] : memref<1703936x16xf32, #tpu.memory_space<hbm>> -> memref<1703936x16xf32, #tpu.memory_space<hbm>>
      tpu.wait_indirect_dma semaphore(%arg14 : memref<!tpu.dma_semaphore, #tpu.memory_space<semaphore_mem>>) src(%dma_wait3A_1030 : memref<1703936x16xf32, #tpu.memory_space<hbm>>) dst(%dma_wait3A_1024 : memref<128x16xf32, #tpu.memory_space<vmem>>)
      %dma_wait3A_1031 = arith.constant 6 : i32
      %dma_wait3A_1032 = arith.constant 768 : i32
      %dma_wait3A_1033 = arith.constant 0 : i32
      %dma_wait3A_1034 = tpu.memref_slice %arg12[%dma_wait3A_1032, %dma_wait3A_1033] : memref<1024x16xf32, #tpu.memory_space<vmem>> -> memref<128x16xf32, #tpu.memory_space<vmem>>
      %dma_wait3A_1035 = arith.constant 0 : i32
      %dma_wait3A_1036 = tpu.memref_slice %arg10[%dma_wait3A_1031, %dma_wait3A_1035] : memref<8x128xi32, #tpu.memory_space<vmem>> -> memref<1x128xi32, #tpu.memory_space<vmem>>
      %dma_wait3A_1037 = tpu.memref_squeeze %dma_wait3A_1036 : memref<1x128xi32, #tpu.memory_space<vmem>> -> memref<128xi32, #tpu.memory_space<vmem>>
      %dma_wait3A_1038 = arith.constant 0 : i32
      %dma_wait3A_1039 = arith.constant 0 : i32
      %dma_wait3A_1040 = tpu.memref_slice %arg5[%dma_wait3A_1038, %dma_wait3A_1039] : memref<163840x16xf32, #tpu.memory_space<hbm>> -> memref<163840x16xf32, #tpu.memory_space<hbm>>
      tpu.wait_indirect_dma semaphore(%arg15 : memref<!tpu.dma_semaphore, #tpu.memory_space<semaphore_mem>>) src(%dma_wait3A_1040 : memref<163840x16xf32, #tpu.memory_space<hbm>>) dst(%dma_wait3A_1034 : memref<128x16xf32, #tpu.memory_space<vmem>>)
      %dma_wait3A_1041 = arith.constant 7 : i32
      %dma_wait3A_1042 = arith.constant 7 : i32
      %dma_wait3A_1043 = arith.constant 0 : i32
      %dma_wait3A_1044 = arith.constant 0 : i32
      %dma_wait3A_1045 = tpu.memref_slice %arg11[%dma_wait3A_1042, %dma_wait3A_1043, %dma_wait3A_1044] : memref<8x128x16xf32, #tpu.memory_space<vmem>> -> memref<1x128x16xf32, #tpu.memory_space<vmem>>
      %dma_wait3A_1046 = tpu.memref_squeeze %dma_wait3A_1045 : memref<1x128x16xf32, #tpu.memory_space<vmem>> -> memref<128x16xf32, #tpu.memory_space<vmem>>
      %dma_wait3A_1047 = arith.constant 0 : i32
      %dma_wait3A_1048 = tpu.memref_slice %arg8[%dma_wait3A_1041, %dma_wait3A_1047] : memref<8x128xi32, #tpu.memory_space<vmem>> -> memref<1x128xi32, #tpu.memory_space<vmem>>
      %dma_wait3A_1049 = tpu.memref_squeeze %dma_wait3A_1048 : memref<1x128xi32, #tpu.memory_space<vmem>> -> memref<128xi32, #tpu.memory_space<vmem>>
      %dma_wait3A_1050 = arith.constant 0 : i32
      %dma_wait3A_1051 = arith.constant 0 : i32
      %dma_wait3A_1052 = tpu.memref_slice %arg4[%dma_wait3A_1050, %dma_wait3A_1051] : memref<1703936x16xf32, #tpu.memory_space<hbm>> -> memref<1703936x16xf32, #tpu.memory_space<hbm>>
      tpu.wait_indirect_dma semaphore(%arg14 : memref<!tpu.dma_semaphore, #tpu.memory_space<semaphore_mem>>) src(%dma_wait3A_1052 : memref<1703936x16xf32, #tpu.memory_space<hbm>>) dst(%dma_wait3A_1046 : memref<128x16xf32, #tpu.memory_space<vmem>>)
      %dma_wait3A_1053 = arith.constant 7 : i32
      %dma_wait3A_1054 = arith.constant 896 : i32
      %dma_wait3A_1055 = arith.constant 0 : i32
      %dma_wait3A_1056 = tpu.memref_slice %arg12[%dma_wait3A_1054, %dma_wait3A_1055] : memref<1024x16xf32, #tpu.memory_space<vmem>> -> memref<128x16xf32, #tpu.memory_space<vmem>>
      %dma_wait3A_1057 = arith.constant 0 : i32
      %dma_wait3A_1058 = tpu.memref_slice %arg10[%dma_wait3A_1053, %dma_wait3A_1057] : memref<8x128xi32, #tpu.memory_space<vmem>> -> memref<1x128xi32, #tpu.memory_space<vmem>>
      %dma_wait3A_1059 = tpu.memref_squeeze %dma_wait3A_1058 : memref<1x128xi32, #tpu.memory_space<vmem>> -> memref<128xi32, #tpu.memory_space<vmem>>
      %dma_wait3A_1060 = arith.constant 0 : i32
      %dma_wait3A_1061 = arith.constant 0 : i32
      %dma_wait3A_1062 = tpu.memref_slice %arg5[%dma_wait3A_1060, %dma_wait3A_1061] : memref<163840x16xf32, #tpu.memory_space<hbm>> -> memref<163840x16xf32, #tpu.memory_space<hbm>>
      tpu.wait_indirect_dma semaphore(%arg15 : memref<!tpu.dma_semaphore, #tpu.memory_space<semaphore_mem>>) src(%dma_wait3A_1062 : memref<163840x16xf32, #tpu.memory_space<hbm>>) dst(%dma_wait3A_1056 : memref<128x16xf32, #tpu.memory_space<vmem>>)
      "tpu.region"() ({
        %run_scoped3A = tpu.sem_alloc : memref<!tpu.dma_semaphore, #tpu.memory_space<semaphore_mem>>
        %dma_start3A_2021 = arith.constant 0 : i32
        %dma_start3A_2022 = arith.constant 0 : i32
        %dma_start3A_2023 = tpu.memref_slice %arg6[%add3A_11, %dma_start3A_2021, %dma_start3A_2022] : memref<1280x128x16xf32, #tpu.memory_space<hbm>> -> memref<8x128x16xf32, #tpu.memory_space<hbm>>
        %dma_start3A_2024 = arith.constant 0 : i32
        %dma_start3A_2025 = arith.constant 0 : i32
        %dma_start3A_2026 = tpu.memref_slice %arg6[%add3A_11, %dma_start3A_2024, %dma_start3A_2025] : memref<1280x128x16xf32, #tpu.memory_space<hbm>> -> memref<8x128x16xf32, #tpu.memory_space<hbm>>
        tpu.enqueue_dma source(%arg11 : memref<8x128x16xf32, #tpu.memory_space<vmem>>) target(%dma_start3A_2026 : memref<8x128x16xf32, #tpu.memory_space<hbm>>) target_semaphore(%run_scoped3A : memref<!tpu.dma_semaphore, #tpu.memory_space<semaphore_mem>>)
        %dma_wait3A_2027 = arith.constant 0 : i32
        %dma_wait3A_2028 = arith.constant 0 : i32
        %dma_wait3A_2029 = tpu.memref_slice %arg6[%add3A_11, %dma_wait3A_2027, %dma_wait3A_2028] : memref<1280x128x16xf32, #tpu.memory_space<hbm>> -> memref<8x128x16xf32, #tpu.memory_space<hbm>>
        %dma_wait3A_2030 = arith.constant 0 : i32
        %dma_wait3A_2031 = arith.constant 0 : i32
        %dma_wait3A_2032 = tpu.memref_slice %arg6[%add3A_11, %dma_wait3A_2030, %dma_wait3A_2031] : memref<1280x128x16xf32, #tpu.memory_space<hbm>> -> memref<8x128x16xf32, #tpu.memory_space<hbm>>
        tpu.wait_dma2 semaphore(%run_scoped3A : memref<!tpu.dma_semaphore, #tpu.memory_space<semaphore_mem>>) src(%arg11 : memref<8x128x16xf32, #tpu.memory_space<vmem>>) dst(%dma_wait3A_2032 : memref<8x128x16xf32, #tpu.memory_space<hbm>>)
        tpu.yield
      }) : () -> ()
      %iota3A = tpu.iota {dimensions = array<i32: 0>} : vector<16xi32>
      %get3A_1063 = arith.constant 0 : i32
      %get3A_1064 = arith.index_cast %get3A_1063 : i32 to index
      %get3A_1065 = arith.constant 0 : index
      %get3A_1066 = tpu.vector_load %arg9[%get3A_1064, %get3A_1065] {strides = array<i32>} : memref<8x128xi32, #tpu.memory_space<vmem>>, vector<16xi32>,
      %and3A = arith.constant 15 : i32
      %and3A_1067 = vector.broadcast %and3A : i32 to vector<16xi32>
      %and3A_1068 = arith.andi %get3A_1066, %and3A_1067 : vector<16xi32>
      %add3A_1069 = arith.constant 0 : i32
      %add3A_1070 = vector.broadcast %add3A_1069 : i32 to vector<16xi32>
      %add3A_1071 = arith.addi %iota3A, %add3A_1070 : vector<16xi32>
      %gather3A = tpu.vector_load_idx %arg12[%add3A_1071, %and3A_1068] : memref<1024x16xf32, #tpu.memory_space<vmem>>[vector<16xi32>, vector<16xi32>], vector<16xf32>,
      %swap3A_1072 = arith.constant 0 : i32
      %swap3A_1073 = arith.index_cast %swap3A_1072 : i32 to index
      %swap3A_1074 = arith.constant 0 : index
      %swap3A_1075 = tpu.vector_load %arg13[%swap3A_1073, %swap3A_1074] {strides = array<i32>} : memref<8x128xf32, #tpu.memory_space<vmem>>, vector<16xf32>,
      tpu.vector_store %arg13[%swap3A_1073, %swap3A_1074], %gather3A {strides = array<i32>} : memref<8x128xf32, #tpu.memory_space<vmem>>, vector<16xf32>,
      %get3A_1076 = arith.constant 0 : i32
      %get3A_1077 = arith.index_cast %get3A_1076 : i32 to index
      %get3A_1078 = arith.constant 16 : index
      %get3A_1079 = tpu.vector_load %arg9[%get3A_1077, %get3A_1078] {strides = array<i32>} : memref<8x128xi32, #tpu.memory_space<vmem>>, vector<16xi32>,
      %and3A_1080 = arith.constant 15 : i32
      %and3A_1081 = vector.broadcast %and3A_1080 : i32 to vector<16xi32>
      %and3A_1082 = arith.andi %get3A_1079, %and3A_1081 : vector<16xi32>
      %add3A_1083 = arith.constant 16 : i32
      %add3A_1084 = vector.broadcast %add3A_1083 : i32 to vector<16xi32>
      %add3A_1085 = arith.addi %iota3A, %add3A_1084 : vector<16xi32>
      %gather3A_1086 = tpu.vector_load_idx %arg12[%add3A_1085, %and3A_1082] : memref<1024x16xf32, #tpu.memory_space<vmem>>[vector<16xi32>, vector<16xi32>], vector<16xf32>,
      %swap3A_1087 = arith.constant 0 : i32
      %swap3A_1088 = arith.index_cast %swap3A_1087 : i32 to index
      %swap3A_1089 = arith.constant 16 : index
      %swap3A_1090 = tpu.vector_load %arg13[%swap3A_1088, %swap3A_1089] {strides = array<i32>} : memref<8x128xf32, #tpu.memory_space<vmem>>, vector<16xf32>,
      tpu.vector_store %arg13[%swap3A_1088, %swap3A_1089], %gather3A_1086 {strides = array<i32>} : memref<8x128xf32, #tpu.memory_space<vmem>>, vector<16xf32>,
      %get3A_1091 = arith.constant 0 : i32
      %get3A_1092 = arith.index_cast %get3A_1091 : i32 to index
      %get3A_1093 = arith.constant 32 : index
      %get3A_1094 = tpu.vector_load %arg9[%get3A_1092, %get3A_1093] {strides = array<i32>} : memref<8x128xi32, #tpu.memory_space<vmem>>, vector<16xi32>,
      %and3A_1095 = arith.constant 15 : i32
      %and3A_1096 = vector.broadcast %and3A_1095 : i32 to vector<16xi32>
      %and3A_1097 = arith.andi %get3A_1094, %and3A_1096 : vector<16xi32>
      %add3A_1098 = arith.constant 32 : i32
      %add3A_1099 = vector.broadcast %add3A_1098 : i32 to vector<16xi32>
      %add3A_1100 = arith.addi %iota3A, %add3A_1099 : vector<16xi32>
      %gather3A_1101 = tpu.vector_load_idx %arg12[%add3A_1100, %and3A_1097] : memref<1024x16xf32, #tpu.memory_space<vmem>>[vector<16xi32>, vector<16xi32>], vector<16xf32>,
      %swap3A_1102 = arith.constant 0 : i32
      %swap3A_1103 = arith.index_cast %swap3A_1102 : i32 to index
      %swap3A_1104 = arith.constant 32 : index
      %swap3A_1105 = tpu.vector_load %arg13[%swap3A_1103, %swap3A_1104] {strides = array<i32>} : memref<8x128xf32, #tpu.memory_space<vmem>>, vector<16xf32>,
      tpu.vector_store %arg13[%swap3A_1103, %swap3A_1104], %gather3A_1101 {strides = array<i32>} : memref<8x128xf32, #tpu.memory_space<vmem>>, vector<16xf32>,
      %get3A_1106 = arith.constant 0 : i32
      %get3A_1107 = arith.index_cast %get3A_1106 : i32 to index
      %get3A_1108 = arith.constant 48 : index
      %get3A_1109 = tpu.vector_load %arg9[%get3A_1107, %get3A_1108] {strides = array<i32>} : memref<8x128xi32, #tpu.memory_space<vmem>>, vector<16xi32>,
      %and3A_1110 = arith.constant 15 : i32
      %and3A_1111 = vector.broadcast %and3A_1110 : i32 to vector<16xi32>
      %and3A_1112 = arith.andi %get3A_1109, %and3A_1111 : vector<16xi32>
      %add3A_1113 = arith.constant 48 : i32
      %add3A_1114 = vector.broadcast %add3A_1113 : i32 to vector<16xi32>
      %add3A_1115 = arith.addi %iota3A, %add3A_1114 : vector<16xi32>
      %gather3A_1116 = tpu.vector_load_idx %arg12[%add3A_1115, %and3A_1112] : memref<1024x16xf32, #tpu.memory_space<vmem>>[vector<16xi32>, vector<16xi32>], vector<16xf32>,
      %swap3A_1117 = arith.constant 0 : i32
      %swap3A_1118 = arith.index_cast %swap3A_1117 : i32 to index
      %swap3A_1119 = arith.constant 48 : index
      %swap3A_1120 = tpu.vector_load %arg13[%swap3A_1118, %swap3A_1119] {strides = array<i32>} : memref<8x128xf32, #tpu.memory_space<vmem>>, vector<16xf32>,
      tpu.vector_store %arg13[%swap3A_1118, %swap3A_1119], %gather3A_1116 {strides = array<i32>} : memref<8x128xf32, #tpu.memory_space<vmem>>, vector<16xf32>,
      %get3A_1121 = arith.constant 0 : i32
      %get3A_1122 = arith.index_cast %get3A_1121 : i32 to index
      %get3A_1123 = arith.constant 64 : index
      %get3A_1124 = tpu.vector_load %arg9[%get3A_1122, %get3A_1123] {strides = array<i32>} : memref<8x128xi32, #tpu.memory_space<vmem>>, vector<16xi32>,
      %and3A_1125 = arith.constant 15 : i32
      %and3A_1126 = vector.broadcast %and3A_1125 : i32 to vector<16xi32>
      %and3A_1127 = arith.andi %get3A_1124, %and3A_1126 : vector<16xi32>
      %add3A_1128 = arith.constant 64 : i32
      %add3A_1129 = vector.broadcast %add3A_1128 : i32 to vector<16xi32>
      %add3A_1130 = arith.addi %iota3A, %add3A_1129 : vector<16xi32>
      %gather3A_1131 = tpu.vector_load_idx %arg12[%add3A_1130, %and3A_1127] : memref<1024x16xf32, #tpu.memory_space<vmem>>[vector<16xi32>, vector<16xi32>], vector<16xf32>,
      %swap3A_1132 = arith.constant 0 : i32
      %swap3A_1133 = arith.index_cast %swap3A_1132 : i32 to index
      %swap3A_1134 = arith.constant 64 : index
      %swap3A_1135 = tpu.vector_load %arg13[%swap3A_1133, %swap3A_1134] {strides = array<i32>} : memref<8x128xf32, #tpu.memory_space<vmem>>, vector<16xf32>,
      tpu.vector_store %arg13[%swap3A_1133, %swap3A_1134], %gather3A_1131 {strides = array<i32>} : memref<8x128xf32, #tpu.memory_space<vmem>>, vector<16xf32>,
      %get3A_1136 = arith.constant 0 : i32
      %get3A_1137 = arith.index_cast %get3A_1136 : i32 to index
      %get3A_1138 = arith.constant 80 : index
      %get3A_1139 = tpu.vector_load %arg9[%get3A_1137, %get3A_1138] {strides = array<i32>} : memref<8x128xi32, #tpu.memory_space<vmem>>, vector<16xi32>,
      %and3A_1140 = arith.constant 15 : i32
      %and3A_1141 = vector.broadcast %and3A_1140 : i32 to vector<16xi32>
      %and3A_1142 = arith.andi %get3A_1139, %and3A_1141 : vector<16xi32>
      %add3A_1143 = arith.constant 80 : i32
      %add3A_1144 = vector.broadcast %add3A_1143 : i32 to vector<16xi32>
      %add3A_1145 = arith.addi %iota3A, %add3A_1144 : vector<16xi32>
      %gather3A_1146 = tpu.vector_load_idx %arg12[%add3A_1145, %and3A_1142] : memref<1024x16xf32, #tpu.memory_space<vmem>>[vector<16xi32>, vector<16xi32>], vector<16xf32>,
      %swap3A_1147 = arith.constant 0 : i32
      %swap3A_1148 = arith.index_cast %swap3A_1147 : i32 to index
      %swap3A_1149 = arith.constant 80 : index
      %swap3A_1150 = tpu.vector_load %arg13[%swap3A_1148, %swap3A_1149] {strides = array<i32>} : memref<8x128xf32, #tpu.memory_space<vmem>>, vector<16xf32>,
      tpu.vector_store %arg13[%swap3A_1148, %swap3A_1149], %gather3A_1146 {strides = array<i32>} : memref<8x128xf32, #tpu.memory_space<vmem>>, vector<16xf32>,
      %get3A_1151 = arith.constant 0 : i32
      %get3A_1152 = arith.index_cast %get3A_1151 : i32 to index
      %get3A_1153 = arith.constant 96 : index
      %get3A_1154 = tpu.vector_load %arg9[%get3A_1152, %get3A_1153] {strides = array<i32>} : memref<8x128xi32, #tpu.memory_space<vmem>>, vector<16xi32>,
      %and3A_1155 = arith.constant 15 : i32
      %and3A_1156 = vector.broadcast %and3A_1155 : i32 to vector<16xi32>
      %and3A_1157 = arith.andi %get3A_1154, %and3A_1156 : vector<16xi32>
      %add3A_1158 = arith.constant 96 : i32
      %add3A_1159 = vector.broadcast %add3A_1158 : i32 to vector<16xi32>
      %add3A_1160 = arith.addi %iota3A, %add3A_1159 : vector<16xi32>
      %gather3A_1161 = tpu.vector_load_idx %arg12[%add3A_1160, %and3A_1157] : memref<1024x16xf32, #tpu.memory_space<vmem>>[vector<16xi32>, vector<16xi32>], vector<16xf32>,
      %swap3A_1162 = arith.constant 0 : i32
      %swap3A_1163 = arith.index_cast %swap3A_1162 : i32 to index
      %swap3A_1164 = arith.constant 96 : index
      %swap3A_1165 = tpu.vector_load %arg13[%swap3A_1163, %swap3A_1164] {strides = array<i32>} : memref<8x128xf32, #tpu.memory_space<vmem>>, vector<16xf32>,
      tpu.vector_store %arg13[%swap3A_1163, %swap3A_1164], %gather3A_1161 {strides = array<i32>} : memref<8x128xf32, #tpu.memory_space<vmem>>, vector<16xf32>,
      %get3A_1166 = arith.constant 0 : i32
      %get3A_1167 = arith.index_cast %get3A_1166 : i32 to index
      %get3A_1168 = arith.constant 112 : index
      %get3A_1169 = tpu.vector_load %arg9[%get3A_1167, %get3A_1168] {strides = array<i32>} : memref<8x128xi32, #tpu.memory_space<vmem>>, vector<16xi32>,
      %and3A_1170 = arith.constant 15 : i32
      %and3A_1171 = vector.broadcast %and3A_1170 : i32 to vector<16xi32>
      %and3A_1172 = arith.andi %get3A_1169, %and3A_1171 : vector<16xi32>
      %add3A_1173 = arith.constant 112 : i32
      %add3A_1174 = vector.broadcast %add3A_1173 : i32 to vector<16xi32>
      %add3A_1175 = arith.addi %iota3A, %add3A_1174 : vector<16xi32>
      %gather3A_1176 = tpu.vector_load_idx %arg12[%add3A_1175, %and3A_1172] : memref<1024x16xf32, #tpu.memory_space<vmem>>[vector<16xi32>, vector<16xi32>], vector<16xf32>,
      %swap3A_1177 = arith.constant 0 : i32
      %swap3A_1178 = arith.index_cast %swap3A_1177 : i32 to index
      %swap3A_1179 = arith.constant 112 : index
      %swap3A_1180 = tpu.vector_load %arg13[%swap3A_1178, %swap3A_1179] {strides = array<i32>} : memref<8x128xf32, #tpu.memory_space<vmem>>, vector<16xf32>,
      tpu.vector_store %arg13[%swap3A_1178, %swap3A_1179], %gather3A_1176 {strides = array<i32>} : memref<8x128xf32, #tpu.memory_space<vmem>>, vector<16xf32>,
      %get3A_1181 = arith.constant 1 : i32
      %get3A_1182 = arith.index_cast %get3A_1181 : i32 to index
      %get3A_1183 = arith.constant 0 : index
      %get3A_1184 = tpu.vector_load %arg9[%get3A_1182, %get3A_1183] {strides = array<i32>} : memref<8x128xi32, #tpu.memory_space<vmem>>, vector<16xi32>,
      %and3A_1185 = arith.constant 15 : i32
      %and3A_1186 = vector.broadcast %and3A_1185 : i32 to vector<16xi32>
      %and3A_1187 = arith.andi %get3A_1184, %and3A_1186 : vector<16xi32>
      %add3A_1188 = arith.constant 128 : i32
      %add3A_1189 = vector.broadcast %add3A_1188 : i32 to vector<16xi32>
      %add3A_1190 = arith.addi %iota3A, %add3A_1189 : vector<16xi32>
      %gather3A_1191 = tpu.vector_load_idx %arg12[%add3A_1190, %and3A_1187] : memref<1024x16xf32, #tpu.memory_space<vmem>>[vector<16xi32>, vector<16xi32>], vector<16xf32>,
      %swap3A_1192 = arith.constant 1 : i32
      %swap3A_1193 = arith.index_cast %swap3A_1192 : i32 to index
      %swap3A_1194 = arith.constant 0 : index
      %swap3A_1195 = tpu.vector_load %arg13[%swap3A_1193, %swap3A_1194] {strides = array<i32>} : memref<8x128xf32, #tpu.memory_space<vmem>>, vector<16xf32>,
      tpu.vector_store %arg13[%swap3A_1193, %swap3A_1194], %gather3A_1191 {strides = array<i32>} : memref<8x128xf32, #tpu.memory_space<vmem>>, vector<16xf32>,
      %get3A_1196 = arith.constant 1 : i32
      %get3A_1197 = arith.index_cast %get3A_1196 : i32 to index
      %get3A_1198 = arith.constant 16 : index
      %get3A_1199 = tpu.vector_load %arg9[%get3A_1197, %get3A_1198] {strides = array<i32>} : memref<8x128xi32, #tpu.memory_space<vmem>>, vector<16xi32>,
      %and3A_1200 = arith.constant 15 : i32
      %and3A_1201 = vector.broadcast %and3A_1200 : i32 to vector<16xi32>
      %and3A_1202 = arith.andi %get3A_1199, %and3A_1201 : vector<16xi32>
      %add3A_1203 = arith.constant 144 : i32
      %add3A_1204 = vector.broadcast %add3A_1203 : i32 to vector<16xi32>
      %add3A_1205 = arith.addi %iota3A, %add3A_1204 : vector<16xi32>
      %gather3A_1206 = tpu.vector_load_idx %arg12[%add3A_1205, %and3A_1202] : memref<1024x16xf32, #tpu.memory_space<vmem>>[vector<16xi32>, vector<16xi32>], vector<16xf32>,
      %swap3A_1207 = arith.constant 1 : i32
      %swap3A_1208 = arith.index_cast %swap3A_1207 : i32 to index
      %swap3A_1209 = arith.constant 16 : index
      %swap3A_1210 = tpu.vector_load %arg13[%swap3A_1208, %swap3A_1209] {strides = array<i32>} : memref<8x128xf32, #tpu.memory_space<vmem>>, vector<16xf32>,
      tpu.vector_store %arg13[%swap3A_1208, %swap3A_1209], %gather3A_1206 {strides = array<i32>} : memref<8x128xf32, #tpu.memory_space<vmem>>, vector<16xf32>,
      %get3A_1211 = arith.constant 1 : i32
      %get3A_1212 = arith.index_cast %get3A_1211 : i32 to index
      %get3A_1213 = arith.constant 32 : index
      %get3A_1214 = tpu.vector_load %arg9[%get3A_1212, %get3A_1213] {strides = array<i32>} : memref<8x128xi32, #tpu.memory_space<vmem>>, vector<16xi32>,
      %and3A_1215 = arith.constant 15 : i32
      %and3A_1216 = vector.broadcast %and3A_1215 : i32 to vector<16xi32>
      %and3A_1217 = arith.andi %get3A_1214, %and3A_1216 : vector<16xi32>
      %add3A_1218 = arith.constant 160 : i32
      %add3A_1219 = vector.broadcast %add3A_1218 : i32 to vector<16xi32>
      %add3A_1220 = arith.addi %iota3A, %add3A_1219 : vector<16xi32>
      %gather3A_1221 = tpu.vector_load_idx %arg12[%add3A_1220, %and3A_1217] : memref<1024x16xf32, #tpu.memory_space<vmem>>[vector<16xi32>, vector<16xi32>], vector<16xf32>,
      %swap3A_1222 = arith.constant 1 : i32
      %swap3A_1223 = arith.index_cast %swap3A_1222 : i32 to index
      %swap3A_1224 = arith.constant 32 : index
      %swap3A_1225 = tpu.vector_load %arg13[%swap3A_1223, %swap3A_1224] {strides = array<i32>} : memref<8x128xf32, #tpu.memory_space<vmem>>, vector<16xf32>,
      tpu.vector_store %arg13[%swap3A_1223, %swap3A_1224], %gather3A_1221 {strides = array<i32>} : memref<8x128xf32, #tpu.memory_space<vmem>>, vector<16xf32>,
      %get3A_1226 = arith.constant 1 : i32
      %get3A_1227 = arith.index_cast %get3A_1226 : i32 to index
      %get3A_1228 = arith.constant 48 : index
      %get3A_1229 = tpu.vector_load %arg9[%get3A_1227, %get3A_1228] {strides = array<i32>} : memref<8x128xi32, #tpu.memory_space<vmem>>, vector<16xi32>,
      %and3A_1230 = arith.constant 15 : i32
      %and3A_1231 = vector.broadcast %and3A_1230 : i32 to vector<16xi32>
      %and3A_1232 = arith.andi %get3A_1229, %and3A_1231 : vector<16xi32>
      %add3A_1233 = arith.constant 176 : i32
      %add3A_1234 = vector.broadcast %add3A_1233 : i32 to vector<16xi32>
      %add3A_1235 = arith.addi %iota3A, %add3A_1234 : vector<16xi32>
      %gather3A_1236 = tpu.vector_load_idx %arg12[%add3A_1235, %and3A_1232] : memref<1024x16xf32, #tpu.memory_space<vmem>>[vector<16xi32>, vector<16xi32>], vector<16xf32>,
      %swap3A_1237 = arith.constant 1 : i32
      %swap3A_1238 = arith.index_cast %swap3A_1237 : i32 to index
      %swap3A_1239 = arith.constant 48 : index
      %swap3A_1240 = tpu.vector_load %arg13[%swap3A_1238, %swap3A_1239] {strides = array<i32>} : memref<8x128xf32, #tpu.memory_space<vmem>>, vector<16xf32>,
      tpu.vector_store %arg13[%swap3A_1238, %swap3A_1239], %gather3A_1236 {strides = array<i32>} : memref<8x128xf32, #tpu.memory_space<vmem>>, vector<16xf32>,
      %get3A_1241 = arith.constant 1 : i32
      %get3A_1242 = arith.index_cast %get3A_1241 : i32 to index
      %get3A_1243 = arith.constant 64 : index
      %get3A_1244 = tpu.vector_load %arg9[%get3A_1242, %get3A_1243] {strides = array<i32>} : memref<8x128xi32, #tpu.memory_space<vmem>>, vector<16xi32>,
      %and3A_1245 = arith.constant 15 : i32
      %and3A_1246 = vector.broadcast %and3A_1245 : i32 to vector<16xi32>
      %and3A_1247 = arith.andi %get3A_1244, %and3A_1246 : vector<16xi32>
      %add3A_1248 = arith.constant 192 : i32
      %add3A_1249 = vector.broadcast %add3A_1248 : i32 to vector<16xi32>
      %add3A_1250 = arith.addi %iota3A, %add3A_1249 : vector<16xi32>
      %gather3A_1251 = tpu.vector_load_idx %arg12[%add3A_1250, %and3A_1247] : memref<1024x16xf32, #tpu.memory_space<vmem>>[vector<16xi32>, vector<16xi32>], vector<16xf32>,
      %swap3A_1252 = arith.constant 1 : i32
      %swap3A_1253 = arith.index_cast %swap3A_1252 : i32 to index
      %swap3A_1254 = arith.constant 64 : index
      %swap3A_1255 = tpu.vector_load %arg13[%swap3A_1253, %swap3A_1254] {strides = array<i32>} : memref<8x128xf32, #tpu.memory_space<vmem>>, vector<16xf32>,
      tpu.vector_store %arg13[%swap3A_1253, %swap3A_1254], %gather3A_1251 {strides = array<i32>} : memref<8x128xf32, #tpu.memory_space<vmem>>, vector<16xf32>,
      %get3A_1256 = arith.constant 1 : i32
      %get3A_1257 = arith.index_cast %get3A_1256 : i32 to index
      %get3A_1258 = arith.constant 80 : index
      %get3A_1259 = tpu.vector_load %arg9[%get3A_1257, %get3A_1258] {strides = array<i32>} : memref<8x128xi32, #tpu.memory_space<vmem>>, vector<16xi32>,
      %and3A_1260 = arith.constant 15 : i32
      %and3A_1261 = vector.broadcast %and3A_1260 : i32 to vector<16xi32>
      %and3A_1262 = arith.andi %get3A_1259, %and3A_1261 : vector<16xi32>
      %add3A_1263 = arith.constant 208 : i32
      %add3A_1264 = vector.broadcast %add3A_1263 : i32 to vector<16xi32>
      %add3A_1265 = arith.addi %iota3A, %add3A_1264 : vector<16xi32>
      %gather3A_1266 = tpu.vector_load_idx %arg12[%add3A_1265, %and3A_1262] : memref<1024x16xf32, #tpu.memory_space<vmem>>[vector<16xi32>, vector<16xi32>], vector<16xf32>,
      %swap3A_1267 = arith.constant 1 : i32
      %swap3A_1268 = arith.index_cast %swap3A_1267 : i32 to index
      %swap3A_1269 = arith.constant 80 : index
      %swap3A_1270 = tpu.vector_load %arg13[%swap3A_1268, %swap3A_1269] {strides = array<i32>} : memref<8x128xf32, #tpu.memory_space<vmem>>, vector<16xf32>,
      tpu.vector_store %arg13[%swap3A_1268, %swap3A_1269], %gather3A_1266 {strides = array<i32>} : memref<8x128xf32, #tpu.memory_space<vmem>>, vector<16xf32>,
      %get3A_1271 = arith.constant 1 : i32
      %get3A_1272 = arith.index_cast %get3A_1271 : i32 to index
      %get3A_1273 = arith.constant 96 : index
      %get3A_1274 = tpu.vector_load %arg9[%get3A_1272, %get3A_1273] {strides = array<i32>} : memref<8x128xi32, #tpu.memory_space<vmem>>, vector<16xi32>,
      %and3A_1275 = arith.constant 15 : i32
      %and3A_1276 = vector.broadcast %and3A_1275 : i32 to vector<16xi32>
      %and3A_1277 = arith.andi %get3A_1274, %and3A_1276 : vector<16xi32>
      %add3A_1278 = arith.constant 224 : i32
      %add3A_1279 = vector.broadcast %add3A_1278 : i32 to vector<16xi32>
      %add3A_1280 = arith.addi %iota3A, %add3A_1279 : vector<16xi32>
      %gather3A_1281 = tpu.vector_load_idx %arg12[%add3A_1280, %and3A_1277] : memref<1024x16xf32, #tpu.memory_space<vmem>>[vector<16xi32>, vector<16xi32>], vector<16xf32>,
      %swap3A_1282 = arith.constant 1 : i32
      %swap3A_1283 = arith.index_cast %swap3A_1282 : i32 to index
      %swap3A_1284 = arith.constant 96 : index
      %swap3A_1285 = tpu.vector_load %arg13[%swap3A_1283, %swap3A_1284] {strides = array<i32>} : memref<8x128xf32, #tpu.memory_space<vmem>>, vector<16xf32>,
      tpu.vector_store %arg13[%swap3A_1283, %swap3A_1284], %gather3A_1281 {strides = array<i32>} : memref<8x128xf32, #tpu.memory_space<vmem>>, vector<16xf32>,
      %get3A_1286 = arith.constant 1 : i32
      %get3A_1287 = arith.index_cast %get3A_1286 : i32 to index
      %get3A_1288 = arith.constant 112 : index
      %get3A_1289 = tpu.vector_load %arg9[%get3A_1287, %get3A_1288] {strides = array<i32>} : memref<8x128xi32, #tpu.memory_space<vmem>>, vector<16xi32>,
      %and3A_1290 = arith.constant 15 : i32
      %and3A_1291 = vector.broadcast %and3A_1290 : i32 to vector<16xi32>
      %and3A_1292 = arith.andi %get3A_1289, %and3A_1291 : vector<16xi32>
      %add3A_1293 = arith.constant 240 : i32
      %add3A_1294 = vector.broadcast %add3A_1293 : i32 to vector<16xi32>
      %add3A_1295 = arith.addi %iota3A, %add3A_1294 : vector<16xi32>
      %gather3A_1296 = tpu.vector_load_idx %arg12[%add3A_1295, %and3A_1292] : memref<1024x16xf32, #tpu.memory_space<vmem>>[vector<16xi32>, vector<16xi32>], vector<16xf32>,
      %swap3A_1297 = arith.constant 1 : i32
      %swap3A_1298 = arith.index_cast %swap3A_1297 : i32 to index
      %swap3A_1299 = arith.constant 112 : index
      %swap3A_1300 = tpu.vector_load %arg13[%swap3A_1298, %swap3A_1299] {strides = array<i32>} : memref<8x128xf32, #tpu.memory_space<vmem>>, vector<16xf32>,
      tpu.vector_store %arg13[%swap3A_1298, %swap3A_1299], %gather3A_1296 {strides = array<i32>} : memref<8x128xf32, #tpu.memory_space<vmem>>, vector<16xf32>,
      %get3A_1301 = arith.constant 2 : i32
      %get3A_1302 = arith.index_cast %get3A_1301 : i32 to index
      %get3A_1303 = arith.constant 0 : index
      %get3A_1304 = tpu.vector_load %arg9[%get3A_1302, %get3A_1303] {strides = array<i32>} : memref<8x128xi32, #tpu.memory_space<vmem>>, vector<16xi32>,
      %and3A_1305 = arith.constant 15 : i32
      %and3A_1306 = vector.broadcast %and3A_1305 : i32 to vector<16xi32>
      %and3A_1307 = arith.andi %get3A_1304, %and3A_1306 : vector<16xi32>
      %add3A_1308 = arith.constant 256 : i32
      %add3A_1309 = vector.broadcast %add3A_1308 : i32 to vector<16xi32>
      %add3A_1310 = arith.addi %iota3A, %add3A_1309 : vector<16xi32>
      %gather3A_1311 = tpu.vector_load_idx %arg12[%add3A_1310, %and3A_1307] : memref<1024x16xf32, #tpu.memory_space<vmem>>[vector<16xi32>, vector<16xi32>], vector<16xf32>,
      %swap3A_1312 = arith.constant 2 : i32
      %swap3A_1313 = arith.index_cast %swap3A_1312 : i32 to index
      %swap3A_1314 = arith.constant 0 : index
      %swap3A_1315 = tpu.vector_load %arg13[%swap3A_1313, %swap3A_1314] {strides = array<i32>} : memref<8x128xf32, #tpu.memory_space<vmem>>, vector<16xf32>,
      tpu.vector_store %arg13[%swap3A_1313, %swap3A_1314], %gather3A_1311 {strides = array<i32>} : memref<8x128xf32, #tpu.memory_space<vmem>>, vector<16xf32>,
      %get3A_1316 = arith.constant 2 : i32
      %get3A_1317 = arith.index_cast %get3A_1316 : i32 to index
      %get3A_1318 = arith.constant 16 : index
      %get3A_1319 = tpu.vector_load %arg9[%get3A_1317, %get3A_1318] {strides = array<i32>} : memref<8x128xi32, #tpu.memory_space<vmem>>, vector<16xi32>,
      %and3A_1320 = arith.constant 15 : i32
      %and3A_1321 = vector.broadcast %and3A_1320 : i32 to vector<16xi32>
      %and3A_1322 = arith.andi %get3A_1319, %and3A_1321 : vector<16xi32>
      %add3A_1323 = arith.constant 272 : i32
      %add3A_1324 = vector.broadcast %add3A_1323 : i32 to vector<16xi32>
      %add3A_1325 = arith.addi %iota3A, %add3A_1324 : vector<16xi32>
      %gather3A_1326 = tpu.vector_load_idx %arg12[%add3A_1325, %and3A_1322] : memref<1024x16xf32, #tpu.memory_space<vmem>>[vector<16xi32>, vector<16xi32>], vector<16xf32>,
      %swap3A_1327 = arith.constant 2 : i32
      %swap3A_1328 = arith.index_cast %swap3A_1327 : i32 to index
      %swap3A_1329 = arith.constant 16 : index
      %swap3A_1330 = tpu.vector_load %arg13[%swap3A_1328, %swap3A_1329] {strides = array<i32>} : memref<8x128xf32, #tpu.memory_space<vmem>>, vector<16xf32>,
      tpu.vector_store %arg13[%swap3A_1328, %swap3A_1329], %gather3A_1326 {strides = array<i32>} : memref<8x128xf32, #tpu.memory_space<vmem>>, vector<16xf32>,
      %get3A_1331 = arith.constant 2 : i32
      %get3A_1332 = arith.index_cast %get3A_1331 : i32 to index
      %get3A_1333 = arith.constant 32 : index
      %get3A_1334 = tpu.vector_load %arg9[%get3A_1332, %get3A_1333] {strides = array<i32>} : memref<8x128xi32, #tpu.memory_space<vmem>>, vector<16xi32>,
      %and3A_1335 = arith.constant 15 : i32
      %and3A_1336 = vector.broadcast %and3A_1335 : i32 to vector<16xi32>
      %and3A_1337 = arith.andi %get3A_1334, %and3A_1336 : vector<16xi32>
      %add3A_1338 = arith.constant 288 : i32
      %add3A_1339 = vector.broadcast %add3A_1338 : i32 to vector<16xi32>
      %add3A_1340 = arith.addi %iota3A, %add3A_1339 : vector<16xi32>
      %gather3A_1341 = tpu.vector_load_idx %arg12[%add3A_1340, %and3A_1337] : memref<1024x16xf32, #tpu.memory_space<vmem>>[vector<16xi32>, vector<16xi32>], vector<16xf32>,
      %swap3A_1342 = arith.constant 2 : i32
      %swap3A_1343 = arith.index_cast %swap3A_1342 : i32 to index
      %swap3A_1344 = arith.constant 32 : index
      %swap3A_1345 = tpu.vector_load %arg13[%swap3A_1343, %swap3A_1344] {strides = array<i32>} : memref<8x128xf32, #tpu.memory_space<vmem>>, vector<16xf32>,
      tpu.vector_store %arg13[%swap3A_1343, %swap3A_1344], %gather3A_1341 {strides = array<i32>} : memref<8x128xf32, #tpu.memory_space<vmem>>, vector<16xf32>,
      %get3A_1346 = arith.constant 2 : i32
      %get3A_1347 = arith.index_cast %get3A_1346 : i32 to index
      %get3A_1348 = arith.constant 48 : index
      %get3A_1349 = tpu.vector_load %arg9[%get3A_1347, %get3A_1348] {strides = array<i32>} : memref<8x128xi32, #tpu.memory_space<vmem>>, vector<16xi32>,
      %and3A_1350 = arith.constant 15 : i32
      %and3A_1351 = vector.broadcast %and3A_1350 : i32 to vector<16xi32>
      %and3A_1352 = arith.andi %get3A_1349, %and3A_1351 : vector<16xi32>
      %add3A_1353 = arith.constant 304 : i32
      %add3A_1354 = vector.broadcast %add3A_1353 : i32 to vector<16xi32>
      %add3A_1355 = arith.addi %iota3A, %add3A_1354 : vector<16xi32>
      %gather3A_1356 = tpu.vector_load_idx %arg12[%add3A_1355, %and3A_1352] : memref<1024x16xf32, #tpu.memory_space<vmem>>[vector<16xi32>, vector<16xi32>], vector<16xf32>,
      %swap3A_1357 = arith.constant 2 : i32
      %swap3A_1358 = arith.index_cast %swap3A_1357 : i32 to index
      %swap3A_1359 = arith.constant 48 : index
      %swap3A_1360 = tpu.vector_load %arg13[%swap3A_1358, %swap3A_1359] {strides = array<i32>} : memref<8x128xf32, #tpu.memory_space<vmem>>, vector<16xf32>,
      tpu.vector_store %arg13[%swap3A_1358, %swap3A_1359], %gather3A_1356 {strides = array<i32>} : memref<8x128xf32, #tpu.memory_space<vmem>>, vector<16xf32>,
      %get3A_1361 = arith.constant 2 : i32
      %get3A_1362 = arith.index_cast %get3A_1361 : i32 to index
      %get3A_1363 = arith.constant 64 : index
      %get3A_1364 = tpu.vector_load %arg9[%get3A_1362, %get3A_1363] {strides = array<i32>} : memref<8x128xi32, #tpu.memory_space<vmem>>, vector<16xi32>,
      %and3A_1365 = arith.constant 15 : i32
      %and3A_1366 = vector.broadcast %and3A_1365 : i32 to vector<16xi32>
      %and3A_1367 = arith.andi %get3A_1364, %and3A_1366 : vector<16xi32>
      %add3A_1368 = arith.constant 320 : i32
      %add3A_1369 = vector.broadcast %add3A_1368 : i32 to vector<16xi32>
      %add3A_1370 = arith.addi %iota3A, %add3A_1369 : vector<16xi32>
      %gather3A_1371 = tpu.vector_load_idx %arg12[%add3A_1370, %and3A_1367] : memref<1024x16xf32, #tpu.memory_space<vmem>>[vector<16xi32>, vector<16xi32>], vector<16xf32>,
      %swap3A_1372 = arith.constant 2 : i32
      %swap3A_1373 = arith.index_cast %swap3A_1372 : i32 to index
      %swap3A_1374 = arith.constant 64 : index
      %swap3A_1375 = tpu.vector_load %arg13[%swap3A_1373, %swap3A_1374] {strides = array<i32>} : memref<8x128xf32, #tpu.memory_space<vmem>>, vector<16xf32>,
      tpu.vector_store %arg13[%swap3A_1373, %swap3A_1374], %gather3A_1371 {strides = array<i32>} : memref<8x128xf32, #tpu.memory_space<vmem>>, vector<16xf32>,
      %get3A_1376 = arith.constant 2 : i32
      %get3A_1377 = arith.index_cast %get3A_1376 : i32 to index
      %get3A_1378 = arith.constant 80 : index
      %get3A_1379 = tpu.vector_load %arg9[%get3A_1377, %get3A_1378] {strides = array<i32>} : memref<8x128xi32, #tpu.memory_space<vmem>>, vector<16xi32>,
      %and3A_1380 = arith.constant 15 : i32
      %and3A_1381 = vector.broadcast %and3A_1380 : i32 to vector<16xi32>
      %and3A_1382 = arith.andi %get3A_1379, %and3A_1381 : vector<16xi32>
      %add3A_1383 = arith.constant 336 : i32
      %add3A_1384 = vector.broadcast %add3A_1383 : i32 to vector<16xi32>
      %add3A_1385 = arith.addi %iota3A, %add3A_1384 : vector<16xi32>
      %gather3A_1386 = tpu.vector_load_idx %arg12[%add3A_1385, %and3A_1382] : memref<1024x16xf32, #tpu.memory_space<vmem>>[vector<16xi32>, vector<16xi32>], vector<16xf32>,
      %swap3A_1387 = arith.constant 2 : i32
      %swap3A_1388 = arith.index_cast %swap3A_1387 : i32 to index
      %swap3A_1389 = arith.constant 80 : index
      %swap3A_1390 = tpu.vector_load %arg13[%swap3A_1388, %swap3A_1389] {strides = array<i32>} : memref<8x128xf32, #tpu.memory_space<vmem>>, vector<16xf32>,
      tpu.vector_store %arg13[%swap3A_1388, %swap3A_1389], %gather3A_1386 {strides = array<i32>} : memref<8x128xf32, #tpu.memory_space<vmem>>, vector<16xf32>,
      %get3A_1391 = arith.constant 2 : i32
      %get3A_1392 = arith.index_cast %get3A_1391 : i32 to index
      %get3A_1393 = arith.constant 96 : index
      %get3A_1394 = tpu.vector_load %arg9[%get3A_1392, %get3A_1393] {strides = array<i32>} : memref<8x128xi32, #tpu.memory_space<vmem>>, vector<16xi32>,
      %and3A_1395 = arith.constant 15 : i32
      %and3A_1396 = vector.broadcast %and3A_1395 : i32 to vector<16xi32>
      %and3A_1397 = arith.andi %get3A_1394, %and3A_1396 : vector<16xi32>
      %add3A_1398 = arith.constant 352 : i32
      %add3A_1399 = vector.broadcast %add3A_1398 : i32 to vector<16xi32>
      %add3A_1400 = arith.addi %iota3A, %add3A_1399 : vector<16xi32>
      %gather3A_1401 = tpu.vector_load_idx %arg12[%add3A_1400, %and3A_1397] : memref<1024x16xf32, #tpu.memory_space<vmem>>[vector<16xi32>, vector<16xi32>], vector<16xf32>,
      %swap3A_1402 = arith.constant 2 : i32
      %swap3A_1403 = arith.index_cast %swap3A_1402 : i32 to index
      %swap3A_1404 = arith.constant 96 : index
      %swap3A_1405 = tpu.vector_load %arg13[%swap3A_1403, %swap3A_1404] {strides = array<i32>} : memref<8x128xf32, #tpu.memory_space<vmem>>, vector<16xf32>,
      tpu.vector_store %arg13[%swap3A_1403, %swap3A_1404], %gather3A_1401 {strides = array<i32>} : memref<8x128xf32, #tpu.memory_space<vmem>>, vector<16xf32>,
      %get3A_1406 = arith.constant 2 : i32
      %get3A_1407 = arith.index_cast %get3A_1406 : i32 to index
      %get3A_1408 = arith.constant 112 : index
      %get3A_1409 = tpu.vector_load %arg9[%get3A_1407, %get3A_1408] {strides = array<i32>} : memref<8x128xi32, #tpu.memory_space<vmem>>, vector<16xi32>,
      %and3A_1410 = arith.constant 15 : i32
      %and3A_1411 = vector.broadcast %and3A_1410 : i32 to vector<16xi32>
      %and3A_1412 = arith.andi %get3A_1409, %and3A_1411 : vector<16xi32>
      %add3A_1413 = arith.constant 368 : i32
      %add3A_1414 = vector.broadcast %add3A_1413 : i32 to vector<16xi32>
      %add3A_1415 = arith.addi %iota3A, %add3A_1414 : vector<16xi32>
      %gather3A_1416 = tpu.vector_load_idx %arg12[%add3A_1415, %and3A_1412] : memref<1024x16xf32, #tpu.memory_space<vmem>>[vector<16xi32>, vector<16xi32>], vector<16xf32>,
      %swap3A_1417 = arith.constant 2 : i32
      %swap3A_1418 = arith.index_cast %swap3A_1417 : i32 to index
      %swap3A_1419 = arith.constant 112 : index
      %swap3A_1420 = tpu.vector_load %arg13[%swap3A_1418, %swap3A_1419] {strides = array<i32>} : memref<8x128xf32, #tpu.memory_space<vmem>>, vector<16xf32>,
      tpu.vector_store %arg13[%swap3A_1418, %swap3A_1419], %gather3A_1416 {strides = array<i32>} : memref<8x128xf32, #tpu.memory_space<vmem>>, vector<16xf32>,
      %get3A_1421 = arith.constant 3 : i32
      %get3A_1422 = arith.index_cast %get3A_1421 : i32 to index
      %get3A_1423 = arith.constant 0 : index
      %get3A_1424 = tpu.vector_load %arg9[%get3A_1422, %get3A_1423] {strides = array<i32>} : memref<8x128xi32, #tpu.memory_space<vmem>>, vector<16xi32>,
      %and3A_1425 = arith.constant 15 : i32
      %and3A_1426 = vector.broadcast %and3A_1425 : i32 to vector<16xi32>
      %and3A_1427 = arith.andi %get3A_1424, %and3A_1426 : vector<16xi32>
      %add3A_1428 = arith.constant 384 : i32
      %add3A_1429 = vector.broadcast %add3A_1428 : i32 to vector<16xi32>
      %add3A_1430 = arith.addi %iota3A, %add3A_1429 : vector<16xi32>
      %gather3A_1431 = tpu.vector_load_idx %arg12[%add3A_1430, %and3A_1427] : memref<1024x16xf32, #tpu.memory_space<vmem>>[vector<16xi32>, vector<16xi32>], vector<16xf32>,
      %swap3A_1432 = arith.constant 3 : i32
      %swap3A_1433 = arith.index_cast %swap3A_1432 : i32 to index
      %swap3A_1434 = arith.constant 0 : index
      %swap3A_1435 = tpu.vector_load %arg13[%swap3A_1433, %swap3A_1434] {strides = array<i32>} : memref<8x128xf32, #tpu.memory_space<vmem>>, vector<16xf32>,
      tpu.vector_store %arg13[%swap3A_1433, %swap3A_1434], %gather3A_1431 {strides = array<i32>} : memref<8x128xf32, #tpu.memory_space<vmem>>, vector<16xf32>,
      %get3A_1436 = arith.constant 3 : i32
      %get3A_1437 = arith.index_cast %get3A_1436 : i32 to index
      %get3A_1438 = arith.constant 16 : index
      %get3A_1439 = tpu.vector_load %arg9[%get3A_1437, %get3A_1438] {strides = array<i32>} : memref<8x128xi32, #tpu.memory_space<vmem>>, vector<16xi32>,
      %and3A_1440 = arith.constant 15 : i32
      %and3A_1441 = vector.broadcast %and3A_1440 : i32 to vector<16xi32>
      %and3A_1442 = arith.andi %get3A_1439, %and3A_1441 : vector<16xi32>
      %add3A_1443 = arith.constant 400 : i32
      %add3A_1444 = vector.broadcast %add3A_1443 : i32 to vector<16xi32>
      %add3A_1445 = arith.addi %iota3A, %add3A_1444 : vector<16xi32>
      %gather3A_1446 = tpu.vector_load_idx %arg12[%add3A_1445, %and3A_1442] : memref<1024x16xf32, #tpu.memory_space<vmem>>[vector<16xi32>, vector<16xi32>], vector<16xf32>,
      %swap3A_1447 = arith.constant 3 : i32
      %swap3A_1448 = arith.index_cast %swap3A_1447 : i32 to index
      %swap3A_1449 = arith.constant 16 : index
      %swap3A_1450 = tpu.vector_load %arg13[%swap3A_1448, %swap3A_1449] {strides = array<i32>} : memref<8x128xf32, #tpu.memory_space<vmem>>, vector<16xf32>,
      tpu.vector_store %arg13[%swap3A_1448, %swap3A_1449], %gather3A_1446 {strides = array<i32>} : memref<8x128xf32, #tpu.memory_space<vmem>>, vector<16xf32>,
      %get3A_1451 = arith.constant 3 : i32
      %get3A_1452 = arith.index_cast %get3A_1451 : i32 to index
      %get3A_1453 = arith.constant 32 : index
      %get3A_1454 = tpu.vector_load %arg9[%get3A_1452, %get3A_1453] {strides = array<i32>} : memref<8x128xi32, #tpu.memory_space<vmem>>, vector<16xi32>,
      %and3A_1455 = arith.constant 15 : i32
      %and3A_1456 = vector.broadcast %and3A_1455 : i32 to vector<16xi32>
      %and3A_1457 = arith.andi %get3A_1454, %and3A_1456 : vector<16xi32>
      %add3A_1458 = arith.constant 416 : i32
      %add3A_1459 = vector.broadcast %add3A_1458 : i32 to vector<16xi32>
      %add3A_1460 = arith.addi %iota3A, %add3A_1459 : vector<16xi32>
      %gather3A_1461 = tpu.vector_load_idx %arg12[%add3A_1460, %and3A_1457] : memref<1024x16xf32, #tpu.memory_space<vmem>>[vector<16xi32>, vector<16xi32>], vector<16xf32>,
      %swap3A_1462 = arith.constant 3 : i32
      %swap3A_1463 = arith.index_cast %swap3A_1462 : i32 to index
      %swap3A_1464 = arith.constant 32 : index
      %swap3A_1465 = tpu.vector_load %arg13[%swap3A_1463, %swap3A_1464] {strides = array<i32>} : memref<8x128xf32, #tpu.memory_space<vmem>>, vector<16xf32>,
      tpu.vector_store %arg13[%swap3A_1463, %swap3A_1464], %gather3A_1461 {strides = array<i32>} : memref<8x128xf32, #tpu.memory_space<vmem>>, vector<16xf32>,
      %get3A_1466 = arith.constant 3 : i32
      %get3A_1467 = arith.index_cast %get3A_1466 : i32 to index
      %get3A_1468 = arith.constant 48 : index
      %get3A_1469 = tpu.vector_load %arg9[%get3A_1467, %get3A_1468] {strides = array<i32>} : memref<8x128xi32, #tpu.memory_space<vmem>>, vector<16xi32>,
      %and3A_1470 = arith.constant 15 : i32
      %and3A_1471 = vector.broadcast %and3A_1470 : i32 to vector<16xi32>
      %and3A_1472 = arith.andi %get3A_1469, %and3A_1471 : vector<16xi32>
      %add3A_1473 = arith.constant 432 : i32
      %add3A_1474 = vector.broadcast %add3A_1473 : i32 to vector<16xi32>
      %add3A_1475 = arith.addi %iota3A, %add3A_1474 : vector<16xi32>
      %gather3A_1476 = tpu.vector_load_idx %arg12[%add3A_1475, %and3A_1472] : memref<1024x16xf32, #tpu.memory_space<vmem>>[vector<16xi32>, vector<16xi32>], vector<16xf32>,
      %swap3A_1477 = arith.constant 3 : i32
      %swap3A_1478 = arith.index_cast %swap3A_1477 : i32 to index
      %swap3A_1479 = arith.constant 48 : index
      %swap3A_1480 = tpu.vector_load %arg13[%swap3A_1478, %swap3A_1479] {strides = array<i32>} : memref<8x128xf32, #tpu.memory_space<vmem>>, vector<16xf32>,
      tpu.vector_store %arg13[%swap3A_1478, %swap3A_1479], %gather3A_1476 {strides = array<i32>} : memref<8x128xf32, #tpu.memory_space<vmem>>, vector<16xf32>,
      %get3A_1481 = arith.constant 3 : i32
      %get3A_1482 = arith.index_cast %get3A_1481 : i32 to index
      %get3A_1483 = arith.constant 64 : index
      %get3A_1484 = tpu.vector_load %arg9[%get3A_1482, %get3A_1483] {strides = array<i32>} : memref<8x128xi32, #tpu.memory_space<vmem>>, vector<16xi32>,
      %and3A_1485 = arith.constant 15 : i32
      %and3A_1486 = vector.broadcast %and3A_1485 : i32 to vector<16xi32>
      %and3A_1487 = arith.andi %get3A_1484, %and3A_1486 : vector<16xi32>
      %add3A_1488 = arith.constant 448 : i32
      %add3A_1489 = vector.broadcast %add3A_1488 : i32 to vector<16xi32>
      %add3A_1490 = arith.addi %iota3A, %add3A_1489 : vector<16xi32>
      %gather3A_1491 = tpu.vector_load_idx %arg12[%add3A_1490, %and3A_1487] : memref<1024x16xf32, #tpu.memory_space<vmem>>[vector<16xi32>, vector<16xi32>], vector<16xf32>,
      %swap3A_1492 = arith.constant 3 : i32
      %swap3A_1493 = arith.index_cast %swap3A_1492 : i32 to index
      %swap3A_1494 = arith.constant 64 : index
      %swap3A_1495 = tpu.vector_load %arg13[%swap3A_1493, %swap3A_1494] {strides = array<i32>} : memref<8x128xf32, #tpu.memory_space<vmem>>, vector<16xf32>,
      tpu.vector_store %arg13[%swap3A_1493, %swap3A_1494], %gather3A_1491 {strides = array<i32>} : memref<8x128xf32, #tpu.memory_space<vmem>>, vector<16xf32>,
      %get3A_1496 = arith.constant 3 : i32
      %get3A_1497 = arith.index_cast %get3A_1496 : i32 to index
      %get3A_1498 = arith.constant 80 : index
      %get3A_1499 = tpu.vector_load %arg9[%get3A_1497, %get3A_1498] {strides = array<i32>} : memref<8x128xi32, #tpu.memory_space<vmem>>, vector<16xi32>,
      %and3A_1500 = arith.constant 15 : i32
      %and3A_1501 = vector.broadcast %and3A_1500 : i32 to vector<16xi32>
      %and3A_1502 = arith.andi %get3A_1499, %and3A_1501 : vector<16xi32>
      %add3A_1503 = arith.constant 464 : i32
      %add3A_1504 = vector.broadcast %add3A_1503 : i32 to vector<16xi32>
      %add3A_1505 = arith.addi %iota3A, %add3A_1504 : vector<16xi32>
      %gather3A_1506 = tpu.vector_load_idx %arg12[%add3A_1505, %and3A_1502] : memref<1024x16xf32, #tpu.memory_space<vmem>>[vector<16xi32>, vector<16xi32>], vector<16xf32>,
      %swap3A_1507 = arith.constant 3 : i32
      %swap3A_1508 = arith.index_cast %swap3A_1507 : i32 to index
      %swap3A_1509 = arith.constant 80 : index
      %swap3A_1510 = tpu.vector_load %arg13[%swap3A_1508, %swap3A_1509] {strides = array<i32>} : memref<8x128xf32, #tpu.memory_space<vmem>>, vector<16xf32>,
      tpu.vector_store %arg13[%swap3A_1508, %swap3A_1509], %gather3A_1506 {strides = array<i32>} : memref<8x128xf32, #tpu.memory_space<vmem>>, vector<16xf32>,
      %get3A_1511 = arith.constant 3 : i32
      %get3A_1512 = arith.index_cast %get3A_1511 : i32 to index
      %get3A_1513 = arith.constant 96 : index
      %get3A_1514 = tpu.vector_load %arg9[%get3A_1512, %get3A_1513] {strides = array<i32>} : memref<8x128xi32, #tpu.memory_space<vmem>>, vector<16xi32>,
      %and3A_1515 = arith.constant 15 : i32
      %and3A_1516 = vector.broadcast %and3A_1515 : i32 to vector<16xi32>
      %and3A_1517 = arith.andi %get3A_1514, %and3A_1516 : vector<16xi32>
      %add3A_1518 = arith.constant 480 : i32
      %add3A_1519 = vector.broadcast %add3A_1518 : i32 to vector<16xi32>
      %add3A_1520 = arith.addi %iota3A, %add3A_1519 : vector<16xi32>
      %gather3A_1521 = tpu.vector_load_idx %arg12[%add3A_1520, %and3A_1517] : memref<1024x16xf32, #tpu.memory_space<vmem>>[vector<16xi32>, vector<16xi32>], vector<16xf32>,
      %swap3A_1522 = arith.constant 3 : i32
      %swap3A_1523 = arith.index_cast %swap3A_1522 : i32 to index
      %swap3A_1524 = arith.constant 96 : index
      %swap3A_1525 = tpu.vector_load %arg13[%swap3A_1523, %swap3A_1524] {strides = array<i32>} : memref<8x128xf32, #tpu.memory_space<vmem>>, vector<16xf32>,
      tpu.vector_store %arg13[%swap3A_1523, %swap3A_1524], %gather3A_1521 {strides = array<i32>} : memref<8x128xf32, #tpu.memory_space<vmem>>, vector<16xf32>,
      %get3A_1526 = arith.constant 3 : i32
      %get3A_1527 = arith.index_cast %get3A_1526 : i32 to index
      %get3A_1528 = arith.constant 112 : index
      %get3A_1529 = tpu.vector_load %arg9[%get3A_1527, %get3A_1528] {strides = array<i32>} : memref<8x128xi32, #tpu.memory_space<vmem>>, vector<16xi32>,
      %and3A_1530 = arith.constant 15 : i32
      %and3A_1531 = vector.broadcast %and3A_1530 : i32 to vector<16xi32>
      %and3A_1532 = arith.andi %get3A_1529, %and3A_1531 : vector<16xi32>
      %add3A_1533 = arith.constant 496 : i32
      %add3A_1534 = vector.broadcast %add3A_1533 : i32 to vector<16xi32>
      %add3A_1535 = arith.addi %iota3A, %add3A_1534 : vector<16xi32>
      %gather3A_1536 = tpu.vector_load_idx %arg12[%add3A_1535, %and3A_1532] : memref<1024x16xf32, #tpu.memory_space<vmem>>[vector<16xi32>, vector<16xi32>], vector<16xf32>,
      %swap3A_1537 = arith.constant 3 : i32
      %swap3A_1538 = arith.index_cast %swap3A_1537 : i32 to index
      %swap3A_1539 = arith.constant 112 : index
      %swap3A_1540 = tpu.vector_load %arg13[%swap3A_1538, %swap3A_1539] {strides = array<i32>} : memref<8x128xf32, #tpu.memory_space<vmem>>, vector<16xf32>,
      tpu.vector_store %arg13[%swap3A_1538, %swap3A_1539], %gather3A_1536 {strides = array<i32>} : memref<8x128xf32, #tpu.memory_space<vmem>>, vector<16xf32>,
      %get3A_1541 = arith.constant 4 : i32
      %get3A_1542 = arith.index_cast %get3A_1541 : i32 to index
      %get3A_1543 = arith.constant 0 : index
      %get3A_1544 = tpu.vector_load %arg9[%get3A_1542, %get3A_1543] {strides = array<i32>} : memref<8x128xi32, #tpu.memory_space<vmem>>, vector<16xi32>,
      %and3A_1545 = arith.constant 15 : i32
      %and3A_1546 = vector.broadcast %and3A_1545 : i32 to vector<16xi32>
      %and3A_1547 = arith.andi %get3A_1544, %and3A_1546 : vector<16xi32>
      %add3A_1548 = arith.constant 512 : i32
      %add3A_1549 = vector.broadcast %add3A_1548 : i32 to vector<16xi32>
      %add3A_1550 = arith.addi %iota3A, %add3A_1549 : vector<16xi32>
      %gather3A_1551 = tpu.vector_load_idx %arg12[%add3A_1550, %and3A_1547] : memref<1024x16xf32, #tpu.memory_space<vmem>>[vector<16xi32>, vector<16xi32>], vector<16xf32>,
      %swap3A_1552 = arith.constant 4 : i32
      %swap3A_1553 = arith.index_cast %swap3A_1552 : i32 to index
      %swap3A_1554 = arith.constant 0 : index
      %swap3A_1555 = tpu.vector_load %arg13[%swap3A_1553, %swap3A_1554] {strides = array<i32>} : memref<8x128xf32, #tpu.memory_space<vmem>>, vector<16xf32>,
      tpu.vector_store %arg13[%swap3A_1553, %swap3A_1554], %gather3A_1551 {strides = array<i32>} : memref<8x128xf32, #tpu.memory_space<vmem>>, vector<16xf32>,
      %get3A_1556 = arith.constant 4 : i32
      %get3A_1557 = arith.index_cast %get3A_1556 : i32 to index
      %get3A_1558 = arith.constant 16 : index
      %get3A_1559 = tpu.vector_load %arg9[%get3A_1557, %get3A_1558] {strides = array<i32>} : memref<8x128xi32, #tpu.memory_space<vmem>>, vector<16xi32>,
      %and3A_1560 = arith.constant 15 : i32
      %and3A_1561 = vector.broadcast %and3A_1560 : i32 to vector<16xi32>
      %and3A_1562 = arith.andi %get3A_1559, %and3A_1561 : vector<16xi32>
      %add3A_1563 = arith.constant 528 : i32
      %add3A_1564 = vector.broadcast %add3A_1563 : i32 to vector<16xi32>
      %add3A_1565 = arith.addi %iota3A, %add3A_1564 : vector<16xi32>
      %gather3A_1566 = tpu.vector_load_idx %arg12[%add3A_1565, %and3A_1562] : memref<1024x16xf32, #tpu.memory_space<vmem>>[vector<16xi32>, vector<16xi32>], vector<16xf32>,
      %swap3A_1567 = arith.constant 4 : i32
      %swap3A_1568 = arith.index_cast %swap3A_1567 : i32 to index
      %swap3A_1569 = arith.constant 16 : index
      %swap3A_1570 = tpu.vector_load %arg13[%swap3A_1568, %swap3A_1569] {strides = array<i32>} : memref<8x128xf32, #tpu.memory_space<vmem>>, vector<16xf32>,
      tpu.vector_store %arg13[%swap3A_1568, %swap3A_1569], %gather3A_1566 {strides = array<i32>} : memref<8x128xf32, #tpu.memory_space<vmem>>, vector<16xf32>,
      %get3A_1571 = arith.constant 4 : i32
      %get3A_1572 = arith.index_cast %get3A_1571 : i32 to index
      %get3A_1573 = arith.constant 32 : index
      %get3A_1574 = tpu.vector_load %arg9[%get3A_1572, %get3A_1573] {strides = array<i32>} : memref<8x128xi32, #tpu.memory_space<vmem>>, vector<16xi32>,
      %and3A_1575 = arith.constant 15 : i32
      %and3A_1576 = vector.broadcast %and3A_1575 : i32 to vector<16xi32>
      %and3A_1577 = arith.andi %get3A_1574, %and3A_1576 : vector<16xi32>
      %add3A_1578 = arith.constant 544 : i32
      %add3A_1579 = vector.broadcast %add3A_1578 : i32 to vector<16xi32>
      %add3A_1580 = arith.addi %iota3A, %add3A_1579 : vector<16xi32>
      %gather3A_1581 = tpu.vector_load_idx %arg12[%add3A_1580, %and3A_1577] : memref<1024x16xf32, #tpu.memory_space<vmem>>[vector<16xi32>, vector<16xi32>], vector<16xf32>,
      %swap3A_1582 = arith.constant 4 : i32
      %swap3A_1583 = arith.index_cast %swap3A_1582 : i32 to index
      %swap3A_1584 = arith.constant 32 : index
      %swap3A_1585 = tpu.vector_load %arg13[%swap3A_1583, %swap3A_1584] {strides = array<i32>} : memref<8x128xf32, #tpu.memory_space<vmem>>, vector<16xf32>,
      tpu.vector_store %arg13[%swap3A_1583, %swap3A_1584], %gather3A_1581 {strides = array<i32>} : memref<8x128xf32, #tpu.memory_space<vmem>>, vector<16xf32>,
      %get3A_1586 = arith.constant 4 : i32
      %get3A_1587 = arith.index_cast %get3A_1586 : i32 to index
      %get3A_1588 = arith.constant 48 : index
      %get3A_1589 = tpu.vector_load %arg9[%get3A_1587, %get3A_1588] {strides = array<i32>} : memref<8x128xi32, #tpu.memory_space<vmem>>, vector<16xi32>,
      %and3A_1590 = arith.constant 15 : i32
      %and3A_1591 = vector.broadcast %and3A_1590 : i32 to vector<16xi32>
      %and3A_1592 = arith.andi %get3A_1589, %and3A_1591 : vector<16xi32>
      %add3A_1593 = arith.constant 560 : i32
      %add3A_1594 = vector.broadcast %add3A_1593 : i32 to vector<16xi32>
      %add3A_1595 = arith.addi %iota3A, %add3A_1594 : vector<16xi32>
      %gather3A_1596 = tpu.vector_load_idx %arg12[%add3A_1595, %and3A_1592] : memref<1024x16xf32, #tpu.memory_space<vmem>>[vector<16xi32>, vector<16xi32>], vector<16xf32>,
      %swap3A_1597 = arith.constant 4 : i32
      %swap3A_1598 = arith.index_cast %swap3A_1597 : i32 to index
      %swap3A_1599 = arith.constant 48 : index
      %swap3A_1600 = tpu.vector_load %arg13[%swap3A_1598, %swap3A_1599] {strides = array<i32>} : memref<8x128xf32, #tpu.memory_space<vmem>>, vector<16xf32>,
      tpu.vector_store %arg13[%swap3A_1598, %swap3A_1599], %gather3A_1596 {strides = array<i32>} : memref<8x128xf32, #tpu.memory_space<vmem>>, vector<16xf32>,
      %get3A_1601 = arith.constant 4 : i32
      %get3A_1602 = arith.index_cast %get3A_1601 : i32 to index
      %get3A_1603 = arith.constant 64 : index
      %get3A_1604 = tpu.vector_load %arg9[%get3A_1602, %get3A_1603] {strides = array<i32>} : memref<8x128xi32, #tpu.memory_space<vmem>>, vector<16xi32>,
      %and3A_1605 = arith.constant 15 : i32
      %and3A_1606 = vector.broadcast %and3A_1605 : i32 to vector<16xi32>
      %and3A_1607 = arith.andi %get3A_1604, %and3A_1606 : vector<16xi32>
      %add3A_1608 = arith.constant 576 : i32
      %add3A_1609 = vector.broadcast %add3A_1608 : i32 to vector<16xi32>
      %add3A_1610 = arith.addi %iota3A, %add3A_1609 : vector<16xi32>
      %gather3A_1611 = tpu.vector_load_idx %arg12[%add3A_1610, %and3A_1607] : memref<1024x16xf32, #tpu.memory_space<vmem>>[vector<16xi32>, vector<16xi32>], vector<16xf32>,
      %swap3A_1612 = arith.constant 4 : i32
      %swap3A_1613 = arith.index_cast %swap3A_1612 : i32 to index
      %swap3A_1614 = arith.constant 64 : index
      %swap3A_1615 = tpu.vector_load %arg13[%swap3A_1613, %swap3A_1614] {strides = array<i32>} : memref<8x128xf32, #tpu.memory_space<vmem>>, vector<16xf32>,
      tpu.vector_store %arg13[%swap3A_1613, %swap3A_1614], %gather3A_1611 {strides = array<i32>} : memref<8x128xf32, #tpu.memory_space<vmem>>, vector<16xf32>,
      %get3A_1616 = arith.constant 4 : i32
      %get3A_1617 = arith.index_cast %get3A_1616 : i32 to index
      %get3A_1618 = arith.constant 80 : index
      %get3A_1619 = tpu.vector_load %arg9[%get3A_1617, %get3A_1618] {strides = array<i32>} : memref<8x128xi32, #tpu.memory_space<vmem>>, vector<16xi32>,
      %and3A_1620 = arith.constant 15 : i32
      %and3A_1621 = vector.broadcast %and3A_1620 : i32 to vector<16xi32>
      %and3A_1622 = arith.andi %get3A_1619, %and3A_1621 : vector<16xi32>
      %add3A_1623 = arith.constant 592 : i32
      %add3A_1624 = vector.broadcast %add3A_1623 : i32 to vector<16xi32>
      %add3A_1625 = arith.addi %iota3A, %add3A_1624 : vector<16xi32>
      %gather3A_1626 = tpu.vector_load_idx %arg12[%add3A_1625, %and3A_1622] : memref<1024x16xf32, #tpu.memory_space<vmem>>[vector<16xi32>, vector<16xi32>], vector<16xf32>,
      %swap3A_1627 = arith.constant 4 : i32
      %swap3A_1628 = arith.index_cast %swap3A_1627 : i32 to index
      %swap3A_1629 = arith.constant 80 : index
      %swap3A_1630 = tpu.vector_load %arg13[%swap3A_1628, %swap3A_1629] {strides = array<i32>} : memref<8x128xf32, #tpu.memory_space<vmem>>, vector<16xf32>,
      tpu.vector_store %arg13[%swap3A_1628, %swap3A_1629], %gather3A_1626 {strides = array<i32>} : memref<8x128xf32, #tpu.memory_space<vmem>>, vector<16xf32>,
      %get3A_1631 = arith.constant 4 : i32
      %get3A_1632 = arith.index_cast %get3A_1631 : i32 to index
      %get3A_1633 = arith.constant 96 : index
      %get3A_1634 = tpu.vector_load %arg9[%get3A_1632, %get3A_1633] {strides = array<i32>} : memref<8x128xi32, #tpu.memory_space<vmem>>, vector<16xi32>,
      %and3A_1635 = arith.constant 15 : i32
      %and3A_1636 = vector.broadcast %and3A_1635 : i32 to vector<16xi32>
      %and3A_1637 = arith.andi %get3A_1634, %and3A_1636 : vector<16xi32>
      %add3A_1638 = arith.constant 608 : i32
      %add3A_1639 = vector.broadcast %add3A_1638 : i32 to vector<16xi32>
      %add3A_1640 = arith.addi %iota3A, %add3A_1639 : vector<16xi32>
      %gather3A_1641 = tpu.vector_load_idx %arg12[%add3A_1640, %and3A_1637] : memref<1024x16xf32, #tpu.memory_space<vmem>>[vector<16xi32>, vector<16xi32>], vector<16xf32>,
      %swap3A_1642 = arith.constant 4 : i32
      %swap3A_1643 = arith.index_cast %swap3A_1642 : i32 to index
      %swap3A_1644 = arith.constant 96 : index
      %swap3A_1645 = tpu.vector_load %arg13[%swap3A_1643, %swap3A_1644] {strides = array<i32>} : memref<8x128xf32, #tpu.memory_space<vmem>>, vector<16xf32>,
      tpu.vector_store %arg13[%swap3A_1643, %swap3A_1644], %gather3A_1641 {strides = array<i32>} : memref<8x128xf32, #tpu.memory_space<vmem>>, vector<16xf32>,
      %get3A_1646 = arith.constant 4 : i32
      %get3A_1647 = arith.index_cast %get3A_1646 : i32 to index
      %get3A_1648 = arith.constant 112 : index
      %get3A_1649 = tpu.vector_load %arg9[%get3A_1647, %get3A_1648] {strides = array<i32>} : memref<8x128xi32, #tpu.memory_space<vmem>>, vector<16xi32>,
      %and3A_1650 = arith.constant 15 : i32
      %and3A_1651 = vector.broadcast %and3A_1650 : i32 to vector<16xi32>
      %and3A_1652 = arith.andi %get3A_1649, %and3A_1651 : vector<16xi32>
      %add3A_1653 = arith.constant 624 : i32
      %add3A_1654 = vector.broadcast %add3A_1653 : i32 to vector<16xi32>
      %add3A_1655 = arith.addi %iota3A, %add3A_1654 : vector<16xi32>
      %gather3A_1656 = tpu.vector_load_idx %arg12[%add3A_1655, %and3A_1652] : memref<1024x16xf32, #tpu.memory_space<vmem>>[vector<16xi32>, vector<16xi32>], vector<16xf32>,
      %swap3A_1657 = arith.constant 4 : i32
      %swap3A_1658 = arith.index_cast %swap3A_1657 : i32 to index
      %swap3A_1659 = arith.constant 112 : index
      %swap3A_1660 = tpu.vector_load %arg13[%swap3A_1658, %swap3A_1659] {strides = array<i32>} : memref<8x128xf32, #tpu.memory_space<vmem>>, vector<16xf32>,
      tpu.vector_store %arg13[%swap3A_1658, %swap3A_1659], %gather3A_1656 {strides = array<i32>} : memref<8x128xf32, #tpu.memory_space<vmem>>, vector<16xf32>,
      %get3A_1661 = arith.constant 5 : i32
      %get3A_1662 = arith.index_cast %get3A_1661 : i32 to index
      %get3A_1663 = arith.constant 0 : index
      %get3A_1664 = tpu.vector_load %arg9[%get3A_1662, %get3A_1663] {strides = array<i32>} : memref<8x128xi32, #tpu.memory_space<vmem>>, vector<16xi32>,
      %and3A_1665 = arith.constant 15 : i32
      %and3A_1666 = vector.broadcast %and3A_1665 : i32 to vector<16xi32>
      %and3A_1667 = arith.andi %get3A_1664, %and3A_1666 : vector<16xi32>
      %add3A_1668 = arith.constant 640 : i32
      %add3A_1669 = vector.broadcast %add3A_1668 : i32 to vector<16xi32>
      %add3A_1670 = arith.addi %iota3A, %add3A_1669 : vector<16xi32>
      %gather3A_1671 = tpu.vector_load_idx %arg12[%add3A_1670, %and3A_1667] : memref<1024x16xf32, #tpu.memory_space<vmem>>[vector<16xi32>, vector<16xi32>], vector<16xf32>,
      %swap3A_1672 = arith.constant 5 : i32
      %swap3A_1673 = arith.index_cast %swap3A_1672 : i32 to index
      %swap3A_1674 = arith.constant 0 : index
      %swap3A_1675 = tpu.vector_load %arg13[%swap3A_1673, %swap3A_1674] {strides = array<i32>} : memref<8x128xf32, #tpu.memory_space<vmem>>, vector<16xf32>,
      tpu.vector_store %arg13[%swap3A_1673, %swap3A_1674], %gather3A_1671 {strides = array<i32>} : memref<8x128xf32, #tpu.memory_space<vmem>>, vector<16xf32>,
      %get3A_1676 = arith.constant 5 : i32
      %get3A_1677 = arith.index_cast %get3A_1676 : i32 to index
      %get3A_1678 = arith.constant 16 : index
      %get3A_1679 = tpu.vector_load %arg9[%get3A_1677, %get3A_1678] {strides = array<i32>} : memref<8x128xi32, #tpu.memory_space<vmem>>, vector<16xi32>,
      %and3A_1680 = arith.constant 15 : i32
      %and3A_1681 = vector.broadcast %and3A_1680 : i32 to vector<16xi32>
      %and3A_1682 = arith.andi %get3A_1679, %and3A_1681 : vector<16xi32>
      %add3A_1683 = arith.constant 656 : i32
      %add3A_1684 = vector.broadcast %add3A_1683 : i32 to vector<16xi32>
      %add3A_1685 = arith.addi %iota3A, %add3A_1684 : vector<16xi32>
      %gather3A_1686 = tpu.vector_load_idx %arg12[%add3A_1685, %and3A_1682] : memref<1024x16xf32, #tpu.memory_space<vmem>>[vector<16xi32>, vector<16xi32>], vector<16xf32>,
      %swap3A_1687 = arith.constant 5 : i32
      %swap3A_1688 = arith.index_cast %swap3A_1687 : i32 to index
      %swap3A_1689 = arith.constant 16 : index
      %swap3A_1690 = tpu.vector_load %arg13[%swap3A_1688, %swap3A_1689] {strides = array<i32>} : memref<8x128xf32, #tpu.memory_space<vmem>>, vector<16xf32>,
      tpu.vector_store %arg13[%swap3A_1688, %swap3A_1689], %gather3A_1686 {strides = array<i32>} : memref<8x128xf32, #tpu.memory_space<vmem>>, vector<16xf32>,
      %get3A_1691 = arith.constant 5 : i32
      %get3A_1692 = arith.index_cast %get3A_1691 : i32 to index
      %get3A_1693 = arith.constant 32 : index
      %get3A_1694 = tpu.vector_load %arg9[%get3A_1692, %get3A_1693] {strides = array<i32>} : memref<8x128xi32, #tpu.memory_space<vmem>>, vector<16xi32>,
      %and3A_1695 = arith.constant 15 : i32
      %and3A_1696 = vector.broadcast %and3A_1695 : i32 to vector<16xi32>
      %and3A_1697 = arith.andi %get3A_1694, %and3A_1696 : vector<16xi32>
      %add3A_1698 = arith.constant 672 : i32
      %add3A_1699 = vector.broadcast %add3A_1698 : i32 to vector<16xi32>
      %add3A_1700 = arith.addi %iota3A, %add3A_1699 : vector<16xi32>
      %gather3A_1701 = tpu.vector_load_idx %arg12[%add3A_1700, %and3A_1697] : memref<1024x16xf32, #tpu.memory_space<vmem>>[vector<16xi32>, vector<16xi32>], vector<16xf32>,
      %swap3A_1702 = arith.constant 5 : i32
      %swap3A_1703 = arith.index_cast %swap3A_1702 : i32 to index
      %swap3A_1704 = arith.constant 32 : index
      %swap3A_1705 = tpu.vector_load %arg13[%swap3A_1703, %swap3A_1704] {strides = array<i32>} : memref<8x128xf32, #tpu.memory_space<vmem>>, vector<16xf32>,
      tpu.vector_store %arg13[%swap3A_1703, %swap3A_1704], %gather3A_1701 {strides = array<i32>} : memref<8x128xf32, #tpu.memory_space<vmem>>, vector<16xf32>,
      %get3A_1706 = arith.constant 5 : i32
      %get3A_1707 = arith.index_cast %get3A_1706 : i32 to index
      %get3A_1708 = arith.constant 48 : index
      %get3A_1709 = tpu.vector_load %arg9[%get3A_1707, %get3A_1708] {strides = array<i32>} : memref<8x128xi32, #tpu.memory_space<vmem>>, vector<16xi32>,
      %and3A_1710 = arith.constant 15 : i32
      %and3A_1711 = vector.broadcast %and3A_1710 : i32 to vector<16xi32>
      %and3A_1712 = arith.andi %get3A_1709, %and3A_1711 : vector<16xi32>
      %add3A_1713 = arith.constant 688 : i32
      %add3A_1714 = vector.broadcast %add3A_1713 : i32 to vector<16xi32>
      %add3A_1715 = arith.addi %iota3A, %add3A_1714 : vector<16xi32>
      %gather3A_1716 = tpu.vector_load_idx %arg12[%add3A_1715, %and3A_1712] : memref<1024x16xf32, #tpu.memory_space<vmem>>[vector<16xi32>, vector<16xi32>], vector<16xf32>,
      %swap3A_1717 = arith.constant 5 : i32
      %swap3A_1718 = arith.index_cast %swap3A_1717 : i32 to index
      %swap3A_1719 = arith.constant 48 : index
      %swap3A_1720 = tpu.vector_load %arg13[%swap3A_1718, %swap3A_1719] {strides = array<i32>} : memref<8x128xf32, #tpu.memory_space<vmem>>, vector<16xf32>,
      tpu.vector_store %arg13[%swap3A_1718, %swap3A_1719], %gather3A_1716 {strides = array<i32>} : memref<8x128xf32, #tpu.memory_space<vmem>>, vector<16xf32>,
      %get3A_1721 = arith.constant 5 : i32
      %get3A_1722 = arith.index_cast %get3A_1721 : i32 to index
      %get3A_1723 = arith.constant 64 : index
      %get3A_1724 = tpu.vector_load %arg9[%get3A_1722, %get3A_1723] {strides = array<i32>} : memref<8x128xi32, #tpu.memory_space<vmem>>, vector<16xi32>,
      %and3A_1725 = arith.constant 15 : i32
      %and3A_1726 = vector.broadcast %and3A_1725 : i32 to vector<16xi32>
      %and3A_1727 = arith.andi %get3A_1724, %and3A_1726 : vector<16xi32>
      %add3A_1728 = arith.constant 704 : i32
      %add3A_1729 = vector.broadcast %add3A_1728 : i32 to vector<16xi32>
      %add3A_1730 = arith.addi %iota3A, %add3A_1729 : vector<16xi32>
      %gather3A_1731 = tpu.vector_load_idx %arg12[%add3A_1730, %and3A_1727] : memref<1024x16xf32, #tpu.memory_space<vmem>>[vector<16xi32>, vector<16xi32>], vector<16xf32>,
      %swap3A_1732 = arith.constant 5 : i32
      %swap3A_1733 = arith.index_cast %swap3A_1732 : i32 to index
      %swap3A_1734 = arith.constant 64 : index
      %swap3A_1735 = tpu.vector_load %arg13[%swap3A_1733, %swap3A_1734] {strides = array<i32>} : memref<8x128xf32, #tpu.memory_space<vmem>>, vector<16xf32>,
      tpu.vector_store %arg13[%swap3A_1733, %swap3A_1734], %gather3A_1731 {strides = array<i32>} : memref<8x128xf32, #tpu.memory_space<vmem>>, vector<16xf32>,
      %get3A_1736 = arith.constant 5 : i32
      %get3A_1737 = arith.index_cast %get3A_1736 : i32 to index
      %get3A_1738 = arith.constant 80 : index
      %get3A_1739 = tpu.vector_load %arg9[%get3A_1737, %get3A_1738] {strides = array<i32>} : memref<8x128xi32, #tpu.memory_space<vmem>>, vector<16xi32>,
      %and3A_1740 = arith.constant 15 : i32
      %and3A_1741 = vector.broadcast %and3A_1740 : i32 to vector<16xi32>
      %and3A_1742 = arith.andi %get3A_1739, %and3A_1741 : vector<16xi32>
      %add3A_1743 = arith.constant 720 : i32
      %add3A_1744 = vector.broadcast %add3A_1743 : i32 to vector<16xi32>
      %add3A_1745 = arith.addi %iota3A, %add3A_1744 : vector<16xi32>
      %gather3A_1746 = tpu.vector_load_idx %arg12[%add3A_1745, %and3A_1742] : memref<1024x16xf32, #tpu.memory_space<vmem>>[vector<16xi32>, vector<16xi32>], vector<16xf32>,
      %swap3A_1747 = arith.constant 5 : i32
      %swap3A_1748 = arith.index_cast %swap3A_1747 : i32 to index
      %swap3A_1749 = arith.constant 80 : index
      %swap3A_1750 = tpu.vector_load %arg13[%swap3A_1748, %swap3A_1749] {strides = array<i32>} : memref<8x128xf32, #tpu.memory_space<vmem>>, vector<16xf32>,
      tpu.vector_store %arg13[%swap3A_1748, %swap3A_1749], %gather3A_1746 {strides = array<i32>} : memref<8x128xf32, #tpu.memory_space<vmem>>, vector<16xf32>,
      %get3A_1751 = arith.constant 5 : i32
      %get3A_1752 = arith.index_cast %get3A_1751 : i32 to index
      %get3A_1753 = arith.constant 96 : index
      %get3A_1754 = tpu.vector_load %arg9[%get3A_1752, %get3A_1753] {strides = array<i32>} : memref<8x128xi32, #tpu.memory_space<vmem>>, vector<16xi32>,
      %and3A_1755 = arith.constant 15 : i32
      %and3A_1756 = vector.broadcast %and3A_1755 : i32 to vector<16xi32>
      %and3A_1757 = arith.andi %get3A_1754, %and3A_1756 : vector<16xi32>
      %add3A_1758 = arith.constant 736 : i32
      %add3A_1759 = vector.broadcast %add3A_1758 : i32 to vector<16xi32>
      %add3A_1760 = arith.addi %iota3A, %add3A_1759 : vector<16xi32>
      %gather3A_1761 = tpu.vector_load_idx %arg12[%add3A_1760, %and3A_1757] : memref<1024x16xf32, #tpu.memory_space<vmem>>[vector<16xi32>, vector<16xi32>], vector<16xf32>,
      %swap3A_1762 = arith.constant 5 : i32
      %swap3A_1763 = arith.index_cast %swap3A_1762 : i32 to index
      %swap3A_1764 = arith.constant 96 : index
      %swap3A_1765 = tpu.vector_load %arg13[%swap3A_1763, %swap3A_1764] {strides = array<i32>} : memref<8x128xf32, #tpu.memory_space<vmem>>, vector<16xf32>,
      tpu.vector_store %arg13[%swap3A_1763, %swap3A_1764], %gather3A_1761 {strides = array<i32>} : memref<8x128xf32, #tpu.memory_space<vmem>>, vector<16xf32>,
      %get3A_1766 = arith.constant 5 : i32
      %get3A_1767 = arith.index_cast %get3A_1766 : i32 to index
      %get3A_1768 = arith.constant 112 : index
      %get3A_1769 = tpu.vector_load %arg9[%get3A_1767, %get3A_1768] {strides = array<i32>} : memref<8x128xi32, #tpu.memory_space<vmem>>, vector<16xi32>,
      %and3A_1770 = arith.constant 15 : i32
      %and3A_1771 = vector.broadcast %and3A_1770 : i32 to vector<16xi32>
      %and3A_1772 = arith.andi %get3A_1769, %and3A_1771 : vector<16xi32>
      %add3A_1773 = arith.constant 752 : i32
      %add3A_1774 = vector.broadcast %add3A_1773 : i32 to vector<16xi32>
      %add3A_1775 = arith.addi %iota3A, %add3A_1774 : vector<16xi32>
      %gather3A_1776 = tpu.vector_load_idx %arg12[%add3A_1775, %and3A_1772] : memref<1024x16xf32, #tpu.memory_space<vmem>>[vector<16xi32>, vector<16xi32>], vector<16xf32>,
      %swap3A_1777 = arith.constant 5 : i32
      %swap3A_1778 = arith.index_cast %swap3A_1777 : i32 to index
      %swap3A_1779 = arith.constant 112 : index
      %swap3A_1780 = tpu.vector_load %arg13[%swap3A_1778, %swap3A_1779] {strides = array<i32>} : memref<8x128xf32, #tpu.memory_space<vmem>>, vector<16xf32>,
      tpu.vector_store %arg13[%swap3A_1778, %swap3A_1779], %gather3A_1776 {strides = array<i32>} : memref<8x128xf32, #tpu.memory_space<vmem>>, vector<16xf32>,
      %get3A_1781 = arith.constant 6 : i32
      %get3A_1782 = arith.index_cast %get3A_1781 : i32 to index
      %get3A_1783 = arith.constant 0 : index
      %get3A_1784 = tpu.vector_load %arg9[%get3A_1782, %get3A_1783] {strides = array<i32>} : memref<8x128xi32, #tpu.memory_space<vmem>>, vector<16xi32>,
      %and3A_1785 = arith.constant 15 : i32
      %and3A_1786 = vector.broadcast %and3A_1785 : i32 to vector<16xi32>
      %and3A_1787 = arith.andi %get3A_1784, %and3A_1786 : vector<16xi32>
      %add3A_1788 = arith.constant 768 : i32
      %add3A_1789 = vector.broadcast %add3A_1788 : i32 to vector<16xi32>
      %add3A_1790 = arith.addi %iota3A, %add3A_1789 : vector<16xi32>
      %gather3A_1791 = tpu.vector_load_idx %arg12[%add3A_1790, %and3A_1787] : memref<1024x16xf32, #tpu.memory_space<vmem>>[vector<16xi32>, vector<16xi32>], vector<16xf32>,
      %swap3A_1792 = arith.constant 6 : i32
      %swap3A_1793 = arith.index_cast %swap3A_1792 : i32 to index
      %swap3A_1794 = arith.constant 0 : index
      %swap3A_1795 = tpu.vector_load %arg13[%swap3A_1793, %swap3A_1794] {strides = array<i32>} : memref<8x128xf32, #tpu.memory_space<vmem>>, vector<16xf32>,
      tpu.vector_store %arg13[%swap3A_1793, %swap3A_1794], %gather3A_1791 {strides = array<i32>} : memref<8x128xf32, #tpu.memory_space<vmem>>, vector<16xf32>,
      %get3A_1796 = arith.constant 6 : i32
      %get3A_1797 = arith.index_cast %get3A_1796 : i32 to index
      %get3A_1798 = arith.constant 16 : index
      %get3A_1799 = tpu.vector_load %arg9[%get3A_1797, %get3A_1798] {strides = array<i32>} : memref<8x128xi32, #tpu.memory_space<vmem>>, vector<16xi32>,
      %and3A_1800 = arith.constant 15 : i32
      %and3A_1801 = vector.broadcast %and3A_1800 : i32 to vector<16xi32>
      %and3A_1802 = arith.andi %get3A_1799, %and3A_1801 : vector<16xi32>
      %add3A_1803 = arith.constant 784 : i32
      %add3A_1804 = vector.broadcast %add3A_1803 : i32 to vector<16xi32>
      %add3A_1805 = arith.addi %iota3A, %add3A_1804 : vector<16xi32>
      %gather3A_1806 = tpu.vector_load_idx %arg12[%add3A_1805, %and3A_1802] : memref<1024x16xf32, #tpu.memory_space<vmem>>[vector<16xi32>, vector<16xi32>], vector<16xf32>,
      %swap3A_1807 = arith.constant 6 : i32
      %swap3A_1808 = arith.index_cast %swap3A_1807 : i32 to index
      %swap3A_1809 = arith.constant 16 : index
      %swap3A_1810 = tpu.vector_load %arg13[%swap3A_1808, %swap3A_1809] {strides = array<i32>} : memref<8x128xf32, #tpu.memory_space<vmem>>, vector<16xf32>,
      tpu.vector_store %arg13[%swap3A_1808, %swap3A_1809], %gather3A_1806 {strides = array<i32>} : memref<8x128xf32, #tpu.memory_space<vmem>>, vector<16xf32>,
      %get3A_1811 = arith.constant 6 : i32
      %get3A_1812 = arith.index_cast %get3A_1811 : i32 to index
      %get3A_1813 = arith.constant 32 : index
      %get3A_1814 = tpu.vector_load %arg9[%get3A_1812, %get3A_1813] {strides = array<i32>} : memref<8x128xi32, #tpu.memory_space<vmem>>, vector<16xi32>,
      %and3A_1815 = arith.constant 15 : i32
      %and3A_1816 = vector.broadcast %and3A_1815 : i32 to vector<16xi32>
      %and3A_1817 = arith.andi %get3A_1814, %and3A_1816 : vector<16xi32>
      %add3A_1818 = arith.constant 800 : i32
      %add3A_1819 = vector.broadcast %add3A_1818 : i32 to vector<16xi32>
      %add3A_1820 = arith.addi %iota3A, %add3A_1819 : vector<16xi32>
      %gather3A_1821 = tpu.vector_load_idx %arg12[%add3A_1820, %and3A_1817] : memref<1024x16xf32, #tpu.memory_space<vmem>>[vector<16xi32>, vector<16xi32>], vector<16xf32>,
      %swap3A_1822 = arith.constant 6 : i32
      %swap3A_1823 = arith.index_cast %swap3A_1822 : i32 to index
      %swap3A_1824 = arith.constant 32 : index
      %swap3A_1825 = tpu.vector_load %arg13[%swap3A_1823, %swap3A_1824] {strides = array<i32>} : memref<8x128xf32, #tpu.memory_space<vmem>>, vector<16xf32>,
      tpu.vector_store %arg13[%swap3A_1823, %swap3A_1824], %gather3A_1821 {strides = array<i32>} : memref<8x128xf32, #tpu.memory_space<vmem>>, vector<16xf32>,
      %get3A_1826 = arith.constant 6 : i32
      %get3A_1827 = arith.index_cast %get3A_1826 : i32 to index
      %get3A_1828 = arith.constant 48 : index
      %get3A_1829 = tpu.vector_load %arg9[%get3A_1827, %get3A_1828] {strides = array<i32>} : memref<8x128xi32, #tpu.memory_space<vmem>>, vector<16xi32>,
      %and3A_1830 = arith.constant 15 : i32
      %and3A_1831 = vector.broadcast %and3A_1830 : i32 to vector<16xi32>
      %and3A_1832 = arith.andi %get3A_1829, %and3A_1831 : vector<16xi32>
      %add3A_1833 = arith.constant 816 : i32
      %add3A_1834 = vector.broadcast %add3A_1833 : i32 to vector<16xi32>
      %add3A_1835 = arith.addi %iota3A, %add3A_1834 : vector<16xi32>
      %gather3A_1836 = tpu.vector_load_idx %arg12[%add3A_1835, %and3A_1832] : memref<1024x16xf32, #tpu.memory_space<vmem>>[vector<16xi32>, vector<16xi32>], vector<16xf32>,
      %swap3A_1837 = arith.constant 6 : i32
      %swap3A_1838 = arith.index_cast %swap3A_1837 : i32 to index
      %swap3A_1839 = arith.constant 48 : index
      %swap3A_1840 = tpu.vector_load %arg13[%swap3A_1838, %swap3A_1839] {strides = array<i32>} : memref<8x128xf32, #tpu.memory_space<vmem>>, vector<16xf32>,
      tpu.vector_store %arg13[%swap3A_1838, %swap3A_1839], %gather3A_1836 {strides = array<i32>} : memref<8x128xf32, #tpu.memory_space<vmem>>, vector<16xf32>,
      %get3A_1841 = arith.constant 6 : i32
      %get3A_1842 = arith.index_cast %get3A_1841 : i32 to index
      %get3A_1843 = arith.constant 64 : index
      %get3A_1844 = tpu.vector_load %arg9[%get3A_1842, %get3A_1843] {strides = array<i32>} : memref<8x128xi32, #tpu.memory_space<vmem>>, vector<16xi32>,
      %and3A_1845 = arith.constant 15 : i32
      %and3A_1846 = vector.broadcast %and3A_1845 : i32 to vector<16xi32>
      %and3A_1847 = arith.andi %get3A_1844, %and3A_1846 : vector<16xi32>
      %add3A_1848 = arith.constant 832 : i32
      %add3A_1849 = vector.broadcast %add3A_1848 : i32 to vector<16xi32>
      %add3A_1850 = arith.addi %iota3A, %add3A_1849 : vector<16xi32>
      %gather3A_1851 = tpu.vector_load_idx %arg12[%add3A_1850, %and3A_1847] : memref<1024x16xf32, #tpu.memory_space<vmem>>[vector<16xi32>, vector<16xi32>], vector<16xf32>,
      %swap3A_1852 = arith.constant 6 : i32
      %swap3A_1853 = arith.index_cast %swap3A_1852 : i32 to index
      %swap3A_1854 = arith.constant 64 : index
      %swap3A_1855 = tpu.vector_load %arg13[%swap3A_1853, %swap3A_1854] {strides = array<i32>} : memref<8x128xf32, #tpu.memory_space<vmem>>, vector<16xf32>,
      tpu.vector_store %arg13[%swap3A_1853, %swap3A_1854], %gather3A_1851 {strides = array<i32>} : memref<8x128xf32, #tpu.memory_space<vmem>>, vector<16xf32>,
      %get3A_1856 = arith.constant 6 : i32
      %get3A_1857 = arith.index_cast %get3A_1856 : i32 to index
      %get3A_1858 = arith.constant 80 : index
      %get3A_1859 = tpu.vector_load %arg9[%get3A_1857, %get3A_1858] {strides = array<i32>} : memref<8x128xi32, #tpu.memory_space<vmem>>, vector<16xi32>,
      %and3A_1860 = arith.constant 15 : i32
      %and3A_1861 = vector.broadcast %and3A_1860 : i32 to vector<16xi32>
      %and3A_1862 = arith.andi %get3A_1859, %and3A_1861 : vector<16xi32>
      %add3A_1863 = arith.constant 848 : i32
      %add3A_1864 = vector.broadcast %add3A_1863 : i32 to vector<16xi32>
      %add3A_1865 = arith.addi %iota3A, %add3A_1864 : vector<16xi32>
      %gather3A_1866 = tpu.vector_load_idx %arg12[%add3A_1865, %and3A_1862] : memref<1024x16xf32, #tpu.memory_space<vmem>>[vector<16xi32>, vector<16xi32>], vector<16xf32>,
      %swap3A_1867 = arith.constant 6 : i32
      %swap3A_1868 = arith.index_cast %swap3A_1867 : i32 to index
      %swap3A_1869 = arith.constant 80 : index
      %swap3A_1870 = tpu.vector_load %arg13[%swap3A_1868, %swap3A_1869] {strides = array<i32>} : memref<8x128xf32, #tpu.memory_space<vmem>>, vector<16xf32>,
      tpu.vector_store %arg13[%swap3A_1868, %swap3A_1869], %gather3A_1866 {strides = array<i32>} : memref<8x128xf32, #tpu.memory_space<vmem>>, vector<16xf32>,
      %get3A_1871 = arith.constant 6 : i32
      %get3A_1872 = arith.index_cast %get3A_1871 : i32 to index
      %get3A_1873 = arith.constant 96 : index
      %get3A_1874 = tpu.vector_load %arg9[%get3A_1872, %get3A_1873] {strides = array<i32>} : memref<8x128xi32, #tpu.memory_space<vmem>>, vector<16xi32>,
      %and3A_1875 = arith.constant 15 : i32
      %and3A_1876 = vector.broadcast %and3A_1875 : i32 to vector<16xi32>
      %and3A_1877 = arith.andi %get3A_1874, %and3A_1876 : vector<16xi32>
      %add3A_1878 = arith.constant 864 : i32
      %add3A_1879 = vector.broadcast %add3A_1878 : i32 to vector<16xi32>
      %add3A_1880 = arith.addi %iota3A, %add3A_1879 : vector<16xi32>
      %gather3A_1881 = tpu.vector_load_idx %arg12[%add3A_1880, %and3A_1877] : memref<1024x16xf32, #tpu.memory_space<vmem>>[vector<16xi32>, vector<16xi32>], vector<16xf32>,
      %swap3A_1882 = arith.constant 6 : i32
      %swap3A_1883 = arith.index_cast %swap3A_1882 : i32 to index
      %swap3A_1884 = arith.constant 96 : index
      %swap3A_1885 = tpu.vector_load %arg13[%swap3A_1883, %swap3A_1884] {strides = array<i32>} : memref<8x128xf32, #tpu.memory_space<vmem>>, vector<16xf32>,
      tpu.vector_store %arg13[%swap3A_1883, %swap3A_1884], %gather3A_1881 {strides = array<i32>} : memref<8x128xf32, #tpu.memory_space<vmem>>, vector<16xf32>,
      %get3A_1886 = arith.constant 6 : i32
      %get3A_1887 = arith.index_cast %get3A_1886 : i32 to index
      %get3A_1888 = arith.constant 112 : index
      %get3A_1889 = tpu.vector_load %arg9[%get3A_1887, %get3A_1888] {strides = array<i32>} : memref<8x128xi32, #tpu.memory_space<vmem>>, vector<16xi32>,
      %and3A_1890 = arith.constant 15 : i32
      %and3A_1891 = vector.broadcast %and3A_1890 : i32 to vector<16xi32>
      %and3A_1892 = arith.andi %get3A_1889, %and3A_1891 : vector<16xi32>
      %add3A_1893 = arith.constant 880 : i32
      %add3A_1894 = vector.broadcast %add3A_1893 : i32 to vector<16xi32>
      %add3A_1895 = arith.addi %iota3A, %add3A_1894 : vector<16xi32>
      %gather3A_1896 = tpu.vector_load_idx %arg12[%add3A_1895, %and3A_1892] : memref<1024x16xf32, #tpu.memory_space<vmem>>[vector<16xi32>, vector<16xi32>], vector<16xf32>,
      %swap3A_1897 = arith.constant 6 : i32
      %swap3A_1898 = arith.index_cast %swap3A_1897 : i32 to index
      %swap3A_1899 = arith.constant 112 : index
      %swap3A_1900 = tpu.vector_load %arg13[%swap3A_1898, %swap3A_1899] {strides = array<i32>} : memref<8x128xf32, #tpu.memory_space<vmem>>, vector<16xf32>,
      tpu.vector_store %arg13[%swap3A_1898, %swap3A_1899], %gather3A_1896 {strides = array<i32>} : memref<8x128xf32, #tpu.memory_space<vmem>>, vector<16xf32>,
      %get3A_1901 = arith.constant 7 : i32
      %get3A_1902 = arith.index_cast %get3A_1901 : i32 to index
      %get3A_1903 = arith.constant 0 : index
      %get3A_1904 = tpu.vector_load %arg9[%get3A_1902, %get3A_1903] {strides = array<i32>} : memref<8x128xi32, #tpu.memory_space<vmem>>, vector<16xi32>,
      %and3A_1905 = arith.constant 15 : i32
      %and3A_1906 = vector.broadcast %and3A_1905 : i32 to vector<16xi32>
      %and3A_1907 = arith.andi %get3A_1904, %and3A_1906 : vector<16xi32>
      %add3A_1908 = arith.constant 896 : i32
      %add3A_1909 = vector.broadcast %add3A_1908 : i32 to vector<16xi32>
      %add3A_1910 = arith.addi %iota3A, %add3A_1909 : vector<16xi32>
      %gather3A_1911 = tpu.vector_load_idx %arg12[%add3A_1910, %and3A_1907] : memref<1024x16xf32, #tpu.memory_space<vmem>>[vector<16xi32>, vector<16xi32>], vector<16xf32>,
      %swap3A_1912 = arith.constant 7 : i32
      %swap3A_1913 = arith.index_cast %swap3A_1912 : i32 to index
      %swap3A_1914 = arith.constant 0 : index
      %swap3A_1915 = tpu.vector_load %arg13[%swap3A_1913, %swap3A_1914] {strides = array<i32>} : memref<8x128xf32, #tpu.memory_space<vmem>>, vector<16xf32>,
      tpu.vector_store %arg13[%swap3A_1913, %swap3A_1914], %gather3A_1911 {strides = array<i32>} : memref<8x128xf32, #tpu.memory_space<vmem>>, vector<16xf32>,
      %get3A_1916 = arith.constant 7 : i32
      %get3A_1917 = arith.index_cast %get3A_1916 : i32 to index
      %get3A_1918 = arith.constant 16 : index
      %get3A_1919 = tpu.vector_load %arg9[%get3A_1917, %get3A_1918] {strides = array<i32>} : memref<8x128xi32, #tpu.memory_space<vmem>>, vector<16xi32>,
      %and3A_1920 = arith.constant 15 : i32
      %and3A_1921 = vector.broadcast %and3A_1920 : i32 to vector<16xi32>
      %and3A_1922 = arith.andi %get3A_1919, %and3A_1921 : vector<16xi32>
      %add3A_1923 = arith.constant 912 : i32
      %add3A_1924 = vector.broadcast %add3A_1923 : i32 to vector<16xi32>
      %add3A_1925 = arith.addi %iota3A, %add3A_1924 : vector<16xi32>
      %gather3A_1926 = tpu.vector_load_idx %arg12[%add3A_1925, %and3A_1922] : memref<1024x16xf32, #tpu.memory_space<vmem>>[vector<16xi32>, vector<16xi32>], vector<16xf32>,
      %swap3A_1927 = arith.constant 7 : i32
      %swap3A_1928 = arith.index_cast %swap3A_1927 : i32 to index
      %swap3A_1929 = arith.constant 16 : index
      %swap3A_1930 = tpu.vector_load %arg13[%swap3A_1928, %swap3A_1929] {strides = array<i32>} : memref<8x128xf32, #tpu.memory_space<vmem>>, vector<16xf32>,
      tpu.vector_store %arg13[%swap3A_1928, %swap3A_1929], %gather3A_1926 {strides = array<i32>} : memref<8x128xf32, #tpu.memory_space<vmem>>, vector<16xf32>,
      %get3A_1931 = arith.constant 7 : i32
      %get3A_1932 = arith.index_cast %get3A_1931 : i32 to index
      %get3A_1933 = arith.constant 32 : index
      %get3A_1934 = tpu.vector_load %arg9[%get3A_1932, %get3A_1933] {strides = array<i32>} : memref<8x128xi32, #tpu.memory_space<vmem>>, vector<16xi32>,
      %and3A_1935 = arith.constant 15 : i32
      %and3A_1936 = vector.broadcast %and3A_1935 : i32 to vector<16xi32>
      %and3A_1937 = arith.andi %get3A_1934, %and3A_1936 : vector<16xi32>
      %add3A_1938 = arith.constant 928 : i32
      %add3A_1939 = vector.broadcast %add3A_1938 : i32 to vector<16xi32>
      %add3A_1940 = arith.addi %iota3A, %add3A_1939 : vector<16xi32>
      %gather3A_1941 = tpu.vector_load_idx %arg12[%add3A_1940, %and3A_1937] : memref<1024x16xf32, #tpu.memory_space<vmem>>[vector<16xi32>, vector<16xi32>], vector<16xf32>,
      %swap3A_1942 = arith.constant 7 : i32
      %swap3A_1943 = arith.index_cast %swap3A_1942 : i32 to index
      %swap3A_1944 = arith.constant 32 : index
      %swap3A_1945 = tpu.vector_load %arg13[%swap3A_1943, %swap3A_1944] {strides = array<i32>} : memref<8x128xf32, #tpu.memory_space<vmem>>, vector<16xf32>,
      tpu.vector_store %arg13[%swap3A_1943, %swap3A_1944], %gather3A_1941 {strides = array<i32>} : memref<8x128xf32, #tpu.memory_space<vmem>>, vector<16xf32>,
      %get3A_1946 = arith.constant 7 : i32
      %get3A_1947 = arith.index_cast %get3A_1946 : i32 to index
      %get3A_1948 = arith.constant 48 : index
      %get3A_1949 = tpu.vector_load %arg9[%get3A_1947, %get3A_1948] {strides = array<i32>} : memref<8x128xi32, #tpu.memory_space<vmem>>, vector<16xi32>,
      %and3A_1950 = arith.constant 15 : i32
      %and3A_1951 = vector.broadcast %and3A_1950 : i32 to vector<16xi32>
      %and3A_1952 = arith.andi %get3A_1949, %and3A_1951 : vector<16xi32>
      %add3A_1953 = arith.constant 944 : i32
      %add3A_1954 = vector.broadcast %add3A_1953 : i32 to vector<16xi32>
      %add3A_1955 = arith.addi %iota3A, %add3A_1954 : vector<16xi32>
      %gather3A_1956 = tpu.vector_load_idx %arg12[%add3A_1955, %and3A_1952] : memref<1024x16xf32, #tpu.memory_space<vmem>>[vector<16xi32>, vector<16xi32>], vector<16xf32>,
      %swap3A_1957 = arith.constant 7 : i32
      %swap3A_1958 = arith.index_cast %swap3A_1957 : i32 to index
      %swap3A_1959 = arith.constant 48 : index
      %swap3A_1960 = tpu.vector_load %arg13[%swap3A_1958, %swap3A_1959] {strides = array<i32>} : memref<8x128xf32, #tpu.memory_space<vmem>>, vector<16xf32>,
      tpu.vector_store %arg13[%swap3A_1958, %swap3A_1959], %gather3A_1956 {strides = array<i32>} : memref<8x128xf32, #tpu.memory_space<vmem>>, vector<16xf32>,
      %get3A_1961 = arith.constant 7 : i32
      %get3A_1962 = arith.index_cast %get3A_1961 : i32 to index
      %get3A_1963 = arith.constant 64 : index
      %get3A_1964 = tpu.vector_load %arg9[%get3A_1962, %get3A_1963] {strides = array<i32>} : memref<8x128xi32, #tpu.memory_space<vmem>>, vector<16xi32>,
      %and3A_1965 = arith.constant 15 : i32
      %and3A_1966 = vector.broadcast %and3A_1965 : i32 to vector<16xi32>
      %and3A_1967 = arith.andi %get3A_1964, %and3A_1966 : vector<16xi32>
      %add3A_1968 = arith.constant 960 : i32
      %add3A_1969 = vector.broadcast %add3A_1968 : i32 to vector<16xi32>
      %add3A_1970 = arith.addi %iota3A, %add3A_1969 : vector<16xi32>
      %gather3A_1971 = tpu.vector_load_idx %arg12[%add3A_1970, %and3A_1967] : memref<1024x16xf32, #tpu.memory_space<vmem>>[vector<16xi32>, vector<16xi32>], vector<16xf32>,
      %swap3A_1972 = arith.constant 7 : i32
      %swap3A_1973 = arith.index_cast %swap3A_1972 : i32 to index
      %swap3A_1974 = arith.constant 64 : index
      %swap3A_1975 = tpu.vector_load %arg13[%swap3A_1973, %swap3A_1974] {strides = array<i32>} : memref<8x128xf32, #tpu.memory_space<vmem>>, vector<16xf32>,
      tpu.vector_store %arg13[%swap3A_1973, %swap3A_1974], %gather3A_1971 {strides = array<i32>} : memref<8x128xf32, #tpu.memory_space<vmem>>, vector<16xf32>,
      %get3A_1976 = arith.constant 7 : i32
      %get3A_1977 = arith.index_cast %get3A_1976 : i32 to index
      %get3A_1978 = arith.constant 80 : index
      %get3A_1979 = tpu.vector_load %arg9[%get3A_1977, %get3A_1978] {strides = array<i32>} : memref<8x128xi32, #tpu.memory_space<vmem>>, vector<16xi32>,
      %and3A_1980 = arith.constant 15 : i32
      %and3A_1981 = vector.broadcast %and3A_1980 : i32 to vector<16xi32>
      %and3A_1982 = arith.andi %get3A_1979, %and3A_1981 : vector<16xi32>
      %add3A_1983 = arith.constant 976 : i32
      %add3A_1984 = vector.broadcast %add3A_1983 : i32 to vector<16xi32>
      %add3A_1985 = arith.addi %iota3A, %add3A_1984 : vector<16xi32>
      %gather3A_1986 = tpu.vector_load_idx %arg12[%add3A_1985, %and3A_1982] : memref<1024x16xf32, #tpu.memory_space<vmem>>[vector<16xi32>, vector<16xi32>], vector<16xf32>,
      %swap3A_1987 = arith.constant 7 : i32
      %swap3A_1988 = arith.index_cast %swap3A_1987 : i32 to index
      %swap3A_1989 = arith.constant 80 : index
      %swap3A_1990 = tpu.vector_load %arg13[%swap3A_1988, %swap3A_1989] {strides = array<i32>} : memref<8x128xf32, #tpu.memory_space<vmem>>, vector<16xf32>,
      tpu.vector_store %arg13[%swap3A_1988, %swap3A_1989], %gather3A_1986 {strides = array<i32>} : memref<8x128xf32, #tpu.memory_space<vmem>>, vector<16xf32>,
      %get3A_1991 = arith.constant 7 : i32
      %get3A_1992 = arith.index_cast %get3A_1991 : i32 to index
      %get3A_1993 = arith.constant 96 : index
      %get3A_1994 = tpu.vector_load %arg9[%get3A_1992, %get3A_1993] {strides = array<i32>} : memref<8x128xi32, #tpu.memory_space<vmem>>, vector<16xi32>,
      %and3A_1995 = arith.constant 15 : i32
      %and3A_1996 = vector.broadcast %and3A_1995 : i32 to vector<16xi32>
      %and3A_1997 = arith.andi %get3A_1994, %and3A_1996 : vector<16xi32>
      %add3A_1998 = arith.constant 992 : i32
      %add3A_1999 = vector.broadcast %add3A_1998 : i32 to vector<16xi32>
      %add3A_2000 = arith.addi %iota3A, %add3A_1999 : vector<16xi32>
      %gather3A_2001 = tpu.vector_load_idx %arg12[%add3A_2000, %and3A_1997] : memref<1024x16xf32, #tpu.memory_space<vmem>>[vector<16xi32>, vector<16xi32>], vector<16xf32>,
      %swap3A_2002 = arith.constant 7 : i32
      %swap3A_2003 = arith.index_cast %swap3A_2002 : i32 to index
      %swap3A_2004 = arith.constant 96 : index
      %swap3A_2005 = tpu.vector_load %arg13[%swap3A_2003, %swap3A_2004] {strides = array<i32>} : memref<8x128xf32, #tpu.memory_space<vmem>>, vector<16xf32>,
      tpu.vector_store %arg13[%swap3A_2003, %swap3A_2004], %gather3A_2001 {strides = array<i32>} : memref<8x128xf32, #tpu.memory_space<vmem>>, vector<16xf32>,
      %get3A_2006 = arith.constant 7 : i32
      %get3A_2007 = arith.index_cast %get3A_2006 : i32 to index
      %get3A_2008 = arith.constant 112 : index
      %get3A_2009 = tpu.vector_load %arg9[%get3A_2007, %get3A_2008] {strides = array<i32>} : memref<8x128xi32, #tpu.memory_space<vmem>>, vector<16xi32>,
      %and3A_2010 = arith.constant 15 : i32
      %and3A_2011 = vector.broadcast %and3A_2010 : i32 to vector<16xi32>
      %and3A_2012 = arith.andi %get3A_2009, %and3A_2011 : vector<16xi32>
      %add3A_2013 = arith.constant 1008 : i32
      %add3A_2014 = vector.broadcast %add3A_2013 : i32 to vector<16xi32>
      %add3A_2015 = arith.addi %iota3A, %add3A_2014 : vector<16xi32>
      %gather3A_2016 = tpu.vector_load_idx %arg12[%add3A_2015, %and3A_2012] : memref<1024x16xf32, #tpu.memory_space<vmem>>[vector<16xi32>, vector<16xi32>], vector<16xf32>,
      %swap3A_2017 = arith.constant 7 : i32
      %swap3A_2018 = arith.index_cast %swap3A_2017 : i32 to index
      %swap3A_2019 = arith.constant 112 : index
      %swap3A_2020 = tpu.vector_load %arg13[%swap3A_2018, %swap3A_2019] {strides = array<i32>} : memref<8x128xf32, #tpu.memory_space<vmem>>, vector<16xf32>,
      tpu.vector_store %arg13[%swap3A_2018, %swap3A_2019], %gather3A_2016 {strides = array<i32>} : memref<8x128xf32, #tpu.memory_space<vmem>>, vector<16xf32>,
      "tpu.region"() ({
        %run_scoped3A = tpu.sem_alloc : memref<!tpu.dma_semaphore, #tpu.memory_space<semaphore_mem>>
        %dma_start3A_2021 = arith.constant 0 : i32
        %dma_start3A_2022 = tpu.memref_slice %arg7[%add3A_11, %dma_start3A_2021] : memref<1280x128xf32, #tpu.memory_space<hbm>> -> memref<8x128xf32, #tpu.memory_space<hbm>>
        %dma_start3A_2023 = arith.constant 0 : i32
        %dma_start3A_2024 = tpu.memref_slice %arg7[%add3A_11, %dma_start3A_2023] : memref<1280x128xf32, #tpu.memory_space<hbm>> -> memref<8x128xf32, #tpu.memory_space<hbm>>
        tpu.enqueue_dma source(%arg13 : memref<8x128xf32, #tpu.memory_space<vmem>>) target(%dma_start3A_2024 : memref<8x128xf32, #tpu.memory_space<hbm>>) target_semaphore(%run_scoped3A : memref<!tpu.dma_semaphore, #tpu.memory_space<semaphore_mem>>)
        %dma_wait3A_2025 = arith.constant 0 : i32
        %dma_wait3A_2026 = tpu.memref_slice %arg7[%add3A_11, %dma_wait3A_2025] : memref<1280x128xf32, #tpu.memory_space<hbm>> -> memref<8x128xf32, #tpu.memory_space<hbm>>
        %dma_wait3A_2027 = arith.constant 0 : i32
        %dma_wait3A_2028 = tpu.memref_slice %arg7[%add3A_11, %dma_wait3A_2027] : memref<1280x128xf32, #tpu.memory_space<hbm>> -> memref<8x128xf32, #tpu.memory_space<hbm>>
        tpu.wait_dma2 semaphore(%run_scoped3A : memref<!tpu.dma_semaphore, #tpu.memory_space<semaphore_mem>>) src(%arg13 : memref<8x128xf32, #tpu.memory_space<vmem>>) dst(%dma_wait3A_2028 : memref<8x128xf32, #tpu.memory_space<hbm>>)
        tpu.yield
      }) : () -> ()
    }
    %scan3A_7 = arith.constant 5 : i32
    return
  }
}

module attributes {stable_mosaic.version = 14 : i64} {
  func.func @_fm_body(%arg0: i32, %arg1: memref<1x262144xf32, #tpu.memory_space<vmem>>, %arg2: memref<2048x128xf32, #tpu.memory_space<vmem>>) attributes {dimension_semantics = [#tpu.dimension_semantics<arbitrary>], iteration_bounds = array<i64: 10>, scalar_prefetch = 0 : i64, scratch_operands = 0 : i64, tpu.core_type = #tpu.core_type<tc>, window_params = [{transform_indices = @transform_0, window_bounds = array<i64: 1, 262144>}, {transform_indices = @transform_1, window_bounds = array<i64: 2048, 128>}]} {
    %get3A = arith.constant 0 : index
    %get3A_0 = arith.constant 0 : index
    %get3A_1 = vector.load %arg1[%get3A, %get3A_0] : memref<1x262144xf32, #tpu.memory_space<vmem>>, vector<1x262144xf32>
    %reshape3A = vector.shape_cast %get3A_1 : vector<1x262144xf32> to vector<2048x128xf32>
    %swap3A = arith.constant 0 : index
    %swap3A_2 = arith.constant 0 : index
    %swap3A_3 = vector.load %arg2[%swap3A, %swap3A_2] : memref<2048x128xf32, #tpu.memory_space<vmem>>, vector<2048x128xf32>
    tpu.vector_store %arg2[%swap3A, %swap3A_2], %reshape3A {strides = array<i32>} : memref<2048x128xf32, #tpu.memory_space<vmem>>, vector<2048x128xf32>,
    return
  }
  func.func @transform_0(%arg0: i32) -> (i32, i32) {
    %c0_i32 = arith.constant 0 : i32
    %c0_i32_0 = arith.constant 0 : i32
    return %c0_i32, %arg0 : i32, i32
  }
  func.func @transform_1(%arg0: i32) -> (i32, i32) {
    %c0_i32 = arith.constant 0 : i32
    %c0_i32_0 = arith.constant 0 : i32
    return %arg0, %c0_i32 : i32, i32
  }
}

module attributes {stable_mosaic.version = 14 : i64} {
  func.func @_repack_body(%arg0: i32, %arg1: i32, %arg2: memref<8x16x8192xf32, #tpu.memory_space<vmem>>, %arg3: memref<8192x128xf32, #tpu.memory_space<vmem>>) attributes {dimension_semantics = [#tpu.dimension_semantics<arbitrary>, #tpu.dimension_semantics<arbitrary>], iteration_bounds = array<i64: 2, 13>, scalar_prefetch = 0 : i64, scratch_operands = 0 : i64, tpu.core_type = #tpu.core_type<tc>, window_params = [{transform_indices = @transform_0, window_bounds = array<i64: 8, 16, 8192>}, {transform_indices = @transform_1, window_bounds = array<i64: 8192, 128>}]} {
    %get3A = arith.constant 0 : index
    %get3A_0 = arith.constant 0 : index
    %get3A_1 = arith.constant 0 : index
    %get3A_2 = vector.load %arg2[%get3A, %get3A_0, %get3A_1] : memref<8x16x8192xf32, #tpu.memory_space<vmem>>, vector<8x16x8192xf32>
    %reshape3A = vector.shape_cast %get3A_2 : vector<8x16x8192xf32> to vector<128x8192xf32>
    %transpose3A = tpu.transpose %reshape3A, [1, 0] : vector<128x8192xf32> -> vector<8192x128xf32>
    %swap3A = arith.constant 0 : index
    %swap3A_3 = arith.constant 0 : index
    %swap3A_4 = vector.load %arg3[%swap3A, %swap3A_3] : memref<8192x128xf32, #tpu.memory_space<vmem>>, vector<8192x128xf32>
    tpu.vector_store %arg3[%swap3A, %swap3A_3], %transpose3A {strides = array<i32>} : memref<8192x128xf32, #tpu.memory_space<vmem>>, vector<8192x128xf32>,
    return
  }
  func.func @transform_0(%arg0: i32, %arg1: i32) -> (i32, i32, i32) {
    %add3A = arith.constant 2 : i32
    %add3A_0 = arith.addi %arg0, %add3A : i32
    %c0_i32 = arith.constant 0 : i32
    %c0_i32_1 = arith.constant 0 : i32
    return %add3A_0, %c0_i32, %arg1 : i32, i32, i32
  }
  func.func @transform_1(%arg0: i32, %arg1: i32) -> (i32, i32) {
    %mul3A = arith.constant 13 : i32
    %mul3A_0 = arith.muli %arg0, %mul3A : i32
    %add3A = arith.addi %mul3A_0, %arg1 : i32
    %c0_i32 = arith.constant 0 : i32
    %c0_i32_1 = arith.constant 0 : i32
    return %add3A, %c0_i32 : i32, i32
  }
}

module attributes {stable_mosaic.version = 14 : i64} {
  func.func @_repack_body(%arg0: i32, %arg1: i32, %arg2: memref<8x16x8192xf32, #tpu.memory_space<vmem>>, %arg3: memref<8192x128xf32, #tpu.memory_space<vmem>>) attributes {dimension_semantics = [#tpu.dimension_semantics<arbitrary>, #tpu.dimension_semantics<arbitrary>], iteration_bounds = array<i64: 2, 13>, scalar_prefetch = 0 : i64, scratch_operands = 0 : i64, tpu.core_type = #tpu.core_type<tc>, window_params = [{transform_indices = @transform_0, window_bounds = array<i64: 8, 16, 8192>}, {transform_indices = @transform_1, window_bounds = array<i64: 8192, 128>}]} {
    %get3A = arith.constant 0 : index
    %get3A_0 = arith.constant 0 : index
    %get3A_1 = arith.constant 0 : index
    %get3A_2 = vector.load %arg2[%get3A, %get3A_0, %get3A_1] : memref<8x16x8192xf32, #tpu.memory_space<vmem>>, vector<8x16x8192xf32>
    %reshape3A = vector.shape_cast %get3A_2 : vector<8x16x8192xf32> to vector<128x8192xf32>
    %transpose3A = tpu.transpose %reshape3A, [1, 0] : vector<128x8192xf32> -> vector<8192x128xf32>
    %swap3A = arith.constant 0 : index
    %swap3A_3 = arith.constant 0 : index
    %swap3A_4 = vector.load %arg3[%swap3A, %swap3A_3] : memref<8192x128xf32, #tpu.memory_space<vmem>>, vector<8192x128xf32>
    tpu.vector_store %arg3[%swap3A, %swap3A_3], %transpose3A {strides = array<i32>} : memref<8192x128xf32, #tpu.memory_space<vmem>>, vector<8192x128xf32>,
    return
  }
  func.func @transform_0(%arg0: i32, %arg1: i32) -> (i32, i32, i32) {
    %add3A = arith.constant 0 : i32
    %add3A_0 = arith.addi %arg0, %add3A : i32
    %c0_i32 = arith.constant 0 : i32
    %c0_i32_1 = arith.constant 0 : i32
    return %add3A_0, %c0_i32, %arg1 : i32, i32, i32
  }
  func.func @transform_1(%arg0: i32, %arg1: i32) -> (i32, i32) {
    %mul3A = arith.constant 13 : i32
    %mul3A_0 = arith.muli %arg0, %mul3A : i32
    %add3A = arith.addi %mul3A_0, %arg1 : i32
    %c0_i32 = arith.constant 0 : i32
    %c0_i32_1 = arith.constant 0 : i32
    return %add3A, %c0_i32 : i32, i32
  }
}

module attributes {stable_mosaic.version = 14 : i64} {
  func.func @_tc_body(%arg0: i32, %arg1: memref<4096x128xf32, #tpu.memory_space<vmem>>, %arg2: memref<2048x160xf32, #tpu.memory_space<vmem>>, %arg3: memref<2048x26xf32, #tpu.memory_space<vmem>>, %arg4: memref<256x256xf32, #tpu.memory_space<vmem>>, %arg5: memref<160x256xf32, #tpu.memory_space<vmem>>, %arg6: memref<1x256xf32, #tpu.memory_space<vmem>>, %arg7: memref<256x128xf32, #tpu.memory_space<vmem>>, %arg8: memref<1x128xf32, #tpu.memory_space<vmem>>, %arg9: memref<128x64xf32, #tpu.memory_space<vmem>>, %arg10: memref<1x64xf32, #tpu.memory_space<vmem>>, %arg11: memref<64x1xf32, #tpu.memory_space<vmem>>, %arg12: memref<1x1xf32, #tpu.memory_space<vmem>>, %arg13: memref<256x16xf32, #tpu.memory_space<vmem>>, %arg14: memref<160x16xf32, #tpu.memory_space<vmem>>, %arg15: memref<2048x1xf32, #tpu.memory_space<vmem>>) attributes {dimension_semantics = [#tpu.dimension_semantics<arbitrary>], iteration_bounds = array<i64: 8>, scalar_prefetch = 0 : i64, scratch_operands = 0 : i64, tpu.core_type = #tpu.core_type<tc>, window_params = [{transform_indices = @transform_0, window_bounds = array<i64: 4096, 128>}, {transform_indices = @transform_1, window_bounds = array<i64: 2048, 160>}, {transform_indices = @transform_2, window_bounds = array<i64: 2048, 26>}, {pipeline_mode = #tpu.pipeline_mode<synchronous>, transform_indices = @transform_3, window_bounds = array<i64: 256, 256>}, {pipeline_mode = #tpu.pipeline_mode<synchronous>, transform_indices = @transform_4, window_bounds = array<i64: 160, 256>}, {pipeline_mode = #tpu.pipeline_mode<synchronous>, transform_indices = @transform_5, window_bounds = array<i64: 1, 256>}, {pipeline_mode = #tpu.pipeline_mode<synchronous>, transform_indices = @transform_6, window_bounds = array<i64: 256, 128>}, {pipeline_mode = #tpu.pipeline_mode<synchronous>, transform_indices = @transform_7, window_bounds = array<i64: 1, 128>}, {pipeline_mode = #tpu.pipeline_mode<synchronous>, transform_indices = @transform_8, window_bounds = array<i64: 128, 64>}, {pipeline_mode = #tpu.pipeline_mode<synchronous>, transform_indices = @transform_9, window_bounds = array<i64: 1, 64>}, {pipeline_mode = #tpu.pipeline_mode<synchronous>, transform_indices = @transform_10, window_bounds = array<i64: 64, 1>}, {pipeline_mode = #tpu.pipeline_mode<synchronous>, transform_indices = @transform_11, window_bounds = array<i64: 1, 1>}, {pipeline_mode = #tpu.pipeline_mode<synchronous>, transform_indices = @transform_12, window_bounds = array<i64: 256, 16>}, {pipeline_mode = #tpu.pipeline_mode<synchronous>, transform_indices = @transform_13, window_bounds = array<i64: 160, 16>}, {transform_indices = @transform_14, window_bounds = array<i64: 2048, 1>}]} {
    %get3A = arith.constant 0 : index
    %get3A_0 = arith.constant 0 : index
    %get3A_1 = vector.load %arg1[%get3A, %get3A_0] : memref<4096x128xf32, #tpu.memory_space<vmem>>, vector<4096x128xf32>
    %reshape3A = vector.shape_cast %get3A_1 : vector<4096x128xf32> to vector<2048x256xf32>
    %get3A_2 = arith.constant 0 : index
    %get3A_3 = arith.constant 0 : index
    %get3A_4 = vector.load %arg2[%get3A_2, %get3A_3] : memref<2048x160xf32, #tpu.memory_space<vmem>>, vector<2048x160xf32>
    %get3A_5 = arith.constant 0 : index
    %get3A_6 = arith.constant 0 : index
    %get3A_7 = vector.load %arg3[%get3A_5, %get3A_6] : memref<2048x26xf32, #tpu.memory_space<vmem>>, vector<2048x26xf32>
    %reduce_sum3A = arith.constant dense<0.000000e+00> : vector<2048xf32>
    %reduce_sum3A_8 = vector.multi_reduction <add>, %get3A_7, %reduce_sum3A [1] : vector<2048x26xf32> to vector<2048xf32>
    %broadcast_in_dim3A = vector.shape_cast %reduce_sum3A_8 : vector<2048xf32> to vector<2048x1xf32>
    %get3A_9 = arith.constant 0 : index
    %get3A_10 = arith.constant 0 : index
    %get3A_11 = vector.load %arg13[%get3A_9, %get3A_10] : memref<256x16xf32, #tpu.memory_space<vmem>>, vector<256x16xf32>
    %dot_general3A = arith.constant dense<0.000000e+00> : vector<2048x16xf32>
    %dot_general3A_12 = tpu.matmul %reshape3A, %get3A_11, %dot_general3A {dimension_numbers = #tpu.dot_dimension_numbers<[1], [0], [0], [1], [0, 0, 1, 1], [], []>, transpose_lhs_hint = false} : vector<2048x256xf32>, vector<256x16xf32>, vector<2048x16xf32> -> vector<2048x16xf32>
    %get3A_13 = arith.constant 0 : index
    %get3A_14 = arith.constant 0 : index
    %get3A_15 = vector.load %arg14[%get3A_13, %get3A_14] : memref<160x16xf32, #tpu.memory_space<vmem>>, vector<160x16xf32>
    %dot_general3A_16 = arith.constant dense<0.000000e+00> : vector<2048x16xf32>
    %dot_general3A_17 = tpu.matmul %get3A_4, %get3A_15, %dot_general3A_16 {dimension_numbers = #tpu.dot_dimension_numbers<[1], [0], [0], [1], [0, 0, 1, 1], [], []>, transpose_lhs_hint = false} : vector<2048x160xf32>, vector<160x16xf32>, vector<2048x16xf32> -> vector<2048x16xf32>
    %add3A = arith.addf %dot_general3A_12, %dot_general3A_17 : vector<2048x16xf32>
    %mul3A = arith.mulf %add3A, %add3A : vector<2048x16xf32>
    %reduce_sum3A_18 = arith.constant dense<0.000000e+00> : vector<2048xf32>
    %reduce_sum3A_19 = vector.multi_reduction <add>, %mul3A, %reduce_sum3A_18 [1] : vector<2048x16xf32> to vector<2048xf32>
    %broadcast_in_dim3A_20 = vector.shape_cast %reduce_sum3A_19 : vector<2048xf32> to vector<2048x1xf32>
    %mul3A_21 = arith.mulf %reshape3A, %reshape3A : vector<2048x256xf32>
    %reduce_sum3A_22 = arith.constant dense<0.000000e+00> : vector<2048xf32>
    %reduce_sum3A_23 = vector.multi_reduction <add>, %mul3A_21, %reduce_sum3A_22 [1] : vector<2048x256xf32> to vector<2048xf32>
    %broadcast_in_dim3A_24 = vector.shape_cast %reduce_sum3A_23 : vector<2048xf32> to vector<2048x1xf32>
    %sub3A = arith.subf %broadcast_in_dim3A_20, %broadcast_in_dim3A_24 : vector<2048x1xf32>
    %mul3A_25 = arith.mulf %get3A_4, %get3A_4 : vector<2048x160xf32>
    %reduce_sum3A_26 = arith.constant dense<0.000000e+00> : vector<2048xf32>
    %reduce_sum3A_27 = vector.multi_reduction <add>, %mul3A_25, %reduce_sum3A_26 [1] : vector<2048x160xf32> to vector<2048xf32>
    %broadcast_in_dim3A_28 = vector.shape_cast %reduce_sum3A_27 : vector<2048xf32> to vector<2048x1xf32>
    %sub3A_29 = arith.subf %sub3A, %broadcast_in_dim3A_28 : vector<2048x1xf32>
    %mul3A_30 = arith.constant 5.000000e-01 : f32
    %mul3A_31 = vector.broadcast %mul3A_30 : f32 to vector<2048x1xf32>
    %mul3A_32 = arith.mulf %mul3A_31, %sub3A_29 : vector<2048x1xf32>
    %get3A_33 = arith.constant 0 : index
    %get3A_34 = arith.constant 0 : index
    %get3A_35 = vector.load %arg4[%get3A_33, %get3A_34] : memref<256x256xf32, #tpu.memory_space<vmem>>, vector<256x256xf32>
    %dot_general3A_36 = arith.constant dense<0.000000e+00> : vector<2048x256xf32>
    %dot_general3A_37 = tpu.matmul %reshape3A, %get3A_35, %dot_general3A_36 {dimension_numbers = #tpu.dot_dimension_numbers<[1], [0], [0], [1], [0, 0, 1, 1], [], []>, transpose_lhs_hint = false} : vector<2048x256xf32>, vector<256x256xf32>, vector<2048x256xf32> -> vector<2048x256xf32>
    %get3A_38 = arith.constant 0 : index
    %get3A_39 = arith.constant 0 : index
    %get3A_40 = vector.load %arg5[%get3A_38, %get3A_39] : memref<160x256xf32, #tpu.memory_space<vmem>>, vector<160x256xf32>
    %dot_general3A_41 = arith.constant dense<0.000000e+00> : vector<2048x256xf32>
    %dot_general3A_42 = tpu.matmul %get3A_4, %get3A_40, %dot_general3A_41 {dimension_numbers = #tpu.dot_dimension_numbers<[1], [0], [0], [1], [0, 0, 1, 1], [], []>, transpose_lhs_hint = false} : vector<2048x160xf32>, vector<160x256xf32>, vector<2048x256xf32> -> vector<2048x256xf32>
    %add3A_43 = arith.addf %dot_general3A_37, %dot_general3A_42 : vector<2048x256xf32>
    %get3A_44 = arith.constant 0 : index
    %get3A_45 = arith.constant 0 : index
    %get3A_46 = vector.load %arg6[%get3A_44, %get3A_45] : memref<1x256xf32, #tpu.memory_space<vmem>>, vector<1x256xf32>
    %add3A_47 = vector.broadcast %get3A_46 : vector<1x256xf32> to vector<2048x256xf32>
    %add3A_48 = arith.addf %add3A_43, %add3A_47 : vector<2048x256xf32>
    %max3A = arith.constant 0.000000e+00 : f32
    %max3A_49 = vector.broadcast %max3A : f32 to vector<2048x256xf32>
    %max3A_50 = arith.maximumf %add3A_48, %max3A_49 : vector<2048x256xf32>
    %get3A_51 = arith.constant 0 : index
    %get3A_52 = arith.constant 0 : index
    %get3A_53 = vector.load %arg7[%get3A_51, %get3A_52] : memref<256x128xf32, #tpu.memory_space<vmem>>, vector<256x128xf32>
    %dot_general3A_54 = arith.constant dense<0.000000e+00> : vector<2048x128xf32>
    %dot_general3A_55 = tpu.matmul %max3A_50, %get3A_53, %dot_general3A_54 {dimension_numbers = #tpu.dot_dimension_numbers<[1], [0], [0], [1], [0, 0, 1, 1], [], []>, transpose_lhs_hint = false} : vector<2048x256xf32>, vector<256x128xf32>, vector<2048x128xf32> -> vector<2048x128xf32>
    %get3A_56 = arith.constant 0 : index
    %get3A_57 = arith.constant 0 : index
    %get3A_58 = vector.load %arg8[%get3A_56, %get3A_57] : memref<1x128xf32, #tpu.memory_space<vmem>>, vector<1x128xf32>
    %add3A_59 = vector.broadcast %get3A_58 : vector<1x128xf32> to vector<2048x128xf32>
    %add3A_60 = arith.addf %dot_general3A_55, %add3A_59 : vector<2048x128xf32>
    %max3A_61 = arith.constant 0.000000e+00 : f32
    %max3A_62 = vector.broadcast %max3A_61 : f32 to vector<2048x128xf32>
    %max3A_63 = arith.maximumf %add3A_60, %max3A_62 : vector<2048x128xf32>
    %get3A_64 = arith.constant 0 : index
    %get3A_65 = arith.constant 0 : index
    %get3A_66 = vector.load %arg9[%get3A_64, %get3A_65] : memref<128x64xf32, #tpu.memory_space<vmem>>, vector<128x64xf32>
    %dot_general3A_67 = arith.constant dense<0.000000e+00> : vector<2048x64xf32>
    %dot_general3A_68 = tpu.matmul %max3A_63, %get3A_66, %dot_general3A_67 {dimension_numbers = #tpu.dot_dimension_numbers<[1], [0], [0], [1], [0, 0, 1, 1], [], []>, transpose_lhs_hint = false} : vector<2048x128xf32>, vector<128x64xf32>, vector<2048x64xf32> -> vector<2048x64xf32>
    %get3A_69 = arith.constant 0 : index
    %get3A_70 = arith.constant 0 : index
    %get3A_71 = vector.load %arg10[%get3A_69, %get3A_70] : memref<1x64xf32, #tpu.memory_space<vmem>>, vector<1x64xf32>
    %add3A_72 = vector.broadcast %get3A_71 : vector<1x64xf32> to vector<2048x64xf32>
    %add3A_73 = arith.addf %dot_general3A_68, %add3A_72 : vector<2048x64xf32>
    %max3A_74 = arith.constant 0.000000e+00 : f32
    %max3A_75 = vector.broadcast %max3A_74 : f32 to vector<2048x64xf32>
    %max3A_76 = arith.maximumf %add3A_73, %max3A_75 : vector<2048x64xf32>
    %get3A_77 = arith.constant 0 : index
    %get3A_78 = arith.constant 0 : index
    %get3A_79 = vector.load %arg11[%get3A_77, %get3A_78] : memref<64x1xf32, #tpu.memory_space<vmem>>, vector<64x1xf32>
    %dot_general3A_80 = arith.constant dense<0.000000e+00> : vector<2048x1xf32>
    %dot_general3A_81 = tpu.matmul %max3A_76, %get3A_79, %dot_general3A_80 {dimension_numbers = #tpu.dot_dimension_numbers<[1], [0], [0], [1], [0, 0, 1, 1], [], []>, transpose_lhs_hint = false} : vector<2048x64xf32>, vector<64x1xf32>, vector<2048x1xf32> -> vector<2048x1xf32>
    %get3A_82 = arith.constant 0 : index
    %get3A_83 = arith.constant 0 : index
    %get3A_84 = vector.load %arg12[%get3A_82, %get3A_83] : memref<1x1xf32, #tpu.memory_space<vmem>>, vector<1x1xf32>
    %add3A_85 = vector.broadcast %get3A_84 : vector<1x1xf32> to vector<2048x1xf32>
    %add3A_86 = arith.addf %dot_general3A_81, %add3A_85 : vector<2048x1xf32>
    %add3A_87 = arith.addf %broadcast_in_dim3A, %mul3A_32 : vector<2048x1xf32>
    %add3A_88 = arith.addf %add3A_87, %add3A_86 : vector<2048x1xf32>
    %logistic3A = arith.negf %add3A_88 : vector<2048x1xf32>
    %logistic3A_89 = math.exp %logistic3A : vector<2048x1xf32>
    %logistic3A_90 = arith.constant 1.000000e+00 : f32
    %logistic3A_91 = vector.broadcast %logistic3A_90 : f32 to vector<2048x1xf32>
    %logistic3A_92 = arith.addf %logistic3A_91, %logistic3A_89 : vector<2048x1xf32>
    %logistic3A_93 = arith.divf %logistic3A_91, %logistic3A_92 : vector<2048x1xf32>
    %swap3A = arith.constant 0 : index
    %swap3A_94 = arith.constant 0 : index
    %swap3A_95 = vector.load %arg15[%swap3A, %swap3A_94] : memref<2048x1xf32, #tpu.memory_space<vmem>>, vector<2048x1xf32>
    tpu.vector_store %arg15[%swap3A, %swap3A_94], %logistic3A_93 {strides = array<i32>} : memref<2048x1xf32, #tpu.memory_space<vmem>>, vector<2048x1xf32>,
    return
  }
  func.func @transform_0(%arg0: i32) -> (i32, i32) {
    %c0_i32 = arith.constant 0 : i32
    %c0_i32_0 = arith.constant 0 : i32
    return %arg0, %c0_i32 : i32, i32
  }
  func.func @transform_1(%arg0: i32) -> (i32, i32) {
    %c0_i32 = arith.constant 0 : i32
    %c0_i32_0 = arith.constant 0 : i32
    return %arg0, %c0_i32 : i32, i32
  }
  func.func @transform_2(%arg0: i32) -> (i32, i32) {
    %c0_i32 = arith.constant 0 : i32
    %c0_i32_0 = arith.constant 0 : i32
    return %arg0, %c0_i32 : i32, i32
  }
  func.func @transform_3(%arg0: i32) -> (i32, i32) {
    %c0_i32 = arith.constant 0 : i32
    %c0_i32_0 = arith.constant 0 : i32
    %c0_i32_1 = arith.constant 0 : i32
    return %c0_i32, %c0_i32_0 : i32, i32
  }
  func.func @transform_4(%arg0: i32) -> (i32, i32) {
    %c0_i32 = arith.constant 0 : i32
    %c0_i32_0 = arith.constant 0 : i32
    %c0_i32_1 = arith.constant 0 : i32
    return %c0_i32, %c0_i32_0 : i32, i32
  }
  func.func @transform_5(%arg0: i32) -> (i32, i32) {
    %c0_i32 = arith.constant 0 : i32
    %c0_i32_0 = arith.constant 0 : i32
    %c0_i32_1 = arith.constant 0 : i32
    return %c0_i32, %c0_i32_0 : i32, i32
  }
  func.func @transform_6(%arg0: i32) -> (i32, i32) {
    %c0_i32 = arith.constant 0 : i32
    %c0_i32_0 = arith.constant 0 : i32
    %c0_i32_1 = arith.constant 0 : i32
    return %c0_i32, %c0_i32_0 : i32, i32
  }
  func.func @transform_7(%arg0: i32) -> (i32, i32) {
    %c0_i32 = arith.constant 0 : i32
    %c0_i32_0 = arith.constant 0 : i32
    %c0_i32_1 = arith.constant 0 : i32
    return %c0_i32, %c0_i32_0 : i32, i32
  }
  func.func @transform_8(%arg0: i32) -> (i32, i32) {
    %c0_i32 = arith.constant 0 : i32
    %c0_i32_0 = arith.constant 0 : i32
    %c0_i32_1 = arith.constant 0 : i32
    return %c0_i32, %c0_i32_0 : i32, i32
  }
  func.func @transform_9(%arg0: i32) -> (i32, i32) {
    %c0_i32 = arith.constant 0 : i32
    %c0_i32_0 = arith.constant 0 : i32
    %c0_i32_1 = arith.constant 0 : i32
    return %c0_i32, %c0_i32_0 : i32, i32
  }
  func.func @transform_10(%arg0: i32) -> (i32, i32) {
    %c0_i32 = arith.constant 0 : i32
    %c0_i32_0 = arith.constant 0 : i32
    %c0_i32_1 = arith.constant 0 : i32
    return %c0_i32, %c0_i32_0 : i32, i32
  }
  func.func @transform_11(%arg0: i32) -> (i32, i32) {
    %c0_i32 = arith.constant 0 : i32
    %c0_i32_0 = arith.constant 0 : i32
    %c0_i32_1 = arith.constant 0 : i32
    return %c0_i32, %c0_i32_0 : i32, i32
  }
  func.func @transform_12(%arg0: i32) -> (i32, i32) {
    %c0_i32 = arith.constant 0 : i32
    %c0_i32_0 = arith.constant 0 : i32
    %c0_i32_1 = arith.constant 0 : i32
    return %c0_i32, %c0_i32_0 : i32, i32
  }
  func.func @transform_13(%arg0: i32) -> (i32, i32) {
    %c0_i32 = arith.constant 0 : i32
    %c0_i32_0 = arith.constant 0 : i32
    %c0_i32_1 = arith.constant 0 : i32
    return %c0_i32, %c0_i32_0 : i32, i32
  }
  func.func @transform_14(%arg0: i32) -> (i32, i32) {
    %c0_i32 = arith.constant 0 : i32
    %c0_i32_0 = arith.constant 0 : i32
    return %arg0, %c0_i32 : i32, i32
  }
}

</mosaic_0001>

<sc_bundles>
// kernel: kernel.11.cloned.1.call-start
scs
__scs_entry_jumppad:
0x0: {  	(pc) =	sbr.rel $0x88, $3  }
0x1: {  	(tag) =	ssettag $0x0;
	lr =	simm.s32 $0x1  }
0x2: {  	[smem:$0x3F96] =	sst lr;
	_ =	strace $0xD0000000  }
0x3: {  	_ = 	snop  }
0x4: {  	_ = 	snop  }
0x5: {  	_ = 	snop  }
0x6: {  	_ = 	snop  }
0x7: {  	_ = 	snop  }
__scs_overlays_trampoline_lowered:
0x8: {  	[smem:$0x3FA5] =	sst s0  }
0x9: {  	[smem:$0x3FA6] =	sst s1  }
0xa: {  	[smem:$0x3FA7] =	sst s2  }
0xb: {  	[smem:$0x3FA8] =	sst s3  }
0xc: {  	[smem:$0x3FA9] =	sst s4  }
0xd: {  	[smem:$0x3FAA] =	sst s5  }
0xe: {  	[smem:$0x3FAB] =	sst s6  }
0xf: {  	[smem:$0x3FAC] =	sst s7  }
0x10: {  	[smem:$0x3FAD] =	sst s8  }
0x11: {  	[smem:$0x3FAE] =	sst s9;
	s0 =	simm.s32 @!p0 $0x0  }
0x12: {  	s1 =	sld [smem:$0x3F94];
	s0 =	simm.s32 @p0 $0x1  }
0x13: {  	[smem:$0x3FAF] =	sst s0;
	s0 =	simm.s32 @!p1 $0x0  }
0x14: {  	s2 =	sld [smem:$0x3F93];
	s0 =	simm.s32 @p1 $0x1  }
0x15: {  	[smem:$0x3FB0] =	sst s0;
	s0 =	simm.s32 @!p2 $0x0  }
0x16: {  	s3 =	sld [smem:$0x3FDB];
	s0 =	simm.s32 @p2 $0x1  }
0x17: {  	s4 =	simm.s32 $0x1BF5;
	[smem:$0x3FB2] =	sst s0  }
0x18: {  	s0 =	sld [smem:$0x3F95];
	_ =	swait.ge [sflag:s4], $0x0  }
0x19: {  	s7 =	sld [smem:$0x3F96]  }
0x1a: {  	s8 =	sadd.s32 $0xFFFFE003, lr  }
0x1b: {  	s9 =	sadd.s32 $0xFFFFFEF7, lr;
	s5 =	simm.s32 $0xFFFFFFFF;
	p2 =	slt.u32 s8, $0xFFFFF086  }
0x1c: {  	p1 =	slt.u32 s9, $0xF7A;
	s5 =	simm.s32 @!p2 $0x0  }
0x1d: {  	s5 =	simm.s32 @p1 $0x1;
	p0 =	seq.s32 s7, s2  }
0x1e: {  	s7 =	smul.u32 @!p0 $0xF7A, s2;
	p2 =	seq.s32 @!p0 s5, $0x0  }
0x1f: {  	s9 =	smul.u32 $0xF7A, s1;
	s8 =	simm.s32 @!p0 $0x1BF5;
	p2 =	por !p2, p0  }
0x20: {  	[sflag:s8] =	ssyncset.s32 @!p0 $0xFFFFF086;
	s6 =	sadd.s32 @!p0 s3, s7;
	s7 =	simm.s32 @!p0 $0x108  }
0x21: {  	s3 =	sadd.s32 s3, s9;
	s6 =	sadd.s32 @!p0 $0x88, s6;
	s7 =	simm.s32 @p2 $0x1082  }
0x22: {  	[simem:s7], [sflag:s8] =	dma.local @!p0 [hbm:s6], $0xF7A  }
0x23: {  	s9 =	sor.u32 $0xD0000000, s2;
	s6 =	simm.s32 $0x108;
	_ =	swait.ge @!p0 [sflag:s8], $0x0  }
0x24: {  	s3 =	sadd.s32 $0x88, s3;
	s6 =	simm.s32 @!p1 $0x1082;
	[sflag:s4] =	ssyncset.s32 $0xFFFFF086  }
0x25: {  	[simem:s6], [sflag:s4] =	dma.local [hbm:s3], $0xF7A  }
0x26: {  	[smem:$0x3F96] =	sst s1;
	(tag) =	ssettag s2;
	_ =	strace s9  }
0x27: {  	s1 =	sld [smem:$0x3FA6]  }
0x28: {  	s2 =	sld [smem:$0x3FA7]  }
0x29: {  	s4 =	sld [smem:$0x3FA9]  }
0x2a: {  	p0 =	seq.s32 s5, $0x0;
	s5 =	sld [smem:$0x3FAA]  }
0x2b: {  	s6 =	sld [smem:$0x3FAB]  }
0x2c: {  	s7 =	sld [smem:$0x3FAC]  }
0x2d: {  	s3 =	simm.s32 $0x108;
	s8 =	sld [smem:$0x3FAD]  }
0x2e: {  	s3 =	simm.s32 @!p0 $0x1082;
	s9 =	sld [smem:$0x3FAE]  }
0x2f: {  	lr =	sadd.s32 s0, s3;
	s0 =	sld [smem:$0x3FA5]  }
0x30: {  	s3 =	sld [smem:$0x3FA8]  }
0x31: {  	[smem:$0x3FB1] =	sst s10  }
0x32: {  	s10 =	sld [smem:$0x3FAF];
	_ =	sdelay $0x3  }
0x33: {  	p0 =	seq.s32 s10, $0x1;
	s10 =	sld [smem:$0x3FB1];
	_ =	sdelay $0x3  }
0x34: {  	[smem:$0x3FB1] =	sst s10  }
0x35: {  	s10 =	sld [smem:$0x3FB0];
	_ =	sdelay $0x3  }
0x36: {  	p1 =	seq.s32 s10, $0x1;
	s10 =	sld [smem:$0x3FB1];
	_ =	sdelay $0x3  }
0x37: {  	[smem:$0x3FB1] =	sst s10  }
0x38: {  	s10 =	sld [smem:$0x3FB2]  }
0x39: {  	_ = 	snop;
	(pc) =	sbr.ind lr, $3  }
0x3a: {  	_ = 	snop  }
0x3b: {  	_ = 	snop  }
0x3c: {  	p2 =	seq.s32 s10, $0x1;
	s10 =	sld [smem:$0x3FB1]  }
0x3d: {  	_ =	shalt  }
0x3e: {  	_ =	shalt  }
0x3f: {  	_ =	shalt  }
0x40: {  	_ =	shalt  }
0x41: {  	_ =	shalt  }
0x42: {  	_ =	shalt  }
0x43: {  	_ =	shalt  }
0x44: {  	_ =	shalt  }
0x45: {  	_ =	shalt  }
0x46: {  	_ =	shalt  }
0x47: {  	_ =	shalt  }
0x48: {  	_ =	shalt  }
0x49: {  	_ =	shalt  }
0x4a: {  	_ =	shalt  }
0x4b: {  	_ =	shalt  }
0x4c: {  	_ =	shalt  }
0x4d: {  	_ =	shalt  }
0x4e: {  	_ =	shalt  }
0x4f: {  	_ =	shalt  }
0x50: {  	_ =	shalt  }
0x51: {  	_ =	shalt  }
0x52: {  	_ =	shalt  }
0x53: {  	_ =	shalt  }
0x54: {  	_ =	shalt  }
0x55: {  	_ =	shalt  }
0x56: {  	_ =	shalt  }
0x57: {  	_ =	shalt  }
0x58: {  	_ =	shalt  }
0x59: {  	_ =	shalt  }
0x5a: {  	_ =	shalt  }
0x5b: {  	_ =	shalt  }
0x5c: {  	_ =	shalt  }
0x5d: {  	_ =	shalt  }
0x5e: {  	_ =	shalt  }
0x5f: {  	_ =	shalt  }
0x60: {  	_ =	shalt  }
0x61: {  	_ =	shalt  }
0x62: {  	_ =	shalt  }
0x63: {  	_ =	shalt  }
0x64: {  	_ =	shalt  }
0x65: {  	_ =	shalt  }
0x66: {  	_ =	shalt  }
0x67: {  	_ =	shalt  }
0x68: {  	_ =	shalt  }
0x69: {  	_ =	shalt  }
0x6a: {  	_ =	shalt  }
0x6b: {  	_ =	shalt  }
0x6c: {  	_ =	shalt  }
0x6d: {  	_ =	shalt  }
0x6e: {  	_ =	shalt  }
0x6f: {  	_ =	shalt  }
0x70: {  	_ =	shalt  }
0x71: {  	_ =	shalt  }
0x72: {  	_ =	shalt  }
0x73: {  	_ =	shalt  }
0x74: {  	_ =	shalt  }
0x75: {  	_ =	shalt  }
0x76: {  	_ =	shalt  }
0x77: {  	_ =	shalt  }
0x78: {  	_ =	shalt  }
0x79: {  	_ =	shalt  }
0x7a: {  	_ =	shalt  }
0x7b: {  	_ =	shalt  }
0x7c: {  	_ =	shalt  }
0x7d: {  	_ =	shalt  }
0x7e: {  	_ =	shalt  }
0x7f: {  	_ =	shalt  }
0x80: {  	_ =	shalt  }
0x81: {  	_ =	shalt  }
0x82: {  	_ =	shalt  }
0x83: {  	_ =	shalt  }
0x84: {  	_ =	shalt  }
0x85: {  	_ =	shalt  }
0x86: {  	_ =	shalt  }
0x87: {  	_ =	shalt  }
.Lfunc_end0:
.L_simem_size_0:
called_computation.1_lowered:
.L_overlay_start_0:
0x88: {  	s2 =	sld [smem:$0x3FD9]  }
0x89: {  	s3 =	sld [smem:$0x3FFE];
	_ =	sdelay $0x1  }
0x8a: {  	s1 =	srdreg.scid  }
0x8b: {  	s0 =	sand.u32 $0x1, s1  }
0x8c: {  	s16 =	sshll.u32 s0, $0xA;
	s2 =	sadd.s32 s3, s2  }
0x8d: {  	s2 =	sadd.s32 s2, s16  }
0x8e: {  	[smem:$0x3FBD] =	sst s2  }
0x8f: {  	_ = 	snop  }
0x90: {  	(tm) =	ssettm $0x1  }
0x91: {  	s17 =	sld [smem:$0x3FFB];
	_ =	sdelay $0x3  }
0x92: {  	_ =	strace s17  }
0x93: {  	s2 =	sld [smem:$0x3FFC];
	_ =	sdelay $0x3  }
0x94: {  	_ =	strace s2  }
0x95: {  	s2 =	sld [smem:$0x3FFD];
	_ =	sdelay $0x3  }
0x96: {  	_ =	strace s2  }
0x97: {  	_ =	strace $0x8FFFFFFF  }
0x98: {  	s18 =	sld [smem:$0x3FDB];
	_ =	sdelay $0x1  }
0x99: {  	s19 =	simm.s32 $_scs_section_size  }
0x9a: {  	s4 =	simm.s32 $_size__tile_overlayer_lowered;
	s5 =	simm.s32 $_tile_overlayer_lowered  }
0x9b: {  	s22 =	simm.s32 $0x1BFF;
	s21 =	sshll.u32 s5, $0x1;
	s2 =	sadd.s32 s19, s18  }
0x9c: {  	s6 =	simm.s32 $0x0;
	s20 =	sshll.u32 s4, $0x1;
	s4 =	sadd.s32 s21, s2  }
0x9d: {  	[timem:s6], [sflag:s22] =	dma.local [hbm:s4], s20  }
0x9e: {  	_ =	swait.ge [sflag:s22], s20  }
0x9f: {  	s3 =	ssub.s32 $0x0, s20;
	[sflag:s22] =	ssyncset.done $0x0  }
0xa0: {  	[sflag:s22] =	ssyncadd.s32 s3;
	_ =	sdelay $0x1  }
0xa1: {  	s23 =	simm.s32 $0x1B8B  }
0xa2: {  	_ =	swait.ge [sflag:s23], $0x1  }
0xa3: {  	[sflag:s23] =	ssyncset.done $0x0  }
0xa4: {  	s25 =	simm.s32 $0x1B8E;
	s24 =	sld [smem:$0x3FFE];
	[sflag:s23] =	ssyncadd.s32 $0xFFFFFFFF  }
0xa5: {  	s26 =	simm.s32 $execute0_lowered;
	[smem:$0x3FD2] =	sst s25  }
0xa6: {  	s4 =	sshll.u32 s26, $0x1;
	_ =	strace $0x80000046;
	[dreg:$0x1] =	wrdreg $0xFFFFFFFF  }
0xa7: {  	s28 =	simm.s32 $_size_execute0_lowered;
	s2 =	sadd.s32 s2, s4;
	[dreg:$0x0] =	wrdreg $0x0  }
0xa8: {  	s4 =	sshll.u32 s28, $0x1;
	[dreg:$0x2] =	wrdreg s2  }
0xa9: {  	[dreg:$0x3] =	wrdreg s4  }
0xaa: {  	[dreg:$0x4] =	wrdreg $0xC0  }
0xab: {  	_ =	task [dreg:s6], $0x5FFFF  }
0xac: {  	[dreg:$0x1] =	wrdreg $0xFFFFFFFF  }
0xad: {  	[dreg:$0x0] =	wrdreg $0x60  }
0xae: {  	[dreg:$0x2] =	wrdreg s24  }
0xaf: {  	[dreg:$0x3] =	wrdreg $0xA  }
0xb0: {  	_ =	task.clear_ibuf [dreg:s6], $0x4FFFF;
	_ =	strace $0x90000046  }
0xb1: {  	s29 =	simm.s32 $0xA;
	_ =	strace $0x80000048  }
0xb2: {  	_ =	swait.ge [sflag:s29], $0x1  }
0xb3: {  	[sflag:s29] =	ssyncadd.s32 $0xFFFFFFFF  }
0xb4: {  	_ =	strace $0x90000048  }
0xb5: {  	_ =	sfence  }
0xb6: {  	s30 =	sld [smem:$0x0];
	_ =	sdelay $0x2  }
0xb7: {  	s31 =	sshll.u32 s1, $0xD;
	s1 =	sshrl.u32 s1, $0x2  }
0xb8: {  	s3 =	sand.u32 $0x4000, s31;
	s1 =	sadd.s32 s1, s30  }
0xb9: {  	s0 =	sor.u32 s3, s0;
	s1 =	sshll.u32 s1, $0x11  }
0xba: {  	s0 =	sor.u32 s1, s0  }
0xbb: {  	s0 =	sadd.s32 $0x8F2B, s0  }
0xbc: {  	[sflag:s0] =	ssyncadd.remote.s32 $0x1  }
0xbd: {  	_ =	sfence.sel $0xFFFF  }
0xbe: {  	[dreg:$0x0] =	wrdreg $0xFFFFFFFF;
	(pc) =	sbr.abs _section_cstart, $3  }
0xbf: {  	[dreg:$0x1] =	wrdreg $0xFFFFFFFF  }
0xc0: {  	_ =	task.clear_ibuf [dreg:s6], $0x2FFFF;
	_ =	strace $0x9FFFFFFF  }
0xc1: {  	(tm) =	ssettm $0x7FFFFFFF  }
tec
execute0_lowered:
.L_overlay_start_1:
0x0: {  	(tag) =	ssettag $0x1  }
0x1: {  	s6 =	rddreg [dreg:$0x0];
	s2 =	simm.s32 $0x0  }
0x2: {  	s12 =	simm.s32 $0x400;
	[smem:$0x7FF] =	sst s2  }
0x3: {  	s13 =	simm.s32 $0x800;
	_ =	strace $0x80000047;
	[dreg:$0x5] =	wrdreg s12  }
0x4: {  	s14 =	simm.s32 $0x1400;
	[dreg:$0x6] =	wrdreg s13  }
0x5: {  	s8 =	simm.s32 $0x880;
	[dreg:$0x7] =	wrdreg s14  }
0x6: {  	v0 =	vlaneseq.u32;
	s15 =	simm.s32 $0x5400;
	[dreg:$0x8] =	wrdreg s8  }
0x7: {  	s0 =	stileid.u32;
	s16 =	simm.s32 $0x100;
	v0 =	vmul.u32 $0x10, v0;
	[dreg:$0x9] =	wrdreg s15  }
0x8: {  	s1 =	srdreg.scid;
	s18 =	simm.s32 $0x1C00;
	[dreg:$0xa] =	wrdreg s16  }
0x9: {  	s19 =	simm.s32 $0x900;
	s20 =	simm.s32 $0x5C00;
	[dreg:$0xb] =	wrdreg s18;
	v4 =	vor.u32 $0x100, v0;
	v5 =	vor.u32 $0x200, v0;
	v6 =	vor.u32 $0x300, v0  }
0xa: {  	s22 =	simm.s32 $0x180;
	s24 =	simm.s32 $0x2400;
	[dreg:$0xc] =	wrdreg s19;
	v7 =	vor.u32 $0x400, v0;
	v8 =	vor.u32 $0x500, v0;
	v9 =	vor.u32 $0x600, v0  }
0xb: {  	s25 =	simm.s32 $0x980;
	s30 =	simm.s32 $0x6400;
	[dreg:$0xd] =	wrdreg s20;
	v10 =	vor.u32 $0x700, v0;
	v11 =	vor.u32 $0x800, v0;
	v12 =	vor.u32 $0x900, v0  }
0xc: {  	s31 =	simm.s32 $0x200;
	s10 =	simm.s32 $0x4C00;
	[dreg:$0xe] =	wrdreg s22;
	v13 =	vor.u32 $0xA00, v0;
	v14 =	vor.u32 $0xB00, v0;
	v15 =	vor.u32 $0xC00, v0  }
0xd: {  	s28 =	simm.s32 $0x8C00;
	s3 =	smul.u32 $0x500, s0;
	[dreg:$0xf] =	wrdreg s24;
	v16 =	vor.u32 $0xD00, v0;
	v17 =	vor.u32 $0xE00, v0;
	v18 =	vor.u32 $0xF00, v0  }
0xe: {  	s5 =	sand.u32 $0x1, s1;
	s7 =	smul.u32 $0x5000, s0;
	[dreg:$0x10] =	wrdreg s25;
	v19 =	vor.u32 $0x1000, v0;
	v20 =	vor.u32 $0x1100, v0;
	v21 =	vor.u32 $0x1200, v0  }
0xf: {  	s29 =	simm.s32 $0x0;
	s4 =	smul.u32 $0x280, s5;
	[dreg:$0x11] =	wrdreg s30;
	v22 =	vor.u32 $0x1300, v0;
	v23 =	vor.u32 $0x1400, v0;
	v24 =	vor.u32 $0x1500, v0  }
0x10: {  	s17 =	ssub.s32 $0x2, s5;
	s21 =	smul.u32 $0x2800, s5;
	[dreg:$0x12] =	wrdreg s31;
	v25 =	vor.u32 $0x1600, v0;
	v26 =	vor.u32 $0x1700, v0;
	v27 =	vor.u32 $0x1800, v0  }
0x11: {  	s12 =	simm.s32 $0x6C00;
	s13 =	simm.s32 $0x280;
	s14 =	simm.s32 $0x3400;
	v28 =	vor.u32 $0x1900, v0;
	v29 =	vor.u32 $0x1A00, v0;
	v30 =	vor.u32 $0x1B00, v0  }
0x12: {  	s15 =	simm.s32 $0xA80;
	s16 =	simm.s32 $0x7400;
	s18 =	simm.s32 $0x3C00;
	v31 =	vor.u32 $0x1C00, v0;
	v32 =	vor.u32 $0x1D00, v0;
	v33 =	vor.u32 $0x1E00, v0  }
0x13: {  	s19 =	simm.s32 $0xB00;
	s20 =	simm.s32 $0x7C00;
	s22 =	simm.s32 $0x4400;
	v34 =	vor.u32 $0x1F00, v0;
	v35 =	vor.u32 $0x2000, v0;
	v36 =	vor.u32 $0x2100, v0  }
0x14: {  	s24 =	simm.s32 $0x8400;
	s3 =	sadd.s32 s3, s6;
	s9 =	sshrl.u32 s17, $0x1;
	v37 =	vor.u32 $0x2200, v0;
	v38 =	vor.u32 $0x2300, v0;
	v39 =	vor.u32 $0x2400, v0  }
0x15: {  	s25 =	simm.s32 $0x1;
	v40 =	vor.u32 $0x2500, v0;
	v41 =	vor.u32 $0x2600, v0;
	v42 =	vor.u32 $0x2700, v0;
	s3 =	sadd.s32 s4, s3;
	s8 =	ssub.s32 s17, s9  }
0x16: {  	v43 =	vor.u32 $0x2800, v0;
	v44 =	vor.u32 $0x2900, v0;
	v45 =	vor.u32 $0x2A00, v0;
	s9 =	simm.s32 $0xC00;
	s17 =	simm.s32 $0x300;
	s4 =	sadd.s32 $0x3ED000, s3  }
0x17: {  	v46 =	vor.u32 $0x2B00, v0;
	v47 =	vor.u32 $0x2C00, v0;
	v1 =	vor.u32 $0x3D00, v0;
	s11 =	sadd.s32 $0x58000, s3;
	s3 =	sadd.s32 $0x53000, s3;
	[dreg:$0x2] =	wrdreg s4  }
0x18: {  	v48 =	vor.u32 $0x2D00, v0;
	v49 =	vor.u32 $0x2E00, v0;
	v61 =	vor.u32 $0x3A00, v0;
	[tilespmem:$0x1FFA0] =	vst v1;
	s23 =	smax.u32 s8, $0x1;
	s8 =	simm.s32 $0x80;
	[dreg:$0x3] =	wrdreg s11  }
0x19: {  	v50 =	vor.u32 $0x2F00, v0;
	v51 =	vor.u32 $0x3000, v0;
	v58 =	vor.u32 $0x3700, v0;
	[tilespmem:$0x1FFC0] =	vst v61;
	[dreg:$0x4] =	wrdreg s3;
	s3 =	sadd.s32 $0x5D000, s6;
	s4 =	sadd.s32 $0x3000, s6  }
0x1a: {  	v52 =	vor.u32 $0x3100, v0;
	v53 =	vor.u32 $0x3200, v0;
	v55 =	vor.u32 $0x3400, v0;
	[tilespmem:$0x1FFD0] =	vst v58;
	s6 =	sadd.s32 s7, s6;
	[dreg:$0x14] =	wrdreg s23;
	s7 =	simm.s32 $0x3  }
0x1b: {  	v54 =	vor.u32 $0x3300, v0;
	v56 =	vor.u32 $0x3500, v0;
	v3 =	vor.u32 $0x3F00, v0;
	[tilespmem:$0x1FFE0] =	vst v55;
	s11 =	simm.s32 $0x2C00;
	s23 =	simm.s32 $0xB80;
	s6 =	sadd.s32 s21, s6  }
0x1c: {  	v57 =	vor.u32 $0x3600, v0;
	v59 =	vor.u32 $0x3800, v0;
	v1 =	vor.u32 $0x3E00, v0;
	[tilespmem:$0x1FFF0] =	vst v3;
	[dreg:$0x13] =	wrdreg s11;
	s11 =	simm.s32 $0xA00;
	s26 =	sadd.s32 $0x39D000, s6  }
0x1d: {  	v60 =	vor.u32 $0x3900, v0;
	v62 =	vor.u32 $0x3B00, v0;
	v63 =	vor.u32 $0x3C00, v0;
	[tilespmem:$0x1FFB0] =	vst v1;
	s21 =	simm.s32 $0x380;
	[dreg:$0x15] =	wrdreg s26;
	s26 =	simm.s32 $0x2  }
.LBB2_1:
0x1e: {  	s30 =	rddreg [dreg:$0x15];
	s31 =	simm.s32 $0x0  }
.LBB2_2:
0x1f: {  	s1 =	rddreg [dreg:$0x4]  }
0x20: {  	s1 =	sadd.s32 s31, s1  }
0x21: {  	[tilespmem:s2], [sflag:$0x3] =	stream.linear.gather [hbm4b:s1+s2], $0x400, $0x38;
	[tilespmem:$0x9000] =	vst v63  }
0x22: {  	_ =	swait.ge [sflag:s7], $0x400  }
0x23: {  	s6 =	rddreg [dreg:$0x3];
	[sflag:s7] =	ssyncset.done $0x0  }
0x24: {  	s0 =	rddreg [dreg:$0x5];
	[sflag:s7] =	ssyncadd.s32 $0xFFFFFC00;
	s1 =	sadd.s32 s31, s6  }
0x25: {  	[tilespmem:s0], [sflag:$0x3] =	stream.linear.gather [hbm4b:s1+s2], $0x400, $0x38;
	[tilespmem:$0x9000] =	vst v63  }
0x26: {  	_ =	swait.ge [sflag:s7], $0x400  }
0x27: {  	[sflag:s7] =	ssyncset.done $0x0  }
0x28: {  	[sflag:s7] =	ssyncadd.s32 $0xFFFFFC00  }
0x29: {  	v1 =	vld [tilespmem:$0x400]  }
0x2a: {  	v61 =	vmov v52;
	v58 =	vmov v49;
	v55 =	vmov v46;
	v2 =	vld [tilespmem:$0x410]  }
0x2b: {  	v52 =	vmovc v43;
	v49 =	vmovc v40;
	v46 =	vmov v37;
	v43 =	vmov v34;
	v40 =	vmov v31;
	v3 =	vld [tilespmem:$0x420]  }
0x2c: {  	v37 =	vmovc v28;
	v31 =	vmovc v22;
	v22 =	vmov v16;
	v16 =	vmov v10;
	v10 =	vmov v4;
	v4 =	vld [tilespmem:$0x430]  }
0x2d: {  	v34 =	vmovc v25;
	v28 =	vmovc v0;
	v25 =	vmov v19;
	v0 =	vmov v8;
	v8 =	vmov v5;
	v5 =	vld [tilespmem:$0x440]  }
0x2e: {  	v19 =	vmovc v13;
	v13 =	vmovc v7;
	v7 =	vmov v9;
	v9 =	vmov v6;
	v6 =	vld [tilespmem:$0x450];
	v1 =	vshra.s32 v1, $0x4  }
0x2f: {  	[tilespmem:$0x800] =	vst v1;
	v1 =	vshra.s32 v2, $0x4;
	v2 =	vld [tilespmem:$0x460]  }
0x30: {  	[tilespmem:$0x810] =	vst v1;
	v1 =	vshra.s32 v3, $0x4;
	v3 =	vld [tilespmem:$0x470]  }
0x31: {  	[tilespmem:$0x820] =	vst v1;
	v1 =	vshra.s32 v4, $0x4;
	v4 =	vld [tilespmem:$0x480]  }
0x32: {  	[tilespmem:$0x830] =	vst v1;
	v1 =	vshra.s32 v5, $0x4;
	v5 =	vld [tilespmem:$0x490]  }
0x33: {  	[tilespmem:$0x840] =	vst v1;
	v1 =	vshra.s32 v6, $0x4;
	v6 =	vld [tilespmem:$0x4A0]  }
0x34: {  	[tilespmem:$0x850] =	vst v1;
	v1 =	vshra.s32 v2, $0x4;
	v2 =	vld [tilespmem:$0x4B0]  }
0x35: {  	[tilespmem:$0x860] =	vst v1;
	v1 =	vshra.s32 v3, $0x4;
	v3 =	vld [tilespmem:$0x4C0]  }
0x36: {  	[tilespmem:$0x870] =	vst v1;
	v1 =	vshra.s32 v4, $0x4;
	v4 =	vld [tilespmem:$0x4D0]  }
0x37: {  	[tilespmem:$0x880] =	vst v1;
	v1 =	vshra.s32 v5, $0x4;
	v5 =	vld [tilespmem:$0x4E0]  }
0x38: {  	[tilespmem:$0x890] =	vst v1;
	v1 =	vshra.s32 v6, $0x4;
	v6 =	vld [tilespmem:$0x4F0]  }
0x39: {  	[tilespmem:$0x8A0] =	vst v1;
	v1 =	vshra.s32 v2, $0x4;
	v2 =	vld [tilespmem:$0x500]  }
0x3a: {  	[tilespmem:$0x8B0] =	vst v1;
	v1 =	vshra.s32 v3, $0x4;
	v3 =	vld [tilespmem:$0x510]  }
0x3b: {  	[tilespmem:$0x8C0] =	vst v1;
	v1 =	vshra.s32 v4, $0x4;
	v4 =	vld [tilespmem:$0x520]  }
0x3c: {  	[tilespmem:$0x8D0] =	vst v1;
	v1 =	vshra.s32 v5, $0x4;
	v5 =	vld [tilespmem:$0x530]  }
0x3d: {  	[tilespmem:$0x8E0] =	vst v1;
	v1 =	vshra.s32 v6, $0x4;
	v6 =	vld [tilespmem:$0x540]  }
0x3e: {  	[tilespmem:$0x8F0] =	vst v1;
	v1 =	vshra.s32 v2, $0x4;
	v2 =	vld [tilespmem:$0x550]  }
0x3f: {  	[tilespmem:$0x900] =	vst v1;
	v1 =	vshra.s32 v3, $0x4;
	v3 =	vld [tilespmem:$0x560]  }
0x40: {  	[tilespmem:$0x910] =	vst v1;
	v1 =	vshra.s32 v4, $0x4;
	v4 =	vld [tilespmem:$0x570]  }
0x41: {  	[tilespmem:$0x920] =	vst v1;
	v1 =	vshra.s32 v5, $0x4;
	v5 =	vld [tilespmem:$0x580]  }
0x42: {  	[tilespmem:$0x930] =	vst v1;
	v1 =	vshra.s32 v6, $0x4;
	v6 =	vld [tilespmem:$0x590]  }
0x43: {  	[tilespmem:$0x940] =	vst v1;
	v1 =	vshra.s32 v2, $0x4;
	v2 =	vld [tilespmem:$0x5A0]  }
0x44: {  	[tilespmem:$0x950] =	vst v1;
	v1 =	vshra.s32 v3, $0x4;
	v3 =	vld [tilespmem:$0x5B0]  }
0x45: {  	[tilespmem:$0x960] =	vst v1;
	v1 =	vshra.s32 v4, $0x4;
	v4 =	vld [tilespmem:$0x5C0]  }
0x46: {  	[tilespmem:$0x970] =	vst v1;
	v1 =	vshra.s32 v5, $0x4;
	v5 =	vld [tilespmem:$0x5D0]  }
0x47: {  	[tilespmem:$0x980] =	vst v1;
	v1 =	vshra.s32 v6, $0x4;
	v6 =	vld [tilespmem:$0x5E0]  }
0x48: {  	[tilespmem:$0x990] =	vst v1;
	v1 =	vshra.s32 v2, $0x4;
	v2 =	vld [tilespmem:$0x5F0]  }
0x49: {  	[tilespmem:$0x9A0] =	vst v1;
	v1 =	vshra.s32 v3, $0x4;
	v3 =	vld [tilespmem:$0x600]  }
0x4a: {  	[tilespmem:$0x9B0] =	vst v1;
	v1 =	vshra.s32 v4, $0x4;
	v4 =	vld [tilespmem:$0x610]  }
0x4b: {  	[tilespmem:$0x9C0] =	vst v1;
	v1 =	vshra.s32 v5, $0x4;
	v5 =	vld [tilespmem:$0x620]  }
0x4c: {  	[tilespmem:$0x9D0] =	vst v1;
	v1 =	vshra.s32 v6, $0x4;
	v6 =	vld [tilespmem:$0x630]  }
0x4d: {  	[tilespmem:$0x9E0] =	vst v1;
	v1 =	vshra.s32 v2, $0x4;
	v2 =	vld [tilespmem:$0x640]  }
0x4e: {  	[tilespmem:$0x9F0] =	vst v1;
	v1 =	vshra.s32 v3, $0x4;
	v3 =	vld [tilespmem:$0x650]  }
0x4f: {  	[tilespmem:$0xA00] =	vst v1;
	v1 =	vshra.s32 v4, $0x4;
	v4 =	vld [tilespmem:$0x660]  }
0x50: {  	[tilespmem:$0xA10] =	vst v1;
	v1 =	vshra.s32 v5, $0x4;
	v5 =	vld [tilespmem:$0x670]  }
0x51: {  	[tilespmem:$0xA20] =	vst v1;
	v1 =	vshra.s32 v6, $0x4;
	v6 =	vld [tilespmem:$0x680]  }
0x52: {  	[tilespmem:$0xA30] =	vst v1;
	v1 =	vshra.s32 v2, $0x4;
	v2 =	vld [tilespmem:$0x690]  }
0x53: {  	[tilespmem:$0xA40] =	vst v1;
	v1 =	vshra.s32 v3, $0x4;
	v3 =	vld [tilespmem:$0x6A0]  }
0x54: {  	[tilespmem:$0xA50] =	vst v1;
	v1 =	vshra.s32 v4, $0x4;
	v4 =	vld [tilespmem:$0x6B0]  }
0x55: {  	[tilespmem:$0xA60] =	vst v1;
	v1 =	vshra.s32 v5, $0x4;
	v5 =	vld [tilespmem:$0x6C0]  }
0x56: {  	[tilespmem:$0xA70] =	vst v1;
	v1 =	vshra.s32 v6, $0x4;
	v6 =	vld [tilespmem:$0x6D0]  }
0x57: {  	[tilespmem:$0xA80] =	vst v1;
	v1 =	vshra.s32 v2, $0x4;
	v2 =	vld [tilespmem:$0x6E0]  }
0x58: {  	[tilespmem:$0xA90] =	vst v1;
	v1 =	vshra.s32 v3, $0x4;
	v3 =	vld [tilespmem:$0x6F0]  }
0x59: {  	[tilespmem:$0xAA0] =	vst v1;
	v1 =	vshra.s32 v4, $0x4;
	v4 =	vld [tilespmem:$0x700]  }
0x5a: {  	[tilespmem:$0xAB0] =	vst v1;
	v1 =	vshra.s32 v5, $0x4;
	v5 =	vld [tilespmem:$0x710]  }
0x5b: {  	[tilespmem:$0xAC0] =	vst v1;
	v1 =	vshra.s32 v6, $0x4;
	v6 =	vld [tilespmem:$0x720]  }
0x5c: {  	[tilespmem:$0xAD0] =	vst v1;
	v1 =	vshra.s32 v2, $0x4;
	v2 =	vld [tilespmem:$0x730]  }
0x5d: {  	[tilespmem:$0xAE0] =	vst v1;
	v1 =	vshra.s32 v3, $0x4;
	v3 =	vld [tilespmem:$0x740]  }
0x5e: {  	[tilespmem:$0xAF0] =	vst v1;
	v1 =	vshra.s32 v4, $0x4;
	v4 =	vld [tilespmem:$0x750]  }
0x5f: {  	[tilespmem:$0xB00] =	vst v1;
	v1 =	vshra.s32 v5, $0x4;
	v5 =	vld [tilespmem:$0x760]  }
0x60: {  	[tilespmem:$0xB10] =	vst v1;
	v1 =	vshra.s32 v6, $0x4;
	v6 =	vld [tilespmem:$0x770]  }
0x61: {  	[tilespmem:$0xB20] =	vst v1;
	v1 =	vshra.s32 v2, $0x4;
	v2 =	vld [tilespmem:$0x780]  }
0x62: {  	[tilespmem:$0xB30] =	vst v1;
	v1 =	vshra.s32 v3, $0x4;
	v3 =	vld [tilespmem:$0x790]  }
0x63: {  	[tilespmem:$0xB40] =	vst v1;
	v1 =	vshra.s32 v4, $0x4;
	v4 =	vld [tilespmem:$0x7A0]  }
0x64: {  	[tilespmem:$0xB50] =	vst v1;
	v1 =	vshra.s32 v5, $0x4;
	v5 =	vld [tilespmem:$0x7B0]  }
0x65: {  	[tilespmem:$0xB60] =	vst v1;
	v1 =	vshra.s32 v6, $0x4;
	v6 =	vld [tilespmem:$0x7C0]  }
0x66: {  	[tilespmem:$0xB70] =	vst v1;
	v1 =	vshra.s32 v2, $0x4;
	v2 =	vld [tilespmem:$0x7D0]  }
0x67: {  	[tilespmem:$0xB80] =	vst v1;
	v1 =	vshra.s32 v3, $0x4;
	v3 =	vld [tilespmem:$0x7E0]  }
0x68: {  	[tilespmem:$0xB90] =	vst v1;
	v1 =	vshra.s32 v4, $0x4;
	v4 =	vld [tilespmem:$0x7F0]  }
0x69: {  	[tilespmem:$0xBA0] =	vst v1;
	v1 =	vshra.s32 v5, $0x4  }
0x6a: {  	[tilespmem:$0xBB0] =	vst v1;
	v1 =	vshra.s32 v6, $0x4  }
0x6b: {  	[tilespmem:$0xBC0] =	vst v1;
	v1 =	vshra.s32 v2, $0x4  }
0x6c: {  	s1 =	rddreg [dreg:$0x6];
	[tilespmem:$0xBD0] =	vst v1;
	v1 =	vshra.s32 v3, $0x4  }
0x6d: {  	s5 =	rddreg [dreg:$0x7];
	[tilespmem:$0xBE0] =	vst v1;
	v1 =	vshra.s32 v4, $0x4  }
0x6e: {  	s0 =	rddreg [dreg:$0x8];
	[tilespmem:$0xBF0] =	vst v1  }
0x6f: {  	[tilespmem:s9], [sflag:$0x1] =	stream.indirect.gather [hbm4b:s3+s8], $0x10, s2, s8, $0xb8;
	[tilespmem:$0x9000] =	vst v63  }
0x70: {  	s6 =	rddreg [dreg:$0xb]  }
0x71: {  	[tilespmem:s10], [sflag:$0x2] =	stream.indirect.gather [hbm4b:s4+s8], $0x10, s1, s8, $0xb8;
	[tilespmem:$0x9000] =	vst v63  }
0x72: {  	s1 =	rddreg [dreg:$0x9]  }
0x73: {  	[tilespmem:s5], [sflag:$0x1] =	stream.indirect.gather [hbm4b:s3+s8], $0x10, s8, s8, $0xb8;
	[tilespmem:$0x9000] =	vst v63  }
0x74: {  	s5 =	rddreg [dreg:$0xa]  }
0x75: {  	[tilespmem:s1], [sflag:$0x2] =	stream.indirect.gather [hbm4b:s4+s8], $0x10, s0, s8, $0xb8;
	[tilespmem:$0x9000] =	vst v63  }
0x76: {  	s0 =	rddreg [dreg:$0xc]  }
0x77: {  	s1 =	rddreg [dreg:$0xd]  }
0x78: {  	[tilespmem:s6], [sflag:$0x1] =	stream.indirect.gather [hbm4b:s3+s8], $0x10, s5, s8, $0xb8;
	[tilespmem:$0x9000] =	vst v63  }
0x79: {  	s5 =	rddreg [dreg:$0xe]  }
0x7a: {  	s6 =	rddreg [dreg:$0xf]  }
0x7b: {  	[tilespmem:s1], [sflag:$0x2] =	stream.indirect.gather [hbm4b:s4+s8], $0x10, s0, s8, $0xb8;
	[tilespmem:$0x9000] =	vst v63  }
0x7c: {  	s0 =	rddreg [dreg:$0x10]  }
0x7d: {  	s1 =	rddreg [dreg:$0x11]  }
0x7e: {  	[tilespmem:s6], [sflag:$0x1] =	stream.indirect.gather [hbm4b:s3+s8], $0x10, s5, s8, $0xb8;
	[tilespmem:$0x9000] =	vst v63  }
0x7f: {  	s5 =	rddreg [dreg:$0x12]  }
0x80: {  	[tilespmem:s1], [sflag:$0x2] =	stream.indirect.gather [hbm4b:s4+s8], $0x10, s0, s8, $0xb8;
	[tilespmem:$0x9000] =	vst v63  }
0x81: {  	s6 =	rddreg [dreg:$0x13]  }
0x82: {  	[tilespmem:s6], [sflag:$0x1] =	stream.indirect.gather [hbm4b:s3+s8], $0x10, s5, s8, $0xb8;
	[tilespmem:$0x9000] =	vst v63  }
0x83: {  	_ = 	snop  }
0x84: {  	[tilespmem:s12], [sflag:$0x2] =	stream.indirect.gather [hbm4b:s4+s8], $0x10, s11, s8, $0xb8;
	[tilespmem:$0x9000] =	vst v63  }
0x85: {  	_ = 	snop  }
0x86: {  	[tilespmem:s14], [sflag:$0x1] =	stream.indirect.gather [hbm4b:s3+s8], $0x10, s13, s8, $0xb8;
	[tilespmem:$0x9000] =	vst v63  }
0x87: {  	_ = 	snop  }
0x88: {  	[tilespmem:s16], [sflag:$0x2] =	stream.indirect.gather [hbm4b:s4+s8], $0x10, s15, s8, $0xb8;
	[tilespmem:$0x9000] =	vst v63  }
0x89: {  	_ = 	snop  }
0x8a: {  	[tilespmem:s18], [sflag:$0x1] =	stream.indirect.gather [hbm4b:s3+s8], $0x10, s17, s8, $0xb8;
	[tilespmem:$0x9000] =	vst v63  }
0x8b: {  	_ = 	snop  }
0x8c: {  	[tilespmem:s20], [sflag:$0x2] =	stream.indirect.gather [hbm4b:s4+s8], $0x10, s19, s8, $0xb8;
	[tilespmem:$0x9000] =	vst v63  }
0x8d: {  	v5 =	vmov v8;
	v8 =	vmov v0  }
0x8e: {  	v0 =	vmovc v28;
	v28 =	vmovc v37;
	v37 =	vmov v46;
	v46 =	vmov v55;
	v6 =	vmov v9;
	[tilespmem:s22], [sflag:$0x1] =	stream.indirect.gather [hbm4b:s3+s8], $0x10, s21, s8, $0xb8;
	[tilespmem:$0x9000] =	vst v63  }
0x8f: {  	v55 =	vld [tilespmem:$0x1FFE0];
	v9 =	vmovc v7;
	v7 =	vmovc v13;
	v13 =	vmov v19;
	v19 =	vmov v25;
	v25 =	vmov v34  }
0x90: {  	v34 =	vmovc v43;
	v43 =	vmovc v52;
	v52 =	vmov v61;
	v61 =	vld [tilespmem:$0x1FFC0];
	v4 =	vmov v10;
	v10 =	vmov v16;
	[tilespmem:s24], [sflag:$0x2] =	stream.indirect.gather [hbm4b:s4+s8], $0x10, s23, s8, $0xb8  }
0x91: {  	v16 =	vmovc v22;
	v22 =	vmovc v31;
	v31 =	vmov v40;
	v40 =	vmov v49;
	v49 =	vmov v58;
	v58 =	vld [tilespmem:$0x1FFD0];
	_ =	swait.ge [sflag:s25], $0x800  }
0x92: {  	[sflag:s25] =	ssyncset.done $0x0  }
0x93: {  	[sflag:s25] =	ssyncadd.s32 $0xFFFFF800  }
0x94: {  	_ =	swait.ge [sflag:s26], $0x800  }
0x95: {  	[sflag:s26] =	ssyncset.done $0x0  }
0x96: {  	[sflag:s26] =	ssyncadd.s32 $0xFFFFF800  }
0x97: {  	_ =	swait.ge [sflag:s25], $0x800  }
0x98: {  	[sflag:s25] =	ssyncset.done $0x0  }
0x99: {  	[sflag:s25] =	ssyncadd.s32 $0xFFFFF800  }
0x9a: {  	_ =	swait.ge [sflag:s26], $0x800  }
0x9b: {  	[sflag:s26] =	ssyncset.done $0x0  }
0x9c: {  	[sflag:s26] =	ssyncadd.s32 $0xFFFFF800  }
0x9d: {  	_ =	swait.ge [sflag:s25], $0x800  }
0x9e: {  	[sflag:s25] =	ssyncset.done $0x0  }
0x9f: {  	[sflag:s25] =	ssyncadd.s32 $0xFFFFF800  }
0xa0: {  	_ =	swait.ge [sflag:s26], $0x800  }
0xa1: {  	[sflag:s26] =	ssyncset.done $0x0  }
0xa2: {  	[sflag:s26] =	ssyncadd.s32 $0xFFFFF800  }
0xa3: {  	_ =	swait.ge [sflag:s25], $0x800  }
0xa4: {  	[sflag:s25] =	ssyncset.done $0x0  }
0xa5: {  	[sflag:s25] =	ssyncadd.s32 $0xFFFFF800  }
0xa6: {  	_ =	swait.ge [sflag:s26], $0x800  }
0xa7: {  	[sflag:s26] =	ssyncset.done $0x0  }
0xa8: {  	[sflag:s26] =	ssyncadd.s32 $0xFFFFF800  }
0xa9: {  	_ =	swait.ge [sflag:s25], $0x800  }
0xaa: {  	[sflag:s25] =	ssyncset.done $0x0  }
0xab: {  	[sflag:s25] =	ssyncadd.s32 $0xFFFFF800  }
0xac: {  	_ =	swait.ge [sflag:s26], $0x800  }
0xad: {  	[sflag:s26] =	ssyncset.done $0x0  }
0xae: {  	[sflag:s26] =	ssyncadd.s32 $0xFFFFF800  }
0xaf: {  	_ =	swait.ge [sflag:s25], $0x800  }
0xb0: {  	[sflag:s25] =	ssyncset.done $0x0  }
0xb1: {  	[sflag:s25] =	ssyncadd.s32 $0xFFFFF800  }
0xb2: {  	_ =	swait.ge [sflag:s26], $0x800  }
0xb3: {  	[sflag:s26] =	ssyncset.done $0x0  }
0xb4: {  	[sflag:s26] =	ssyncadd.s32 $0xFFFFF800  }
0xb5: {  	_ =	swait.ge [sflag:s25], $0x800  }
0xb6: {  	[sflag:s25] =	ssyncset.done $0x0  }
0xb7: {  	[sflag:s25] =	ssyncadd.s32 $0xFFFFF800  }
0xb8: {  	_ =	swait.ge [sflag:s26], $0x800  }
0xb9: {  	[sflag:s26] =	ssyncset.done $0x0  }
0xba: {  	[sflag:s26] =	ssyncadd.s32 $0xFFFFF800  }
0xbb: {  	_ =	swait.ge [sflag:s25], $0x800  }
0xbc: {  	[sflag:s25] =	ssyncset.done $0x0  }
0xbd: {  	[sflag:s25] =	ssyncadd.s32 $0xFFFFF800  }
0xbe: {  	_ =	swait.ge [sflag:s26], $0x800  }
0xbf: {  	[sflag:s26] =	ssyncset.done $0x0  }
0xc0: {  	[sflag:s26] =	ssyncadd.s32 $0xFFFFF800  }
0xc1: {  	[hbm4b:s30+s2] =	stream.linear.scatter [tilespmem:s9], [sflag:$0x3], $0x4000, $0x38;
	[tilespmem:$0x9000] =	vst v63  }
0xc2: {  	_ =	swait.ge [sflag:s7], $0x4000  }
0xc3: {  	[sflag:s7] =	ssyncset.done $0x0  }
0xc4: {  	[sflag:s7] =	ssyncadd.s32 $0xFFFFC000  }
0xc5: {  	v1 =	vld [tilespmem:$0x400];
	_ =	sdelay $0x4  }
0xc6: {  	v1 =	vand.u32 $0xF, v1  }
0xc7: {  	v2 =	vld [tilespmem:$0x410];
	v1 =	vor.u32 v0, v1;
	_ =	sdelay $0x4  }
0xc8: {  	v2 =	vand.u32 $0xF, v2;
	v1 =	vld.idx.msk [tilespmem:v1+s10+$0x0], $0xffff  }
0xc9: {  	v3 =	vld [tilespmem:$0x420];
	v2 =	vor.u32 v4, v2;
	_ =	sdelay $0x3  }
0xca: {  	[tilespmem:$0x8C00] =	vst v1  }
0xcb: {  	v1 =	vld.idx.msk [tilespmem:v2+s10+$0x0], $0xffff;
	v2 =	vand.u32 $0xF, v3  }
0xcc: {  	v3 =	vld [tilespmem:$0x430];
	v2 =	vor.u32 v5, v2;
	_ =	sdelay $0x3  }
0xcd: {  	[tilespmem:$0x8C10] =	vst v1  }
0xce: {  	v1 =	vld.idx.msk [tilespmem:v2+s10+$0x0], $0xffff;
	v2 =	vand.u32 $0xF, v3  }
0xcf: {  	v3 =	vld [tilespmem:$0x440];
	v2 =	vor.u32 v6, v2;
	_ =	sdelay $0x3  }
0xd0: {  	[tilespmem:$0x8C20] =	vst v1  }
0xd1: {  	v1 =	vld.idx.msk [tilespmem:v2+s10+$0x0], $0xffff;
	v2 =	vand.u32 $0xF, v3  }
0xd2: {  	v3 =	vld [tilespmem:$0x450];
	v2 =	vor.u32 v7, v2;
	_ =	sdelay $0x3  }
0xd3: {  	[tilespmem:$0x8C30] =	vst v1  }
0xd4: {  	v1 =	vld.idx.msk [tilespmem:v2+s10+$0x0], $0xffff;
	v2 =	vand.u32 $0xF, v3  }
0xd5: {  	v3 =	vld [tilespmem:$0x460];
	v2 =	vor.u32 v8, v2;
	_ =	sdelay $0x3  }
0xd6: {  	[tilespmem:$0x8C40] =	vst v1  }
0xd7: {  	v1 =	vld.idx.msk [tilespmem:v2+s10+$0x0], $0xffff;
	v2 =	vand.u32 $0xF, v3  }
0xd8: {  	v3 =	vld [tilespmem:$0x470];
	v2 =	vor.u32 v9, v2;
	_ =	sdelay $0x3  }
0xd9: {  	[tilespmem:$0x8C50] =	vst v1  }
0xda: {  	v1 =	vld.idx.msk [tilespmem:v2+s10+$0x0], $0xffff;
	v2 =	vand.u32 $0xF, v3  }
0xdb: {  	v3 =	vld [tilespmem:$0x480];
	v2 =	vor.u32 v10, v2;
	_ =	sdelay $0x3  }
0xdc: {  	[tilespmem:$0x8C60] =	vst v1  }
0xdd: {  	v1 =	vld.idx.msk [tilespmem:v2+s10+$0x0], $0xffff;
	v2 =	vand.u32 $0xF, v3  }
0xde: {  	v3 =	vld [tilespmem:$0x490];
	v2 =	vor.u32 v11, v2;
	_ =	sdelay $0x3  }
0xdf: {  	[tilespmem:$0x8C70] =	vst v1  }
0xe0: {  	v1 =	vld.idx.msk [tilespmem:v2+s10+$0x0], $0xffff;
	v2 =	vand.u32 $0xF, v3  }
0xe1: {  	v3 =	vld [tilespmem:$0x4A0];
	v2 =	vor.u32 v12, v2;
	_ =	sdelay $0x3  }
0xe2: {  	[tilespmem:$0x8C80] =	vst v1  }
0xe3: {  	v1 =	vld.idx.msk [tilespmem:v2+s10+$0x0], $0xffff;
	v2 =	vand.u32 $0xF, v3  }
0xe4: {  	v3 =	vld [tilespmem:$0x4B0];
	v2 =	vor.u32 v13, v2;
	_ =	sdelay $0x3  }
0xe5: {  	[tilespmem:$0x8C90] =	vst v1  }
0xe6: {  	v1 =	vld.idx.msk [tilespmem:v2+s10+$0x0], $0xffff;
	v2 =	vand.u32 $0xF, v3  }
0xe7: {  	v3 =	vld [tilespmem:$0x4C0];
	v2 =	vor.u32 v14, v2;
	_ =	sdelay $0x3  }
0xe8: {  	[tilespmem:$0x8CA0] =	vst v1  }
0xe9: {  	v1 =	vld.idx.msk [tilespmem:v2+s10+$0x0], $0xffff;
	v2 =	vand.u32 $0xF, v3  }
0xea: {  	v3 =	vld [tilespmem:$0x4D0];
	v2 =	vor.u32 v15, v2;
	_ =	sdelay $0x3  }
0xeb: {  	[tilespmem:$0x8CB0] =	vst v1  }
0xec: {  	v1 =	vld.idx.msk [tilespmem:v2+s10+$0x0], $0xffff;
	v2 =	vand.u32 $0xF, v3  }
0xed: {  	v3 =	vld [tilespmem:$0x4E0];
	v2 =	vor.u32 v16, v2;
	_ =	sdelay $0x3  }
0xee: {  	[tilespmem:$0x8CC0] =	vst v1  }
0xef: {  	v1 =	vld.idx.msk [tilespmem:v2+s10+$0x0], $0xffff;
	v2 =	vand.u32 $0xF, v3  }
0xf0: {  	v3 =	vld [tilespmem:$0x4F0];
	v2 =	vor.u32 v17, v2;
	_ =	sdelay $0x3  }
0xf1: {  	[tilespmem:$0x8CD0] =	vst v1  }
0xf2: {  	v1 =	vld.idx.msk [tilespmem:v2+s10+$0x0], $0xffff;
	v2 =	vand.u32 $0xF, v3  }
0xf3: {  	v3 =	vld [tilespmem:$0x500];
	v2 =	vor.u32 v18, v2;
	_ =	sdelay $0x3  }
0xf4: {  	[tilespmem:$0x8CE0] =	vst v1  }
0xf5: {  	v1 =	vld.idx.msk [tilespmem:v2+s10+$0x0], $0xffff;
	v2 =	vand.u32 $0xF, v3  }
0xf6: {  	v3 =	vld [tilespmem:$0x510];
	v2 =	vor.u32 v19, v2;
	_ =	sdelay $0x3  }
0xf7: {  	[tilespmem:$0x8CF0] =	vst v1  }
0xf8: {  	v1 =	vld.idx.msk [tilespmem:v2+s10+$0x0], $0xffff;
	v2 =	vand.u32 $0xF, v3  }
0xf9: {  	v3 =	vld [tilespmem:$0x520];
	v2 =	vor.u32 v20, v2;
	_ =	sdelay $0x3  }
0xfa: {  	[tilespmem:$0x8D00] =	vst v1  }
0xfb: {  	v1 =	vld.idx.msk [tilespmem:v2+s10+$0x0], $0xffff;
	v2 =	vand.u32 $0xF, v3  }
0xfc: {  	v3 =	vld [tilespmem:$0x530];
	v2 =	vor.u32 v21, v2;
	_ =	sdelay $0x3  }
0xfd: {  	[tilespmem:$0x8D10] =	vst v1  }
0xfe: {  	v1 =	vld.idx.msk [tilespmem:v2+s10+$0x0], $0xffff;
	v2 =	vand.u32 $0xF, v3  }
0xff: {  	v3 =	vld [tilespmem:$0x540];
	v2 =	vor.u32 v22, v2;
	_ =	sdelay $0x3  }
0x100: {  	[tilespmem:$0x8D20] =	vst v1  }
0x101: {  	v1 =	vld.idx.msk [tilespmem:v2+s10+$0x0], $0xffff;
	v2 =	vand.u32 $0xF, v3  }
0x102: {  	v3 =	vld [tilespmem:$0x550];
	v2 =	vor.u32 v23, v2;
	_ =	sdelay $0x3  }
0x103: {  	[tilespmem:$0x8D30] =	vst v1  }
0x104: {  	v1 =	vld.idx.msk [tilespmem:v2+s10+$0x0], $0xffff;
	v2 =	vand.u32 $0xF, v3  }
0x105: {  	v3 =	vld [tilespmem:$0x560];
	v2 =	vor.u32 v24, v2;
	_ =	sdelay $0x3  }
0x106: {  	[tilespmem:$0x8D40] =	vst v1  }
0x107: {  	v1 =	vld.idx.msk [tilespmem:v2+s10+$0x0], $0xffff;
	v2 =	vand.u32 $0xF, v3  }
0x108: {  	v3 =	vld [tilespmem:$0x570];
	v2 =	vor.u32 v25, v2;
	_ =	sdelay $0x3  }
0x109: {  	[tilespmem:$0x8D50] =	vst v1  }
0x10a: {  	v1 =	vld.idx.msk [tilespmem:v2+s10+$0x0], $0xffff;
	v2 =	vand.u32 $0xF, v3  }
0x10b: {  	v3 =	vld [tilespmem:$0x580];
	v2 =	vor.u32 v26, v2;
	_ =	sdelay $0x3  }
0x10c: {  	[tilespmem:$0x8D60] =	vst v1  }
0x10d: {  	v1 =	vld.idx.msk [tilespmem:v2+s10+$0x0], $0xffff;
	v2 =	vand.u32 $0xF, v3  }
0x10e: {  	v3 =	vld [tilespmem:$0x590];
	v2 =	vor.u32 v27, v2;
	_ =	sdelay $0x3  }
0x10f: {  	[tilespmem:$0x8D70] =	vst v1  }
0x110: {  	v1 =	vld.idx.msk [tilespmem:v2+s10+$0x0], $0xffff;
	v2 =	vand.u32 $0xF, v3  }
0x111: {  	v3 =	vld [tilespmem:$0x5A0];
	v2 =	vor.u32 v28, v2;
	_ =	sdelay $0x3  }
0x112: {  	[tilespmem:$0x8D80] =	vst v1  }
0x113: {  	v1 =	vld.idx.msk [tilespmem:v2+s10+$0x0], $0xffff;
	v2 =	vand.u32 $0xF, v3  }
0x114: {  	v3 =	vld [tilespmem:$0x5B0];
	v2 =	vor.u32 v29, v2;
	_ =	sdelay $0x3  }
0x115: {  	[tilespmem:$0x8D90] =	vst v1  }
0x116: {  	v1 =	vld.idx.msk [tilespmem:v2+s10+$0x0], $0xffff;
	v2 =	vand.u32 $0xF, v3  }
0x117: {  	v3 =	vld [tilespmem:$0x5C0];
	v2 =	vor.u32 v30, v2;
	_ =	sdelay $0x3  }
0x118: {  	[tilespmem:$0x8DA0] =	vst v1  }
0x119: {  	v1 =	vld.idx.msk [tilespmem:v2+s10+$0x0], $0xffff;
	v2 =	vand.u32 $0xF, v3  }
0x11a: {  	v3 =	vld [tilespmem:$0x5D0];
	v2 =	vor.u32 v31, v2;
	_ =	sdelay $0x3  }
0x11b: {  	[tilespmem:$0x8DB0] =	vst v1  }
0x11c: {  	v1 =	vld.idx.msk [tilespmem:v2+s10+$0x0], $0xffff;
	v2 =	vand.u32 $0xF, v3  }
0x11d: {  	v3 =	vld [tilespmem:$0x5E0];
	v2 =	vor.u32 v32, v2;
	_ =	sdelay $0x3  }
0x11e: {  	[tilespmem:$0x8DC0] =	vst v1  }
0x11f: {  	v1 =	vld.idx.msk [tilespmem:v2+s10+$0x0], $0xffff;
	v2 =	vand.u32 $0xF, v3  }
0x120: {  	v3 =	vld [tilespmem:$0x5F0];
	v2 =	vor.u32 v33, v2;
	_ =	sdelay $0x3  }
0x121: {  	[tilespmem:$0x8DD0] =	vst v1  }
0x122: {  	v1 =	vld.idx.msk [tilespmem:v2+s10+$0x0], $0xffff;
	v2 =	vand.u32 $0xF, v3  }
0x123: {  	v3 =	vld [tilespmem:$0x600];
	v2 =	vor.u32 v34, v2;
	_ =	sdelay $0x3  }
0x124: {  	[tilespmem:$0x8DE0] =	vst v1  }
0x125: {  	v1 =	vld.idx.msk [tilespmem:v2+s10+$0x0], $0xffff;
	v2 =	vand.u32 $0xF, v3  }
0x126: {  	v3 =	vld [tilespmem:$0x610];
	v2 =	vor.u32 v35, v2;
	_ =	sdelay $0x3  }
0x127: {  	[tilespmem:$0x8DF0] =	vst v1  }
0x128: {  	v1 =	vld.idx.msk [tilespmem:v2+s10+$0x0], $0xffff;
	v2 =	vand.u32 $0xF, v3  }
0x129: {  	v3 =	vld [tilespmem:$0x620];
	v2 =	vor.u32 v36, v2;
	_ =	sdelay $0x3  }
0x12a: {  	[tilespmem:$0x8E00] =	vst v1  }
0x12b: {  	v1 =	vld.idx.msk [tilespmem:v2+s10+$0x0], $0xffff;
	v2 =	vand.u32 $0xF, v3  }
0x12c: {  	v3 =	vld [tilespmem:$0x630];
	v2 =	vor.u32 v37, v2;
	_ =	sdelay $0x3  }
0x12d: {  	[tilespmem:$0x8E10] =	vst v1  }
0x12e: {  	v1 =	vld.idx.msk [tilespmem:v2+s10+$0x0], $0xffff;
	v2 =	vand.u32 $0xF, v3  }
0x12f: {  	v3 =	vld [tilespmem:$0x640];
	v2 =	vor.u32 v38, v2;
	_ =	sdelay $0x3  }
0x130: {  	[tilespmem:$0x8E20] =	vst v1  }
0x131: {  	v1 =	vld.idx.msk [tilespmem:v2+s10+$0x0], $0xffff;
	v2 =	vand.u32 $0xF, v3  }
0x132: {  	v3 =	vld [tilespmem:$0x650];
	v2 =	vor.u32 v39, v2;
	_ =	sdelay $0x3  }
0x133: {  	[tilespmem:$0x8E30] =	vst v1  }
0x134: {  	v1 =	vld.idx.msk [tilespmem:v2+s10+$0x0], $0xffff;
	v2 =	vand.u32 $0xF, v3  }
0x135: {  	v3 =	vld [tilespmem:$0x660];
	v2 =	vor.u32 v40, v2;
	_ =	sdelay $0x3  }
0x136: {  	[tilespmem:$0x8E40] =	vst v1  }
0x137: {  	v1 =	vld.idx.msk [tilespmem:v2+s10+$0x0], $0xffff;
	v2 =	vand.u32 $0xF, v3  }
0x138: {  	v3 =	vld [tilespmem:$0x670];
	v2 =	vor.u32 v41, v2;
	_ =	sdelay $0x3  }
0x139: {  	[tilespmem:$0x8E50] =	vst v1  }
0x13a: {  	v1 =	vld.idx.msk [tilespmem:v2+s10+$0x0], $0xffff;
	v2 =	vand.u32 $0xF, v3  }
0x13b: {  	v3 =	vld [tilespmem:$0x680];
	v2 =	vor.u32 v42, v2;
	_ =	sdelay $0x3  }
0x13c: {  	[tilespmem:$0x8E60] =	vst v1  }
0x13d: {  	v1 =	vld.idx.msk [tilespmem:v2+s10+$0x0], $0xffff;
	v2 =	vand.u32 $0xF, v3  }
0x13e: {  	v3 =	vld [tilespmem:$0x690];
	v2 =	vor.u32 v43, v2;
	_ =	sdelay $0x3  }
0x13f: {  	[tilespmem:$0x8E70] =	vst v1  }
0x140: {  	v1 =	vld.idx.msk [tilespmem:v2+s10+$0x0], $0xffff;
	v2 =	vand.u32 $0xF, v3  }
0x141: {  	v3 =	vld [tilespmem:$0x6A0];
	v2 =	vor.u32 v44, v2;
	_ =	sdelay $0x3  }
0x142: {  	[tilespmem:$0x8E80] =	vst v1  }
0x143: {  	v1 =	vld.idx.msk [tilespmem:v2+s10+$0x0], $0xffff;
	v2 =	vand.u32 $0xF, v3  }
0x144: {  	v3 =	vld [tilespmem:$0x6B0];
	v2 =	vor.u32 v45, v2;
	_ =	sdelay $0x3  }
0x145: {  	[tilespmem:$0x8E90] =	vst v1  }
0x146: {  	v1 =	vld.idx.msk [tilespmem:v2+s10+$0x0], $0xffff;
	v2 =	vand.u32 $0xF, v3  }
0x147: {  	v3 =	vld [tilespmem:$0x6C0];
	v2 =	vor.u32 v46, v2;
	_ =	sdelay $0x3  }
0x148: {  	[tilespmem:$0x8EA0] =	vst v1  }
0x149: {  	v1 =	vld.idx.msk [tilespmem:v2+s10+$0x0], $0xffff;
	v2 =	vand.u32 $0xF, v3  }
0x14a: {  	v3 =	vld [tilespmem:$0x6D0];
	v2 =	vor.u32 v47, v2;
	_ =	sdelay $0x3  }
0x14b: {  	[tilespmem:$0x8EB0] =	vst v1  }
0x14c: {  	v1 =	vld.idx.msk [tilespmem:v2+s10+$0x0], $0xffff;
	v2 =	vand.u32 $0xF, v3  }
0x14d: {  	v3 =	vld [tilespmem:$0x6E0];
	v2 =	vor.u32 v48, v2;
	_ =	sdelay $0x3  }
0x14e: {  	[tilespmem:$0x8EC0] =	vst v1  }
0x14f: {  	v1 =	vld.idx.msk [tilespmem:v2+s10+$0x0], $0xffff;
	v2 =	vand.u32 $0xF, v3  }
0x150: {  	v3 =	vld [tilespmem:$0x6F0];
	v2 =	vor.u32 v49, v2;
	_ =	sdelay $0x3  }
0x151: {  	[tilespmem:$0x8ED0] =	vst v1  }
0x152: {  	v1 =	vld.idx.msk [tilespmem:v2+s10+$0x0], $0xffff;
	v2 =	vand.u32 $0xF, v3  }
0x153: {  	v3 =	vld [tilespmem:$0x700];
	v2 =	vor.u32 v50, v2;
	_ =	sdelay $0x3  }
0x154: {  	[tilespmem:$0x8EE0] =	vst v1  }
0x155: {  	v1 =	vld.idx.msk [tilespmem:v2+s10+$0x0], $0xffff;
	v2 =	vand.u32 $0xF, v3  }
0x156: {  	v3 =	vld [tilespmem:$0x710];
	v2 =	vor.u32 v51, v2;
	_ =	sdelay $0x3  }
0x157: {  	[tilespmem:$0x8EF0] =	vst v1  }
0x158: {  	v1 =	vld.idx.msk [tilespmem:v2+s10+$0x0], $0xffff;
	v2 =	vand.u32 $0xF, v3  }
0x159: {  	v3 =	vld [tilespmem:$0x720];
	v2 =	vor.u32 v52, v2;
	_ =	sdelay $0x3  }
0x15a: {  	[tilespmem:$0x8F00] =	vst v1  }
0x15b: {  	v1 =	vld.idx.msk [tilespmem:v2+s10+$0x0], $0xffff;
	v2 =	vand.u32 $0xF, v3  }
0x15c: {  	v3 =	vld [tilespmem:$0x730];
	v2 =	vor.u32 v53, v2;
	_ =	sdelay $0x3  }
0x15d: {  	[tilespmem:$0x8F10] =	vst v1  }
0x15e: {  	v1 =	vld.idx.msk [tilespmem:v2+s10+$0x0], $0xffff;
	v2 =	vand.u32 $0xF, v3  }
0x15f: {  	v3 =	vld [tilespmem:$0x740];
	v2 =	vor.u32 v54, v2;
	_ =	sdelay $0x3  }
0x160: {  	[tilespmem:$0x8F20] =	vst v1  }
0x161: {  	v1 =	vld.idx.msk [tilespmem:v2+s10+$0x0], $0xffff;
	v2 =	vand.u32 $0xF, v3  }
0x162: {  	v3 =	vld [tilespmem:$0x750];
	v2 =	vor.u32 v55, v2;
	_ =	sdelay $0x3  }
0x163: {  	[tilespmem:$0x8F30] =	vst v1  }
0x164: {  	v1 =	vld.idx.msk [tilespmem:v2+s10+$0x0], $0xffff;
	v2 =	vand.u32 $0xF, v3  }
0x165: {  	v3 =	vld [tilespmem:$0x760];
	v2 =	vor.u32 v56, v2;
	_ =	sdelay $0x3  }
0x166: {  	[tilespmem:$0x8F40] =	vst v1  }
0x167: {  	v1 =	vld.idx.msk [tilespmem:v2+s10+$0x0], $0xffff;
	v2 =	vand.u32 $0xF, v3  }
0x168: {  	v3 =	vld [tilespmem:$0x770];
	v2 =	vor.u32 v57, v2;
	_ =	sdelay $0x3  }
0x169: {  	[tilespmem:$0x8F50] =	vst v1  }
0x16a: {  	v1 =	vld.idx.msk [tilespmem:v2+s10+$0x0], $0xffff;
	v2 =	vand.u32 $0xF, v3  }
0x16b: {  	v3 =	vld [tilespmem:$0x780];
	v2 =	vor.u32 v58, v2;
	_ =	sdelay $0x3  }
0x16c: {  	[tilespmem:$0x8F60] =	vst v1  }
0x16d: {  	v1 =	vld.idx.msk [tilespmem:v2+s10+$0x0], $0xffff;
	v2 =	vand.u32 $0xF, v3  }
0x16e: {  	v3 =	vld [tilespmem:$0x790];
	v2 =	vor.u32 v59, v2;
	_ =	sdelay $0x3  }
0x16f: {  	[tilespmem:$0x8F70] =	vst v1  }
0x170: {  	v1 =	vld.idx.msk [tilespmem:v2+s10+$0x0], $0xffff;
	v2 =	vand.u32 $0xF, v3  }
0x171: {  	v3 =	vld [tilespmem:$0x7A0];
	v2 =	vor.u32 v60, v2;
	_ =	sdelay $0x3  }
0x172: {  	[tilespmem:$0x8F80] =	vst v1  }
0x173: {  	v1 =	vld.idx.msk [tilespmem:v2+s10+$0x0], $0xffff;
	v2 =	vand.u32 $0xF, v3  }
0x174: {  	v3 =	vld [tilespmem:$0x7B0];
	v2 =	vor.u32 v61, v2;
	_ =	sdelay $0x3  }
0x175: {  	[tilespmem:$0x8F90] =	vst v1  }
0x176: {  	v1 =	vld.idx.msk [tilespmem:v2+s10+$0x0], $0xffff;
	v2 =	vand.u32 $0xF, v3  }
0x177: {  	v3 =	vld [tilespmem:$0x7C0];
	v2 =	vor.u32 v62, v2;
	_ =	sdelay $0x3  }
0x178: {  	[tilespmem:$0x8FA0] =	vst v1  }
0x179: {  	v1 =	vld.idx.msk [tilespmem:v2+s10+$0x0], $0xffff;
	v2 =	vand.u32 $0xF, v3  }
0x17a: {  	v2 =	vor.u32 v63, v2  }
0x17b: {  	v3 =	vld [tilespmem:$0x7D0];
	_ =	sdelay $0x2  }
0x17c: {  	[tilespmem:$0x8FB0] =	vst v1  }
0x17d: {  	v1 =	vld.idx.msk [tilespmem:v2+s10+$0x0], $0xffff  }
0x17e: {  	v2 =	vand.u32 $0xF, v3;
	v3 =	vld [tilespmem:$0x1FFA0];
	_ =	sdelay $0x4  }
0x17f: {  	v2 =	vor.u32 v3, v2  }
0x180: {  	v3 =	vld [tilespmem:$0x7E0];
	_ =	sdelay $0x2  }
0x181: {  	[tilespmem:$0x8FC0] =	vst v1  }
0x182: {  	v1 =	vld.idx.msk [tilespmem:v2+s10+$0x0], $0xffff  }
0x183: {  	v2 =	vand.u32 $0xF, v3;
	v3 =	vld [tilespmem:$0x1FFB0];
	_ =	sdelay $0x4  }
0x184: {  	v2 =	vor.u32 v3, v2  }
0x185: {  	v3 =	vld [tilespmem:$0x7F0];
	_ =	sdelay $0x2  }
0x186: {  	[tilespmem:$0x8FD0] =	vst v1  }
0x187: {  	v1 =	vld.idx.msk [tilespmem:v2+s10+$0x0], $0xffff  }
0x188: {  	v2 =	vand.u32 $0xF, v3;
	v3 =	vld [tilespmem:$0x1FFF0];
	_ =	sdelay $0x4  }
0x189: {  	v2 =	vor.u32 v3, v2;
	_ =	sdelay $0x3  }
0x18a: {  	[tilespmem:$0x8FE0] =	vst v1  }
0x18b: {  	v1 =	vld.idx.msk [tilespmem:v2+s10+$0x0], $0xffff;
	_ =	sdelay $0x3  }
0x18c: {  	p0 =	sne.s32 s31, $0x200;
	s6 =	rddreg [dreg:$0x2]  }
.Ltmp0:
0x18d: {  	s0 =	sadd.s32 s31, s6;
	[tilespmem:$0x8FF0] =	vst v1;
	(pc) =	sbr.rel @p0 .LBB2_2-.Ltmp0, $4  }
0x18e: {  	[hbm4b:s0+s2] =	stream.linear.scatter [tilespmem:s28], [sflag:$0x3], $0x400, $0x38;
	[tilespmem:$0x9000] =	vst v63  }
0x18f: {  	_ =	swait.ge [sflag:s7], $0x400  }
0x190: {  	[sflag:s7] =	ssyncset.done $0x0  }
0x191: {  	s30 =	sadd.s32 $0x800, s30;
	s31 =	sadd.s32 $0x80, s31;
	[sflag:s7] =	ssyncadd.s32 $0xFFFFFC00  }
0x192: {  	s29 =	sadd.s32 $0x1, s29;
	s0 =	rddreg [dreg:$0x14]  }
0x193: {  	p0 =	sne.s32 s29, s0  }
.Ltmp1:
0x194: {  	_ = 	snop;
	(pc) =	sbr.rel @p0 .LBB2_1-.Ltmp1, $1  }
0x195: {  	_ =	sdelay $0x3  }
0x196: {  	_ =	sfence.sel $0x180000  }
0x197: {  	[bflag:$0x0] =	sbarrier.arrive $0xFFFF  }
0x198: {  	_ =	strace $0x90000047  }
0x199: {  	s0 =	stileid.u32;
	[bflag:$0x2] =	sbarrier.arrive $0xFFFF  }
0x19a: {  	p0 =	sne.s32 s0, $0x0;
	s0 =	rddreg [dreg:$0x1]  }
0x19b: {  	s0 =	sadd.s32 @!p0 $0x100000, s0  }
0x19c: {  	[sflag:s0] =	ssyncadd.tile.s32 @!p0 $0x1;
	_ =	shalt  }
.Lfunc_end2:
_tile_overlayer_lowered:
.L_overlay_start_2:
0x19d: {  	(tag) =	ssettag $0x2  }
0x19e: {  	s0 =	rddreg [dreg:$0x0];
	s2 =	stileid.u32  }
0x19f: {  	s1 =	rddreg [dreg:$0x1];
	p0 =	sne.s32 s2, $0x0  }
0x1a0: {  	s3 =	rddreg [dreg:$0x2];
	[bflag:$0x3] =	sbarrier.arrive $0xFFFF;
	s2 =	simm.s32 @!p0 $0x1C03  }
0x1a1: {  	[timem:s3], [sflag:s2] =	dma.local @!p0 [hbm:s0], s1  }
0x1a2: {  	s0 =	simm.s32 @!p0 $0x3  }
0x1a3: {  	_ =	swait.ge @!p0 [sflag:s0], s1  }
0x1a4: {  	s1 =	ssub.s32 @!p0 $0x0, s1;
	[sflag:s0] =	ssyncset.done @!p0 $0x0  }
0x1a5: {  	[sflag:s0] =	ssyncadd.s32 @!p0 s1  }
0x1a6: {  	[bflag:$0x3] =	sbarrier.arrive $0xFFFF  }
0x1a7: {  	_ =	shalt  }

// kernel: kernel.8.cloned.1.call-start
scs
__scs_entry_jumppad:
0x0: {  	(pc) =	sbr.rel $0x88, $3  }
0x1: {  	(tag) =	ssettag $0x0;
	lr =	simm.s32 $0x1  }
0x2: {  	[smem:$0x3F96] =	sst lr;
	_ =	strace $0xD0000000  }
0x3: {  	_ = 	snop  }
0x4: {  	_ = 	snop  }
0x5: {  	_ = 	snop  }
0x6: {  	_ = 	snop  }
0x7: {  	_ = 	snop  }
__scs_overlays_trampoline_lowered:
0x8: {  	[smem:$0x3FA5] =	sst s0  }
0x9: {  	[smem:$0x3FA6] =	sst s1  }
0xa: {  	[smem:$0x3FA7] =	sst s2  }
0xb: {  	[smem:$0x3FA8] =	sst s3  }
0xc: {  	[smem:$0x3FA9] =	sst s4  }
0xd: {  	[smem:$0x3FAA] =	sst s5  }
0xe: {  	[smem:$0x3FAB] =	sst s6  }
0xf: {  	[smem:$0x3FAC] =	sst s7  }
0x10: {  	[smem:$0x3FAD] =	sst s8  }
0x11: {  	[smem:$0x3FAE] =	sst s9;
	s0 =	simm.s32 @!p0 $0x0  }
0x12: {  	s1 =	sld [smem:$0x3F94];
	s0 =	simm.s32 @p0 $0x1  }
0x13: {  	[smem:$0x3FAF] =	sst s0;
	s0 =	simm.s32 @!p1 $0x0  }
0x14: {  	s2 =	sld [smem:$0x3F93];
	s0 =	simm.s32 @p1 $0x1  }
0x15: {  	[smem:$0x3FB0] =	sst s0;
	s0 =	simm.s32 @!p2 $0x0  }
0x16: {  	s3 =	sld [smem:$0x3FDB];
	s0 =	simm.s32 @p2 $0x1  }
0x17: {  	s4 =	simm.s32 $0x1BF5;
	[smem:$0x3FB2] =	sst s0  }
0x18: {  	s0 =	sld [smem:$0x3F95];
	_ =	swait.ge [sflag:s4], $0x0  }
0x19: {  	s7 =	sld [smem:$0x3F96]  }
0x1a: {  	s8 =	sadd.s32 $0xFFFFE003, lr  }
0x1b: {  	s9 =	sadd.s32 $0xFFFFFEF7, lr;
	s5 =	simm.s32 $0xFFFFFFFF;
	p2 =	slt.u32 s8, $0xFFFFF086  }
0x1c: {  	p1 =	slt.u32 s9, $0xF7A;
	s5 =	simm.s32 @!p2 $0x0  }
0x1d: {  	s5 =	simm.s32 @p1 $0x1;
	p0 =	seq.s32 s7, s2  }
0x1e: {  	s7 =	smul.u32 @!p0 $0xF7A, s2;
	p2 =	seq.s32 @!p0 s5, $0x0  }
0x1f: {  	s9 =	smul.u32 $0xF7A, s1;
	s8 =	simm.s32 @!p0 $0x1BF5;
	p2 =	por !p2, p0  }
0x20: {  	[sflag:s8] =	ssyncset.s32 @!p0 $0xFFFFF086;
	s6 =	sadd.s32 @!p0 s3, s7;
	s7 =	simm.s32 @!p0 $0x108  }
0x21: {  	s3 =	sadd.s32 s3, s9;
	s6 =	sadd.s32 @!p0 $0x88, s6;
	s7 =	simm.s32 @p2 $0x1082  }
0x22: {  	[simem:s7], [sflag:s8] =	dma.local @!p0 [hbm:s6], $0xF7A  }
0x23: {  	s9 =	sor.u32 $0xD0000000, s2;
	s6 =	simm.s32 $0x108;
	_ =	swait.ge @!p0 [sflag:s8], $0x0  }
0x24: {  	s3 =	sadd.s32 $0x88, s3;
	s6 =	simm.s32 @!p1 $0x1082;
	[sflag:s4] =	ssyncset.s32 $0xFFFFF086  }
0x25: {  	[simem:s6], [sflag:s4] =	dma.local [hbm:s3], $0xF7A  }
0x26: {  	[smem:$0x3F96] =	sst s1;
	(tag) =	ssettag s2;
	_ =	strace s9  }
0x27: {  	s1 =	sld [smem:$0x3FA6]  }
0x28: {  	s2 =	sld [smem:$0x3FA7]  }
0x29: {  	s4 =	sld [smem:$0x3FA9]  }
0x2a: {  	p0 =	seq.s32 s5, $0x0;
	s5 =	sld [smem:$0x3FAA]  }
0x2b: {  	s6 =	sld [smem:$0x3FAB]  }
0x2c: {  	s7 =	sld [smem:$0x3FAC]  }
0x2d: {  	s3 =	simm.s32 $0x108;
	s8 =	sld [smem:$0x3FAD]  }
0x2e: {  	s3 =	simm.s32 @!p0 $0x1082;
	s9 =	sld [smem:$0x3FAE]  }
0x2f: {  	lr =	sadd.s32 s0, s3;
	s0 =	sld [smem:$0x3FA5]  }
0x30: {  	s3 =	sld [smem:$0x3FA8]  }
0x31: {  	[smem:$0x3FB1] =	sst s10  }
0x32: {  	s10 =	sld [smem:$0x3FAF];
	_ =	sdelay $0x3  }
0x33: {  	p0 =	seq.s32 s10, $0x1;
	s10 =	sld [smem:$0x3FB1];
	_ =	sdelay $0x3  }
0x34: {  	[smem:$0x3FB1] =	sst s10  }
0x35: {  	s10 =	sld [smem:$0x3FB0];
	_ =	sdelay $0x3  }
0x36: {  	p1 =	seq.s32 s10, $0x1;
	s10 =	sld [smem:$0x3FB1];
	_ =	sdelay $0x3  }
0x37: {  	[smem:$0x3FB1] =	sst s10  }
0x38: {  	s10 =	sld [smem:$0x3FB2]  }
0x39: {  	_ = 	snop;
	(pc) =	sbr.ind lr, $3  }
0x3a: {  	_ = 	snop  }
0x3b: {  	_ = 	snop  }
0x3c: {  	p2 =	seq.s32 s10, $0x1;
	s10 =	sld [smem:$0x3FB1]  }
0x3d: {  	_ =	shalt  }
0x3e: {  	_ =	shalt  }
0x3f: {  	_ =	shalt  }
0x40: {  	_ =	shalt  }
0x41: {  	_ =	shalt  }
0x42: {  	_ =	shalt  }
0x43: {  	_ =	shalt  }
0x44: {  	_ =	shalt  }
0x45: {  	_ =	shalt  }
0x46: {  	_ =	shalt  }
0x47: {  	_ =	shalt  }
0x48: {  	_ =	shalt  }
0x49: {  	_ =	shalt  }
0x4a: {  	_ =	shalt  }
0x4b: {  	_ =	shalt  }
0x4c: {  	_ =	shalt  }
0x4d: {  	_ =	shalt  }
0x4e: {  	_ =	shalt  }
0x4f: {  	_ =	shalt  }
0x50: {  	_ =	shalt  }
0x51: {  	_ =	shalt  }
0x52: {  	_ =	shalt  }
0x53: {  	_ =	shalt  }
0x54: {  	_ =	shalt  }
0x55: {  	_ =	shalt  }
0x56: {  	_ =	shalt  }
0x57: {  	_ =	shalt  }
0x58: {  	_ =	shalt  }
0x59: {  	_ =	shalt  }
0x5a: {  	_ =	shalt  }
0x5b: {  	_ =	shalt  }
0x5c: {  	_ =	shalt  }
0x5d: {  	_ =	shalt  }
0x5e: {  	_ =	shalt  }
0x5f: {  	_ =	shalt  }
0x60: {  	_ =	shalt  }
0x61: {  	_ =	shalt  }
0x62: {  	_ =	shalt  }
0x63: {  	_ =	shalt  }
0x64: {  	_ =	shalt  }
0x65: {  	_ =	shalt  }
0x66: {  	_ =	shalt  }
0x67: {  	_ =	shalt  }
0x68: {  	_ =	shalt  }
0x69: {  	_ =	shalt  }
0x6a: {  	_ =	shalt  }
0x6b: {  	_ =	shalt  }
0x6c: {  	_ =	shalt  }
0x6d: {  	_ =	shalt  }
0x6e: {  	_ =	shalt  }
0x6f: {  	_ =	shalt  }
0x70: {  	_ =	shalt  }
0x71: {  	_ =	shalt  }
0x72: {  	_ =	shalt  }
0x73: {  	_ =	shalt  }
0x74: {  	_ =	shalt  }
0x75: {  	_ =	shalt  }
0x76: {  	_ =	shalt  }
0x77: {  	_ =	shalt  }
0x78: {  	_ =	shalt  }
0x79: {  	_ =	shalt  }
0x7a: {  	_ =	shalt  }
0x7b: {  	_ =	shalt  }
0x7c: {  	_ =	shalt  }
0x7d: {  	_ =	shalt  }
0x7e: {  	_ =	shalt  }
0x7f: {  	_ =	shalt  }
0x80: {  	_ =	shalt  }
0x81: {  	_ =	shalt  }
0x82: {  	_ =	shalt  }
0x83: {  	_ =	shalt  }
0x84: {  	_ =	shalt  }
0x85: {  	_ =	shalt  }
0x86: {  	_ =	shalt  }
0x87: {  	_ =	shalt  }
.Lfunc_end0:
.L_simem_size_0:
called_computation_lowered:
.L_overlay_start_0:
0x88: {  	s2 =	sld [smem:$0x3FD9]  }
0x89: {  	s3 =	sld [smem:$0x3FFE];
	_ =	sdelay $0x1  }
0x8a: {  	s1 =	srdreg.scid  }
0x8b: {  	s0 =	sand.u32 $0x1, s1  }
0x8c: {  	s17 =	sshll.u32 s0, $0xA;
	s2 =	sadd.s32 s3, s2  }
0x8d: {  	s2 =	sadd.s32 s2, s17  }
0x8e: {  	[smem:$0x3FBD] =	sst s2  }
0x8f: {  	_ = 	snop  }
0x90: {  	(tm) =	ssettm $0x1  }
0x91: {  	s18 =	sld [smem:$0x3FFB];
	_ =	sdelay $0x3  }
0x92: {  	_ =	strace s18  }
0x93: {  	s2 =	sld [smem:$0x3FFC];
	_ =	sdelay $0x3  }
0x94: {  	_ =	strace s2  }
0x95: {  	s2 =	sld [smem:$0x3FFD];
	_ =	sdelay $0x3  }
0x96: {  	_ =	strace s2  }
0x97: {  	_ =	strace $0x8FFFFFFF  }
0x98: {  	s19 =	sld [smem:$0x3FDB];
	_ =	sdelay $0x1  }
0x99: {  	s20 =	simm.s32 $_scs_section_size  }
0x9a: {  	s4 =	simm.s32 $_size__tile_overlayer_lowered;
	s5 =	simm.s32 $_tile_overlayer_lowered  }
0x9b: {  	s6 =	simm.s32 $0x1BFF;
	s21 =	sshll.u32 s5, $0x1;
	s3 =	sadd.s32 s20, s19  }
0x9c: {  	s22 =	simm.s32 $0x0;
	s4 =	sshll.u32 s4, $0x1;
	s5 =	sadd.s32 s21, s3  }
0x9d: {  	[timem:s22], [sflag:s6] =	dma.local [hbm:s5], s4  }
0x9e: {  	_ =	swait.ge [sflag:s6], s4  }
0x9f: {  	s4 =	ssub.s32 $0x0, s4;
	[sflag:s6] =	ssyncset.done $0x0  }
0xa0: {  	[sflag:s6] =	ssyncadd.s32 s4;
	_ =	sdelay $0x1  }
0xa1: {  	s23 =	simm.s32 $0x1B8B  }
0xa2: {  	_ =	swait.ge [sflag:s23], $0x1  }
0xa3: {  	[sflag:s23] =	ssyncset.done $0x0  }
0xa4: {  	[sflag:s23] =	ssyncadd.s32 $0xFFFFFFFF  }
0xa5: {  	s4 =	sld [smem:$0x0]  }
0xa6: {  	s5 =	sand.u32 $0xFFFFFFFE, s1  }
0xa7: {  	p0 =	sne.s32 s1, s5  }
0xa8: {  	s5 =	sshll.u32 @p0 s5, $0xE  }
0xa9: {  	s5 =	sadd.s32 @p0 $0x11B8D, s5;
	s6 =	sshll.u32 @p0 s4, $0x11  }
0xaa: {  	s5 =	sor.u32 @p0 s6, s5  }
0xab: {  	[sflag:s5] =	ssyncadd.remote.s32 @p0 $0x1;
	_ =	sdelay $0x1  }
0xac: {  	s5 =	simm.s32 @p0 $0x1B8D  }
0xad: {  	_ =	swait.eq @p0 [sflag:s5], $0x1  }
0xae: {  	[sflag:s5] =	ssyncadd.s32 @p0 $0xFFFFFFFF  }
0xaf: {  	s6 =	sshll.u32 @!p0 s1, $0xE  }
0xb0: {  	s6 =	sor.u32 @!p0 $0x4000, s6;
	s5 =	simm.s32 @!p0 $0x1B8D  }
0xb1: {  	s4 =	sshll.u32 @!p0 s4, $0x11;
	s6 =	sadd.s32 @!p0 $0x11B8D, s6;
	_ =	swait.eq @!p0 [sflag:s5], $0x1  }
0xb2: {  	s4 =	sor.u32 @!p0 s4, s6;
	[sflag:s5] =	ssyncadd.s32 @!p0 $0xFFFFFFFF  }
0xb3: {  	s25 =	simm.s32 $0x1B8E;
	s24 =	sld [smem:$0x3FFE];
	[sflag:s4] =	ssyncadd.remote.s32 @!p0 $0x1  }
0xb4: {  	s26 =	simm.s32 $execute0_lowered;
	[smem:$0x3FD2] =	sst s25  }
0xb5: {  	s5 =	sshll.u32 s26, $0x1;
	_ =	strace $0x80000049;
	[dreg:$0x1] =	wrdreg $0xFFFFFFFF  }
0xb6: {  	s28 =	simm.s32 $_size_execute0_lowered;
	s3 =	sadd.s32 s3, s5;
	[dreg:$0x0] =	wrdreg $0x0  }
0xb7: {  	s5 =	sshll.u32 s28, $0x1;
	[dreg:$0x2] =	wrdreg s3  }
0xb8: {  	[dreg:$0x3] =	wrdreg s5  }
0xb9: {  	[dreg:$0x4] =	wrdreg $0xC0  }
0xba: {  	_ =	task [dreg:s22], $0x5FFFF  }
0xbb: {  	[dreg:$0x1] =	wrdreg $0xFFFFFFFF  }
0xbc: {  	[dreg:$0x0] =	wrdreg $0x60  }
0xbd: {  	[dreg:$0x2] =	wrdreg s24  }
0xbe: {  	[dreg:$0x3] =	wrdreg $0x9  }
0xbf: {  	_ =	task.clear_ibuf [dreg:s22], $0x4FFFF;
	_ =	strace $0x90000049  }
0xc0: {  	s29 =	simm.s32 $0x9;
	_ =	strace $0x8000004B  }
0xc1: {  	_ =	swait.ge [sflag:s29], $0x1  }
0xc2: {  	[sflag:s29] =	ssyncadd.s32 $0xFFFFFFFF  }
0xc3: {  	_ =	strace $0x9000004B  }
0xc4: {  	_ =	sfence  }
0xc5: {  	s30 =	sld [smem:$0x0];
	_ =	sdelay $0x2  }
0xc6: {  	s31 =	sshll.u32 s1, $0xD;
	s1 =	sshrl.u32 s1, $0x2  }
0xc7: {  	s4 =	sand.u32 $0x4000, s31;
	s1 =	sadd.s32 s1, s30  }
0xc8: {  	s0 =	sor.u32 s4, s0;
	s1 =	sshll.u32 s1, $0x11  }
0xc9: {  	s0 =	sor.u32 s1, s0  }
0xca: {  	s0 =	sadd.s32 $0x8F2B, s0  }
0xcb: {  	[sflag:s0] =	ssyncadd.remote.s32 $0x1  }
0xcc: {  	_ =	sfence.sel $0xFFFF  }
0xcd: {  	[dreg:$0x0] =	wrdreg $0xFFFFFFFF;
	(pc) =	sbr.abs _section_cstart, $3  }
0xce: {  	[dreg:$0x1] =	wrdreg $0xFFFFFFFF  }
0xcf: {  	_ =	task.clear_ibuf [dreg:s22], $0x2FFFF;
	_ =	strace $0x9FFFFFFF  }
0xd0: {  	(tm) =	ssettm $0x7FFFFFFF  }
0xd1: {  	_ =	shalt  }
tec
execute0_lowered:
.L_overlay_start_1:
0x0: {  	(tag) =	ssettag $0x1  }
0x1: {  	s2 =	srdreg.scid  }
0x2: {  	s5 =	rddreg [dreg:$0x0];
	s6 =	sand.u32 $0x1, s2;
	s2 =	simm.s32 $0x0  }
0x3: {  	s0 =	stileid.u32;
	s13 =	simm.s32 $0x400;
	[smem:$0x7FF] =	sst s2  }
0x4: {  	s14 =	simm.s32 $0x800;
	_ =	strace $0x8000004A;
	[dreg:$0x5] =	wrdreg s13  }
0x5: {  	v0 =	vlaneseq.u32;
	s7 =	simm.s32 $0x1400;
	s15 =	simm.s32 $0x880;
	[dreg:$0x6] =	wrdreg s14  }
0x6: {  	s16 =	simm.s32 $0x5400;
	s17 =	simm.s32 $0x100;
	v0 =	vmul.u32 $0x10, v0;
	[dreg:$0x7] =	wrdreg s7  }
0x7: {  	s19 =	simm.s32 $0x1C00;
	s20 =	simm.s32 $0x900;
	[dreg:$0x8] =	wrdreg s15  }
0x8: {  	s21 =	simm.s32 $0x5C00;
	s23 =	simm.s32 $0x180;
	v4 =	vor.u32 $0x100, v0;
	v5 =	vor.u32 $0x200, v0;
	v6 =	vor.u32 $0x300, v0;
	[dreg:$0x9] =	wrdreg s16  }
0x9: {  	s24 =	simm.s32 $0x2400;
	s25 =	simm.s32 $0x980;
	v7 =	vor.u32 $0x400, v0;
	v8 =	vor.u32 $0x500, v0;
	v9 =	vor.u32 $0x600, v0;
	[dreg:$0xa] =	wrdreg s17  }
0xa: {  	s30 =	simm.s32 $0x6400;
	s31 =	simm.s32 $0x200;
	v10 =	vor.u32 $0x700, v0;
	v11 =	vor.u32 $0x800, v0;
	v12 =	vor.u32 $0x900, v0;
	[dreg:$0xb] =	wrdreg s19  }
0xb: {  	s11 =	simm.s32 $0x2C00;
	s10 =	simm.s32 $0x4C00;
	v13 =	vor.u32 $0xA00, v0;
	v14 =	vor.u32 $0xB00, v0;
	v15 =	vor.u32 $0xC00, v0;
	[dreg:$0xc] =	wrdreg s20  }
0xc: {  	s28 =	simm.s32 $0x8C00;
	s29 =	simm.s32 $0x0;
	v16 =	vor.u32 $0xD00, v0;
	v17 =	vor.u32 $0xE00, v0;
	v18 =	vor.u32 $0xF00, v0;
	[dreg:$0xd] =	wrdreg s21  }
0xd: {  	s3 =	sshll.u32 s0, $0xB;
	s8 =	sshll.u32 s0, $0xF;
	v19 =	vor.u32 $0x1000, v0;
	v20 =	vor.u32 $0x1100, v0;
	v21 =	vor.u32 $0x1200, v0;
	[dreg:$0xe] =	wrdreg s23  }
0xe: {  	s3 =	sadd.s32 s3, s5;
	s4 =	sshll.u32 s6, $0xA;
	v22 =	vor.u32 $0x1300, v0;
	v23 =	vor.u32 $0x1400, v0;
	v24 =	vor.u32 $0x1500, v0;
	[dreg:$0xf] =	wrdreg s24  }
0xf: {  	s8 =	sadd.s32 s8, s5;
	s18 =	ssub.s32 $0x2, s6;
	v25 =	vor.u32 $0x1600, v0;
	v26 =	vor.u32 $0x1700, v0;
	v27 =	vor.u32 $0x1800, v0;
	[dreg:$0x10] =	wrdreg s25  }
0x10: {  	s6 =	sshll.u32 s6, $0xE;
	s3 =	sadd.s32 s4, s3;
	v28 =	vor.u32 $0x1900, v0;
	v29 =	vor.u32 $0x1A00, v0;
	v30 =	vor.u32 $0x1B00, v0;
	[dreg:$0x11] =	wrdreg s30  }
0x11: {  	s9 =	sshrl.u32 s18, $0x1;
	v31 =	vor.u32 $0x1C00, v0;
	v32 =	vor.u32 $0x1D00, v0;
	v33 =	vor.u32 $0x1E00, v0;
	s6 =	sadd.s32 s6, s8;
	[dreg:$0x12] =	wrdreg s31  }
0x12: {  	v34 =	vor.u32 $0x1F00, v0;
	v35 =	vor.u32 $0x2000, v0;
	v36 =	vor.u32 $0x2100, v0;
	s8 =	simm.s32 $0x80;
	[dreg:$0x13] =	wrdreg s11;
	s11 =	simm.s32 $0xA00  }
0x13: {  	v37 =	vor.u32 $0x2200, v0;
	v38 =	vor.u32 $0x2300, v0;
	v39 =	vor.u32 $0x2400, v0;
	s13 =	simm.s32 $0x280;
	s14 =	simm.s32 $0x3400;
	s15 =	simm.s32 $0xA80  }
0x14: {  	v40 =	vor.u32 $0x2500, v0;
	v41 =	vor.u32 $0x2600, v0;
	v42 =	vor.u32 $0x2700, v0;
	s16 =	simm.s32 $0x7400;
	s17 =	simm.s32 $0x300;
	s19 =	simm.s32 $0xB00  }
0x15: {  	v43 =	vor.u32 $0x2800, v0;
	v44 =	vor.u32 $0x2900, v0;
	v45 =	vor.u32 $0x2A00, v0;
	s20 =	simm.s32 $0x7C00;
	s21 =	simm.s32 $0x380;
	s23 =	simm.s32 $0xB80  }
0x16: {  	v46 =	vor.u32 $0x2B00, v0;
	v47 =	vor.u32 $0x2C00, v0;
	s24 =	simm.s32 $0x8400;
	s25 =	simm.s32 $0x1;
	v1 =	vor.u32 $0x3D00, v0;
	s4 =	sadd.s32 $0x742000, s3  }
0x17: {  	v48 =	vor.u32 $0x2D00, v0;
	v49 =	vor.u32 $0x2E00, v0;
	v61 =	vor.u32 $0x3A00, v0;
	s12 =	sadd.s32 $0x73A000, s3;
	s3 =	sadd.s32 $0x732000, s3;
	[tilespmem:$0x1FFA0] =	vst v1;
	[dreg:$0x2] =	wrdreg s4  }
0x18: {  	v50 =	vor.u32 $0x2F00, v0;
	v51 =	vor.u32 $0x3000, v0;
	v58 =	vor.u32 $0x3700, v0;
	s7 =	ssub.s32 s18, s9;
	s26 =	sadd.s32 $0x74A000, s6;
	[tilespmem:$0x1FFC0] =	vst v61;
	[dreg:$0x3] =	wrdreg s12  }
0x19: {  	v52 =	vor.u32 $0x3100, v0;
	v53 =	vor.u32 $0x3200, v0;
	v55 =	vor.u32 $0x3400, v0;
	s9 =	simm.s32 $0xC00;
	s18 =	simm.s32 $0x3C00;
	[tilespmem:$0x1FFD0] =	vst v58;
	[dreg:$0x4] =	wrdreg s3  }
0x1a: {  	v54 =	vor.u32 $0x3300, v0;
	v56 =	vor.u32 $0x3500, v0;
	v3 =	vor.u32 $0x3F00, v0;
	[tilespmem:$0x1FFE0] =	vst v55;
	s3 =	sadd.s32 $0x3F2000, s5;
	s4 =	sadd.s32 $0x3000, s5;
	s22 =	smax.u32 s7, $0x1  }
0x1b: {  	v57 =	vor.u32 $0x3600, v0;
	v59 =	vor.u32 $0x3800, v0;
	v1 =	vor.u32 $0x3E00, v0;
	[tilespmem:$0x1FFF0] =	vst v3;
	[dreg:$0x15] =	wrdreg s26;
	s7 =	simm.s32 $0x3;
	s12 =	simm.s32 $0x6C00  }
0x1c: {  	v60 =	vor.u32 $0x3900, v0;
	v62 =	vor.u32 $0x3B00, v0;
	v63 =	vor.u32 $0x3C00, v0;
	[tilespmem:$0x1FFB0] =	vst v1;
	s26 =	simm.s32 $0x2;
	[dreg:$0x14] =	wrdreg s22;
	s22 =	simm.s32 $0x4400  }
.LBB2_1:
0x1d: {  	s30 =	rddreg [dreg:$0x15];
	s31 =	simm.s32 $0x0  }
.LBB2_2:
0x1e: {  	s0 =	rddreg [dreg:$0x4]  }
0x1f: {  	s0 =	sadd.s32 s31, s0  }
0x20: {  	[tilespmem:s2], [sflag:$0x3] =	stream.linear.gather [hbm4b:s0+s2], $0x400, $0x38;
	[tilespmem:$0x9000] =	vst v63  }
0x21: {  	_ =	swait.ge [sflag:s7], $0x400  }
0x22: {  	s6 =	rddreg [dreg:$0x3];
	[sflag:s7] =	ssyncset.done $0x0  }
0x23: {  	s1 =	rddreg [dreg:$0x5];
	[sflag:s7] =	ssyncadd.s32 $0xFFFFFC00;
	s0 =	sadd.s32 s31, s6  }
0x24: {  	[tilespmem:s1], [sflag:$0x3] =	stream.linear.gather [hbm4b:s0+s2], $0x400, $0x38;
	[tilespmem:$0x9000] =	vst v63  }
0x25: {  	_ =	swait.ge [sflag:s7], $0x400  }
0x26: {  	[sflag:s7] =	ssyncset.done $0x0  }
0x27: {  	[sflag:s7] =	ssyncadd.s32 $0xFFFFFC00  }
0x28: {  	v1 =	vld [tilespmem:$0x400]  }
0x29: {  	v61 =	vmov v52;
	v58 =	vmov v49;
	v55 =	vmov v46;
	v2 =	vld [tilespmem:$0x410]  }
0x2a: {  	v52 =	vmovc v43;
	v49 =	vmovc v40;
	v46 =	vmov v37;
	v43 =	vmov v34;
	v40 =	vmov v31;
	v3 =	vld [tilespmem:$0x420]  }
0x2b: {  	v37 =	vmovc v28;
	v31 =	vmovc v22;
	v22 =	vmov v16;
	v16 =	vmov v10;
	v10 =	vmov v4;
	v4 =	vld [tilespmem:$0x430]  }
0x2c: {  	v34 =	vmovc v25;
	v28 =	vmovc v0;
	v25 =	vmov v19;
	v0 =	vmov v8;
	v8 =	vmov v5;
	v5 =	vld [tilespmem:$0x440]  }
0x2d: {  	v19 =	vmovc v13;
	v13 =	vmovc v7;
	v7 =	vmov v9;
	v9 =	vmov v6;
	v6 =	vld [tilespmem:$0x450];
	v1 =	vshra.s32 v1, $0x4  }
0x2e: {  	[tilespmem:$0x800] =	vst v1;
	v1 =	vshra.s32 v2, $0x4;
	v2 =	vld [tilespmem:$0x460]  }
0x2f: {  	[tilespmem:$0x810] =	vst v1;
	v1 =	vshra.s32 v3, $0x4;
	v3 =	vld [tilespmem:$0x470]  }
0x30: {  	[tilespmem:$0x820] =	vst v1;
	v1 =	vshra.s32 v4, $0x4;
	v4 =	vld [tilespmem:$0x480]  }
0x31: {  	[tilespmem:$0x830] =	vst v1;
	v1 =	vshra.s32 v5, $0x4;
	v5 =	vld [tilespmem:$0x490]  }
0x32: {  	[tilespmem:$0x840] =	vst v1;
	v1 =	vshra.s32 v6, $0x4;
	v6 =	vld [tilespmem:$0x4A0]  }
0x33: {  	[tilespmem:$0x850] =	vst v1;
	v1 =	vshra.s32 v2, $0x4;
	v2 =	vld [tilespmem:$0x4B0]  }
0x34: {  	[tilespmem:$0x860] =	vst v1;
	v1 =	vshra.s32 v3, $0x4;
	v3 =	vld [tilespmem:$0x4C0]  }
0x35: {  	[tilespmem:$0x870] =	vst v1;
	v1 =	vshra.s32 v4, $0x4;
	v4 =	vld [tilespmem:$0x4D0]  }
0x36: {  	[tilespmem:$0x880] =	vst v1;
	v1 =	vshra.s32 v5, $0x4;
	v5 =	vld [tilespmem:$0x4E0]  }
0x37: {  	[tilespmem:$0x890] =	vst v1;
	v1 =	vshra.s32 v6, $0x4;
	v6 =	vld [tilespmem:$0x4F0]  }
0x38: {  	[tilespmem:$0x8A0] =	vst v1;
	v1 =	vshra.s32 v2, $0x4;
	v2 =	vld [tilespmem:$0x500]  }
0x39: {  	[tilespmem:$0x8B0] =	vst v1;
	v1 =	vshra.s32 v3, $0x4;
	v3 =	vld [tilespmem:$0x510]  }
0x3a: {  	[tilespmem:$0x8C0] =	vst v1;
	v1 =	vshra.s32 v4, $0x4;
	v4 =	vld [tilespmem:$0x520]  }
0x3b: {  	[tilespmem:$0x8D0] =	vst v1;
	v1 =	vshra.s32 v5, $0x4;
	v5 =	vld [tilespmem:$0x530]  }
0x3c: {  	[tilespmem:$0x8E0] =	vst v1;
	v1 =	vshra.s32 v6, $0x4;
	v6 =	vld [tilespmem:$0x540]  }
0x3d: {  	[tilespmem:$0x8F0] =	vst v1;
	v1 =	vshra.s32 v2, $0x4;
	v2 =	vld [tilespmem:$0x550]  }
0x3e: {  	[tilespmem:$0x900] =	vst v1;
	v1 =	vshra.s32 v3, $0x4;
	v3 =	vld [tilespmem:$0x560]  }
0x3f: {  	[tilespmem:$0x910] =	vst v1;
	v1 =	vshra.s32 v4, $0x4;
	v4 =	vld [tilespmem:$0x570]  }
0x40: {  	[tilespmem:$0x920] =	vst v1;
	v1 =	vshra.s32 v5, $0x4;
	v5 =	vld [tilespmem:$0x580]  }
0x41: {  	[tilespmem:$0x930] =	vst v1;
	v1 =	vshra.s32 v6, $0x4;
	v6 =	vld [tilespmem:$0x590]  }
0x42: {  	[tilespmem:$0x940] =	vst v1;
	v1 =	vshra.s32 v2, $0x4;
	v2 =	vld [tilespmem:$0x5A0]  }
0x43: {  	[tilespmem:$0x950] =	vst v1;
	v1 =	vshra.s32 v3, $0x4;
	v3 =	vld [tilespmem:$0x5B0]  }
0x44: {  	[tilespmem:$0x960] =	vst v1;
	v1 =	vshra.s32 v4, $0x4;
	v4 =	vld [tilespmem:$0x5C0]  }
0x45: {  	[tilespmem:$0x970] =	vst v1;
	v1 =	vshra.s32 v5, $0x4;
	v5 =	vld [tilespmem:$0x5D0]  }
0x46: {  	[tilespmem:$0x980] =	vst v1;
	v1 =	vshra.s32 v6, $0x4;
	v6 =	vld [tilespmem:$0x5E0]  }
0x47: {  	[tilespmem:$0x990] =	vst v1;
	v1 =	vshra.s32 v2, $0x4;
	v2 =	vld [tilespmem:$0x5F0]  }
0x48: {  	[tilespmem:$0x9A0] =	vst v1;
	v1 =	vshra.s32 v3, $0x4;
	v3 =	vld [tilespmem:$0x600]  }
0x49: {  	[tilespmem:$0x9B0] =	vst v1;
	v1 =	vshra.s32 v4, $0x4;
	v4 =	vld [tilespmem:$0x610]  }
0x4a: {  	[tilespmem:$0x9C0] =	vst v1;
	v1 =	vshra.s32 v5, $0x4;
	v5 =	vld [tilespmem:$0x620]  }
0x4b: {  	[tilespmem:$0x9D0] =	vst v1;
	v1 =	vshra.s32 v6, $0x4;
	v6 =	vld [tilespmem:$0x630]  }
0x4c: {  	[tilespmem:$0x9E0] =	vst v1;
	v1 =	vshra.s32 v2, $0x4;
	v2 =	vld [tilespmem:$0x640]  }
0x4d: {  	[tilespmem:$0x9F0] =	vst v1;
	v1 =	vshra.s32 v3, $0x4;
	v3 =	vld [tilespmem:$0x650]  }
0x4e: {  	[tilespmem:$0xA00] =	vst v1;
	v1 =	vshra.s32 v4, $0x4;
	v4 =	vld [tilespmem:$0x660]  }
0x4f: {  	[tilespmem:$0xA10] =	vst v1;
	v1 =	vshra.s32 v5, $0x4;
	v5 =	vld [tilespmem:$0x670]  }
0x50: {  	[tilespmem:$0xA20] =	vst v1;
	v1 =	vshra.s32 v6, $0x4;
	v6 =	vld [tilespmem:$0x680]  }
0x51: {  	[tilespmem:$0xA30] =	vst v1;
	v1 =	vshra.s32 v2, $0x4;
	v2 =	vld [tilespmem:$0x690]  }
0x52: {  	[tilespmem:$0xA40] =	vst v1;
	v1 =	vshra.s32 v3, $0x4;
	v3 =	vld [tilespmem:$0x6A0]  }
0x53: {  	[tilespmem:$0xA50] =	vst v1;
	v1 =	vshra.s32 v4, $0x4;
	v4 =	vld [tilespmem:$0x6B0]  }
0x54: {  	[tilespmem:$0xA60] =	vst v1;
	v1 =	vshra.s32 v5, $0x4;
	v5 =	vld [tilespmem:$0x6C0]  }
0x55: {  	[tilespmem:$0xA70] =	vst v1;
	v1 =	vshra.s32 v6, $0x4;
	v6 =	vld [tilespmem:$0x6D0]  }
0x56: {  	[tilespmem:$0xA80] =	vst v1;
	v1 =	vshra.s32 v2, $0x4;
	v2 =	vld [tilespmem:$0x6E0]  }
0x57: {  	[tilespmem:$0xA90] =	vst v1;
	v1 =	vshra.s32 v3, $0x4;
	v3 =	vld [tilespmem:$0x6F0]  }
0x58: {  	[tilespmem:$0xAA0] =	vst v1;
	v1 =	vshra.s32 v4, $0x4;
	v4 =	vld [tilespmem:$0x700]  }
0x59: {  	[tilespmem:$0xAB0] =	vst v1;
	v1 =	vshra.s32 v5, $0x4;
	v5 =	vld [tilespmem:$0x710]  }
0x5a: {  	[tilespmem:$0xAC0] =	vst v1;
	v1 =	vshra.s32 v6, $0x4;
	v6 =	vld [tilespmem:$0x720]  }
0x5b: {  	[tilespmem:$0xAD0] =	vst v1;
	v1 =	vshra.s32 v2, $0x4;
	v2 =	vld [tilespmem:$0x730]  }
0x5c: {  	[tilespmem:$0xAE0] =	vst v1;
	v1 =	vshra.s32 v3, $0x4;
	v3 =	vld [tilespmem:$0x740]  }
0x5d: {  	[tilespmem:$0xAF0] =	vst v1;
	v1 =	vshra.s32 v4, $0x4;
	v4 =	vld [tilespmem:$0x750]  }
0x5e: {  	[tilespmem:$0xB00] =	vst v1;
	v1 =	vshra.s32 v5, $0x4;
	v5 =	vld [tilespmem:$0x760]  }
0x5f: {  	[tilespmem:$0xB10] =	vst v1;
	v1 =	vshra.s32 v6, $0x4;
	v6 =	vld [tilespmem:$0x770]  }
0x60: {  	[tilespmem:$0xB20] =	vst v1;
	v1 =	vshra.s32 v2, $0x4;
	v2 =	vld [tilespmem:$0x780]  }
0x61: {  	[tilespmem:$0xB30] =	vst v1;
	v1 =	vshra.s32 v3, $0x4;
	v3 =	vld [tilespmem:$0x790]  }
0x62: {  	[tilespmem:$0xB40] =	vst v1;
	v1 =	vshra.s32 v4, $0x4;
	v4 =	vld [tilespmem:$0x7A0]  }
0x63: {  	[tilespmem:$0xB50] =	vst v1;
	v1 =	vshra.s32 v5, $0x4;
	v5 =	vld [tilespmem:$0x7B0]  }
0x64: {  	[tilespmem:$0xB60] =	vst v1;
	v1 =	vshra.s32 v6, $0x4;
	v6 =	vld [tilespmem:$0x7C0]  }
0x65: {  	[tilespmem:$0xB70] =	vst v1;
	v1 =	vshra.s32 v2, $0x4;
	v2 =	vld [tilespmem:$0x7D0]  }
0x66: {  	[tilespmem:$0xB80] =	vst v1;
	v1 =	vshra.s32 v3, $0x4;
	v3 =	vld [tilespmem:$0x7E0]  }
0x67: {  	[tilespmem:$0xB90] =	vst v1;
	v1 =	vshra.s32 v4, $0x4;
	v4 =	vld [tilespmem:$0x7F0]  }
0x68: {  	[tilespmem:$0xBA0] =	vst v1;
	v1 =	vshra.s32 v5, $0x4  }
0x69: {  	[tilespmem:$0xBB0] =	vst v1;
	v1 =	vshra.s32 v6, $0x4  }
0x6a: {  	[tilespmem:$0xBC0] =	vst v1;
	v1 =	vshra.s32 v2, $0x4  }
0x6b: {  	s1 =	rddreg [dreg:$0x6];
	[tilespmem:$0xBD0] =	vst v1;
	v1 =	vshra.s32 v3, $0x4  }
0x6c: {  	s5 =	rddreg [dreg:$0x7];
	[tilespmem:$0xBE0] =	vst v1;
	v1 =	vshra.s32 v4, $0x4  }
0x6d: {  	s0 =	rddreg [dreg:$0x8];
	[tilespmem:$0xBF0] =	vst v1  }
0x6e: {  	[tilespmem:s9], [sflag:$0x1] =	stream.indirect.gather [hbm4b:s3+s8], $0x10, s2, s8, $0xb8;
	[tilespmem:$0x9000] =	vst v63  }
0x6f: {  	s6 =	rddreg [dreg:$0xb]  }
0x70: {  	[tilespmem:s10], [sflag:$0x2] =	stream.indirect.gather [hbm4b:s4+s8], $0x10, s1, s8, $0xb8;
	[tilespmem:$0x9000] =	vst v63  }
0x71: {  	s1 =	rddreg [dreg:$0x9]  }
0x72: {  	[tilespmem:s5], [sflag:$0x1] =	stream.indirect.gather [hbm4b:s3+s8], $0x10, s8, s8, $0xb8;
	[tilespmem:$0x9000] =	vst v63  }
0x73: {  	s5 =	rddreg [dreg:$0xa]  }
0x74: {  	[tilespmem:s1], [sflag:$0x2] =	stream.indirect.gather [hbm4b:s4+s8], $0x10, s0, s8, $0xb8;
	[tilespmem:$0x9000] =	vst v63  }
0x75: {  	s0 =	rddreg [dreg:$0xc]  }
0x76: {  	s1 =	rddreg [dreg:$0xd]  }
0x77: {  	[tilespmem:s6], [sflag:$0x1] =	stream.indirect.gather [hbm4b:s3+s8], $0x10, s5, s8, $0xb8;
	[tilespmem:$0x9000] =	vst v63  }
0x78: {  	s5 =	rddreg [dreg:$0xe]  }
0x79: {  	s6 =	rddreg [dreg:$0xf]  }
0x7a: {  	[tilespmem:s1], [sflag:$0x2] =	stream.indirect.gather [hbm4b:s4+s8], $0x10, s0, s8, $0xb8;
	[tilespmem:$0x9000] =	vst v63  }
0x7b: {  	s0 =	rddreg [dreg:$0x10]  }
0x7c: {  	s1 =	rddreg [dreg:$0x11]  }
0x7d: {  	[tilespmem:s6], [sflag:$0x1] =	stream.indirect.gather [hbm4b:s3+s8], $0x10, s5, s8, $0xb8;
	[tilespmem:$0x9000] =	vst v63  }
0x7e: {  	s5 =	rddreg [dreg:$0x12]  }
0x7f: {  	[tilespmem:s1], [sflag:$0x2] =	stream.indirect.gather [hbm4b:s4+s8], $0x10, s0, s8, $0xb8;
	[tilespmem:$0x9000] =	vst v63  }
0x80: {  	s6 =	rddreg [dreg:$0x13]  }
0x81: {  	[tilespmem:s6], [sflag:$0x1] =	stream.indirect.gather [hbm4b:s3+s8], $0x10, s5, s8, $0xb8;
	[tilespmem:$0x9000] =	vst v63  }
0x82: {  	_ = 	snop  }
0x83: {  	[tilespmem:s12], [sflag:$0x2] =	stream.indirect.gather [hbm4b:s4+s8], $0x10, s11, s8, $0xb8;
	[tilespmem:$0x9000] =	vst v63  }
0x84: {  	_ = 	snop  }
0x85: {  	[tilespmem:s14], [sflag:$0x1] =	stream.indirect.gather [hbm4b:s3+s8], $0x10, s13, s8, $0xb8;
	[tilespmem:$0x9000] =	vst v63  }
0x86: {  	_ = 	snop  }
0x87: {  	[tilespmem:s16], [sflag:$0x2] =	stream.indirect.gather [hbm4b:s4+s8], $0x10, s15, s8, $0xb8;
	[tilespmem:$0x9000] =	vst v63  }
0x88: {  	_ = 	snop  }
0x89: {  	[tilespmem:s18], [sflag:$0x1] =	stream.indirect.gather [hbm4b:s3+s8], $0x10, s17, s8, $0xb8;
	[tilespmem:$0x9000] =	vst v63  }
0x8a: {  	_ = 	snop  }
0x8b: {  	[tilespmem:s20], [sflag:$0x2] =	stream.indirect.gather [hbm4b:s4+s8], $0x10, s19, s8, $0xb8;
	[tilespmem:$0x9000] =	vst v63  }
0x8c: {  	v5 =	vmov v8;
	v8 =	vmov v0  }
0x8d: {  	v0 =	vmovc v28;
	v28 =	vmovc v37;
	v37 =	vmov v46;
	v46 =	vmov v55;
	v6 =	vmov v9;
	[tilespmem:s22], [sflag:$0x1] =	stream.indirect.gather [hbm4b:s3+s8], $0x10, s21, s8, $0xb8;
	[tilespmem:$0x9000] =	vst v63  }
0x8e: {  	v55 =	vld [tilespmem:$0x1FFE0];
	v9 =	vmovc v7;
	v7 =	vmovc v13;
	v13 =	vmov v19;
	v19 =	vmov v25;
	v25 =	vmov v34  }
0x8f: {  	v34 =	vmovc v43;
	v43 =	vmovc v52;
	v52 =	vmov v61;
	v61 =	vld [tilespmem:$0x1FFC0];
	v4 =	vmov v10;
	v10 =	vmov v16;
	[tilespmem:s24], [sflag:$0x2] =	stream.indirect.gather [hbm4b:s4+s8], $0x10, s23, s8, $0xb8  }
0x90: {  	v16 =	vmovc v22;
	v22 =	vmovc v31;
	v31 =	vmov v40;
	v40 =	vmov v49;
	v49 =	vmov v58;
	v58 =	vld [tilespmem:$0x1FFD0];
	_ =	swait.ge [sflag:s25], $0x800  }
0x91: {  	[sflag:s25] =	ssyncset.done $0x0  }
0x92: {  	[sflag:s25] =	ssyncadd.s32 $0xFFFFF800  }
0x93: {  	_ =	swait.ge [sflag:s26], $0x800  }
0x94: {  	[sflag:s26] =	ssyncset.done $0x0  }
0x95: {  	[sflag:s26] =	ssyncadd.s32 $0xFFFFF800  }
0x96: {  	_ =	swait.ge [sflag:s25], $0x800  }
0x97: {  	[sflag:s25] =	ssyncset.done $0x0  }
0x98: {  	[sflag:s25] =	ssyncadd.s32 $0xFFFFF800  }
0x99: {  	_ =	swait.ge [sflag:s26], $0x800  }
0x9a: {  	[sflag:s26] =	ssyncset.done $0x0  }
0x9b: {  	[sflag:s26] =	ssyncadd.s32 $0xFFFFF800  }
0x9c: {  	_ =	swait.ge [sflag:s25], $0x800  }
0x9d: {  	[sflag:s25] =	ssyncset.done $0x0  }
0x9e: {  	[sflag:s25] =	ssyncadd.s32 $0xFFFFF800  }
0x9f: {  	_ =	swait.ge [sflag:s26], $0x800  }
0xa0: {  	[sflag:s26] =	ssyncset.done $0x0  }
0xa1: {  	[sflag:s26] =	ssyncadd.s32 $0xFFFFF800  }
0xa2: {  	_ =	swait.ge [sflag:s25], $0x800  }
0xa3: {  	[sflag:s25] =	ssyncset.done $0x0  }
0xa4: {  	[sflag:s25] =	ssyncadd.s32 $0xFFFFF800  }
0xa5: {  	_ =	swait.ge [sflag:s26], $0x800  }
0xa6: {  	[sflag:s26] =	ssyncset.done $0x0  }
0xa7: {  	[sflag:s26] =	ssyncadd.s32 $0xFFFFF800  }
0xa8: {  	_ =	swait.ge [sflag:s25], $0x800  }
0xa9: {  	[sflag:s25] =	ssyncset.done $0x0  }
0xaa: {  	[sflag:s25] =	ssyncadd.s32 $0xFFFFF800  }
0xab: {  	_ =	swait.ge [sflag:s26], $0x800  }
0xac: {  	[sflag:s26] =	ssyncset.done $0x0  }
0xad: {  	[sflag:s26] =	ssyncadd.s32 $0xFFFFF800  }
0xae: {  	_ =	swait.ge [sflag:s25], $0x800  }
0xaf: {  	[sflag:s25] =	ssyncset.done $0x0  }
0xb0: {  	[sflag:s25] =	ssyncadd.s32 $0xFFFFF800  }
0xb1: {  	_ =	swait.ge [sflag:s26], $0x800  }
0xb2: {  	[sflag:s26] =	ssyncset.done $0x0  }
0xb3: {  	[sflag:s26] =	ssyncadd.s32 $0xFFFFF800  }
0xb4: {  	_ =	swait.ge [sflag:s25], $0x800  }
0xb5: {  	[sflag:s25] =	ssyncset.done $0x0  }
0xb6: {  	[sflag:s25] =	ssyncadd.s32 $0xFFFFF800  }
0xb7: {  	_ =	swait.ge [sflag:s26], $0x800  }
0xb8: {  	[sflag:s26] =	ssyncset.done $0x0  }
0xb9: {  	[sflag:s26] =	ssyncadd.s32 $0xFFFFF800  }
0xba: {  	_ =	swait.ge [sflag:s25], $0x800  }
0xbb: {  	[sflag:s25] =	ssyncset.done $0x0  }
0xbc: {  	[sflag:s25] =	ssyncadd.s32 $0xFFFFF800  }
0xbd: {  	_ =	swait.ge [sflag:s26], $0x800  }
0xbe: {  	[sflag:s26] =	ssyncset.done $0x0  }
0xbf: {  	[sflag:s26] =	ssyncadd.s32 $0xFFFFF800  }
0xc0: {  	[hbm4b:s30+s2] =	stream.linear.scatter [tilespmem:s9], [sflag:$0x3], $0x4000, $0x38;
	[tilespmem:$0x9000] =	vst v63  }
0xc1: {  	_ =	swait.ge [sflag:s7], $0x4000  }
0xc2: {  	[sflag:s7] =	ssyncset.done $0x0  }
0xc3: {  	[sflag:s7] =	ssyncadd.s32 $0xFFFFC000  }
0xc4: {  	v1 =	vld [tilespmem:$0x400];
	_ =	sdelay $0x4  }
0xc5: {  	v1 =	vand.u32 $0xF, v1  }
0xc6: {  	v2 =	vld [tilespmem:$0x410];
	v1 =	vor.u32 v0, v1;
	_ =	sdelay $0x4  }
0xc7: {  	v2 =	vand.u32 $0xF, v2;
	v1 =	vld.idx.msk [tilespmem:v1+s10+$0x0], $0xffff  }
0xc8: {  	v3 =	vld [tilespmem:$0x420];
	v2 =	vor.u32 v4, v2;
	_ =	sdelay $0x3  }
0xc9: {  	[tilespmem:$0x8C00] =	vst v1  }
0xca: {  	v1 =	vld.idx.msk [tilespmem:v2+s10+$0x0], $0xffff;
	v2 =	vand.u32 $0xF, v3  }
0xcb: {  	v3 =	vld [tilespmem:$0x430];
	v2 =	vor.u32 v5, v2;
	_ =	sdelay $0x3  }
0xcc: {  	[tilespmem:$0x8C10] =	vst v1  }
0xcd: {  	v1 =	vld.idx.msk [tilespmem:v2+s10+$0x0], $0xffff;
	v2 =	vand.u32 $0xF, v3  }
0xce: {  	v3 =	vld [tilespmem:$0x440];
	v2 =	vor.u32 v6, v2;
	_ =	sdelay $0x3  }
0xcf: {  	[tilespmem:$0x8C20] =	vst v1  }
0xd0: {  	v1 =	vld.idx.msk [tilespmem:v2+s10+$0x0], $0xffff;
	v2 =	vand.u32 $0xF, v3  }
0xd1: {  	v3 =	vld [tilespmem:$0x450];
	v2 =	vor.u32 v7, v2;
	_ =	sdelay $0x3  }
0xd2: {  	[tilespmem:$0x8C30] =	vst v1  }
0xd3: {  	v1 =	vld.idx.msk [tilespmem:v2+s10+$0x0], $0xffff;
	v2 =	vand.u32 $0xF, v3  }
0xd4: {  	v3 =	vld [tilespmem:$0x460];
	v2 =	vor.u32 v8, v2;
	_ =	sdelay $0x3  }
0xd5: {  	[tilespmem:$0x8C40] =	vst v1  }
0xd6: {  	v1 =	vld.idx.msk [tilespmem:v2+s10+$0x0], $0xffff;
	v2 =	vand.u32 $0xF, v3  }
0xd7: {  	v3 =	vld [tilespmem:$0x470];
	v2 =	vor.u32 v9, v2;
	_ =	sdelay $0x3  }
0xd8: {  	[tilespmem:$0x8C50] =	vst v1  }
0xd9: {  	v1 =	vld.idx.msk [tilespmem:v2+s10+$0x0], $0xffff;
	v2 =	vand.u32 $0xF, v3  }
0xda: {  	v3 =	vld [tilespmem:$0x480];
	v2 =	vor.u32 v10, v2;
	_ =	sdelay $0x3  }
0xdb: {  	[tilespmem:$0x8C60] =	vst v1  }
0xdc: {  	v1 =	vld.idx.msk [tilespmem:v2+s10+$0x0], $0xffff;
	v2 =	vand.u32 $0xF, v3  }
0xdd: {  	v3 =	vld [tilespmem:$0x490];
	v2 =	vor.u32 v11, v2;
	_ =	sdelay $0x3  }
0xde: {  	[tilespmem:$0x8C70] =	vst v1  }
0xdf: {  	v1 =	vld.idx.msk [tilespmem:v2+s10+$0x0], $0xffff;
	v2 =	vand.u32 $0xF, v3  }
0xe0: {  	v3 =	vld [tilespmem:$0x4A0];
	v2 =	vor.u32 v12, v2;
	_ =	sdelay $0x3  }
0xe1: {  	[tilespmem:$0x8C80] =	vst v1  }
0xe2: {  	v1 =	vld.idx.msk [tilespmem:v2+s10+$0x0], $0xffff;
	v2 =	vand.u32 $0xF, v3  }
0xe3: {  	v3 =	vld [tilespmem:$0x4B0];
	v2 =	vor.u32 v13, v2;
	_ =	sdelay $0x3  }
0xe4: {  	[tilespmem:$0x8C90] =	vst v1  }
0xe5: {  	v1 =	vld.idx.msk [tilespmem:v2+s10+$0x0], $0xffff;
	v2 =	vand.u32 $0xF, v3  }
0xe6: {  	v3 =	vld [tilespmem:$0x4C0];
	v2 =	vor.u32 v14, v2;
	_ =	sdelay $0x3  }
0xe7: {  	[tilespmem:$0x8CA0] =	vst v1  }
0xe8: {  	v1 =	vld.idx.msk [tilespmem:v2+s10+$0x0], $0xffff;
	v2 =	vand.u32 $0xF, v3  }
0xe9: {  	v3 =	vld [tilespmem:$0x4D0];
	v2 =	vor.u32 v15, v2;
	_ =	sdelay $0x3  }
0xea: {  	[tilespmem:$0x8CB0] =	vst v1  }
0xeb: {  	v1 =	vld.idx.msk [tilespmem:v2+s10+$0x0], $0xffff;
	v2 =	vand.u32 $0xF, v3  }
0xec: {  	v3 =	vld [tilespmem:$0x4E0];
	v2 =	vor.u32 v16, v2;
	_ =	sdelay $0x3  }
0xed: {  	[tilespmem:$0x8CC0] =	vst v1  }
0xee: {  	v1 =	vld.idx.msk [tilespmem:v2+s10+$0x0], $0xffff;
	v2 =	vand.u32 $0xF, v3  }
0xef: {  	v3 =	vld [tilespmem:$0x4F0];
	v2 =	vor.u32 v17, v2;
	_ =	sdelay $0x3  }
0xf0: {  	[tilespmem:$0x8CD0] =	vst v1  }
0xf1: {  	v1 =	vld.idx.msk [tilespmem:v2+s10+$0x0], $0xffff;
	v2 =	vand.u32 $0xF, v3  }
0xf2: {  	v3 =	vld [tilespmem:$0x500];
	v2 =	vor.u32 v18, v2;
	_ =	sdelay $0x3  }
0xf3: {  	[tilespmem:$0x8CE0] =	vst v1  }
0xf4: {  	v1 =	vld.idx.msk [tilespmem:v2+s10+$0x0], $0xffff;
	v2 =	vand.u32 $0xF, v3  }
0xf5: {  	v3 =	vld [tilespmem:$0x510];
	v2 =	vor.u32 v19, v2;
	_ =	sdelay $0x3  }
0xf6: {  	[tilespmem:$0x8CF0] =	vst v1  }
0xf7: {  	v1 =	vld.idx.msk [tilespmem:v2+s10+$0x0], $0xffff;
	v2 =	vand.u32 $0xF, v3  }
0xf8: {  	v3 =	vld [tilespmem:$0x520];
	v2 =	vor.u32 v20, v2;
	_ =	sdelay $0x3  }
0xf9: {  	[tilespmem:$0x8D00] =	vst v1  }
0xfa: {  	v1 =	vld.idx.msk [tilespmem:v2+s10+$0x0], $0xffff;
	v2 =	vand.u32 $0xF, v3  }
0xfb: {  	v3 =	vld [tilespmem:$0x530];
	v2 =	vor.u32 v21, v2;
	_ =	sdelay $0x3  }
0xfc: {  	[tilespmem:$0x8D10] =	vst v1  }
0xfd: {  	v1 =	vld.idx.msk [tilespmem:v2+s10+$0x0], $0xffff;
	v2 =	vand.u32 $0xF, v3  }
0xfe: {  	v3 =	vld [tilespmem:$0x540];
	v2 =	vor.u32 v22, v2;
	_ =	sdelay $0x3  }
0xff: {  	[tilespmem:$0x8D20] =	vst v1  }
0x100: {  	v1 =	vld.idx.msk [tilespmem:v2+s10+$0x0], $0xffff;
	v2 =	vand.u32 $0xF, v3  }
0x101: {  	v3 =	vld [tilespmem:$0x550];
	v2 =	vor.u32 v23, v2;
	_ =	sdelay $0x3  }
0x102: {  	[tilespmem:$0x8D30] =	vst v1  }
0x103: {  	v1 =	vld.idx.msk [tilespmem:v2+s10+$0x0], $0xffff;
	v2 =	vand.u32 $0xF, v3  }
0x104: {  	v3 =	vld [tilespmem:$0x560];
	v2 =	vor.u32 v24, v2;
	_ =	sdelay $0x3  }
0x105: {  	[tilespmem:$0x8D40] =	vst v1  }
0x106: {  	v1 =	vld.idx.msk [tilespmem:v2+s10+$0x0], $0xffff;
	v2 =	vand.u32 $0xF, v3  }
0x107: {  	v3 =	vld [tilespmem:$0x570];
	v2 =	vor.u32 v25, v2;
	_ =	sdelay $0x3  }
0x108: {  	[tilespmem:$0x8D50] =	vst v1  }
0x109: {  	v1 =	vld.idx.msk [tilespmem:v2+s10+$0x0], $0xffff;
	v2 =	vand.u32 $0xF, v3  }
0x10a: {  	v3 =	vld [tilespmem:$0x580];
	v2 =	vor.u32 v26, v2;
	_ =	sdelay $0x3  }
0x10b: {  	[tilespmem:$0x8D60] =	vst v1  }
0x10c: {  	v1 =	vld.idx.msk [tilespmem:v2+s10+$0x0], $0xffff;
	v2 =	vand.u32 $0xF, v3  }
0x10d: {  	v3 =	vld [tilespmem:$0x590];
	v2 =	vor.u32 v27, v2;
	_ =	sdelay $0x3  }
0x10e: {  	[tilespmem:$0x8D70] =	vst v1  }
0x10f: {  	v1 =	vld.idx.msk [tilespmem:v2+s10+$0x0], $0xffff;
	v2 =	vand.u32 $0xF, v3  }
0x110: {  	v3 =	vld [tilespmem:$0x5A0];
	v2 =	vor.u32 v28, v2;
	_ =	sdelay $0x3  }
0x111: {  	[tilespmem:$0x8D80] =	vst v1  }
0x112: {  	v1 =	vld.idx.msk [tilespmem:v2+s10+$0x0], $0xffff;
	v2 =	vand.u32 $0xF, v3  }
0x113: {  	v3 =	vld [tilespmem:$0x5B0];
	v2 =	vor.u32 v29, v2;
	_ =	sdelay $0x3  }
0x114: {  	[tilespmem:$0x8D90] =	vst v1  }
0x115: {  	v1 =	vld.idx.msk [tilespmem:v2+s10+$0x0], $0xffff;
	v2 =	vand.u32 $0xF, v3  }
0x116: {  	v3 =	vld [tilespmem:$0x5C0];
	v2 =	vor.u32 v30, v2;
	_ =	sdelay $0x3  }
0x117: {  	[tilespmem:$0x8DA0] =	vst v1  }
0x118: {  	v1 =	vld.idx.msk [tilespmem:v2+s10+$0x0], $0xffff;
	v2 =	vand.u32 $0xF, v3  }
0x119: {  	v3 =	vld [tilespmem:$0x5D0];
	v2 =	vor.u32 v31, v2;
	_ =	sdelay $0x3  }
0x11a: {  	[tilespmem:$0x8DB0] =	vst v1  }
0x11b: {  	v1 =	vld.idx.msk [tilespmem:v2+s10+$0x0], $0xffff;
	v2 =	vand.u32 $0xF, v3  }
0x11c: {  	v3 =	vld [tilespmem:$0x5E0];
	v2 =	vor.u32 v32, v2;
	_ =	sdelay $0x3  }
0x11d: {  	[tilespmem:$0x8DC0] =	vst v1  }
0x11e: {  	v1 =	vld.idx.msk [tilespmem:v2+s10+$0x0], $0xffff;
	v2 =	vand.u32 $0xF, v3  }
0x11f: {  	v3 =	vld [tilespmem:$0x5F0];
	v2 =	vor.u32 v33, v2;
	_ =	sdelay $0x3  }
0x120: {  	[tilespmem:$0x8DD0] =	vst v1  }
0x121: {  	v1 =	vld.idx.msk [tilespmem:v2+s10+$0x0], $0xffff;
	v2 =	vand.u32 $0xF, v3  }
0x122: {  	v3 =	vld [tilespmem:$0x600];
	v2 =	vor.u32 v34, v2;
	_ =	sdelay $0x3  }
0x123: {  	[tilespmem:$0x8DE0] =	vst v1  }
0x124: {  	v1 =	vld.idx.msk [tilespmem:v2+s10+$0x0], $0xffff;
	v2 =	vand.u32 $0xF, v3  }
0x125: {  	v3 =	vld [tilespmem:$0x610];
	v2 =	vor.u32 v35, v2;
	_ =	sdelay $0x3  }
0x126: {  	[tilespmem:$0x8DF0] =	vst v1  }
0x127: {  	v1 =	vld.idx.msk [tilespmem:v2+s10+$0x0], $0xffff;
	v2 =	vand.u32 $0xF, v3  }
0x128: {  	v3 =	vld [tilespmem:$0x620];
	v2 =	vor.u32 v36, v2;
	_ =	sdelay $0x3  }
0x129: {  	[tilespmem:$0x8E00] =	vst v1  }
0x12a: {  	v1 =	vld.idx.msk [tilespmem:v2+s10+$0x0], $0xffff;
	v2 =	vand.u32 $0xF, v3  }
0x12b: {  	v3 =	vld [tilespmem:$0x630];
	v2 =	vor.u32 v37, v2;
	_ =	sdelay $0x3  }
0x12c: {  	[tilespmem:$0x8E10] =	vst v1  }
0x12d: {  	v1 =	vld.idx.msk [tilespmem:v2+s10+$0x0], $0xffff;
	v2 =	vand.u32 $0xF, v3  }
0x12e: {  	v3 =	vld [tilespmem:$0x640];
	v2 =	vor.u32 v38, v2;
	_ =	sdelay $0x3  }
0x12f: {  	[tilespmem:$0x8E20] =	vst v1  }
0x130: {  	v1 =	vld.idx.msk [tilespmem:v2+s10+$0x0], $0xffff;
	v2 =	vand.u32 $0xF, v3  }
0x131: {  	v3 =	vld [tilespmem:$0x650];
	v2 =	vor.u32 v39, v2;
	_ =	sdelay $0x3  }
0x132: {  	[tilespmem:$0x8E30] =	vst v1  }
0x133: {  	v1 =	vld.idx.msk [tilespmem:v2+s10+$0x0], $0xffff;
	v2 =	vand.u32 $0xF, v3  }
0x134: {  	v3 =	vld [tilespmem:$0x660];
	v2 =	vor.u32 v40, v2;
	_ =	sdelay $0x3  }
0x135: {  	[tilespmem:$0x8E40] =	vst v1  }
0x136: {  	v1 =	vld.idx.msk [tilespmem:v2+s10+$0x0], $0xffff;
	v2 =	vand.u32 $0xF, v3  }
0x137: {  	v3 =	vld [tilespmem:$0x670];
	v2 =	vor.u32 v41, v2;
	_ =	sdelay $0x3  }
0x138: {  	[tilespmem:$0x8E50] =	vst v1  }
0x139: {  	v1 =	vld.idx.msk [tilespmem:v2+s10+$0x0], $0xffff;
	v2 =	vand.u32 $0xF, v3  }
0x13a: {  	v3 =	vld [tilespmem:$0x680];
	v2 =	vor.u32 v42, v2;
	_ =	sdelay $0x3  }
0x13b: {  	[tilespmem:$0x8E60] =	vst v1  }
0x13c: {  	v1 =	vld.idx.msk [tilespmem:v2+s10+$0x0], $0xffff;
	v2 =	vand.u32 $0xF, v3  }
0x13d: {  	v3 =	vld [tilespmem:$0x690];
	v2 =	vor.u32 v43, v2;
	_ =	sdelay $0x3  }
0x13e: {  	[tilespmem:$0x8E70] =	vst v1  }
0x13f: {  	v1 =	vld.idx.msk [tilespmem:v2+s10+$0x0], $0xffff;
	v2 =	vand.u32 $0xF, v3  }
0x140: {  	v3 =	vld [tilespmem:$0x6A0];
	v2 =	vor.u32 v44, v2;
	_ =	sdelay $0x3  }
0x141: {  	[tilespmem:$0x8E80] =	vst v1  }
0x142: {  	v1 =	vld.idx.msk [tilespmem:v2+s10+$0x0], $0xffff;
	v2 =	vand.u32 $0xF, v3  }
0x143: {  	v3 =	vld [tilespmem:$0x6B0];
	v2 =	vor.u32 v45, v2;
	_ =	sdelay $0x3  }
0x144: {  	[tilespmem:$0x8E90] =	vst v1  }
0x145: {  	v1 =	vld.idx.msk [tilespmem:v2+s10+$0x0], $0xffff;
	v2 =	vand.u32 $0xF, v3  }
0x146: {  	v3 =	vld [tilespmem:$0x6C0];
	v2 =	vor.u32 v46, v2;
	_ =	sdelay $0x3  }
0x147: {  	[tilespmem:$0x8EA0] =	vst v1  }
0x148: {  	v1 =	vld.idx.msk [tilespmem:v2+s10+$0x0], $0xffff;
	v2 =	vand.u32 $0xF, v3  }
0x149: {  	v3 =	vld [tilespmem:$0x6D0];
	v2 =	vor.u32 v47, v2;
	_ =	sdelay $0x3  }
0x14a: {  	[tilespmem:$0x8EB0] =	vst v1  }
0x14b: {  	v1 =	vld.idx.msk [tilespmem:v2+s10+$0x0], $0xffff;
	v2 =	vand.u32 $0xF, v3  }
0x14c: {  	v3 =	vld [tilespmem:$0x6E0];
	v2 =	vor.u32 v48, v2;
	_ =	sdelay $0x3  }
0x14d: {  	[tilespmem:$0x8EC0] =	vst v1  }
0x14e: {  	v1 =	vld.idx.msk [tilespmem:v2+s10+$0x0], $0xffff;
	v2 =	vand.u32 $0xF, v3  }
0x14f: {  	v3 =	vld [tilespmem:$0x6F0];
	v2 =	vor.u32 v49, v2;
	_ =	sdelay $0x3  }
0x150: {  	[tilespmem:$0x8ED0] =	vst v1  }
0x151: {  	v1 =	vld.idx.msk [tilespmem:v2+s10+$0x0], $0xffff;
	v2 =	vand.u32 $0xF, v3  }
0x152: {  	v3 =	vld [tilespmem:$0x700];
	v2 =	vor.u32 v50, v2;
	_ =	sdelay $0x3  }
0x153: {  	[tilespmem:$0x8EE0] =	vst v1  }
0x154: {  	v1 =	vld.idx.msk [tilespmem:v2+s10+$0x0], $0xffff;
	v2 =	vand.u32 $0xF, v3  }
0x155: {  	v3 =	vld [tilespmem:$0x710];
	v2 =	vor.u32 v51, v2;
	_ =	sdelay $0x3  }
0x156: {  	[tilespmem:$0x8EF0] =	vst v1  }
0x157: {  	v1 =	vld.idx.msk [tilespmem:v2+s10+$0x0], $0xffff;
	v2 =	vand.u32 $0xF, v3  }
0x158: {  	v3 =	vld [tilespmem:$0x720];
	v2 =	vor.u32 v52, v2;
	_ =	sdelay $0x3  }
0x159: {  	[tilespmem:$0x8F00] =	vst v1  }
0x15a: {  	v1 =	vld.idx.msk [tilespmem:v2+s10+$0x0], $0xffff;
	v2 =	vand.u32 $0xF, v3  }
0x15b: {  	v3 =	vld [tilespmem:$0x730];
	v2 =	vor.u32 v53, v2;
	_ =	sdelay $0x3  }
0x15c: {  	[tilespmem:$0x8F10] =	vst v1  }
0x15d: {  	v1 =	vld.idx.msk [tilespmem:v2+s10+$0x0], $0xffff;
	v2 =	vand.u32 $0xF, v3  }
0x15e: {  	v3 =	vld [tilespmem:$0x740];
	v2 =	vor.u32 v54, v2;
	_ =	sdelay $0x3  }
0x15f: {  	[tilespmem:$0x8F20] =	vst v1  }
0x160: {  	v1 =	vld.idx.msk [tilespmem:v2+s10+$0x0], $0xffff;
	v2 =	vand.u32 $0xF, v3  }
0x161: {  	v3 =	vld [tilespmem:$0x750];
	v2 =	vor.u32 v55, v2;
	_ =	sdelay $0x3  }
0x162: {  	[tilespmem:$0x8F30] =	vst v1  }
0x163: {  	v1 =	vld.idx.msk [tilespmem:v2+s10+$0x0], $0xffff;
	v2 =	vand.u32 $0xF, v3  }
0x164: {  	v3 =	vld [tilespmem:$0x760];
	v2 =	vor.u32 v56, v2;
	_ =	sdelay $0x3  }
0x165: {  	[tilespmem:$0x8F40] =	vst v1  }
0x166: {  	v1 =	vld.idx.msk [tilespmem:v2+s10+$0x0], $0xffff;
	v2 =	vand.u32 $0xF, v3  }
0x167: {  	v3 =	vld [tilespmem:$0x770];
	v2 =	vor.u32 v57, v2;
	_ =	sdelay $0x3  }
0x168: {  	[tilespmem:$0x8F50] =	vst v1  }
0x169: {  	v1 =	vld.idx.msk [tilespmem:v2+s10+$0x0], $0xffff;
	v2 =	vand.u32 $0xF, v3  }
0x16a: {  	v3 =	vld [tilespmem:$0x780];
	v2 =	vor.u32 v58, v2;
	_ =	sdelay $0x3  }
0x16b: {  	[tilespmem:$0x8F60] =	vst v1  }
0x16c: {  	v1 =	vld.idx.msk [tilespmem:v2+s10+$0x0], $0xffff;
	v2 =	vand.u32 $0xF, v3  }
0x16d: {  	v3 =	vld [tilespmem:$0x790];
	v2 =	vor.u32 v59, v2;
	_ =	sdelay $0x3  }
0x16e: {  	[tilespmem:$0x8F70] =	vst v1  }
0x16f: {  	v1 =	vld.idx.msk [tilespmem:v2+s10+$0x0], $0xffff;
	v2 =	vand.u32 $0xF, v3  }
0x170: {  	v3 =	vld [tilespmem:$0x7A0];
	v2 =	vor.u32 v60, v2;
	_ =	sdelay $0x3  }
0x171: {  	[tilespmem:$0x8F80] =	vst v1  }
0x172: {  	v1 =	vld.idx.msk [tilespmem:v2+s10+$0x0], $0xffff;
	v2 =	vand.u32 $0xF, v3  }
0x173: {  	v3 =	vld [tilespmem:$0x7B0];
	v2 =	vor.u32 v61, v2;
	_ =	sdelay $0x3  }
0x174: {  	[tilespmem:$0x8F90] =	vst v1  }
0x175: {  	v1 =	vld.idx.msk [tilespmem:v2+s10+$0x0], $0xffff;
	v2 =	vand.u32 $0xF, v3  }
0x176: {  	v3 =	vld [tilespmem:$0x7C0];
	v2 =	vor.u32 v62, v2;
	_ =	sdelay $0x3  }
0x177: {  	[tilespmem:$0x8FA0] =	vst v1  }
0x178: {  	v1 =	vld.idx.msk [tilespmem:v2+s10+$0x0], $0xffff;
	v2 =	vand.u32 $0xF, v3  }
0x179: {  	v2 =	vor.u32 v63, v2  }
0x17a: {  	v3 =	vld [tilespmem:$0x7D0];
	_ =	sdelay $0x2  }
0x17b: {  	[tilespmem:$0x8FB0] =	vst v1  }
0x17c: {  	v1 =	vld.idx.msk [tilespmem:v2+s10+$0x0], $0xffff  }
0x17d: {  	v2 =	vand.u32 $0xF, v3;
	v3 =	vld [tilespmem:$0x1FFA0];
	_ =	sdelay $0x4  }
0x17e: {  	v2 =	vor.u32 v3, v2  }
0x17f: {  	v3 =	vld [tilespmem:$0x7E0];
	_ =	sdelay $0x2  }
0x180: {  	[tilespmem:$0x8FC0] =	vst v1  }
0x181: {  	v1 =	vld.idx.msk [tilespmem:v2+s10+$0x0], $0xffff  }
0x182: {  	v2 =	vand.u32 $0xF, v3;
	v3 =	vld [tilespmem:$0x1FFB0];
	_ =	sdelay $0x4  }
0x183: {  	v2 =	vor.u32 v3, v2  }
0x184: {  	v3 =	vld [tilespmem:$0x7F0];
	_ =	sdelay $0x2  }
0x185: {  	[tilespmem:$0x8FD0] =	vst v1  }
0x186: {  	v1 =	vld.idx.msk [tilespmem:v2+s10+$0x0], $0xffff  }
0x187: {  	v2 =	vand.u32 $0xF, v3;
	v3 =	vld [tilespmem:$0x1FFF0];
	_ =	sdelay $0x4  }
0x188: {  	v2 =	vor.u32 v3, v2;
	_ =	sdelay $0x3  }
0x189: {  	[tilespmem:$0x8FE0] =	vst v1  }
0x18a: {  	v1 =	vld.idx.msk [tilespmem:v2+s10+$0x0], $0xffff;
	_ =	sdelay $0x3  }
0x18b: {  	p0 =	sne.s32 s31, $0x380;
	s6 =	rddreg [dreg:$0x2]  }
.Ltmp0:
0x18c: {  	s0 =	sadd.s32 s31, s6;
	[tilespmem:$0x8FF0] =	vst v1;
	(pc) =	sbr.rel @p0 .LBB2_2-.Ltmp0, $4  }
0x18d: {  	[hbm4b:s0+s2] =	stream.linear.scatter [tilespmem:s28], [sflag:$0x3], $0x400, $0x38;
	[tilespmem:$0x9000] =	vst v63  }
0x18e: {  	_ =	swait.ge [sflag:s7], $0x400  }
0x18f: {  	[sflag:s7] =	ssyncset.done $0x0  }
0x190: {  	s30 =	sadd.s32 $0x800, s30;
	s31 =	sadd.s32 $0x80, s31;
	[sflag:s7] =	ssyncadd.s32 $0xFFFFFC00  }
0x191: {  	s29 =	sadd.s32 $0x1, s29;
	s0 =	rddreg [dreg:$0x14]  }
0x192: {  	p0 =	sne.s32 s29, s0  }
.Ltmp1:
0x193: {  	_ = 	snop;
	(pc) =	sbr.rel @p0 .LBB2_1-.Ltmp1, $1  }
0x194: {  	_ =	sdelay $0x3  }
0x195: {  	_ =	sfence.sel $0x180000  }
0x196: {  	[bflag:$0x0] =	sbarrier.arrive $0xFFFF  }
0x197: {  	_ =	strace $0x9000004A  }
0x198: {  	s0 =	stileid.u32;
	[bflag:$0x2] =	sbarrier.arrive $0xFFFF  }
0x199: {  	p0 =	sne.s32 s0, $0x0;
	s0 =	rddreg [dreg:$0x1]  }
0x19a: {  	s0 =	sadd.s32 @!p0 $0x100000, s0  }
0x19b: {  	[sflag:s0] =	ssyncadd.tile.s32 @!p0 $0x1;
	_ =	shalt  }
.Lfunc_end2:
_tile_overlayer_lowered:
.L_overlay_start_2:
0x19c: {  	(tag) =	ssettag $0x2  }
0x19d: {  	s0 =	rddreg [dreg:$0x0];
	s2 =	stileid.u32  }
0x19e: {  	s1 =	rddreg [dreg:$0x1];
	p0 =	sne.s32 s2, $0x0  }
0x19f: {  	s3 =	rddreg [dreg:$0x2];
	[bflag:$0x3] =	sbarrier.arrive $0xFFFF;
	s2 =	simm.s32 @!p0 $0x1C03  }
0x1a0: {  	[timem:s3], [sflag:s2] =	dma.local @!p0 [hbm:s0], s1  }
0x1a1: {  	s0 =	simm.s32 @!p0 $0x3  }
0x1a2: {  	_ =	swait.ge @!p0 [sflag:s0], s1  }
0x1a3: {  	s1 =	ssub.s32 @!p0 $0x0, s1;
	[sflag:s0] =	ssyncset.done @!p0 $0x0  }
0x1a4: {  	[sflag:s0] =	ssyncadd.s32 @!p0 s1  }
0x1a5: {  	[bflag:$0x3] =	sbarrier.arrive $0xFFFF  }
0x1a6: {  	_ =	shalt  }

</sc_bundles>
